<compile_context>
chip_gen: v7x
topology: tpu7x:2x2x1
jax: 0.10.2.dev20260603
libtpu: 0.0.44.dev20260713+nightly
codegen_flags: <defaults>
</compile_context>

<pallas_src>
import functools

import jax
import jax.numpy as jnp
from jax import lax
from jax.experimental import pallas as pl
from jax.experimental.pallas import tpu as pltpu
from jax.experimental.pallas import tpu_sc as plsc

DEPTH = 9
NT = 64
H = 256
NPT = 2 ** (DEPTH + 1) - 1
F32 = jnp.float32
BF16 = jnp.bfloat16
I32 = jnp.int32

LEVEL_SIZES = [NT * (2 ** L) for L in range(DEPTH, -1, -1)]
N_TOTAL = sum(LEVEL_SIZES)


def _pack2(lo, hi):
    lo_b = lax.bitcast_convert_type(lo.astype(BF16).astype(F32), I32)
    hi_b = lax.bitcast_convert_type(hi.astype(BF16).astype(F32), I32)
    w = lax.bitwise_or(hi_b, lax.shift_right_logical(lo_b, 16))
    return lax.bitcast_convert_type(w, F32)


def _unpack_lo(x):
    w = lax.bitcast_convert_type(x, I32)
    return lax.bitcast_convert_type(lax.shift_left(w, 16), F32)


def _unpack_hi(x):
    w = lax.bitcast_convert_type(x, I32)
    return lax.bitcast_convert_type(lax.bitwise_and(w, I32(-65536)), F32)


def _unpack_cat(x):
    return jnp.concatenate([_unpack_lo(x), _unpack_hi(x)], axis=1)


def _etab_kernel(emb_ref, wiou_ref, biou_ref, wf_ref, bf_ref,
                 eiou_ref, ef_ref, hc_ref):
    emb = emb_ref[:]
    iou = jnp.dot(emb, wiou_ref[:], preferred_element_type=F32) + biou_ref[:]
    eiou_ref[:] = _pack2(iou[:, 0:3 * H // 2], iou[:, 3 * H // 2:3 * H])
    ef = jnp.dot(emb, wf_ref[:], preferred_element_type=F32) + bf_ref[:]
    ef_ref[:] = _pack2(ef[:, 0:H // 2], ef[:, H // 2:H])
    c9 = jax.nn.sigmoid(iou[:, 0:H]) * jnp.tanh(iou[:, 2 * H:3 * H])
    h9 = jax.nn.sigmoid(iou[:, H:2 * H]) * jnp.tanh(c9)
    hc_ref[:] = _pack2(h9, c9)


def _precompute_tables(emb_table, W_iou, b_iou, W_f, b_f):
    V = emb_table.shape[0]
    return pl.pallas_call(
        _etab_kernel,
        out_shape=[
            jax.ShapeDtypeStruct((V, 3 * H // 2), F32),
            jax.ShapeDtypeStruct((V, H // 2), F32),
            jax.ShapeDtypeStruct((V, H), F32),
        ],
    )(emb_table, W_iou, b_iou.reshape(1, 3 * H), W_f, b_f.reshape(1, H))


_NW = 32
_N_LEAF = 32768
_N_L8 = 16384
_N_REST = 16384
_CH = 128


def _sc_stream(tab_hbm, idx_v, out_hbm, rows_v, gsem, wsem, wbase, per_w):
    n_chunks = per_w // _CH
    for g in range(n_chunks):
        buf = rows_v.at[g % 2]
        if g >= 2:
            prev = pl.multiple_of(wbase + (g - 2) * _CH, _CH)
            pltpu.make_async_copy(
                buf, out_hbm.at[pl.ds(prev, _CH)], wsem).wait()
        pltpu.async_copy(
            tab_hbm.at[idx_v.at[pl.ds(g * _CH, _CH)]], buf, gsem).wait()
        base = pl.multiple_of(wbase + g * _CH, _CH)
        pltpu.async_copy(buf, out_hbm.at[pl.ds(base, _CH)], wsem)
    for g in range(max(n_chunks - 2, 0), n_chunks):
        base = pl.multiple_of(wbase + g * _CH, _CH)
        pltpu.make_async_copy(
            rows_v.at[g % 2], out_hbm.at[pl.ds(base, _CH)], wsem).wait()


def _sc_gather_b1_body(hc_hbm, eiou_hbm, ef_hbm, lidx_hbm, iidx_hbm,
                       out_hc, out_iou, out_f, idx_l, idx_i, gsem, wsem):
    wid = lax.axis_index("s") * 2 + lax.axis_index("c")
    per_l = _N_LEAF // _NW
    per_i = _N_L8 // _NW
    wbase_l = pl.multiple_of(wid * per_l, _CH)
    wbase_i = pl.multiple_of(wid * per_i, _CH)
    pltpu.sync_copy(lidx_hbm.at[pl.ds(wbase_l, per_l)], idx_l)
    pltpu.sync_copy(iidx_hbm.at[pl.ds(wbase_i, per_i)], idx_i)

    def s_hc(rows_v):
        _sc_stream(hc_hbm, idx_l, out_hc, rows_v, gsem, wsem, wbase_l, per_l)

    pl.run_scoped(s_hc, pltpu.VMEM((2, _CH, H), F32))

    def s_iou(rows_v):
        _sc_stream(eiou_hbm, idx_i, out_iou, rows_v, gsem, wsem,
                   wbase_i, per_i)

    pl.run_scoped(s_iou, pltpu.VMEM((2, _CH, 3 * H // 2), F32))

    def s_f(rows_v):
        _sc_stream(ef_hbm, idx_i, out_f, rows_v, gsem, wsem, wbase_i, per_i)

    pl.run_scoped(s_f, pltpu.VMEM((2, _CH, H // 2), F32))


def _sc_gather_b2_body(eiou_hbm, ef_hbm, iidx_hbm,
                       out_iou, out_f, idx_i, gsem, wsem):
    wid = lax.axis_index("s") * 2 + lax.axis_index("c")
    per_i = _N_REST // _NW
    wbase_i = pl.multiple_of(wid * per_i, _CH)
    pltpu.sync_copy(iidx_hbm.at[pl.ds(wbase_i, per_i)], idx_i)

    def s_iou(rows_v):
        _sc_stream(eiou_hbm, idx_i, out_iou, rows_v, gsem, wsem,
                   wbase_i, per_i)

    pl.run_scoped(s_iou, pltpu.VMEM((2, _CH, 3 * H // 2), F32))

    def s_f(rows_v):
        _sc_stream(ef_hbm, idx_i, out_f, rows_v, gsem, wsem, wbase_i, per_i)

    pl.run_scoped(s_f, pltpu.VMEM((2, _CH, H // 2), F32))


def _sc_gather_b1(HC, E_iou, E_f, leaf_idx, l8_idx):
    fn = functools.partial(
        pl.kernel,
        mesh=plsc.VectorSubcoreMesh(core_axis_name="c", subcore_axis_name="s"),
        out_type=[
            jax.ShapeDtypeStruct((_N_LEAF, H), F32),
            jax.ShapeDtypeStruct((_N_L8, 3 * H // 2), F32),
            jax.ShapeDtypeStruct((_N_L8, H // 2), F32),
        ],
        scratch_types=[
            pltpu.VMEM((_N_LEAF // _NW,), jnp.int32),
            pltpu.VMEM((_N_L8 // _NW,), jnp.int32),
            pltpu.SemaphoreType.DMA,
            pltpu.SemaphoreType.DMA,
        ],
    )(_sc_gather_b1_body)
    return fn(HC, E_iou, E_f, leaf_idx, l8_idx)


def _sc_gather_b2(E_iou, E_f, rest_idx):
    fn = functools.partial(
        pl.kernel,
        mesh=plsc.VectorSubcoreMesh(core_axis_name="c", subcore_axis_name="s"),
        out_type=[
            jax.ShapeDtypeStruct((_N_REST, 3 * H // 2), F32),
            jax.ShapeDtypeStruct((_N_REST, H // 2), F32),
        ],
        scratch_types=[
            pltpu.VMEM((_N_REST // _NW,), jnp.int32),
            pltpu.SemaphoreType.DMA,
            pltpu.SemaphoreType.DMA,
        ],
    )(_sc_gather_b2_body)
    return fn(E_iou, E_f, rest_idx)


def _split_iou(pk):
    lo = _unpack_lo(pk)
    hi = _unpack_hi(pk)
    i = lo[:, 0:H]
    o = jnp.concatenate([lo[:, H:3 * H // 2], hi[:, 0:H // 2]], axis=1)
    u = hi[:, H // 2:3 * H // 2]
    return i, o, u


def _leaf8_kernel(hc9_ref, iou8_ref, f8_ref, uiou_ref, uf_ref, h_ref, c_ref):
    v = hc9_ref[:]
    h9l = _unpack_lo(v[:, 0:H])
    c9l = _unpack_hi(v[:, 0:H])
    h9r = _unpack_lo(v[:, H:2 * H])
    c9r = _unpack_hi(v[:, H:2 * H])

    hsum = h9l + h9r
    m = jnp.dot(hsum, uiou_ref[:], preferred_element_type=F32)
    i, o, u = _split_iou(iou8_ref[:])
    i = jax.nn.sigmoid(i + m[:, 0:H])
    o = jax.nn.sigmoid(o + m[:, H:2 * H])
    u = jnp.tanh(u + m[:, 2 * H:3 * H])
    fg = _unpack_cat(f8_ref[:])
    uf = uf_ref[:]
    fl = jax.nn.sigmoid(fg + jnp.dot(h9l, uf, preferred_element_type=F32))
    fr = jax.nn.sigmoid(fg + jnp.dot(h9r, uf, preferred_element_type=F32))
    c = i * u + fl * c9l + fr * c9r
    c_ref[:] = c
    h_ref[:] = o * jnp.tanh(c)


def _level_kernel(iou_ref, f_ref, h2_ref, c2_ref, uiou_ref, uf_ref,
                  h_ref, c_ref):
    h2 = h2_ref[:]
    c2 = c2_ref[:]
    hl = h2[:, :H]
    hr = h2[:, H:]
    cl = c2[:, :H]
    cr = c2[:, H:]
    hsum = hl + hr
    m = jnp.dot(hsum, uiou_ref[:], preferred_element_type=F32)
    i, o, u = _split_iou(iou_ref[:])
    i = jax.nn.sigmoid(i + m[:, 0:H])
    o = jax.nn.sigmoid(o + m[:, H:2 * H])
    u = jnp.tanh(u + m[:, 2 * H:3 * H])
    fg = _unpack_cat(f_ref[:])
    uf = uf_ref[:]
    fl = jax.nn.sigmoid(fg + jnp.dot(hl, uf, preferred_element_type=F32))
    fr = jax.nn.sigmoid(fg + jnp.dot(hr, uf, preferred_element_type=F32))
    c = i * u + fl * cl + fr * cr
    c_ref[:] = c
    h_ref[:] = o * jnp.tanh(c)


def _run_leaf8(hc9, iou_pre, f_pre, U_iou, U_f, tile):
    n = _N_LEAF // 2
    hc9p = hc9.reshape(n, 2 * H)
    grid = (n // tile,)
    return pl.pallas_call(
        _leaf8_kernel,
        grid=grid,
        in_specs=[
            pl.BlockSpec((tile, 2 * H), lambda i: (i, 0)),
            pl.BlockSpec((tile, 3 * H // 2), lambda i: (i, 0)),
            pl.BlockSpec((tile, H // 2), lambda i: (i, 0)),
            pl.BlockSpec((H, 3 * H), lambda i: (0, 0)),
            pl.BlockSpec((H, H), lambda i: (0, 0)),
        ],
        out_specs=[pl.BlockSpec((tile, H), lambda i: (i, 0))] * 2,
        out_shape=[jax.ShapeDtypeStruct((n, H), F32)] * 2,
    )(hc9p, iou_pre, f_pre, U_iou, U_f)


def _run_level(iou_pre, f_pre, h_child, c_child, U_iou, U_f, tile, row_off):
    n = h_child.shape[0] // 2
    h2 = h_child.reshape(n, 2 * H)
    c2 = c_child.reshape(n, 2 * H)
    grid = (n // tile,)
    blk_off = row_off // tile
    return pl.pallas_call(
        _level_kernel,
        grid=grid,
        in_specs=[
            pl.BlockSpec((tile, 3 * H // 2), lambda i: (i + blk_off, 0)),
            pl.BlockSpec((tile, H // 2), lambda i: (i + blk_off, 0)),
            pl.BlockSpec((tile, 2 * H), lambda i: (i, 0)),
            pl.BlockSpec((tile, 2 * H), lambda i: (i, 0)),
            pl.BlockSpec((H, 3 * H), lambda i: (0, 0)),
            pl.BlockSpec((H, H), lambda i: (0, 0)),
        ],
        out_specs=[pl.BlockSpec((tile, H), lambda i: (i, 0))] * 2,
        out_shape=[jax.ShapeDtypeStruct((n, H), F32)] * 2,
    )(iou_pre, f_pre, h2, c2, U_iou, U_f)


def _tail_kernel(h2_ref, c2_ref, iou_ref, f_ref, uiou_ref, uf_ref,
                 wm_ref, bm_ref, wl_ref, bl_ref, zm_ref, zl_ref):
    h2 = h2_ref[:]
    c2 = c2_ref[:]
    uiou = uiou_ref[:]
    uf = uf_ref[:]
    off = 0
    h = None
    for n in [4096, 2048, 1024, 512, 256, 128, 64]:
        hl = h2[:, :H]
        hr = h2[:, H:]
        cl = c2[:, :H]
        cr = c2[:, H:]
        m = jnp.dot(hl + hr, uiou, preferred_element_type=F32)
        i, o, u = _split_iou(iou_ref[pl.ds(off, n), :])
        i = jax.nn.sigmoid(i + m[:, 0:H])
        o = jax.nn.sigmoid(o + m[:, H:2 * H])
        u = jnp.tanh(u + m[:, 2 * H:3 * H])
        fg = _unpack_cat(f_ref[pl.ds(off, n), :])
        fl = jax.nn.sigmoid(fg + jnp.dot(hl, uf, preferred_element_type=F32))
        fr = jax.nn.sigmoid(fg + jnp.dot(hr, uf, preferred_element_type=F32))
        c = i * u + fl * cl + fr * cr
        h = o * jnp.tanh(c)
        off += n
        if n > 64:
            h2 = h.reshape(n // 2, 2 * H)
            c2 = c.reshape(n // 2, 2 * H)
    zm_ref[:] = jnp.dot(h, wm_ref[:], preferred_element_type=F32) + bm_ref[:]
    zl_ref[:] = jnp.dot(h, wl_ref[:], preferred_element_type=F32) + bl_ref[:]


def _run_tail(h_child, c_child, iou_r, f_r, U_iou, U_f,
              W_mean, b_mean, W_logvar, b_logvar):
    LAT = W_mean.shape[1]
    h2 = h_child.reshape(4096, 2 * H)
    c2 = c_child.reshape(4096, 2 * H)
    return pl.pallas_call(
        _tail_kernel,
        grid=(1,),
        in_specs=[
            pl.BlockSpec((4096, 2 * H), lambda i: (0, 0)),
            pl.BlockSpec((4096, 2 * H), lambda i: (0, 0)),
            pl.BlockSpec((8192, 3 * H // 2), lambda i: (1, 0)),
            pl.BlockSpec((8192, H // 2), lambda i: (1, 0)),
            pl.BlockSpec((H, 3 * H), lambda i: (0, 0)),
            pl.BlockSpec((H, H), lambda i: (0, 0)),
            pl.BlockSpec((H, LAT), lambda i: (0, 0)),
            pl.BlockSpec((1, LAT), lambda i: (0, 0)),
            pl.BlockSpec((H, LAT), lambda i: (0, 0)),
            pl.BlockSpec((1, LAT), lambda i: (0, 0)),
        ],
        out_specs=[pl.BlockSpec((NT, LAT), lambda i: (0, 0))] * 2,
        out_shape=[jax.ShapeDtypeStruct((NT, LAT), F32)] * 2,
        compiler_params=pltpu.CompilerParams(
            vmem_limit_bytes=100 * 1024 * 1024),
    )(h2, c2, iou_r, f_r, U_iou, U_f,
      W_mean, b_mean.reshape(1, LAT), W_logvar, b_logvar.reshape(1, LAT))


def _levelmajor_features(features):
    f2 = features.reshape(NT, NPT)
    blocks = [
        f2[:, (1 << L) - 1:(1 << (L + 1)) - 1].reshape(-1)
        for L in range(DEPTH, -1, -1)
    ]
    return jnp.concatenate(blocks)


def kernel(features, node_order_bottomup, adjacency_list, edge_order_bottomup,
           tree_sizes, emb_table, W_iou, b_iou, U_iou, W_f, b_f, U_f,
           W_mean, b_mean, W_logvar, b_logvar):
    E_iou, E_f, HC = _precompute_tables(emb_table, W_iou, b_iou, W_f, b_f)

    feat_lm = _levelmajor_features(features)
    leaf_idx = feat_lm[:_N_LEAF]
    l8_idx = feat_lm[_N_LEAF:_N_LEAF + _N_L8]
    pad = jnp.zeros(_N_REST - (N_TOTAL - _N_LEAF - _N_L8), jnp.int32)
    rest_idx = jnp.concatenate([feat_lm[_N_LEAF + _N_L8:], pad])

    hc_pre, iou8, f8 = _sc_gather_b1(HC, E_iou, E_f, leaf_idx, l8_idx)
    iou_r, f_r = _sc_gather_b2(E_iou, E_f, rest_idx)

    h, c = _run_leaf8(hc_pre, iou8, f8, U_iou, U_f, tile=512)

    h, c = _run_level(iou_r, f_r, h, c, U_iou, U_f, 512, 0)

    return_zm, return_zl = _run_tail(h, c, iou_r, f_r, U_iou, U_f,
                                     W_mean, b_mean, W_logvar, b_logvar)
    return (return_zm, return_zm, return_zl)

# --- scband reference (transcript-rebuilt; emitter-appended) ---
"""Pipeline reference for scband-tree-lstm-encoder-81363860455508 (READ-ONLY COPY).

The authoritative reference and input builder live on the scoring server;
editing this copy changes nothing except your own understanding.
"""

import jax, jax.numpy as jnp
import numpy as np

HIDDEN = 256
EMB = 256
LATENT = 64
VOCAB = 1000
NUM_TREES = 64
DEPTH = 9

def _build_forest():
    nodes_per_tree = 2 ** (DEPTH + 1) - 1
    local = np.arange(nodes_per_tree)
    level = np.floor(np.log2(local + 1)).astype(np.int64)
    order_local = (DEPTH - level).astype(np.int64)
    parents_local = np.arange(2 ** DEPTH - 1)
    children_local = np.stack([2 * parents_local + 1, 2 * parents_local + 2], axis=1)
    adj_local = np.stack([np.repeat(parents_local, 2), children_local.reshape(-1)], axis=1)
    edge_order_local = order_local[adj_local[:, 0]]
    offsets = np.arange(NUM_TREES) * nodes_per_tree
    node_order = np.tile(order_local, NUM_TREES)
    adj = (adj_local[None, :, :] + offsets[:, None, None]).reshape(-1, 2)
    edge_order = np.tile(edge_order_local, NUM_TREES)
    tree_sizes = np.full(NUM_TREES, nodes_per_tree, dtype=np.int64)
    return node_order, adj, edge_order, tree_sizes

def setup_inputs(seed: int = 0):
    key = jax.random.key(seed)
    ks = jax.random.split(key, 10)
    node_order, adj, edge_order, tree_sizes = _build_forest()
    N = node_order.shape[0]
    def w(k, shape, fan_in):
        return (jax.random.normal(k, shape, jnp.float32) / np.sqrt(fan_in)).astype(jnp.float32)
    return {
        "features": jax.random.randint(ks[0], (N,), 0, VOCAB, dtype=jnp.int32),
        "node_order_bottomup": jnp.asarray(node_order, jnp.int32),
        "adjacency_list": jnp.asarray(adj, jnp.int32),
        "edge_order_bottomup": jnp.asarray(edge_order, jnp.int32),
        "tree_sizes": jnp.asarray(tree_sizes, jnp.int32),
        "emb_table": jax.random.normal(ks[1], (VOCAB, EMB), jnp.float32) * 0.02,
        "W_iou": w(ks[2], (EMB, 3 * HIDDEN), EMB),
        "b_iou": jnp.zeros((3 * HIDDEN,), jnp.float32),
        "U_iou": w(ks[3], (HIDDEN, 3 * HIDDEN), HIDDEN),
        "W_f": w(ks[4], (EMB, HIDDEN), EMB),
        "b_f": jnp.zeros((HIDDEN,), jnp.float32),
        "U_f": w(ks[5], (HIDDEN, HIDDEN), HIDDEN),
        "W_mean": w(ks[6], (HIDDEN, LATENT), HIDDEN),
        "b_mean": jnp.zeros((LATENT,), jnp.float32),
        "W_logvar": w(ks[7], (HIDDEN, LATENT), HIDDEN),
        "b_logvar": jnp.zeros((LATENT,), jnp.float32),
    }

def _tree_lstm(x, node_order, adjacency_list, edge_order, W_iou, b_iou, U_iou, W_f, b_f, U_f):
    N = x.shape[0]
    H = U_f.shape[0]
    h = jnp.zeros((N, H), jnp.float32)
    c = jnp.zeros((N, H), jnp.float32)
    for it in range(DEPTH + 1):
        n_nodes = NUM_TREES * (2 ** (DEPTH - it))
        node_idx = jnp.nonzero(node_order == it, size=n_nodes)[0]
        xn = x[node_idx]
        if it == 0:
            iou = xn @ W_iou + b_iou
            i, o, u = jnp.split(iou, 3, axis=1)
            i = jax.nn.sigmoid(i); o = jax.nn.sigmoid(o); u = jnp.tanh(u)
            c_new = i * u
        else:
            edge_idx = jnp.nonzero(edge_order == it, size=2 * n_nodes)[0]
            adj = adjacency_list[edge_idx]
            parents = adj[:, 0]
            children = adj[:, 1]
            child_h = h[children]
            child_c = c[children]
            h_sum = jnp.zeros((N, H), jnp.float32).at[parents].add(child_h)[node_idx]
            iou = xn @ W_iou + b_iou + h_sum @ U_iou
            i, o, u = jnp.split(iou, 3, axis=1)
            i = jax.nn.sigmoid(i); o = jax.nn.sigmoid(o); u = jnp.tanh(u)
            f = jax.nn.sigmoid(x[parents] @ W_f + b_f + child_h @ U_f)
            c_sum = jnp.zeros((N, H), jnp.float32).at[parents].add(f * child_c)[node_idx]
            c_new = i * u + c_sum
        c = c.at[node_idx].set(c_new)
        h = h.at[node_idx].set(o * jnp.tanh(c_new))
    return h, c

def reference(features, node_order_bottomup, adjacency_list, edge_order_bottomup, tree_sizes, emb_table, W_iou, b_iou, U_iou, W_f, b_f, U_f, W_mean, b_mean, W_logvar, b_logvar):
    x = jnp.take(emb_table, features, axis=0).reshape(-1, emb_table.shape[1])
    h, c = _tree_lstm(x, node_order_bottomup, adjacency_list, edge_order_bottomup, W_iou, b_iou, U_iou, W_f, b_f, U_f)
    root_idx = jnp.concatenate([jnp.zeros(1, dtype=jnp.int32), jnp.cumsum(tree_sizes)[:-1]])
    hidden_roots = h[root_idx]
    z_mean = hidden_roots @ W_mean + b_mean
    z_log_var = hidden_roots @ W_logvar + b_logvar
    z = z_mean
    return (z, z_mean, z_log_var)

if __name__ == "__main__":
    import jax
    _d = setup_inputs()
    print(jax.jit(kernel)(*tuple(_d.values())))

</pallas_src>

<mosaic_0001>
#map = affine_map<(d0, d1) -> (0, 0)>
#map1 = affine_map<(d0, d1) -> (0)>
module attributes {stable_mosaic.version = 14 : i64} {
  func.func @_sc_gather_b1_body(%arg0: i32, %arg1: i32, %arg2: memref<1000x256xf32, #tpu.memory_space<hbm>>, %arg3: memref<1000x384xf32, #tpu.memory_space<hbm>>, %arg4: memref<1000x128xf32, #tpu.memory_space<hbm>>, %arg5: memref<32768xi32, #tpu.memory_space<hbm>>, %arg6: memref<16384xi32, #tpu.memory_space<hbm>>, %arg7: memref<32768x256xf32, #tpu.memory_space<hbm>>, %arg8: memref<16384x384xf32, #tpu.memory_space<hbm>>, %arg9: memref<16384x128xf32, #tpu.memory_space<hbm>>, %arg10: memref<1024xi32, #tpu.memory_space<vmem>>, %arg11: memref<512xi32, #tpu.memory_space<vmem>>, %arg12: memref<!tpu.dma_semaphore, #tpu.memory_space<semaphore_mem>>, %arg13: memref<!tpu.dma_semaphore, #tpu.memory_space<semaphore_mem>>) attributes {dimension_semantics = [#tpu.dimension_semantics<core_parallel>, #tpu.dimension_semantics<subcore_parallel>], iteration_bounds = array<i64: 2, 16>, scalar_prefetch = 0 : i64, scratch_operands = 4 : i64, tpu.core_type = #tpu.core_type<sc_vector_subcore>, window_params = [{transform_indices = #map}, {transform_indices = #map}, {transform_indices = #map}, {transform_indices = #map1}, {transform_indices = #map1}, {transform_indices = #map}, {transform_indices = #map}, {transform_indices = #map}]} {
    %mul3A = arith.constant 2 : i32
    %mul3A_0 = arith.muli %arg1, %mul3A : i32
    %add3A = arith.addi %mul3A_0, %arg0 : i32
    %mul3A_1 = arith.constant 1024 : i32
    %mul3A_2 = arith.muli %add3A, %mul3A_1 : i32
    %multiple_of3A = tpu.assume_multiple %mul3A_2, 128 : i32
    %mul3A_3 = arith.constant 512 : i32
    %mul3A_4 = arith.muli %add3A, %mul3A_3 : i32
    %multiple_of3A_5 = tpu.assume_multiple %mul3A_4, 128 : i32
    "tpu.region"() ({
      %run_scoped3A = tpu.sem_alloc : memref<!tpu.dma_semaphore, #tpu.memory_space<semaphore_mem>>
      %dma_start3A = tpu.memref_slice %arg5[%multiple_of3A] : memref<32768xi32, #tpu.memory_space<hbm>> -> memref<1024xi32, #tpu.memory_space<hbm>>
      %dma_start3A_6 = tpu.memref_slice %arg5[%multiple_of3A] : memref<32768xi32, #tpu.memory_space<hbm>> -> memref<1024xi32, #tpu.memory_space<hbm>>
      tpu.enqueue_dma source(%dma_start3A_6 : memref<1024xi32, #tpu.memory_space<hbm>>) target(%arg10 : memref<1024xi32, #tpu.memory_space<vmem>>) target_semaphore(%run_scoped3A : memref<!tpu.dma_semaphore, #tpu.memory_space<semaphore_mem>>)
      %dma_wait3A = tpu.memref_slice %arg5[%multiple_of3A] : memref<32768xi32, #tpu.memory_space<hbm>> -> memref<1024xi32, #tpu.memory_space<hbm>>
      %dma_wait3A_7 = tpu.memref_slice %arg5[%multiple_of3A] : memref<32768xi32, #tpu.memory_space<hbm>> -> memref<1024xi32, #tpu.memory_space<hbm>>
      tpu.wait_dma2 semaphore(%run_scoped3A : memref<!tpu.dma_semaphore, #tpu.memory_space<semaphore_mem>>) src(%dma_wait3A_7 : memref<1024xi32, #tpu.memory_space<hbm>>) dst(%arg10 : memref<1024xi32, #tpu.memory_space<vmem>>)
      tpu.yield
    }) : () -> ()
    "tpu.region"() ({
      %run_scoped3A = tpu.sem_alloc : memref<!tpu.dma_semaphore, #tpu.memory_space<semaphore_mem>>
      %dma_start3A = tpu.memref_slice %arg6[%multiple_of3A_5] : memref<16384xi32, #tpu.memory_space<hbm>> -> memref<512xi32, #tpu.memory_space<hbm>>
      %dma_start3A_6 = tpu.memref_slice %arg6[%multiple_of3A_5] : memref<16384xi32, #tpu.memory_space<hbm>> -> memref<512xi32, #tpu.memory_space<hbm>>
      tpu.enqueue_dma source(%dma_start3A_6 : memref<512xi32, #tpu.memory_space<hbm>>) target(%arg11 : memref<512xi32, #tpu.memory_space<vmem>>) target_semaphore(%run_scoped3A : memref<!tpu.dma_semaphore, #tpu.memory_space<semaphore_mem>>)
      %dma_wait3A = tpu.memref_slice %arg6[%multiple_of3A_5] : memref<16384xi32, #tpu.memory_space<hbm>> -> memref<512xi32, #tpu.memory_space<hbm>>
      %dma_wait3A_7 = tpu.memref_slice %arg6[%multiple_of3A_5] : memref<16384xi32, #tpu.memory_space<hbm>> -> memref<512xi32, #tpu.memory_space<hbm>>
      tpu.wait_dma2 semaphore(%run_scoped3A : memref<!tpu.dma_semaphore, #tpu.memory_space<semaphore_mem>>) src(%dma_wait3A_7 : memref<512xi32, #tpu.memory_space<hbm>>) dst(%arg11 : memref<512xi32, #tpu.memory_space<vmem>>)
      tpu.yield
    }) : () -> ()
    "tpu.region"() ({
      %run_scoped3A = memref.alloca() : memref<2x128x256xf32, #tpu.memory_space<vmem>>
      %dma_start3A = arith.constant 0 : i32
      %dma_start3A_6 = arith.constant 0 : i32
      %dma_start3A_7 = arith.constant 0 : i32
      %dma_start3A_8 = tpu.memref_slice %run_scoped3A[%dma_start3A, %dma_start3A_6, %dma_start3A_7] : memref<2x128x256xf32, #tpu.memory_space<vmem>> -> memref<1x128x256xf32, #tpu.memory_space<vmem>>
      %dma_start3A_9 = tpu.memref_squeeze %dma_start3A_8 : memref<1x128x256xf32, #tpu.memory_space<vmem>> -> memref<128x256xf32, #tpu.memory_space<vmem>>
      %dma_start3A_10 = arith.constant 0 : i32
      %dma_start3A_11 = tpu.memref_slice %arg10[%dma_start3A_10] : memref<1024xi32, #tpu.memory_space<vmem>> -> memref<128xi32, #tpu.memory_space<vmem>>
      %dma_start3A_12 = arith.constant 0 : i32
      %dma_start3A_13 = arith.constant 0 : i32
      %dma_start3A_14 = tpu.memref_slice %arg2[%dma_start3A_12, %dma_start3A_13] : memref<1000x256xf32, #tpu.memory_space<hbm>> -> memref<1000x256xf32, #tpu.memory_space<hbm>>
      tpu.enqueue_indirect_dma source(%dma_start3A_14 : memref<1000x256xf32, #tpu.memory_space<hbm>>) target(%dma_start3A_9 : memref<128x256xf32, #tpu.memory_space<vmem>>) offsets(%dma_start3A_11 : memref<128xi32, #tpu.memory_space<vmem>>) semaphore(%arg12 : memref<!tpu.dma_semaphore, #tpu.memory_space<semaphore_mem>>)
      %dma_wait3A = arith.constant 0 : i32
      %dma_wait3A_15 = arith.constant 0 : i32
      %dma_wait3A_16 = arith.constant 0 : i32
      %dma_wait3A_17 = tpu.memref_slice %run_scoped3A[%dma_wait3A, %dma_wait3A_15, %dma_wait3A_16] : memref<2x128x256xf32, #tpu.memory_space<vmem>> -> memref<1x128x256xf32, #tpu.memory_space<vmem>>
      %dma_wait3A_18 = tpu.memref_squeeze %dma_wait3A_17 : memref<1x128x256xf32, #tpu.memory_space<vmem>> -> memref<128x256xf32, #tpu.memory_space<vmem>>
      %dma_wait3A_19 = arith.constant 0 : i32
      %dma_wait3A_20 = tpu.memref_slice %arg10[%dma_wait3A_19] : memref<1024xi32, #tpu.memory_space<vmem>> -> memref<128xi32, #tpu.memory_space<vmem>>
      %dma_wait3A_21 = arith.constant 0 : i32
      %dma_wait3A_22 = arith.constant 0 : i32
      %dma_wait3A_23 = tpu.memref_slice %arg2[%dma_wait3A_21, %dma_wait3A_22] : memref<1000x256xf32, #tpu.memory_space<hbm>> -> memref<1000x256xf32, #tpu.memory_space<hbm>>
      tpu.wait_indirect_dma semaphore(%arg12 : memref<!tpu.dma_semaphore, #tpu.memory_space<semaphore_mem>>) src(%dma_wait3A_23 : memref<1000x256xf32, #tpu.memory_space<hbm>>) dst(%dma_wait3A_18 : memref<128x256xf32, #tpu.memory_space<vmem>>)
      %add3A_24 = arith.constant 0 : i32
      %add3A_25 = arith.addi %multiple_of3A, %add3A_24 : i32
      %multiple_of3A_26 = tpu.assume_multiple %add3A_25, 128 : i32
      %dma_start3A_27 = arith.constant 0 : i32
      %dma_start3A_28 = arith.constant 0 : i32
      %dma_start3A_29 = arith.constant 0 : i32
      %dma_start3A_30 = tpu.memref_slice %run_scoped3A[%dma_start3A_27, %dma_start3A_28, %dma_start3A_29] : memref<2x128x256xf32, #tpu.memory_space<vmem>> -> memref<1x128x256xf32, #tpu.memory_space<vmem>>
      %dma_start3A_31 = tpu.memref_squeeze %dma_start3A_30 : memref<1x128x256xf32, #tpu.memory_space<vmem>> -> memref<128x256xf32, #tpu.memory_space<vmem>>
      %dma_start3A_32 = arith.constant 0 : i32
      %dma_start3A_33 = tpu.memref_slice %arg7[%multiple_of3A_26, %dma_start3A_32] : memref<32768x256xf32, #tpu.memory_space<hbm>> -> memref<128x256xf32, #tpu.memory_space<hbm>>
      %dma_start3A_34 = arith.constant 0 : i32
      %dma_start3A_35 = tpu.memref_slice %arg7[%multiple_of3A_26, %dma_start3A_34] : memref<32768x256xf32, #tpu.memory_space<hbm>> -> memref<128x256xf32, #tpu.memory_space<hbm>>
      %dma_start3A_36 = arith.constant 0 : i32
      %dma_start3A_37 = arith.constant 0 : i32
      %dma_start3A_38 = tpu.memref_slice %run_scoped3A[%dma_start3A_27, %dma_start3A_36, %dma_start3A_37] : memref<2x128x256xf32, #tpu.memory_space<vmem>> -> memref<1x128x256xf32, #tpu.memory_space<vmem>>
      %dma_start3A_39 = tpu.memref_squeeze %dma_start3A_38 : memref<1x128x256xf32, #tpu.memory_space<vmem>> -> memref<128x256xf32, #tpu.memory_space<vmem>>
      tpu.enqueue_dma source(%dma_start3A_39 : memref<128x256xf32, #tpu.memory_space<vmem>>) target(%dma_start3A_35 : memref<128x256xf32, #tpu.memory_space<hbm>>) target_semaphore(%arg13 : memref<!tpu.dma_semaphore, #tpu.memory_space<semaphore_mem>>)
      %dma_start3A_40 = arith.constant 1 : i32
      %dma_start3A_41 = arith.constant 0 : i32
      %dma_start3A_42 = arith.constant 0 : i32
      %dma_start3A_43 = tpu.memref_slice %run_scoped3A[%dma_start3A_40, %dma_start3A_41, %dma_start3A_42] : memref<2x128x256xf32, #tpu.memory_space<vmem>> -> memref<1x128x256xf32, #tpu.memory_space<vmem>>
      %dma_start3A_44 = tpu.memref_squeeze %dma_start3A_43 : memref<1x128x256xf32, #tpu.memory_space<vmem>> -> memref<128x256xf32, #tpu.memory_space<vmem>>
      %dma_start3A_45 = arith.constant 128 : i32
      %dma_start3A_46 = tpu.memref_slice %arg10[%dma_start3A_45] : memref<1024xi32, #tpu.memory_space<vmem>> -> memref<128xi32, #tpu.memory_space<vmem>>
      %dma_start3A_47 = arith.constant 0 : i32
      %dma_start3A_48 = arith.constant 0 : i32
      %dma_start3A_49 = tpu.memref_slice %arg2[%dma_start3A_47, %dma_start3A_48] : memref<1000x256xf32, #tpu.memory_space<hbm>> -> memref<1000x256xf32, #tpu.memory_space<hbm>>
      tpu.enqueue_indirect_dma source(%dma_start3A_49 : memref<1000x256xf32, #tpu.memory_space<hbm>>) target(%dma_start3A_44 : memref<128x256xf32, #tpu.memory_space<vmem>>) offsets(%dma_start3A_46 : memref<128xi32, #tpu.memory_space<vmem>>) semaphore(%arg12 : memref<!tpu.dma_semaphore, #tpu.memory_space<semaphore_mem>>)
      %dma_wait3A_50 = arith.constant 1 : i32
      %dma_wait3A_51 = arith.constant 0 : i32
      %dma_wait3A_52 = arith.constant 0 : i32
      %dma_wait3A_53 = tpu.memref_slice %run_scoped3A[%dma_wait3A_50, %dma_wait3A_51, %dma_wait3A_52] : memref<2x128x256xf32, #tpu.memory_space<vmem>> -> memref<1x128x256xf32, #tpu.memory_space<vmem>>
      %dma_wait3A_54 = tpu.memref_squeeze %dma_wait3A_53 : memref<1x128x256xf32, #tpu.memory_space<vmem>> -> memref<128x256xf32, #tpu.memory_space<vmem>>
      %dma_wait3A_55 = arith.constant 128 : i32
      %dma_wait3A_56 = tpu.memref_slice %arg10[%dma_wait3A_55] : memref<1024xi32, #tpu.memory_space<vmem>> -> memref<128xi32, #tpu.memory_space<vmem>>
      %dma_wait3A_57 = arith.constant 0 : i32
      %dma_wait3A_58 = arith.constant 0 : i32
      %dma_wait3A_59 = tpu.memref_slice %arg2[%dma_wait3A_57, %dma_wait3A_58] : memref<1000x256xf32, #tpu.memory_space<hbm>> -> memref<1000x256xf32, #tpu.memory_space<hbm>>
      tpu.wait_indirect_dma semaphore(%arg12 : memref<!tpu.dma_semaphore, #tpu.memory_space<semaphore_mem>>) src(%dma_wait3A_59 : memref<1000x256xf32, #tpu.memory_space<hbm>>) dst(%dma_wait3A_54 : memref<128x256xf32, #tpu.memory_space<vmem>>)
      %add3A_60 = arith.constant 128 : i32
      %add3A_61 = arith.addi %multiple_of3A, %add3A_60 : i32
      %multiple_of3A_62 = tpu.assume_multiple %add3A_61, 128 : i32
      %dma_start3A_63 = arith.constant 1 : i32
      %dma_start3A_64 = arith.constant 0 : i32
      %dma_start3A_65 = arith.constant 0 : i32
      %dma_start3A_66 = tpu.memref_slice %run_scoped3A[%dma_start3A_63, %dma_start3A_64, %dma_start3A_65] : memref<2x128x256xf32, #tpu.memory_space<vmem>> -> memref<1x128x256xf32, #tpu.memory_space<vmem>>
      %dma_start3A_67 = tpu.memref_squeeze %dma_start3A_66 : memref<1x128x256xf32, #tpu.memory_space<vmem>> -> memref<128x256xf32, #tpu.memory_space<vmem>>
      %dma_start3A_68 = arith.constant 0 : i32
      %dma_start3A_69 = tpu.memref_slice %arg7[%multiple_of3A_62, %dma_start3A_68] : memref<32768x256xf32, #tpu.memory_space<hbm>> -> memref<128x256xf32, #tpu.memory_space<hbm>>
      %dma_start3A_70 = arith.constant 0 : i32
      %dma_start3A_71 = tpu.memref_slice %arg7[%multiple_of3A_62, %dma_start3A_70] : memref<32768x256xf32, #tpu.memory_space<hbm>> -> memref<128x256xf32, #tpu.memory_space<hbm>>
      %dma_start3A_72 = arith.constant 0 : i32
      %dma_start3A_73 = arith.constant 0 : i32
      %dma_start3A_74 = tpu.memref_slice %run_scoped3A[%dma_start3A_63, %dma_start3A_72, %dma_start3A_73] : memref<2x128x256xf32, #tpu.memory_space<vmem>> -> memref<1x128x256xf32, #tpu.memory_space<vmem>>
      %dma_start3A_75 = tpu.memref_squeeze %dma_start3A_74 : memref<1x128x256xf32, #tpu.memory_space<vmem>> -> memref<128x256xf32, #tpu.memory_space<vmem>>
      tpu.enqueue_dma source(%dma_start3A_75 : memref<128x256xf32, #tpu.memory_space<vmem>>) target(%dma_start3A_71 : memref<128x256xf32, #tpu.memory_space<hbm>>) target_semaphore(%arg13 : memref<!tpu.dma_semaphore, #tpu.memory_space<semaphore_mem>>)
      %add3A_76 = arith.constant 0 : i32
      %add3A_77 = arith.addi %multiple_of3A, %add3A_76 : i32
      %multiple_of3A_78 = tpu.assume_multiple %add3A_77, 128 : i32
      %dma_wait3A_79 = arith.constant 0 : i32
      %dma_wait3A_80 = arith.constant 0 : i32
      %dma_wait3A_81 = arith.constant 0 : i32
      %dma_wait3A_82 = tpu.memref_slice %run_scoped3A[%dma_wait3A_79, %dma_wait3A_80, %dma_wait3A_81] : memref<2x128x256xf32, #tpu.memory_space<vmem>> -> memref<1x128x256xf32, #tpu.memory_space<vmem>>
      %dma_wait3A_83 = tpu.memref_squeeze %dma_wait3A_82 : memref<1x128x256xf32, #tpu.memory_space<vmem>> -> memref<128x256xf32, #tpu.memory_space<vmem>>
      %dma_wait3A_84 = arith.constant 0 : i32
      %dma_wait3A_85 = tpu.memref_slice %arg7[%multiple_of3A_78, %dma_wait3A_84] : memref<32768x256xf32, #tpu.memory_space<hbm>> -> memref<128x256xf32, #tpu.memory_space<hbm>>
      %dma_wait3A_86 = arith.constant 0 : i32
      %dma_wait3A_87 = tpu.memref_slice %arg7[%multiple_of3A_78, %dma_wait3A_86] : memref<32768x256xf32, #tpu.memory_space<hbm>> -> memref<128x256xf32, #tpu.memory_space<hbm>>
      %dma_wait3A_88 = arith.constant 0 : i32
      %dma_wait3A_89 = arith.constant 0 : i32
      %dma_wait3A_90 = tpu.memref_slice %run_scoped3A[%dma_wait3A_79, %dma_wait3A_88, %dma_wait3A_89] : memref<2x128x256xf32, #tpu.memory_space<vmem>> -> memref<1x128x256xf32, #tpu.memory_space<vmem>>
      %dma_wait3A_91 = tpu.memref_squeeze %dma_wait3A_90 : memref<1x128x256xf32, #tpu.memory_space<vmem>> -> memref<128x256xf32, #tpu.memory_space<vmem>>
      tpu.wait_dma2 semaphore(%arg13 : memref<!tpu.dma_semaphore, #tpu.memory_space<semaphore_mem>>) src(%dma_wait3A_91 : memref<128x256xf32, #tpu.memory_space<vmem>>) dst(%dma_wait3A_87 : memref<128x256xf32, #tpu.memory_space<hbm>>)
      %dma_start3A_92 = arith.constant 0 : i32
      %dma_start3A_93 = arith.constant 0 : i32
      %dma_start3A_94 = arith.constant 0 : i32
      %dma_start3A_95 = tpu.memref_slice %run_scoped3A[%dma_start3A_92, %dma_start3A_93, %dma_start3A_94] : memref<2x128x256xf32, #tpu.memory_space<vmem>> -> memref<1x128x256xf32, #tpu.memory_space<vmem>>
      %dma_start3A_96 = tpu.memref_squeeze %dma_start3A_95 : memref<1x128x256xf32, #tpu.memory_space<vmem>> -> memref<128x256xf32, #tpu.memory_space<vmem>>
      %dma_start3A_97 = arith.constant 256 : i32
      %dma_start3A_98 = tpu.memref_slice %arg10[%dma_start3A_97] : memref<1024xi32, #tpu.memory_space<vmem>> -> memref<128xi32, #tpu.memory_space<vmem>>
      %dma_start3A_99 = arith.constant 0 : i32
      %dma_start3A_100 = arith.constant 0 : i32
      %dma_start3A_101 = tpu.memref_slice %arg2[%dma_start3A_99, %dma_start3A_100] : memref<1000x256xf32, #tpu.memory_space<hbm>> -> memref<1000x256xf32, #tpu.memory_space<hbm>>
      tpu.enqueue_indirect_dma source(%dma_start3A_101 : memref<1000x256xf32, #tpu.memory_space<hbm>>) target(%dma_start3A_96 : memref<128x256xf32, #tpu.memory_space<vmem>>) offsets(%dma_start3A_98 : memref<128xi32, #tpu.memory_space<vmem>>) semaphore(%arg12 : memref<!tpu.dma_semaphore, #tpu.memory_space<semaphore_mem>>)
      %dma_wait3A_102 = arith.constant 0 : i32
      %dma_wait3A_103 = arith.constant 0 : i32
      %dma_wait3A_104 = arith.constant 0 : i32
      %dma_wait3A_105 = tpu.memref_slice %run_scoped3A[%dma_wait3A_102, %dma_wait3A_103, %dma_wait3A_104] : memref<2x128x256xf32, #tpu.memory_space<vmem>> -> memref<1x128x256xf32, #tpu.memory_space<vmem>>
      %dma_wait3A_106 = tpu.memref_squeeze %dma_wait3A_105 : memref<1x128x256xf32, #tpu.memory_space<vmem>> -> memref<128x256xf32, #tpu.memory_space<vmem>>
      %dma_wait3A_107 = arith.constant 256 : i32
      %dma_wait3A_108 = tpu.memref_slice %arg10[%dma_wait3A_107] : memref<1024xi32, #tpu.memory_space<vmem>> -> memref<128xi32, #tpu.memory_space<vmem>>
      %dma_wait3A_109 = arith.constant 0 : i32
      %dma_wait3A_110 = arith.constant 0 : i32
      %dma_wait3A_111 = tpu.memref_slice %arg2[%dma_wait3A_109, %dma_wait3A_110] : memref<1000x256xf32, #tpu.memory_space<hbm>> -> memref<1000x256xf32, #tpu.memory_space<hbm>>
      tpu.wait_indirect_dma semaphore(%arg12 : memref<!tpu.dma_semaphore, #tpu.memory_space<semaphore_mem>>) src(%dma_wait3A_111 : memref<1000x256xf32, #tpu.memory_space<hbm>>) dst(%dma_wait3A_106 : memref<128x256xf32, #tpu.memory_space<vmem>>)
      %add3A_112 = arith.constant 256 : i32
      %add3A_113 = arith.addi %multiple_of3A, %add3A_112 : i32
      %multiple_of3A_114 = tpu.assume_multiple %add3A_113, 128 : i32
      %dma_start3A_115 = arith.constant 0 : i32
      %dma_start3A_116 = arith.constant 0 : i32
      %dma_start3A_117 = arith.constant 0 : i32
      %dma_start3A_118 = tpu.memref_slice %run_scoped3A[%dma_start3A_115, %dma_start3A_116, %dma_start3A_117] : memref<2x128x256xf32, #tpu.memory_space<vmem>> -> memref<1x128x256xf32, #tpu.memory_space<vmem>>
      %dma_start3A_119 = tpu.memref_squeeze %dma_start3A_118 : memref<1x128x256xf32, #tpu.memory_space<vmem>> -> memref<128x256xf32, #tpu.memory_space<vmem>>
      %dma_start3A_120 = arith.constant 0 : i32
      %dma_start3A_121 = tpu.memref_slice %arg7[%multiple_of3A_114, %dma_start3A_120] : memref<32768x256xf32, #tpu.memory_space<hbm>> -> memref<128x256xf32, #tpu.memory_space<hbm>>
      %dma_start3A_122 = arith.constant 0 : i32
      %dma_start3A_123 = tpu.memref_slice %arg7[%multiple_of3A_114, %dma_start3A_122] : memref<32768x256xf32, #tpu.memory_space<hbm>> -> memref<128x256xf32, #tpu.memory_space<hbm>>
      %dma_start3A_124 = arith.constant 0 : i32
      %dma_start3A_125 = arith.constant 0 : i32
      %dma_start3A_126 = tpu.memref_slice %run_scoped3A[%dma_start3A_115, %dma_start3A_124, %dma_start3A_125] : memref<2x128x256xf32, #tpu.memory_space<vmem>> -> memref<1x128x256xf32, #tpu.memory_space<vmem>>
      %dma_start3A_127 = tpu.memref_squeeze %dma_start3A_126 : memref<1x128x256xf32, #tpu.memory_space<vmem>> -> memref<128x256xf32, #tpu.memory_space<vmem>>
      tpu.enqueue_dma source(%dma_start3A_127 : memref<128x256xf32, #tpu.memory_space<vmem>>) target(%dma_start3A_123 : memref<128x256xf32, #tpu.memory_space<hbm>>) target_semaphore(%arg13 : memref<!tpu.dma_semaphore, #tpu.memory_space<semaphore_mem>>)
      %add3A_128 = arith.constant 128 : i32
      %add3A_129 = arith.addi %multiple_of3A, %add3A_128 : i32
      %multiple_of3A_130 = tpu.assume_multiple %add3A_129, 128 : i32
      %dma_wait3A_131 = arith.constant 1 : i32
      %dma_wait3A_132 = arith.constant 0 : i32
      %dma_wait3A_133 = arith.constant 0 : i32
      %dma_wait3A_134 = tpu.memref_slice %run_scoped3A[%dma_wait3A_131, %dma_wait3A_132, %dma_wait3A_133] : memref<2x128x256xf32, #tpu.memory_space<vmem>> -> memref<1x128x256xf32, #tpu.memory_space<vmem>>
      %dma_wait3A_135 = tpu.memref_squeeze %dma_wait3A_134 : memref<1x128x256xf32, #tpu.memory_space<vmem>> -> memref<128x256xf32, #tpu.memory_space<vmem>>
      %dma_wait3A_136 = arith.constant 0 : i32
      %dma_wait3A_137 = tpu.memref_slice %arg7[%multiple_of3A_130, %dma_wait3A_136] : memref<32768x256xf32, #tpu.memory_space<hbm>> -> memref<128x256xf32, #tpu.memory_space<hbm>>
      %dma_wait3A_138 = arith.constant 0 : i32
      %dma_wait3A_139 = tpu.memref_slice %arg7[%multiple_of3A_130, %dma_wait3A_138] : memref<32768x256xf32, #tpu.memory_space<hbm>> -> memref<128x256xf32, #tpu.memory_space<hbm>>
      %dma_wait3A_140 = arith.constant 0 : i32
      %dma_wait3A_141 = arith.constant 0 : i32
      %dma_wait3A_142 = tpu.memref_slice %run_scoped3A[%dma_wait3A_131, %dma_wait3A_140, %dma_wait3A_141] : memref<2x128x256xf32, #tpu.memory_space<vmem>> -> memref<1x128x256xf32, #tpu.memory_space<vmem>>
      %dma_wait3A_143 = tpu.memref_squeeze %dma_wait3A_142 : memref<1x128x256xf32, #tpu.memory_space<vmem>> -> memref<128x256xf32, #tpu.memory_space<vmem>>
      tpu.wait_dma2 semaphore(%arg13 : memref<!tpu.dma_semaphore, #tpu.memory_space<semaphore_mem>>) src(%dma_wait3A_143 : memref<128x256xf32, #tpu.memory_space<vmem>>) dst(%dma_wait3A_139 : memref<128x256xf32, #tpu.memory_space<hbm>>)
      %dma_start3A_144 = arith.constant 1 : i32
      %dma_start3A_145 = arith.constant 0 : i32
      %dma_start3A_146 = arith.constant 0 : i32
      %dma_start3A_147 = tpu.memref_slice %run_scoped3A[%dma_start3A_144, %dma_start3A_145, %dma_start3A_146] : memref<2x128x256xf32, #tpu.memory_space<vmem>> -> memref<1x128x256xf32, #tpu.memory_space<vmem>>
      %dma_start3A_148 = tpu.memref_squeeze %dma_start3A_147 : memref<1x128x256xf32, #tpu.memory_space<vmem>> -> memref<128x256xf32, #tpu.memory_space<vmem>>
      %dma_start3A_149 = arith.constant 384 : i32
      %dma_start3A_150 = tpu.memref_slice %arg10[%dma_start3A_149] : memref<1024xi32, #tpu.memory_space<vmem>> -> memref<128xi32, #tpu.memory_space<vmem>>
      %dma_start3A_151 = arith.constant 0 : i32
      %dma_start3A_152 = arith.constant 0 : i32
      %dma_start3A_153 = tpu.memref_slice %arg2[%dma_start3A_151, %dma_start3A_152] : memref<1000x256xf32, #tpu.memory_space<hbm>> -> memref<1000x256xf32, #tpu.memory_space<hbm>>
      tpu.enqueue_indirect_dma source(%dma_start3A_153 : memref<1000x256xf32, #tpu.memory_space<hbm>>) target(%dma_start3A_148 : memref<128x256xf32, #tpu.memory_space<vmem>>) offsets(%dma_start3A_150 : memref<128xi32, #tpu.memory_space<vmem>>) semaphore(%arg12 : memref<!tpu.dma_semaphore, #tpu.memory_space<semaphore_mem>>)
      %dma_wait3A_154 = arith.constant 1 : i32
      %dma_wait3A_155 = arith.constant 0 : i32
      %dma_wait3A_156 = arith.constant 0 : i32
      %dma_wait3A_157 = tpu.memref_slice %run_scoped3A[%dma_wait3A_154, %dma_wait3A_155, %dma_wait3A_156] : memref<2x128x256xf32, #tpu.memory_space<vmem>> -> memref<1x128x256xf32, #tpu.memory_space<vmem>>
      %dma_wait3A_158 = tpu.memref_squeeze %dma_wait3A_157 : memref<1x128x256xf32, #tpu.memory_space<vmem>> -> memref<128x256xf32, #tpu.memory_space<vmem>>
      %dma_wait3A_159 = arith.constant 384 : i32
      %dma_wait3A_160 = tpu.memref_slice %arg10[%dma_wait3A_159] : memref<1024xi32, #tpu.memory_space<vmem>> -> memref<128xi32, #tpu.memory_space<vmem>>
      %dma_wait3A_161 = arith.constant 0 : i32
      %dma_wait3A_162 = arith.constant 0 : i32
      %dma_wait3A_163 = tpu.memref_slice %arg2[%dma_wait3A_161, %dma_wait3A_162] : memref<1000x256xf32, #tpu.memory_space<hbm>> -> memref<1000x256xf32, #tpu.memory_space<hbm>>
      tpu.wait_indirect_dma semaphore(%arg12 : memref<!tpu.dma_semaphore, #tpu.memory_space<semaphore_mem>>) src(%dma_wait3A_163 : memref<1000x256xf32, #tpu.memory_space<hbm>>) dst(%dma_wait3A_158 : memref<128x256xf32, #tpu.memory_space<vmem>>)
      %add3A_164 = arith.constant 384 : i32
      %add3A_165 = arith.addi %multiple_of3A, %add3A_164 : i32
      %multiple_of3A_166 = tpu.assume_multiple %add3A_165, 128 : i32
      %dma_start3A_167 = arith.constant 1 : i32
      %dma_start3A_168 = arith.constant 0 : i32
      %dma_start3A_169 = arith.constant 0 : i32
      %dma_start3A_170 = tpu.memref_slice %run_scoped3A[%dma_start3A_167, %dma_start3A_168, %dma_start3A_169] : memref<2x128x256xf32, #tpu.memory_space<vmem>> -> memref<1x128x256xf32, #tpu.memory_space<vmem>>
      %dma_start3A_171 = tpu.memref_squeeze %dma_start3A_170 : memref<1x128x256xf32, #tpu.memory_space<vmem>> -> memref<128x256xf32, #tpu.memory_space<vmem>>
      %dma_start3A_172 = arith.constant 0 : i32
      %dma_start3A_173 = tpu.memref_slice %arg7[%multiple_of3A_166, %dma_start3A_172] : memref<32768x256xf32, #tpu.memory_space<hbm>> -> memref<128x256xf32, #tpu.memory_space<hbm>>
      %dma_start3A_174 = arith.constant 0 : i32
      %dma_start3A_175 = tpu.memref_slice %arg7[%multiple_of3A_166, %dma_start3A_174] : memref<32768x256xf32, #tpu.memory_space<hbm>> -> memref<128x256xf32, #tpu.memory_space<hbm>>
      %dma_start3A_176 = arith.constant 0 : i32
      %dma_start3A_177 = arith.constant 0 : i32
      %dma_start3A_178 = tpu.memref_slice %run_scoped3A[%dma_start3A_167, %dma_start3A_176, %dma_start3A_177] : memref<2x128x256xf32, #tpu.memory_space<vmem>> -> memref<1x128x256xf32, #tpu.memory_space<vmem>>
      %dma_start3A_179 = tpu.memref_squeeze %dma_start3A_178 : memref<1x128x256xf32, #tpu.memory_space<vmem>> -> memref<128x256xf32, #tpu.memory_space<vmem>>
      tpu.enqueue_dma source(%dma_start3A_179 : memref<128x256xf32, #tpu.memory_space<vmem>>) target(%dma_start3A_175 : memref<128x256xf32, #tpu.memory_space<hbm>>) target_semaphore(%arg13 : memref<!tpu.dma_semaphore, #tpu.memory_space<semaphore_mem>>)
      %add3A_180 = arith.constant 256 : i32
      %add3A_181 = arith.addi %multiple_of3A, %add3A_180 : i32
      %multiple_of3A_182 = tpu.assume_multiple %add3A_181, 128 : i32
      %dma_wait3A_183 = arith.constant 0 : i32
      %dma_wait3A_184 = arith.constant 0 : i32
      %dma_wait3A_185 = arith.constant 0 : i32
      %dma_wait3A_186 = tpu.memref_slice %run_scoped3A[%dma_wait3A_183, %dma_wait3A_184, %dma_wait3A_185] : memref<2x128x256xf32, #tpu.memory_space<vmem>> -> memref<1x128x256xf32, #tpu.memory_space<vmem>>
      %dma_wait3A_187 = tpu.memref_squeeze %dma_wait3A_186 : memref<1x128x256xf32, #tpu.memory_space<vmem>> -> memref<128x256xf32, #tpu.memory_space<vmem>>
      %dma_wait3A_188 = arith.constant 0 : i32
      %dma_wait3A_189 = tpu.memref_slice %arg7[%multiple_of3A_182, %dma_wait3A_188] : memref<32768x256xf32, #tpu.memory_space<hbm>> -> memref<128x256xf32, #tpu.memory_space<hbm>>
      %dma_wait3A_190 = arith.constant 0 : i32
      %dma_wait3A_191 = tpu.memref_slice %arg7[%multiple_of3A_182, %dma_wait3A_190] : memref<32768x256xf32, #tpu.memory_space<hbm>> -> memref<128x256xf32, #tpu.memory_space<hbm>>
      %dma_wait3A_192 = arith.constant 0 : i32
      %dma_wait3A_193 = arith.constant 0 : i32
      %dma_wait3A_194 = tpu.memref_slice %run_scoped3A[%dma_wait3A_183, %dma_wait3A_192, %dma_wait3A_193] : memref<2x128x256xf32, #tpu.memory_space<vmem>> -> memref<1x128x256xf32, #tpu.memory_space<vmem>>
      %dma_wait3A_195 = tpu.memref_squeeze %dma_wait3A_194 : memref<1x128x256xf32, #tpu.memory_space<vmem>> -> memref<128x256xf32, #tpu.memory_space<vmem>>
      tpu.wait_dma2 semaphore(%arg13 : memref<!tpu.dma_semaphore, #tpu.memory_space<semaphore_mem>>) src(%dma_wait3A_195 : memref<128x256xf32, #tpu.memory_space<vmem>>) dst(%dma_wait3A_191 : memref<128x256xf32, #tpu.memory_space<hbm>>)
      %dma_start3A_196 = arith.constant 0 : i32
      %dma_start3A_197 = arith.constant 0 : i32
      %dma_start3A_198 = arith.constant 0 : i32
      %dma_start3A_199 = tpu.memref_slice %run_scoped3A[%dma_start3A_196, %dma_start3A_197, %dma_start3A_198] : memref<2x128x256xf32, #tpu.memory_space<vmem>> -> memref<1x128x256xf32, #tpu.memory_space<vmem>>
      %dma_start3A_200 = tpu.memref_squeeze %dma_start3A_199 : memref<1x128x256xf32, #tpu.memory_space<vmem>> -> memref<128x256xf32, #tpu.memory_space<vmem>>
      %dma_start3A_201 = arith.constant 512 : i32
      %dma_start3A_202 = tpu.memref_slice %arg10[%dma_start3A_201] : memref<1024xi32, #tpu.memory_space<vmem>> -> memref<128xi32, #tpu.memory_space<vmem>>
      %dma_start3A_203 = arith.constant 0 : i32
      %dma_start3A_204 = arith.constant 0 : i32
      %dma_start3A_205 = tpu.memref_slice %arg2[%dma_start3A_203, %dma_start3A_204] : memref<1000x256xf32, #tpu.memory_space<hbm>> -> memref<1000x256xf32, #tpu.memory_space<hbm>>
      tpu.enqueue_indirect_dma source(%dma_start3A_205 : memref<1000x256xf32, #tpu.memory_space<hbm>>) target(%dma_start3A_200 : memref<128x256xf32, #tpu.memory_space<vmem>>) offsets(%dma_start3A_202 : memref<128xi32, #tpu.memory_space<vmem>>) semaphore(%arg12 : memref<!tpu.dma_semaphore, #tpu.memory_space<semaphore_mem>>)
      %dma_wait3A_206 = arith.constant 0 : i32
      %dma_wait3A_207 = arith.constant 0 : i32
      %dma_wait3A_208 = arith.constant 0 : i32
      %dma_wait3A_209 = tpu.memref_slice %run_scoped3A[%dma_wait3A_206, %dma_wait3A_207, %dma_wait3A_208] : memref<2x128x256xf32, #tpu.memory_space<vmem>> -> memref<1x128x256xf32, #tpu.memory_space<vmem>>
      %dma_wait3A_210 = tpu.memref_squeeze %dma_wait3A_209 : memref<1x128x256xf32, #tpu.memory_space<vmem>> -> memref<128x256xf32, #tpu.memory_space<vmem>>
      %dma_wait3A_211 = arith.constant 512 : i32
      %dma_wait3A_212 = tpu.memref_slice %arg10[%dma_wait3A_211] : memref<1024xi32, #tpu.memory_space<vmem>> -> memref<128xi32, #tpu.memory_space<vmem>>
      %dma_wait3A_213 = arith.constant 0 : i32
      %dma_wait3A_214 = arith.constant 0 : i32
      %dma_wait3A_215 = tpu.memref_slice %arg2[%dma_wait3A_213, %dma_wait3A_214] : memref<1000x256xf32, #tpu.memory_space<hbm>> -> memref<1000x256xf32, #tpu.memory_space<hbm>>
      tpu.wait_indirect_dma semaphore(%arg12 : memref<!tpu.dma_semaphore, #tpu.memory_space<semaphore_mem>>) src(%dma_wait3A_215 : memref<1000x256xf32, #tpu.memory_space<hbm>>) dst(%dma_wait3A_210 : memref<128x256xf32, #tpu.memory_space<vmem>>)
      %add3A_216 = arith.constant 512 : i32
      %add3A_217 = arith.addi %multiple_of3A, %add3A_216 : i32
      %multiple_of3A_218 = tpu.assume_multiple %add3A_217, 128 : i32
      %dma_start3A_219 = arith.constant 0 : i32
      %dma_start3A_220 = arith.constant 0 : i32
      %dma_start3A_221 = arith.constant 0 : i32
      %dma_start3A_222 = tpu.memref_slice %run_scoped3A[%dma_start3A_219, %dma_start3A_220, %dma_start3A_221] : memref<2x128x256xf32, #tpu.memory_space<vmem>> -> memref<1x128x256xf32, #tpu.memory_space<vmem>>
      %dma_start3A_223 = tpu.memref_squeeze %dma_start3A_222 : memref<1x128x256xf32, #tpu.memory_space<vmem>> -> memref<128x256xf32, #tpu.memory_space<vmem>>
      %dma_start3A_224 = arith.constant 0 : i32
      %dma_start3A_225 = tpu.memref_slice %arg7[%multiple_of3A_218, %dma_start3A_224] : memref<32768x256xf32, #tpu.memory_space<hbm>> -> memref<128x256xf32, #tpu.memory_space<hbm>>
      %dma_start3A_226 = arith.constant 0 : i32
      %dma_start3A_227 = tpu.memref_slice %arg7[%multiple_of3A_218, %dma_start3A_226] : memref<32768x256xf32, #tpu.memory_space<hbm>> -> memref<128x256xf32, #tpu.memory_space<hbm>>
      %dma_start3A_228 = arith.constant 0 : i32
      %dma_start3A_229 = arith.constant 0 : i32
      %dma_start3A_230 = tpu.memref_slice %run_scoped3A[%dma_start3A_219, %dma_start3A_228, %dma_start3A_229] : memref<2x128x256xf32, #tpu.memory_space<vmem>> -> memref<1x128x256xf32, #tpu.memory_space<vmem>>
      %dma_start3A_231 = tpu.memref_squeeze %dma_start3A_230 : memref<1x128x256xf32, #tpu.memory_space<vmem>> -> memref<128x256xf32, #tpu.memory_space<vmem>>
      tpu.enqueue_dma source(%dma_start3A_231 : memref<128x256xf32, #tpu.memory_space<vmem>>) target(%dma_start3A_227 : memref<128x256xf32, #tpu.memory_space<hbm>>) target_semaphore(%arg13 : memref<!tpu.dma_semaphore, #tpu.memory_space<semaphore_mem>>)
      %add3A_232 = arith.constant 384 : i32
      %add3A_233 = arith.addi %multiple_of3A, %add3A_232 : i32
      %multiple_of3A_234 = tpu.assume_multiple %add3A_233, 128 : i32
      %dma_wait3A_235 = arith.constant 1 : i32
      %dma_wait3A_236 = arith.constant 0 : i32
      %dma_wait3A_237 = arith.constant 0 : i32
      %dma_wait3A_238 = tpu.memref_slice %run_scoped3A[%dma_wait3A_235, %dma_wait3A_236, %dma_wait3A_237] : memref<2x128x256xf32, #tpu.memory_space<vmem>> -> memref<1x128x256xf32, #tpu.memory_space<vmem>>
      %dma_wait3A_239 = tpu.memref_squeeze %dma_wait3A_238 : memref<1x128x256xf32, #tpu.memory_space<vmem>> -> memref<128x256xf32, #tpu.memory_space<vmem>>
      %dma_wait3A_240 = arith.constant 0 : i32
      %dma_wait3A_241 = tpu.memref_slice %arg7[%multiple_of3A_234, %dma_wait3A_240] : memref<32768x256xf32, #tpu.memory_space<hbm>> -> memref<128x256xf32, #tpu.memory_space<hbm>>
      %dma_wait3A_242 = arith.constant 0 : i32
      %dma_wait3A_243 = tpu.memref_slice %arg7[%multiple_of3A_234, %dma_wait3A_242] : memref<32768x256xf32, #tpu.memory_space<hbm>> -> memref<128x256xf32, #tpu.memory_space<hbm>>
      %dma_wait3A_244 = arith.constant 0 : i32
      %dma_wait3A_245 = arith.constant 0 : i32
      %dma_wait3A_246 = tpu.memref_slice %run_scoped3A[%dma_wait3A_235, %dma_wait3A_244, %dma_wait3A_245] : memref<2x128x256xf32, #tpu.memory_space<vmem>> -> memref<1x128x256xf32, #tpu.memory_space<vmem>>
      %dma_wait3A_247 = tpu.memref_squeeze %dma_wait3A_246 : memref<1x128x256xf32, #tpu.memory_space<vmem>> -> memref<128x256xf32, #tpu.memory_space<vmem>>
      tpu.wait_dma2 semaphore(%arg13 : memref<!tpu.dma_semaphore, #tpu.memory_space<semaphore_mem>>) src(%dma_wait3A_247 : memref<128x256xf32, #tpu.memory_space<vmem>>) dst(%dma_wait3A_243 : memref<128x256xf32, #tpu.memory_space<hbm>>)
      %dma_start3A_248 = arith.constant 1 : i32
      %dma_start3A_249 = arith.constant 0 : i32
      %dma_start3A_250 = arith.constant 0 : i32
      %dma_start3A_251 = tpu.memref_slice %run_scoped3A[%dma_start3A_248, %dma_start3A_249, %dma_start3A_250] : memref<2x128x256xf32, #tpu.memory_space<vmem>> -> memref<1x128x256xf32, #tpu.memory_space<vmem>>
      %dma_start3A_252 = tpu.memref_squeeze %dma_start3A_251 : memref<1x128x256xf32, #tpu.memory_space<vmem>> -> memref<128x256xf32, #tpu.memory_space<vmem>>
      %dma_start3A_253 = arith.constant 640 : i32
      %dma_start3A_254 = tpu.memref_slice %arg10[%dma_start3A_253] : memref<1024xi32, #tpu.memory_space<vmem>> -> memref<128xi32, #tpu.memory_space<vmem>>
      %dma_start3A_255 = arith.constant 0 : i32
      %dma_start3A_256 = arith.constant 0 : i32
      %dma_start3A_257 = tpu.memref_slice %arg2[%dma_start3A_255, %dma_start3A_256] : memref<1000x256xf32, #tpu.memory_space<hbm>> -> memref<1000x256xf32, #tpu.memory_space<hbm>>
      tpu.enqueue_indirect_dma source(%dma_start3A_257 : memref<1000x256xf32, #tpu.memory_space<hbm>>) target(%dma_start3A_252 : memref<128x256xf32, #tpu.memory_space<vmem>>) offsets(%dma_start3A_254 : memref<128xi32, #tpu.memory_space<vmem>>) semaphore(%arg12 : memref<!tpu.dma_semaphore, #tpu.memory_space<semaphore_mem>>)
      %dma_wait3A_258 = arith.constant 1 : i32
      %dma_wait3A_259 = arith.constant 0 : i32
      %dma_wait3A_260 = arith.constant 0 : i32
      %dma_wait3A_261 = tpu.memref_slice %run_scoped3A[%dma_wait3A_258, %dma_wait3A_259, %dma_wait3A_260] : memref<2x128x256xf32, #tpu.memory_space<vmem>> -> memref<1x128x256xf32, #tpu.memory_space<vmem>>
      %dma_wait3A_262 = tpu.memref_squeeze %dma_wait3A_261 : memref<1x128x256xf32, #tpu.memory_space<vmem>> -> memref<128x256xf32, #tpu.memory_space<vmem>>
      %dma_wait3A_263 = arith.constant 640 : i32
      %dma_wait3A_264 = tpu.memref_slice %arg10[%dma_wait3A_263] : memref<1024xi32, #tpu.memory_space<vmem>> -> memref<128xi32, #tpu.memory_space<vmem>>
      %dma_wait3A_265 = arith.constant 0 : i32
      %dma_wait3A_266 = arith.constant 0 : i32
      %dma_wait3A_267 = tpu.memref_slice %arg2[%dma_wait3A_265, %dma_wait3A_266] : memref<1000x256xf32, #tpu.memory_space<hbm>> -> memref<1000x256xf32, #tpu.memory_space<hbm>>
      tpu.wait_indirect_dma semaphore(%arg12 : memref<!tpu.dma_semaphore, #tpu.memory_space<semaphore_mem>>) src(%dma_wait3A_267 : memref<1000x256xf32, #tpu.memory_space<hbm>>) dst(%dma_wait3A_262 : memref<128x256xf32, #tpu.memory_space<vmem>>)
      %add3A_268 = arith.constant 640 : i32
      %add3A_269 = arith.addi %multiple_of3A, %add3A_268 : i32
      %multiple_of3A_270 = tpu.assume_multiple %add3A_269, 128 : i32
      %dma_start3A_271 = arith.constant 1 : i32
      %dma_start3A_272 = arith.constant 0 : i32
      %dma_start3A_273 = arith.constant 0 : i32
      %dma_start3A_274 = tpu.memref_slice %run_scoped3A[%dma_start3A_271, %dma_start3A_272, %dma_start3A_273] : memref<2x128x256xf32, #tpu.memory_space<vmem>> -> memref<1x128x256xf32, #tpu.memory_space<vmem>>
      %dma_start3A_275 = tpu.memref_squeeze %dma_start3A_274 : memref<1x128x256xf32, #tpu.memory_space<vmem>> -> memref<128x256xf32, #tpu.memory_space<vmem>>
      %dma_start3A_276 = arith.constant 0 : i32
      %dma_start3A_277 = tpu.memref_slice %arg7[%multiple_of3A_270, %dma_start3A_276] : memref<32768x256xf32, #tpu.memory_space<hbm>> -> memref<128x256xf32, #tpu.memory_space<hbm>>
      %dma_start3A_278 = arith.constant 0 : i32
      %dma_start3A_279 = tpu.memref_slice %arg7[%multiple_of3A_270, %dma_start3A_278] : memref<32768x256xf32, #tpu.memory_space<hbm>> -> memref<128x256xf32, #tpu.memory_space<hbm>>
      %dma_start3A_280 = arith.constant 0 : i32
      %dma_start3A_281 = arith.constant 0 : i32
      %dma_start3A_282 = tpu.memref_slice %run_scoped3A[%dma_start3A_271, %dma_start3A_280, %dma_start3A_281] : memref<2x128x256xf32, #tpu.memory_space<vmem>> -> memref<1x128x256xf32, #tpu.memory_space<vmem>>
      %dma_start3A_283 = tpu.memref_squeeze %dma_start3A_282 : memref<1x128x256xf32, #tpu.memory_space<vmem>> -> memref<128x256xf32, #tpu.memory_space<vmem>>
      tpu.enqueue_dma source(%dma_start3A_283 : memref<128x256xf32, #tpu.memory_space<vmem>>) target(%dma_start3A_279 : memref<128x256xf32, #tpu.memory_space<hbm>>) target_semaphore(%arg13 : memref<!tpu.dma_semaphore, #tpu.memory_space<semaphore_mem>>)
      %add3A_284 = arith.constant 512 : i32
      %add3A_285 = arith.addi %multiple_of3A, %add3A_284 : i32
      %multiple_of3A_286 = tpu.assume_multiple %add3A_285, 128 : i32
      %dma_wait3A_287 = arith.constant 0 : i32
      %dma_wait3A_288 = arith.constant 0 : i32
      %dma_wait3A_289 = arith.constant 0 : i32
      %dma_wait3A_290 = tpu.memref_slice %run_scoped3A[%dma_wait3A_287, %dma_wait3A_288, %dma_wait3A_289] : memref<2x128x256xf32, #tpu.memory_space<vmem>> -> memref<1x128x256xf32, #tpu.memory_space<vmem>>
      %dma_wait3A_291 = tpu.memref_squeeze %dma_wait3A_290 : memref<1x128x256xf32, #tpu.memory_space<vmem>> -> memref<128x256xf32, #tpu.memory_space<vmem>>
      %dma_wait3A_292 = arith.constant 0 : i32
      %dma_wait3A_293 = tpu.memref_slice %arg7[%multiple_of3A_286, %dma_wait3A_292] : memref<32768x256xf32, #tpu.memory_space<hbm>> -> memref<128x256xf32, #tpu.memory_space<hbm>>
      %dma_wait3A_294 = arith.constant 0 : i32
      %dma_wait3A_295 = tpu.memref_slice %arg7[%multiple_of3A_286, %dma_wait3A_294] : memref<32768x256xf32, #tpu.memory_space<hbm>> -> memref<128x256xf32, #tpu.memory_space<hbm>>
      %dma_wait3A_296 = arith.constant 0 : i32
      %dma_wait3A_297 = arith.constant 0 : i32
      %dma_wait3A_298 = tpu.memref_slice %run_scoped3A[%dma_wait3A_287, %dma_wait3A_296, %dma_wait3A_297] : memref<2x128x256xf32, #tpu.memory_space<vmem>> -> memref<1x128x256xf32, #tpu.memory_space<vmem>>
      %dma_wait3A_299 = tpu.memref_squeeze %dma_wait3A_298 : memref<1x128x256xf32, #tpu.memory_space<vmem>> -> memref<128x256xf32, #tpu.memory_space<vmem>>
      tpu.wait_dma2 semaphore(%arg13 : memref<!tpu.dma_semaphore, #tpu.memory_space<semaphore_mem>>) src(%dma_wait3A_299 : memref<128x256xf32, #tpu.memory_space<vmem>>) dst(%dma_wait3A_295 : memref<128x256xf32, #tpu.memory_space<hbm>>)
      %dma_start3A_300 = arith.constant 0 : i32
      %dma_start3A_301 = arith.constant 0 : i32
      %dma_start3A_302 = arith.constant 0 : i32
      %dma_start3A_303 = tpu.memref_slice %run_scoped3A[%dma_start3A_300, %dma_start3A_301, %dma_start3A_302] : memref<2x128x256xf32, #tpu.memory_space<vmem>> -> memref<1x128x256xf32, #tpu.memory_space<vmem>>
      %dma_start3A_304 = tpu.memref_squeeze %dma_start3A_303 : memref<1x128x256xf32, #tpu.memory_space<vmem>> -> memref<128x256xf32, #tpu.memory_space<vmem>>
      %dma_start3A_305 = arith.constant 768 : i32
      %dma_start3A_306 = tpu.memref_slice %arg10[%dma_start3A_305] : memref<1024xi32, #tpu.memory_space<vmem>> -> memref<128xi32, #tpu.memory_space<vmem>>
      %dma_start3A_307 = arith.constant 0 : i32
      %dma_start3A_308 = arith.constant 0 : i32
      %dma_start3A_309 = tpu.memref_slice %arg2[%dma_start3A_307, %dma_start3A_308] : memref<1000x256xf32, #tpu.memory_space<hbm>> -> memref<1000x256xf32, #tpu.memory_space<hbm>>
      tpu.enqueue_indirect_dma source(%dma_start3A_309 : memref<1000x256xf32, #tpu.memory_space<hbm>>) target(%dma_start3A_304 : memref<128x256xf32, #tpu.memory_space<vmem>>) offsets(%dma_start3A_306 : memref<128xi32, #tpu.memory_space<vmem>>) semaphore(%arg12 : memref<!tpu.dma_semaphore, #tpu.memory_space<semaphore_mem>>)
      %dma_wait3A_310 = arith.constant 0 : i32
      %dma_wait3A_311 = arith.constant 0 : i32
      %dma_wait3A_312 = arith.constant 0 : i32
      %dma_wait3A_313 = tpu.memref_slice %run_scoped3A[%dma_wait3A_310, %dma_wait3A_311, %dma_wait3A_312] : memref<2x128x256xf32, #tpu.memory_space<vmem>> -> memref<1x128x256xf32, #tpu.memory_space<vmem>>
      %dma_wait3A_314 = tpu.memref_squeeze %dma_wait3A_313 : memref<1x128x256xf32, #tpu.memory_space<vmem>> -> memref<128x256xf32, #tpu.memory_space<vmem>>
      %dma_wait3A_315 = arith.constant 768 : i32
      %dma_wait3A_316 = tpu.memref_slice %arg10[%dma_wait3A_315] : memref<1024xi32, #tpu.memory_space<vmem>> -> memref<128xi32, #tpu.memory_space<vmem>>
      %dma_wait3A_317 = arith.constant 0 : i32
      %dma_wait3A_318 = arith.constant 0 : i32
      %dma_wait3A_319 = tpu.memref_slice %arg2[%dma_wait3A_317, %dma_wait3A_318] : memref<1000x256xf32, #tpu.memory_space<hbm>> -> memref<1000x256xf32, #tpu.memory_space<hbm>>
      tpu.wait_indirect_dma semaphore(%arg12 : memref<!tpu.dma_semaphore, #tpu.memory_space<semaphore_mem>>) src(%dma_wait3A_319 : memref<1000x256xf32, #tpu.memory_space<hbm>>) dst(%dma_wait3A_314 : memref<128x256xf32, #tpu.memory_space<vmem>>)
      %add3A_320 = arith.constant 768 : i32
      %add3A_321 = arith.addi %multiple_of3A, %add3A_320 : i32
      %multiple_of3A_322 = tpu.assume_multiple %add3A_321, 128 : i32
      %dma_start3A_323 = arith.constant 0 : i32
      %dma_start3A_324 = arith.constant 0 : i32
      %dma_start3A_325 = arith.constant 0 : i32
      %dma_start3A_326 = tpu.memref_slice %run_scoped3A[%dma_start3A_323, %dma_start3A_324, %dma_start3A_325] : memref<2x128x256xf32, #tpu.memory_space<vmem>> -> memref<1x128x256xf32, #tpu.memory_space<vmem>>
      %dma_start3A_327 = tpu.memref_squeeze %dma_start3A_326 : memref<1x128x256xf32, #tpu.memory_space<vmem>> -> memref<128x256xf32, #tpu.memory_space<vmem>>
      %dma_start3A_328 = arith.constant 0 : i32
      %dma_start3A_329 = tpu.memref_slice %arg7[%multiple_of3A_322, %dma_start3A_328] : memref<32768x256xf32, #tpu.memory_space<hbm>> -> memref<128x256xf32, #tpu.memory_space<hbm>>
      %dma_start3A_330 = arith.constant 0 : i32
      %dma_start3A_331 = tpu.memref_slice %arg7[%multiple_of3A_322, %dma_start3A_330] : memref<32768x256xf32, #tpu.memory_space<hbm>> -> memref<128x256xf32, #tpu.memory_space<hbm>>
      %dma_start3A_332 = arith.constant 0 : i32
      %dma_start3A_333 = arith.constant 0 : i32
      %dma_start3A_334 = tpu.memref_slice %run_scoped3A[%dma_start3A_323, %dma_start3A_332, %dma_start3A_333] : memref<2x128x256xf32, #tpu.memory_space<vmem>> -> memref<1x128x256xf32, #tpu.memory_space<vmem>>
      %dma_start3A_335 = tpu.memref_squeeze %dma_start3A_334 : memref<1x128x256xf32, #tpu.memory_space<vmem>> -> memref<128x256xf32, #tpu.memory_space<vmem>>
      tpu.enqueue_dma source(%dma_start3A_335 : memref<128x256xf32, #tpu.memory_space<vmem>>) target(%dma_start3A_331 : memref<128x256xf32, #tpu.memory_space<hbm>>) target_semaphore(%arg13 : memref<!tpu.dma_semaphore, #tpu.memory_space<semaphore_mem>>)
      %add3A_336 = arith.constant 640 : i32
      %add3A_337 = arith.addi %multiple_of3A, %add3A_336 : i32
      %multiple_of3A_338 = tpu.assume_multiple %add3A_337, 128 : i32
      %dma_wait3A_339 = arith.constant 1 : i32
      %dma_wait3A_340 = arith.constant 0 : i32
      %dma_wait3A_341 = arith.constant 0 : i32
      %dma_wait3A_342 = tpu.memref_slice %run_scoped3A[%dma_wait3A_339, %dma_wait3A_340, %dma_wait3A_341] : memref<2x128x256xf32, #tpu.memory_space<vmem>> -> memref<1x128x256xf32, #tpu.memory_space<vmem>>
      %dma_wait3A_343 = tpu.memref_squeeze %dma_wait3A_342 : memref<1x128x256xf32, #tpu.memory_space<vmem>> -> memref<128x256xf32, #tpu.memory_space<vmem>>
      %dma_wait3A_344 = arith.constant 0 : i32
      %dma_wait3A_345 = tpu.memref_slice %arg7[%multiple_of3A_338, %dma_wait3A_344] : memref<32768x256xf32, #tpu.memory_space<hbm>> -> memref<128x256xf32, #tpu.memory_space<hbm>>
      %dma_wait3A_346 = arith.constant 0 : i32
      %dma_wait3A_347 = tpu.memref_slice %arg7[%multiple_of3A_338, %dma_wait3A_346] : memref<32768x256xf32, #tpu.memory_space<hbm>> -> memref<128x256xf32, #tpu.memory_space<hbm>>
      %dma_wait3A_348 = arith.constant 0 : i32
      %dma_wait3A_349 = arith.constant 0 : i32
      %dma_wait3A_350 = tpu.memref_slice %run_scoped3A[%dma_wait3A_339, %dma_wait3A_348, %dma_wait3A_349] : memref<2x128x256xf32, #tpu.memory_space<vmem>> -> memref<1x128x256xf32, #tpu.memory_space<vmem>>
      %dma_wait3A_351 = tpu.memref_squeeze %dma_wait3A_350 : memref<1x128x256xf32, #tpu.memory_space<vmem>> -> memref<128x256xf32, #tpu.memory_space<vmem>>
      tpu.wait_dma2 semaphore(%arg13 : memref<!tpu.dma_semaphore, #tpu.memory_space<semaphore_mem>>) src(%dma_wait3A_351 : memref<128x256xf32, #tpu.memory_space<vmem>>) dst(%dma_wait3A_347 : memref<128x256xf32, #tpu.memory_space<hbm>>)
      %dma_start3A_352 = arith.constant 1 : i32
      %dma_start3A_353 = arith.constant 0 : i32
      %dma_start3A_354 = arith.constant 0 : i32
      %dma_start3A_355 = tpu.memref_slice %run_scoped3A[%dma_start3A_352, %dma_start3A_353, %dma_start3A_354] : memref<2x128x256xf32, #tpu.memory_space<vmem>> -> memref<1x128x256xf32, #tpu.memory_space<vmem>>
      %dma_start3A_356 = tpu.memref_squeeze %dma_start3A_355 : memref<1x128x256xf32, #tpu.memory_space<vmem>> -> memref<128x256xf32, #tpu.memory_space<vmem>>
      %dma_start3A_357 = arith.constant 896 : i32
      %dma_start3A_358 = tpu.memref_slice %arg10[%dma_start3A_357] : memref<1024xi32, #tpu.memory_space<vmem>> -> memref<128xi32, #tpu.memory_space<vmem>>
      %dma_start3A_359 = arith.constant 0 : i32
      %dma_start3A_360 = arith.constant 0 : i32
      %dma_start3A_361 = tpu.memref_slice %arg2[%dma_start3A_359, %dma_start3A_360] : memref<1000x256xf32, #tpu.memory_space<hbm>> -> memref<1000x256xf32, #tpu.memory_space<hbm>>
      tpu.enqueue_indirect_dma source(%dma_start3A_361 : memref<1000x256xf32, #tpu.memory_space<hbm>>) target(%dma_start3A_356 : memref<128x256xf32, #tpu.memory_space<vmem>>) offsets(%dma_start3A_358 : memref<128xi32, #tpu.memory_space<vmem>>) semaphore(%arg12 : memref<!tpu.dma_semaphore, #tpu.memory_space<semaphore_mem>>)
      %dma_wait3A_362 = arith.constant 1 : i32
      %dma_wait3A_363 = arith.constant 0 : i32
      %dma_wait3A_364 = arith.constant 0 : i32
      %dma_wait3A_365 = tpu.memref_slice %run_scoped3A[%dma_wait3A_362, %dma_wait3A_363, %dma_wait3A_364] : memref<2x128x256xf32, #tpu.memory_space<vmem>> -> memref<1x128x256xf32, #tpu.memory_space<vmem>>
      %dma_wait3A_366 = tpu.memref_squeeze %dma_wait3A_365 : memref<1x128x256xf32, #tpu.memory_space<vmem>> -> memref<128x256xf32, #tpu.memory_space<vmem>>
      %dma_wait3A_367 = arith.constant 896 : i32
      %dma_wait3A_368 = tpu.memref_slice %arg10[%dma_wait3A_367] : memref<1024xi32, #tpu.memory_space<vmem>> -> memref<128xi32, #tpu.memory_space<vmem>>
      %dma_wait3A_369 = arith.constant 0 : i32
      %dma_wait3A_370 = arith.constant 0 : i32
      %dma_wait3A_371 = tpu.memref_slice %arg2[%dma_wait3A_369, %dma_wait3A_370] : memref<1000x256xf32, #tpu.memory_space<hbm>> -> memref<1000x256xf32, #tpu.memory_space<hbm>>
      tpu.wait_indirect_dma semaphore(%arg12 : memref<!tpu.dma_semaphore, #tpu.memory_space<semaphore_mem>>) src(%dma_wait3A_371 : memref<1000x256xf32, #tpu.memory_space<hbm>>) dst(%dma_wait3A_366 : memref<128x256xf32, #tpu.memory_space<vmem>>)
      %add3A_372 = arith.constant 896 : i32
      %add3A_373 = arith.addi %multiple_of3A, %add3A_372 : i32
      %multiple_of3A_374 = tpu.assume_multiple %add3A_373, 128 : i32
      %dma_start3A_375 = arith.constant 1 : i32
      %dma_start3A_376 = arith.constant 0 : i32
      %dma_start3A_377 = arith.constant 0 : i32
      %dma_start3A_378 = tpu.memref_slice %run_scoped3A[%dma_start3A_375, %dma_start3A_376, %dma_start3A_377] : memref<2x128x256xf32, #tpu.memory_space<vmem>> -> memref<1x128x256xf32, #tpu.memory_space<vmem>>
      %dma_start3A_379 = tpu.memref_squeeze %dma_start3A_378 : memref<1x128x256xf32, #tpu.memory_space<vmem>> -> memref<128x256xf32, #tpu.memory_space<vmem>>
      %dma_start3A_380 = arith.constant 0 : i32
      %dma_start3A_381 = tpu.memref_slice %arg7[%multiple_of3A_374, %dma_start3A_380] : memref<32768x256xf32, #tpu.memory_space<hbm>> -> memref<128x256xf32, #tpu.memory_space<hbm>>
      %dma_start3A_382 = arith.constant 0 : i32
      %dma_start3A_383 = tpu.memref_slice %arg7[%multiple_of3A_374, %dma_start3A_382] : memref<32768x256xf32, #tpu.memory_space<hbm>> -> memref<128x256xf32, #tpu.memory_space<hbm>>
      %dma_start3A_384 = arith.constant 0 : i32
      %dma_start3A_385 = arith.constant 0 : i32
      %dma_start3A_386 = tpu.memref_slice %run_scoped3A[%dma_start3A_375, %dma_start3A_384, %dma_start3A_385] : memref<2x128x256xf32, #tpu.memory_space<vmem>> -> memref<1x128x256xf32, #tpu.memory_space<vmem>>
      %dma_start3A_387 = tpu.memref_squeeze %dma_start3A_386 : memref<1x128x256xf32, #tpu.memory_space<vmem>> -> memref<128x256xf32, #tpu.memory_space<vmem>>
      tpu.enqueue_dma source(%dma_start3A_387 : memref<128x256xf32, #tpu.memory_space<vmem>>) target(%dma_start3A_383 : memref<128x256xf32, #tpu.memory_space<hbm>>) target_semaphore(%arg13 : memref<!tpu.dma_semaphore, #tpu.memory_space<semaphore_mem>>)
      %add3A_388 = arith.constant 768 : i32
      %add3A_389 = arith.addi %multiple_of3A, %add3A_388 : i32
      %multiple_of3A_390 = tpu.assume_multiple %add3A_389, 128 : i32
      %dma_wait3A_391 = arith.constant 0 : i32
      %dma_wait3A_392 = arith.constant 0 : i32
      %dma_wait3A_393 = arith.constant 0 : i32
      %dma_wait3A_394 = tpu.memref_slice %run_scoped3A[%dma_wait3A_391, %dma_wait3A_392, %dma_wait3A_393] : memref<2x128x256xf32, #tpu.memory_space<vmem>> -> memref<1x128x256xf32, #tpu.memory_space<vmem>>
      %dma_wait3A_395 = tpu.memref_squeeze %dma_wait3A_394 : memref<1x128x256xf32, #tpu.memory_space<vmem>> -> memref<128x256xf32, #tpu.memory_space<vmem>>
      %dma_wait3A_396 = arith.constant 0 : i32
      %dma_wait3A_397 = tpu.memref_slice %arg7[%multiple_of3A_390, %dma_wait3A_396] : memref<32768x256xf32, #tpu.memory_space<hbm>> -> memref<128x256xf32, #tpu.memory_space<hbm>>
      %dma_wait3A_398 = arith.constant 0 : i32
      %dma_wait3A_399 = tpu.memref_slice %arg7[%multiple_of3A_390, %dma_wait3A_398] : memref<32768x256xf32, #tpu.memory_space<hbm>> -> memref<128x256xf32, #tpu.memory_space<hbm>>
      %dma_wait3A_400 = arith.constant 0 : i32
      %dma_wait3A_401 = arith.constant 0 : i32
      %dma_wait3A_402 = tpu.memref_slice %run_scoped3A[%dma_wait3A_391, %dma_wait3A_400, %dma_wait3A_401] : memref<2x128x256xf32, #tpu.memory_space<vmem>> -> memref<1x128x256xf32, #tpu.memory_space<vmem>>
      %dma_wait3A_403 = tpu.memref_squeeze %dma_wait3A_402 : memref<1x128x256xf32, #tpu.memory_space<vmem>> -> memref<128x256xf32, #tpu.memory_space<vmem>>
      tpu.wait_dma2 semaphore(%arg13 : memref<!tpu.dma_semaphore, #tpu.memory_space<semaphore_mem>>) src(%dma_wait3A_403 : memref<128x256xf32, #tpu.memory_space<vmem>>) dst(%dma_wait3A_399 : memref<128x256xf32, #tpu.memory_space<hbm>>)
      %add3A_404 = arith.constant 896 : i32
      %add3A_405 = arith.addi %multiple_of3A, %add3A_404 : i32
      %multiple_of3A_406 = tpu.assume_multiple %add3A_405, 128 : i32
      %dma_wait3A_407 = arith.constant 1 : i32
      %dma_wait3A_408 = arith.constant 0 : i32
      %dma_wait3A_409 = arith.constant 0 : i32
      %dma_wait3A_410 = tpu.memref_slice %run_scoped3A[%dma_wait3A_407, %dma_wait3A_408, %dma_wait3A_409] : memref<2x128x256xf32, #tpu.memory_space<vmem>> -> memref<1x128x256xf32, #tpu.memory_space<vmem>>
      %dma_wait3A_411 = tpu.memref_squeeze %dma_wait3A_410 : memref<1x128x256xf32, #tpu.memory_space<vmem>> -> memref<128x256xf32, #tpu.memory_space<vmem>>
      %dma_wait3A_412 = arith.constant 0 : i32
      %dma_wait3A_413 = tpu.memref_slice %arg7[%multiple_of3A_406, %dma_wait3A_412] : memref<32768x256xf32, #tpu.memory_space<hbm>> -> memref<128x256xf32, #tpu.memory_space<hbm>>
      %dma_wait3A_414 = arith.constant 0 : i32
      %dma_wait3A_415 = tpu.memref_slice %arg7[%multiple_of3A_406, %dma_wait3A_414] : memref<32768x256xf32, #tpu.memory_space<hbm>> -> memref<128x256xf32, #tpu.memory_space<hbm>>
      %dma_wait3A_416 = arith.constant 0 : i32
      %dma_wait3A_417 = arith.constant 0 : i32
      %dma_wait3A_418 = tpu.memref_slice %run_scoped3A[%dma_wait3A_407, %dma_wait3A_416, %dma_wait3A_417] : memref<2x128x256xf32, #tpu.memory_space<vmem>> -> memref<1x128x256xf32, #tpu.memory_space<vmem>>
      %dma_wait3A_419 = tpu.memref_squeeze %dma_wait3A_418 : memref<1x128x256xf32, #tpu.memory_space<vmem>> -> memref<128x256xf32, #tpu.memory_space<vmem>>
      tpu.wait_dma2 semaphore(%arg13 : memref<!tpu.dma_semaphore, #tpu.memory_space<semaphore_mem>>) src(%dma_wait3A_419 : memref<128x256xf32, #tpu.memory_space<vmem>>) dst(%dma_wait3A_415 : memref<128x256xf32, #tpu.memory_space<hbm>>)
      tpu.yield
    }) : () -> ()
    "tpu.region"() ({
      %run_scoped3A = memref.alloca() : memref<2x128x384xf32, #tpu.memory_space<vmem>>
      %dma_start3A = arith.constant 0 : i32
      %dma_start3A_6 = arith.constant 0 : i32
      %dma_start3A_7 = arith.constant 0 : i32
      %dma_start3A_8 = tpu.memref_slice %run_scoped3A[%dma_start3A, %dma_start3A_6, %dma_start3A_7] : memref<2x128x384xf32, #tpu.memory_space<vmem>> -> memref<1x128x384xf32, #tpu.memory_space<vmem>>
      %dma_start3A_9 = tpu.memref_squeeze %dma_start3A_8 : memref<1x128x384xf32, #tpu.memory_space<vmem>> -> memref<128x384xf32, #tpu.memory_space<vmem>>
      %dma_start3A_10 = arith.constant 0 : i32
      %dma_start3A_11 = tpu.memref_slice %arg11[%dma_start3A_10] : memref<512xi32, #tpu.memory_space<vmem>> -> memref<128xi32, #tpu.memory_space<vmem>>
      %dma_start3A_12 = arith.constant 0 : i32
      %dma_start3A_13 = arith.constant 0 : i32
      %dma_start3A_14 = tpu.memref_slice %arg3[%dma_start3A_12, %dma_start3A_13] : memref<1000x384xf32, #tpu.memory_space<hbm>> -> memref<1000x384xf32, #tpu.memory_space<hbm>>
      tpu.enqueue_indirect_dma source(%dma_start3A_14 : memref<1000x384xf32, #tpu.memory_space<hbm>>) target(%dma_start3A_9 : memref<128x384xf32, #tpu.memory_space<vmem>>) offsets(%dma_start3A_11 : memref<128xi32, #tpu.memory_space<vmem>>) semaphore(%arg12 : memref<!tpu.dma_semaphore, #tpu.memory_space<semaphore_mem>>)
      %dma_wait3A = arith.constant 0 : i32
      %dma_wait3A_15 = arith.constant 0 : i32
      %dma_wait3A_16 = arith.constant 0 : i32
      %dma_wait3A_17 = tpu.memref_slice %run_scoped3A[%dma_wait3A, %dma_wait3A_15, %dma_wait3A_16] : memref<2x128x384xf32, #tpu.memory_space<vmem>> -> memref<1x128x384xf32, #tpu.memory_space<vmem>>
      %dma_wait3A_18 = tpu.memref_squeeze %dma_wait3A_17 : memref<1x128x384xf32, #tpu.memory_space<vmem>> -> memref<128x384xf32, #tpu.memory_space<vmem>>
      %dma_wait3A_19 = arith.constant 0 : i32
      %dma_wait3A_20 = tpu.memref_slice %arg11[%dma_wait3A_19] : memref<512xi32, #tpu.memory_space<vmem>> -> memref<128xi32, #tpu.memory_space<vmem>>
      %dma_wait3A_21 = arith.constant 0 : i32
      %dma_wait3A_22 = arith.constant 0 : i32
      %dma_wait3A_23 = tpu.memref_slice %arg3[%dma_wait3A_21, %dma_wait3A_22] : memref<1000x384xf32, #tpu.memory_space<hbm>> -> memref<1000x384xf32, #tpu.memory_space<hbm>>
      tpu.wait_indirect_dma semaphore(%arg12 : memref<!tpu.dma_semaphore, #tpu.memory_space<semaphore_mem>>) src(%dma_wait3A_23 : memref<1000x384xf32, #tpu.memory_space<hbm>>) dst(%dma_wait3A_18 : memref<128x384xf32, #tpu.memory_space<vmem>>)
      %add3A_24 = arith.constant 0 : i32
      %add3A_25 = arith.addi %multiple_of3A_5, %add3A_24 : i32
      %multiple_of3A_26 = tpu.assume_multiple %add3A_25, 128 : i32
      %dma_start3A_27 = arith.constant 0 : i32
      %dma_start3A_28 = arith.constant 0 : i32
      %dma_start3A_29 = arith.constant 0 : i32
      %dma_start3A_30 = tpu.memref_slice %run_scoped3A[%dma_start3A_27, %dma_start3A_28, %dma_start3A_29] : memref<2x128x384xf32, #tpu.memory_space<vmem>> -> memref<1x128x384xf32, #tpu.memory_space<vmem>>
      %dma_start3A_31 = tpu.memref_squeeze %dma_start3A_30 : memref<1x128x384xf32, #tpu.memory_space<vmem>> -> memref<128x384xf32, #tpu.memory_space<vmem>>
      %dma_start3A_32 = arith.constant 0 : i32
      %dma_start3A_33 = tpu.memref_slice %arg8[%multiple_of3A_26, %dma_start3A_32] : memref<16384x384xf32, #tpu.memory_space<hbm>> -> memref<128x384xf32, #tpu.memory_space<hbm>>
      %dma_start3A_34 = arith.constant 0 : i32
      %dma_start3A_35 = tpu.memref_slice %arg8[%multiple_of3A_26, %dma_start3A_34] : memref<16384x384xf32, #tpu.memory_space<hbm>> -> memref<128x384xf32, #tpu.memory_space<hbm>>
      %dma_start3A_36 = arith.constant 0 : i32
      %dma_start3A_37 = arith.constant 0 : i32
      %dma_start3A_38 = tpu.memref_slice %run_scoped3A[%dma_start3A_27, %dma_start3A_36, %dma_start3A_37] : memref<2x128x384xf32, #tpu.memory_space<vmem>> -> memref<1x128x384xf32, #tpu.memory_space<vmem>>
      %dma_start3A_39 = tpu.memref_squeeze %dma_start3A_38 : memref<1x128x384xf32, #tpu.memory_space<vmem>> -> memref<128x384xf32, #tpu.memory_space<vmem>>
      tpu.enqueue_dma source(%dma_start3A_39 : memref<128x384xf32, #tpu.memory_space<vmem>>) target(%dma_start3A_35 : memref<128x384xf32, #tpu.memory_space<hbm>>) target_semaphore(%arg13 : memref<!tpu.dma_semaphore, #tpu.memory_space<semaphore_mem>>)
      %dma_start3A_40 = arith.constant 1 : i32
      %dma_start3A_41 = arith.constant 0 : i32
      %dma_start3A_42 = arith.constant 0 : i32
      %dma_start3A_43 = tpu.memref_slice %run_scoped3A[%dma_start3A_40, %dma_start3A_41, %dma_start3A_42] : memref<2x128x384xf32, #tpu.memory_space<vmem>> -> memref<1x128x384xf32, #tpu.memory_space<vmem>>
      %dma_start3A_44 = tpu.memref_squeeze %dma_start3A_43 : memref<1x128x384xf32, #tpu.memory_space<vmem>> -> memref<128x384xf32, #tpu.memory_space<vmem>>
      %dma_start3A_45 = arith.constant 128 : i32
      %dma_start3A_46 = tpu.memref_slice %arg11[%dma_start3A_45] : memref<512xi32, #tpu.memory_space<vmem>> -> memref<128xi32, #tpu.memory_space<vmem>>
      %dma_start3A_47 = arith.constant 0 : i32
      %dma_start3A_48 = arith.constant 0 : i32
      %dma_start3A_49 = tpu.memref_slice %arg3[%dma_start3A_47, %dma_start3A_48] : memref<1000x384xf32, #tpu.memory_space<hbm>> -> memref<1000x384xf32, #tpu.memory_space<hbm>>
      tpu.enqueue_indirect_dma source(%dma_start3A_49 : memref<1000x384xf32, #tpu.memory_space<hbm>>) target(%dma_start3A_44 : memref<128x384xf32, #tpu.memory_space<vmem>>) offsets(%dma_start3A_46 : memref<128xi32, #tpu.memory_space<vmem>>) semaphore(%arg12 : memref<!tpu.dma_semaphore, #tpu.memory_space<semaphore_mem>>)
      %dma_wait3A_50 = arith.constant 1 : i32
      %dma_wait3A_51 = arith.constant 0 : i32
      %dma_wait3A_52 = arith.constant 0 : i32
      %dma_wait3A_53 = tpu.memref_slice %run_scoped3A[%dma_wait3A_50, %dma_wait3A_51, %dma_wait3A_52] : memref<2x128x384xf32, #tpu.memory_space<vmem>> -> memref<1x128x384xf32, #tpu.memory_space<vmem>>
      %dma_wait3A_54 = tpu.memref_squeeze %dma_wait3A_53 : memref<1x128x384xf32, #tpu.memory_space<vmem>> -> memref<128x384xf32, #tpu.memory_space<vmem>>
      %dma_wait3A_55 = arith.constant 128 : i32
      %dma_wait3A_56 = tpu.memref_slice %arg11[%dma_wait3A_55] : memref<512xi32, #tpu.memory_space<vmem>> -> memref<128xi32, #tpu.memory_space<vmem>>
      %dma_wait3A_57 = arith.constant 0 : i32
      %dma_wait3A_58 = arith.constant 0 : i32
      %dma_wait3A_59 = tpu.memref_slice %arg3[%dma_wait3A_57, %dma_wait3A_58] : memref<1000x384xf32, #tpu.memory_space<hbm>> -> memref<1000x384xf32, #tpu.memory_space<hbm>>
      tpu.wait_indirect_dma semaphore(%arg12 : memref<!tpu.dma_semaphore, #tpu.memory_space<semaphore_mem>>) src(%dma_wait3A_59 : memref<1000x384xf32, #tpu.memory_space<hbm>>) dst(%dma_wait3A_54 : memref<128x384xf32, #tpu.memory_space<vmem>>)
      %add3A_60 = arith.constant 128 : i32
      %add3A_61 = arith.addi %multiple_of3A_5, %add3A_60 : i32
      %multiple_of3A_62 = tpu.assume_multiple %add3A_61, 128 : i32
      %dma_start3A_63 = arith.constant 1 : i32
      %dma_start3A_64 = arith.constant 0 : i32
      %dma_start3A_65 = arith.constant 0 : i32
      %dma_start3A_66 = tpu.memref_slice %run_scoped3A[%dma_start3A_63, %dma_start3A_64, %dma_start3A_65] : memref<2x128x384xf32, #tpu.memory_space<vmem>> -> memref<1x128x384xf32, #tpu.memory_space<vmem>>
      %dma_start3A_67 = tpu.memref_squeeze %dma_start3A_66 : memref<1x128x384xf32, #tpu.memory_space<vmem>> -> memref<128x384xf32, #tpu.memory_space<vmem>>
      %dma_start3A_68 = arith.constant 0 : i32
      %dma_start3A_69 = tpu.memref_slice %arg8[%multiple_of3A_62, %dma_start3A_68] : memref<16384x384xf32, #tpu.memory_space<hbm>> -> memref<128x384xf32, #tpu.memory_space<hbm>>
      %dma_start3A_70 = arith.constant 0 : i32
      %dma_start3A_71 = tpu.memref_slice %arg8[%multiple_of3A_62, %dma_start3A_70] : memref<16384x384xf32, #tpu.memory_space<hbm>> -> memref<128x384xf32, #tpu.memory_space<hbm>>
      %dma_start3A_72 = arith.constant 0 : i32
      %dma_start3A_73 = arith.constant 0 : i32
      %dma_start3A_74 = tpu.memref_slice %run_scoped3A[%dma_start3A_63, %dma_start3A_72, %dma_start3A_73] : memref<2x128x384xf32, #tpu.memory_space<vmem>> -> memref<1x128x384xf32, #tpu.memory_space<vmem>>
      %dma_start3A_75 = tpu.memref_squeeze %dma_start3A_74 : memref<1x128x384xf32, #tpu.memory_space<vmem>> -> memref<128x384xf32, #tpu.memory_space<vmem>>
      tpu.enqueue_dma source(%dma_start3A_75 : memref<128x384xf32, #tpu.memory_space<vmem>>) target(%dma_start3A_71 : memref<128x384xf32, #tpu.memory_space<hbm>>) target_semaphore(%arg13 : memref<!tpu.dma_semaphore, #tpu.memory_space<semaphore_mem>>)
      %add3A_76 = arith.constant 0 : i32
      %add3A_77 = arith.addi %multiple_of3A_5, %add3A_76 : i32
      %multiple_of3A_78 = tpu.assume_multiple %add3A_77, 128 : i32
      %dma_wait3A_79 = arith.constant 0 : i32
      %dma_wait3A_80 = arith.constant 0 : i32
      %dma_wait3A_81 = arith.constant 0 : i32
      %dma_wait3A_82 = tpu.memref_slice %run_scoped3A[%dma_wait3A_79, %dma_wait3A_80, %dma_wait3A_81] : memref<2x128x384xf32, #tpu.memory_space<vmem>> -> memref<1x128x384xf32, #tpu.memory_space<vmem>>
      %dma_wait3A_83 = tpu.memref_squeeze %dma_wait3A_82 : memref<1x128x384xf32, #tpu.memory_space<vmem>> -> memref<128x384xf32, #tpu.memory_space<vmem>>
      %dma_wait3A_84 = arith.constant 0 : i32
      %dma_wait3A_85 = tpu.memref_slice %arg8[%multiple_of3A_78, %dma_wait3A_84] : memref<16384x384xf32, #tpu.memory_space<hbm>> -> memref<128x384xf32, #tpu.memory_space<hbm>>
      %dma_wait3A_86 = arith.constant 0 : i32
      %dma_wait3A_87 = tpu.memref_slice %arg8[%multiple_of3A_78, %dma_wait3A_86] : memref<16384x384xf32, #tpu.memory_space<hbm>> -> memref<128x384xf32, #tpu.memory_space<hbm>>
      %dma_wait3A_88 = arith.constant 0 : i32
      %dma_wait3A_89 = arith.constant 0 : i32
      %dma_wait3A_90 = tpu.memref_slice %run_scoped3A[%dma_wait3A_79, %dma_wait3A_88, %dma_wait3A_89] : memref<2x128x384xf32, #tpu.memory_space<vmem>> -> memref<1x128x384xf32, #tpu.memory_space<vmem>>
      %dma_wait3A_91 = tpu.memref_squeeze %dma_wait3A_90 : memref<1x128x384xf32, #tpu.memory_space<vmem>> -> memref<128x384xf32, #tpu.memory_space<vmem>>
      tpu.wait_dma2 semaphore(%arg13 : memref<!tpu.dma_semaphore, #tpu.memory_space<semaphore_mem>>) src(%dma_wait3A_91 : memref<128x384xf32, #tpu.memory_space<vmem>>) dst(%dma_wait3A_87 : memref<128x384xf32, #tpu.memory_space<hbm>>)
      %dma_start3A_92 = arith.constant 0 : i32
      %dma_start3A_93 = arith.constant 0 : i32
      %dma_start3A_94 = arith.constant 0 : i32
      %dma_start3A_95 = tpu.memref_slice %run_scoped3A[%dma_start3A_92, %dma_start3A_93, %dma_start3A_94] : memref<2x128x384xf32, #tpu.memory_space<vmem>> -> memref<1x128x384xf32, #tpu.memory_space<vmem>>
      %dma_start3A_96 = tpu.memref_squeeze %dma_start3A_95 : memref<1x128x384xf32, #tpu.memory_space<vmem>> -> memref<128x384xf32, #tpu.memory_space<vmem>>
      %dma_start3A_97 = arith.constant 256 : i32
      %dma_start3A_98 = tpu.memref_slice %arg11[%dma_start3A_97] : memref<512xi32, #tpu.memory_space<vmem>> -> memref<128xi32, #tpu.memory_space<vmem>>
      %dma_start3A_99 = arith.constant 0 : i32
      %dma_start3A_100 = arith.constant 0 : i32
      %dma_start3A_101 = tpu.memref_slice %arg3[%dma_start3A_99, %dma_start3A_100] : memref<1000x384xf32, #tpu.memory_space<hbm>> -> memref<1000x384xf32, #tpu.memory_space<hbm>>
      tpu.enqueue_indirect_dma source(%dma_start3A_101 : memref<1000x384xf32, #tpu.memory_space<hbm>>) target(%dma_start3A_96 : memref<128x384xf32, #tpu.memory_space<vmem>>) offsets(%dma_start3A_98 : memref<128xi32, #tpu.memory_space<vmem>>) semaphore(%arg12 : memref<!tpu.dma_semaphore, #tpu.memory_space<semaphore_mem>>)
      %dma_wait3A_102 = arith.constant 0 : i32
      %dma_wait3A_103 = arith.constant 0 : i32
      %dma_wait3A_104 = arith.constant 0 : i32
      %dma_wait3A_105 = tpu.memref_slice %run_scoped3A[%dma_wait3A_102, %dma_wait3A_103, %dma_wait3A_104] : memref<2x128x384xf32, #tpu.memory_space<vmem>> -> memref<1x128x384xf32, #tpu.memory_space<vmem>>
      %dma_wait3A_106 = tpu.memref_squeeze %dma_wait3A_105 : memref<1x128x384xf32, #tpu.memory_space<vmem>> -> memref<128x384xf32, #tpu.memory_space<vmem>>
      %dma_wait3A_107 = arith.constant 256 : i32
      %dma_wait3A_108 = tpu.memref_slice %arg11[%dma_wait3A_107] : memref<512xi32, #tpu.memory_space<vmem>> -> memref<128xi32, #tpu.memory_space<vmem>>
      %dma_wait3A_109 = arith.constant 0 : i32
      %dma_wait3A_110 = arith.constant 0 : i32
      %dma_wait3A_111 = tpu.memref_slice %arg3[%dma_wait3A_109, %dma_wait3A_110] : memref<1000x384xf32, #tpu.memory_space<hbm>> -> memref<1000x384xf32, #tpu.memory_space<hbm>>
      tpu.wait_indirect_dma semaphore(%arg12 : memref<!tpu.dma_semaphore, #tpu.memory_space<semaphore_mem>>) src(%dma_wait3A_111 : memref<1000x384xf32, #tpu.memory_space<hbm>>) dst(%dma_wait3A_106 : memref<128x384xf32, #tpu.memory_space<vmem>>)
      %add3A_112 = arith.constant 256 : i32
      %add3A_113 = arith.addi %multiple_of3A_5, %add3A_112 : i32
      %multiple_of3A_114 = tpu.assume_multiple %add3A_113, 128 : i32
      %dma_start3A_115 = arith.constant 0 : i32
      %dma_start3A_116 = arith.constant 0 : i32
      %dma_start3A_117 = arith.constant 0 : i32
      %dma_start3A_118 = tpu.memref_slice %run_scoped3A[%dma_start3A_115, %dma_start3A_116, %dma_start3A_117] : memref<2x128x384xf32, #tpu.memory_space<vmem>> -> memref<1x128x384xf32, #tpu.memory_space<vmem>>
      %dma_start3A_119 = tpu.memref_squeeze %dma_start3A_118 : memref<1x128x384xf32, #tpu.memory_space<vmem>> -> memref<128x384xf32, #tpu.memory_space<vmem>>
      %dma_start3A_120 = arith.constant 0 : i32
      %dma_start3A_121 = tpu.memref_slice %arg8[%multiple_of3A_114, %dma_start3A_120] : memref<16384x384xf32, #tpu.memory_space<hbm>> -> memref<128x384xf32, #tpu.memory_space<hbm>>
      %dma_start3A_122 = arith.constant 0 : i32
      %dma_start3A_123 = tpu.memref_slice %arg8[%multiple_of3A_114, %dma_start3A_122] : memref<16384x384xf32, #tpu.memory_space<hbm>> -> memref<128x384xf32, #tpu.memory_space<hbm>>
      %dma_start3A_124 = arith.constant 0 : i32
      %dma_start3A_125 = arith.constant 0 : i32
      %dma_start3A_126 = tpu.memref_slice %run_scoped3A[%dma_start3A_115, %dma_start3A_124, %dma_start3A_125] : memref<2x128x384xf32, #tpu.memory_space<vmem>> -> memref<1x128x384xf32, #tpu.memory_space<vmem>>
      %dma_start3A_127 = tpu.memref_squeeze %dma_start3A_126 : memref<1x128x384xf32, #tpu.memory_space<vmem>> -> memref<128x384xf32, #tpu.memory_space<vmem>>
      tpu.enqueue_dma source(%dma_start3A_127 : memref<128x384xf32, #tpu.memory_space<vmem>>) target(%dma_start3A_123 : memref<128x384xf32, #tpu.memory_space<hbm>>) target_semaphore(%arg13 : memref<!tpu.dma_semaphore, #tpu.memory_space<semaphore_mem>>)
      %add3A_128 = arith.constant 128 : i32
      %add3A_129 = arith.addi %multiple_of3A_5, %add3A_128 : i32
      %multiple_of3A_130 = tpu.assume_multiple %add3A_129, 128 : i32
      %dma_wait3A_131 = arith.constant 1 : i32
      %dma_wait3A_132 = arith.constant 0 : i32
      %dma_wait3A_133 = arith.constant 0 : i32
      %dma_wait3A_134 = tpu.memref_slice %run_scoped3A[%dma_wait3A_131, %dma_wait3A_132, %dma_wait3A_133] : memref<2x128x384xf32, #tpu.memory_space<vmem>> -> memref<1x128x384xf32, #tpu.memory_space<vmem>>
      %dma_wait3A_135 = tpu.memref_squeeze %dma_wait3A_134 : memref<1x128x384xf32, #tpu.memory_space<vmem>> -> memref<128x384xf32, #tpu.memory_space<vmem>>
      %dma_wait3A_136 = arith.constant 0 : i32
      %dma_wait3A_137 = tpu.memref_slice %arg8[%multiple_of3A_130, %dma_wait3A_136] : memref<16384x384xf32, #tpu.memory_space<hbm>> -> memref<128x384xf32, #tpu.memory_space<hbm>>
      %dma_wait3A_138 = arith.constant 0 : i32
      %dma_wait3A_139 = tpu.memref_slice %arg8[%multiple_of3A_130, %dma_wait3A_138] : memref<16384x384xf32, #tpu.memory_space<hbm>> -> memref<128x384xf32, #tpu.memory_space<hbm>>
      %dma_wait3A_140 = arith.constant 0 : i32
      %dma_wait3A_141 = arith.constant 0 : i32
      %dma_wait3A_142 = tpu.memref_slice %run_scoped3A[%dma_wait3A_131, %dma_wait3A_140, %dma_wait3A_141] : memref<2x128x384xf32, #tpu.memory_space<vmem>> -> memref<1x128x384xf32, #tpu.memory_space<vmem>>
      %dma_wait3A_143 = tpu.memref_squeeze %dma_wait3A_142 : memref<1x128x384xf32, #tpu.memory_space<vmem>> -> memref<128x384xf32, #tpu.memory_space<vmem>>
      tpu.wait_dma2 semaphore(%arg13 : memref<!tpu.dma_semaphore, #tpu.memory_space<semaphore_mem>>) src(%dma_wait3A_143 : memref<128x384xf32, #tpu.memory_space<vmem>>) dst(%dma_wait3A_139 : memref<128x384xf32, #tpu.memory_space<hbm>>)
      %dma_start3A_144 = arith.constant 1 : i32
      %dma_start3A_145 = arith.constant 0 : i32
      %dma_start3A_146 = arith.constant 0 : i32
      %dma_start3A_147 = tpu.memref_slice %run_scoped3A[%dma_start3A_144, %dma_start3A_145, %dma_start3A_146] : memref<2x128x384xf32, #tpu.memory_space<vmem>> -> memref<1x128x384xf32, #tpu.memory_space<vmem>>
      %dma_start3A_148 = tpu.memref_squeeze %dma_start3A_147 : memref<1x128x384xf32, #tpu.memory_space<vmem>> -> memref<128x384xf32, #tpu.memory_space<vmem>>
      %dma_start3A_149 = arith.constant 384 : i32
      %dma_start3A_150 = tpu.memref_slice %arg11[%dma_start3A_149] : memref<512xi32, #tpu.memory_space<vmem>> -> memref<128xi32, #tpu.memory_space<vmem>>
      %dma_start3A_151 = arith.constant 0 : i32
      %dma_start3A_152 = arith.constant 0 : i32
      %dma_start3A_153 = tpu.memref_slice %arg3[%dma_start3A_151, %dma_start3A_152] : memref<1000x384xf32, #tpu.memory_space<hbm>> -> memref<1000x384xf32, #tpu.memory_space<hbm>>
      tpu.enqueue_indirect_dma source(%dma_start3A_153 : memref<1000x384xf32, #tpu.memory_space<hbm>>) target(%dma_start3A_148 : memref<128x384xf32, #tpu.memory_space<vmem>>) offsets(%dma_start3A_150 : memref<128xi32, #tpu.memory_space<vmem>>) semaphore(%arg12 : memref<!tpu.dma_semaphore, #tpu.memory_space<semaphore_mem>>)
      %dma_wait3A_154 = arith.constant 1 : i32
      %dma_wait3A_155 = arith.constant 0 : i32
      %dma_wait3A_156 = arith.constant 0 : i32
      %dma_wait3A_157 = tpu.memref_slice %run_scoped3A[%dma_wait3A_154, %dma_wait3A_155, %dma_wait3A_156] : memref<2x128x384xf32, #tpu.memory_space<vmem>> -> memref<1x128x384xf32, #tpu.memory_space<vmem>>
      %dma_wait3A_158 = tpu.memref_squeeze %dma_wait3A_157 : memref<1x128x384xf32, #tpu.memory_space<vmem>> -> memref<128x384xf32, #tpu.memory_space<vmem>>
      %dma_wait3A_159 = arith.constant 384 : i32
      %dma_wait3A_160 = tpu.memref_slice %arg11[%dma_wait3A_159] : memref<512xi32, #tpu.memory_space<vmem>> -> memref<128xi32, #tpu.memory_space<vmem>>
      %dma_wait3A_161 = arith.constant 0 : i32
      %dma_wait3A_162 = arith.constant 0 : i32
      %dma_wait3A_163 = tpu.memref_slice %arg3[%dma_wait3A_161, %dma_wait3A_162] : memref<1000x384xf32, #tpu.memory_space<hbm>> -> memref<1000x384xf32, #tpu.memory_space<hbm>>
      tpu.wait_indirect_dma semaphore(%arg12 : memref<!tpu.dma_semaphore, #tpu.memory_space<semaphore_mem>>) src(%dma_wait3A_163 : memref<1000x384xf32, #tpu.memory_space<hbm>>) dst(%dma_wait3A_158 : memref<128x384xf32, #tpu.memory_space<vmem>>)
      %add3A_164 = arith.constant 384 : i32
      %add3A_165 = arith.addi %multiple_of3A_5, %add3A_164 : i32
      %multiple_of3A_166 = tpu.assume_multiple %add3A_165, 128 : i32
      %dma_start3A_167 = arith.constant 1 : i32
      %dma_start3A_168 = arith.constant 0 : i32
      %dma_start3A_169 = arith.constant 0 : i32
      %dma_start3A_170 = tpu.memref_slice %run_scoped3A[%dma_start3A_167, %dma_start3A_168, %dma_start3A_169] : memref<2x128x384xf32, #tpu.memory_space<vmem>> -> memref<1x128x384xf32, #tpu.memory_space<vmem>>
      %dma_start3A_171 = tpu.memref_squeeze %dma_start3A_170 : memref<1x128x384xf32, #tpu.memory_space<vmem>> -> memref<128x384xf32, #tpu.memory_space<vmem>>
      %dma_start3A_172 = arith.constant 0 : i32
      %dma_start3A_173 = tpu.memref_slice %arg8[%multiple_of3A_166, %dma_start3A_172] : memref<16384x384xf32, #tpu.memory_space<hbm>> -> memref<128x384xf32, #tpu.memory_space<hbm>>
      %dma_start3A_174 = arith.constant 0 : i32
      %dma_start3A_175 = tpu.memref_slice %arg8[%multiple_of3A_166, %dma_start3A_174] : memref<16384x384xf32, #tpu.memory_space<hbm>> -> memref<128x384xf32, #tpu.memory_space<hbm>>
      %dma_start3A_176 = arith.constant 0 : i32
      %dma_start3A_177 = arith.constant 0 : i32
      %dma_start3A_178 = tpu.memref_slice %run_scoped3A[%dma_start3A_167, %dma_start3A_176, %dma_start3A_177] : memref<2x128x384xf32, #tpu.memory_space<vmem>> -> memref<1x128x384xf32, #tpu.memory_space<vmem>>
      %dma_start3A_179 = tpu.memref_squeeze %dma_start3A_178 : memref<1x128x384xf32, #tpu.memory_space<vmem>> -> memref<128x384xf32, #tpu.memory_space<vmem>>
      tpu.enqueue_dma source(%dma_start3A_179 : memref<128x384xf32, #tpu.memory_space<vmem>>) target(%dma_start3A_175 : memref<128x384xf32, #tpu.memory_space<hbm>>) target_semaphore(%arg13 : memref<!tpu.dma_semaphore, #tpu.memory_space<semaphore_mem>>)
      %add3A_180 = arith.constant 256 : i32
      %add3A_181 = arith.addi %multiple_of3A_5, %add3A_180 : i32
      %multiple_of3A_182 = tpu.assume_multiple %add3A_181, 128 : i32
      %dma_wait3A_183 = arith.constant 0 : i32
      %dma_wait3A_184 = arith.constant 0 : i32
      %dma_wait3A_185 = arith.constant 0 : i32
      %dma_wait3A_186 = tpu.memref_slice %run_scoped3A[%dma_wait3A_183, %dma_wait3A_184, %dma_wait3A_185] : memref<2x128x384xf32, #tpu.memory_space<vmem>> -> memref<1x128x384xf32, #tpu.memory_space<vmem>>
      %dma_wait3A_187 = tpu.memref_squeeze %dma_wait3A_186 : memref<1x128x384xf32, #tpu.memory_space<vmem>> -> memref<128x384xf32, #tpu.memory_space<vmem>>
      %dma_wait3A_188 = arith.constant 0 : i32
      %dma_wait3A_189 = tpu.memref_slice %arg8[%multiple_of3A_182, %dma_wait3A_188] : memref<16384x384xf32, #tpu.memory_space<hbm>> -> memref<128x384xf32, #tpu.memory_space<hbm>>
      %dma_wait3A_190 = arith.constant 0 : i32
      %dma_wait3A_191 = tpu.memref_slice %arg8[%multiple_of3A_182, %dma_wait3A_190] : memref<16384x384xf32, #tpu.memory_space<hbm>> -> memref<128x384xf32, #tpu.memory_space<hbm>>
      %dma_wait3A_192 = arith.constant 0 : i32
      %dma_wait3A_193 = arith.constant 0 : i32
      %dma_wait3A_194 = tpu.memref_slice %run_scoped3A[%dma_wait3A_183, %dma_wait3A_192, %dma_wait3A_193] : memref<2x128x384xf32, #tpu.memory_space<vmem>> -> memref<1x128x384xf32, #tpu.memory_space<vmem>>
      %dma_wait3A_195 = tpu.memref_squeeze %dma_wait3A_194 : memref<1x128x384xf32, #tpu.memory_space<vmem>> -> memref<128x384xf32, #tpu.memory_space<vmem>>
      tpu.wait_dma2 semaphore(%arg13 : memref<!tpu.dma_semaphore, #tpu.memory_space<semaphore_mem>>) src(%dma_wait3A_195 : memref<128x384xf32, #tpu.memory_space<vmem>>) dst(%dma_wait3A_191 : memref<128x384xf32, #tpu.memory_space<hbm>>)
      %add3A_196 = arith.constant 384 : i32
      %add3A_197 = arith.addi %multiple_of3A_5, %add3A_196 : i32
      %multiple_of3A_198 = tpu.assume_multiple %add3A_197, 128 : i32
      %dma_wait3A_199 = arith.constant 1 : i32
      %dma_wait3A_200 = arith.constant 0 : i32
      %dma_wait3A_201 = arith.constant 0 : i32
      %dma_wait3A_202 = tpu.memref_slice %run_scoped3A[%dma_wait3A_199, %dma_wait3A_200, %dma_wait3A_201] : memref<2x128x384xf32, #tpu.memory_space<vmem>> -> memref<1x128x384xf32, #tpu.memory_space<vmem>>
      %dma_wait3A_203 = tpu.memref_squeeze %dma_wait3A_202 : memref<1x128x384xf32, #tpu.memory_space<vmem>> -> memref<128x384xf32, #tpu.memory_space<vmem>>
      %dma_wait3A_204 = arith.constant 0 : i32
      %dma_wait3A_205 = tpu.memref_slice %arg8[%multiple_of3A_198, %dma_wait3A_204] : memref<16384x384xf32, #tpu.memory_space<hbm>> -> memref<128x384xf32, #tpu.memory_space<hbm>>
      %dma_wait3A_206 = arith.constant 0 : i32
      %dma_wait3A_207 = tpu.memref_slice %arg8[%multiple_of3A_198, %dma_wait3A_206] : memref<16384x384xf32, #tpu.memory_space<hbm>> -> memref<128x384xf32, #tpu.memory_space<hbm>>
      %dma_wait3A_208 = arith.constant 0 : i32
      %dma_wait3A_209 = arith.constant 0 : i32
      %dma_wait3A_210 = tpu.memref_slice %run_scoped3A[%dma_wait3A_199, %dma_wait3A_208, %dma_wait3A_209] : memref<2x128x384xf32, #tpu.memory_space<vmem>> -> memref<1x128x384xf32, #tpu.memory_space<vmem>>
      %dma_wait3A_211 = tpu.memref_squeeze %dma_wait3A_210 : memref<1x128x384xf32, #tpu.memory_space<vmem>> -> memref<128x384xf32, #tpu.memory_space<vmem>>
      tpu.wait_dma2 semaphore(%arg13 : memref<!tpu.dma_semaphore, #tpu.memory_space<semaphore_mem>>) src(%dma_wait3A_211 : memref<128x384xf32, #tpu.memory_space<vmem>>) dst(%dma_wait3A_207 : memref<128x384xf32, #tpu.memory_space<hbm>>)
      tpu.yield
    }) : () -> ()
    "tpu.region"() ({
      %run_scoped3A = memref.alloca() : memref<2x128x128xf32, #tpu.memory_space<vmem>>
      %dma_start3A = arith.constant 0 : i32
      %dma_start3A_6 = arith.constant 0 : i32
      %dma_start3A_7 = arith.constant 0 : i32
      %dma_start3A_8 = tpu.memref_slice %run_scoped3A[%dma_start3A, %dma_start3A_6, %dma_start3A_7] : memref<2x128x128xf32, #tpu.memory_space<vmem>> -> memref<1x128x128xf32, #tpu.memory_space<vmem>>
      %dma_start3A_9 = tpu.memref_squeeze %dma_start3A_8 : memref<1x128x128xf32, #tpu.memory_space<vmem>> -> memref<128x128xf32, #tpu.memory_space<vmem>>
      %dma_start3A_10 = arith.constant 0 : i32
      %dma_start3A_11 = tpu.memref_slice %arg11[%dma_start3A_10] : memref<512xi32, #tpu.memory_space<vmem>> -> memref<128xi32, #tpu.memory_space<vmem>>
      %dma_start3A_12 = arith.constant 0 : i32
      %dma_start3A_13 = arith.constant 0 : i32
      %dma_start3A_14 = tpu.memref_slice %arg4[%dma_start3A_12, %dma_start3A_13] : memref<1000x128xf32, #tpu.memory_space<hbm>> -> memref<1000x128xf32, #tpu.memory_space<hbm>>
      tpu.enqueue_indirect_dma source(%dma_start3A_14 : memref<1000x128xf32, #tpu.memory_space<hbm>>) target(%dma_start3A_9 : memref<128x128xf32, #tpu.memory_space<vmem>>) offsets(%dma_start3A_11 : memref<128xi32, #tpu.memory_space<vmem>>) semaphore(%arg12 : memref<!tpu.dma_semaphore, #tpu.memory_space<semaphore_mem>>)
      %dma_wait3A = arith.constant 0 : i32
      %dma_wait3A_15 = arith.constant 0 : i32
      %dma_wait3A_16 = arith.constant 0 : i32
      %dma_wait3A_17 = tpu.memref_slice %run_scoped3A[%dma_wait3A, %dma_wait3A_15, %dma_wait3A_16] : memref<2x128x128xf32, #tpu.memory_space<vmem>> -> memref<1x128x128xf32, #tpu.memory_space<vmem>>
      %dma_wait3A_18 = tpu.memref_squeeze %dma_wait3A_17 : memref<1x128x128xf32, #tpu.memory_space<vmem>> -> memref<128x128xf32, #tpu.memory_space<vmem>>
      %dma_wait3A_19 = arith.constant 0 : i32
      %dma_wait3A_20 = tpu.memref_slice %arg11[%dma_wait3A_19] : memref<512xi32, #tpu.memory_space<vmem>> -> memref<128xi32, #tpu.memory_space<vmem>>
      %dma_wait3A_21 = arith.constant 0 : i32
      %dma_wait3A_22 = arith.constant 0 : i32
      %dma_wait3A_23 = tpu.memref_slice %arg4[%dma_wait3A_21, %dma_wait3A_22] : memref<1000x128xf32, #tpu.memory_space<hbm>> -> memref<1000x128xf32, #tpu.memory_space<hbm>>
      tpu.wait_indirect_dma semaphore(%arg12 : memref<!tpu.dma_semaphore, #tpu.memory_space<semaphore_mem>>) src(%dma_wait3A_23 : memref<1000x128xf32, #tpu.memory_space<hbm>>) dst(%dma_wait3A_18 : memref<128x128xf32, #tpu.memory_space<vmem>>)
      %add3A_24 = arith.constant 0 : i32
      %add3A_25 = arith.addi %multiple_of3A_5, %add3A_24 : i32
      %multiple_of3A_26 = tpu.assume_multiple %add3A_25, 128 : i32
      %dma_start3A_27 = arith.constant 0 : i32
      %dma_start3A_28 = arith.constant 0 : i32
      %dma_start3A_29 = arith.constant 0 : i32
      %dma_start3A_30 = tpu.memref_slice %run_scoped3A[%dma_start3A_27, %dma_start3A_28, %dma_start3A_29] : memref<2x128x128xf32, #tpu.memory_space<vmem>> -> memref<1x128x128xf32, #tpu.memory_space<vmem>>
      %dma_start3A_31 = tpu.memref_squeeze %dma_start3A_30 : memref<1x128x128xf32, #tpu.memory_space<vmem>> -> memref<128x128xf32, #tpu.memory_space<vmem>>
      %dma_start3A_32 = arith.constant 0 : i32
      %dma_start3A_33 = tpu.memref_slice %arg9[%multiple_of3A_26, %dma_start3A_32] : memref<16384x128xf32, #tpu.memory_space<hbm>> -> memref<128x128xf32, #tpu.memory_space<hbm>>
      %dma_start3A_34 = arith.constant 0 : i32
      %dma_start3A_35 = tpu.memref_slice %arg9[%multiple_of3A_26, %dma_start3A_34] : memref<16384x128xf32, #tpu.memory_space<hbm>> -> memref<128x128xf32, #tpu.memory_space<hbm>>
      %dma_start3A_36 = arith.constant 0 : i32
      %dma_start3A_37 = arith.constant 0 : i32
      %dma_start3A_38 = tpu.memref_slice %run_scoped3A[%dma_start3A_27, %dma_start3A_36, %dma_start3A_37] : memref<2x128x128xf32, #tpu.memory_space<vmem>> -> memref<1x128x128xf32, #tpu.memory_space<vmem>>
      %dma_start3A_39 = tpu.memref_squeeze %dma_start3A_38 : memref<1x128x128xf32, #tpu.memory_space<vmem>> -> memref<128x128xf32, #tpu.memory_space<vmem>>
      tpu.enqueue_dma source(%dma_start3A_39 : memref<128x128xf32, #tpu.memory_space<vmem>>) target(%dma_start3A_35 : memref<128x128xf32, #tpu.memory_space<hbm>>) target_semaphore(%arg13 : memref<!tpu.dma_semaphore, #tpu.memory_space<semaphore_mem>>)
      %dma_start3A_40 = arith.constant 1 : i32
      %dma_start3A_41 = arith.constant 0 : i32
      %dma_start3A_42 = arith.constant 0 : i32
      %dma_start3A_43 = tpu.memref_slice %run_scoped3A[%dma_start3A_40, %dma_start3A_41, %dma_start3A_42] : memref<2x128x128xf32, #tpu.memory_space<vmem>> -> memref<1x128x128xf32, #tpu.memory_space<vmem>>
      %dma_start3A_44 = tpu.memref_squeeze %dma_start3A_43 : memref<1x128x128xf32, #tpu.memory_space<vmem>> -> memref<128x128xf32, #tpu.memory_space<vmem>>
      %dma_start3A_45 = arith.constant 128 : i32
      %dma_start3A_46 = tpu.memref_slice %arg11[%dma_start3A_45] : memref<512xi32, #tpu.memory_space<vmem>> -> memref<128xi32, #tpu.memory_space<vmem>>
      %dma_start3A_47 = arith.constant 0 : i32
      %dma_start3A_48 = arith.constant 0 : i32
      %dma_start3A_49 = tpu.memref_slice %arg4[%dma_start3A_47, %dma_start3A_48] : memref<1000x128xf32, #tpu.memory_space<hbm>> -> memref<1000x128xf32, #tpu.memory_space<hbm>>
      tpu.enqueue_indirect_dma source(%dma_start3A_49 : memref<1000x128xf32, #tpu.memory_space<hbm>>) target(%dma_start3A_44 : memref<128x128xf32, #tpu.memory_space<vmem>>) offsets(%dma_start3A_46 : memref<128xi32, #tpu.memory_space<vmem>>) semaphore(%arg12 : memref<!tpu.dma_semaphore, #tpu.memory_space<semaphore_mem>>)
      %dma_wait3A_50 = arith.constant 1 : i32
      %dma_wait3A_51 = arith.constant 0 : i32
      %dma_wait3A_52 = arith.constant 0 : i32
      %dma_wait3A_53 = tpu.memref_slice %run_scoped3A[%dma_wait3A_50, %dma_wait3A_51, %dma_wait3A_52] : memref<2x128x128xf32, #tpu.memory_space<vmem>> -> memref<1x128x128xf32, #tpu.memory_space<vmem>>
      %dma_wait3A_54 = tpu.memref_squeeze %dma_wait3A_53 : memref<1x128x128xf32, #tpu.memory_space<vmem>> -> memref<128x128xf32, #tpu.memory_space<vmem>>
      %dma_wait3A_55 = arith.constant 128 : i32
      %dma_wait3A_56 = tpu.memref_slice %arg11[%dma_wait3A_55] : memref<512xi32, #tpu.memory_space<vmem>> -> memref<128xi32, #tpu.memory_space<vmem>>
      %dma_wait3A_57 = arith.constant 0 : i32
      %dma_wait3A_58 = arith.constant 0 : i32
      %dma_wait3A_59 = tpu.memref_slice %arg4[%dma_wait3A_57, %dma_wait3A_58] : memref<1000x128xf32, #tpu.memory_space<hbm>> -> memref<1000x128xf32, #tpu.memory_space<hbm>>
      tpu.wait_indirect_dma semaphore(%arg12 : memref<!tpu.dma_semaphore, #tpu.memory_space<semaphore_mem>>) src(%dma_wait3A_59 : memref<1000x128xf32, #tpu.memory_space<hbm>>) dst(%dma_wait3A_54 : memref<128x128xf32, #tpu.memory_space<vmem>>)
      %add3A_60 = arith.constant 128 : i32
      %add3A_61 = arith.addi %multiple_of3A_5, %add3A_60 : i32
      %multiple_of3A_62 = tpu.assume_multiple %add3A_61, 128 : i32
      %dma_start3A_63 = arith.constant 1 : i32
      %dma_start3A_64 = arith.constant 0 : i32
      %dma_start3A_65 = arith.constant 0 : i32
      %dma_start3A_66 = tpu.memref_slice %run_scoped3A[%dma_start3A_63, %dma_start3A_64, %dma_start3A_65] : memref<2x128x128xf32, #tpu.memory_space<vmem>> -> memref<1x128x128xf32, #tpu.memory_space<vmem>>
      %dma_start3A_67 = tpu.memref_squeeze %dma_start3A_66 : memref<1x128x128xf32, #tpu.memory_space<vmem>> -> memref<128x128xf32, #tpu.memory_space<vmem>>
      %dma_start3A_68 = arith.constant 0 : i32
      %dma_start3A_69 = tpu.memref_slice %arg9[%multiple_of3A_62, %dma_start3A_68] : memref<16384x128xf32, #tpu.memory_space<hbm>> -> memref<128x128xf32, #tpu.memory_space<hbm>>
      %dma_start3A_70 = arith.constant 0 : i32
      %dma_start3A_71 = tpu.memref_slice %arg9[%multiple_of3A_62, %dma_start3A_70] : memref<16384x128xf32, #tpu.memory_space<hbm>> -> memref<128x128xf32, #tpu.memory_space<hbm>>
      %dma_start3A_72 = arith.constant 0 : i32
      %dma_start3A_73 = arith.constant 0 : i32
      %dma_start3A_74 = tpu.memref_slice %run_scoped3A[%dma_start3A_63, %dma_start3A_72, %dma_start3A_73] : memref<2x128x128xf32, #tpu.memory_space<vmem>> -> memref<1x128x128xf32, #tpu.memory_space<vmem>>
      %dma_start3A_75 = tpu.memref_squeeze %dma_start3A_74 : memref<1x128x128xf32, #tpu.memory_space<vmem>> -> memref<128x128xf32, #tpu.memory_space<vmem>>
      tpu.enqueue_dma source(%dma_start3A_75 : memref<128x128xf32, #tpu.memory_space<vmem>>) target(%dma_start3A_71 : memref<128x128xf32, #tpu.memory_space<hbm>>) target_semaphore(%arg13 : memref<!tpu.dma_semaphore, #tpu.memory_space<semaphore_mem>>)
      %add3A_76 = arith.constant 0 : i32
      %add3A_77 = arith.addi %multiple_of3A_5, %add3A_76 : i32
      %multiple_of3A_78 = tpu.assume_multiple %add3A_77, 128 : i32
      %dma_wait3A_79 = arith.constant 0 : i32
      %dma_wait3A_80 = arith.constant 0 : i32
      %dma_wait3A_81 = arith.constant 0 : i32
      %dma_wait3A_82 = tpu.memref_slice %run_scoped3A[%dma_wait3A_79, %dma_wait3A_80, %dma_wait3A_81] : memref<2x128x128xf32, #tpu.memory_space<vmem>> -> memref<1x128x128xf32, #tpu.memory_space<vmem>>
      %dma_wait3A_83 = tpu.memref_squeeze %dma_wait3A_82 : memref<1x128x128xf32, #tpu.memory_space<vmem>> -> memref<128x128xf32, #tpu.memory_space<vmem>>
      %dma_wait3A_84 = arith.constant 0 : i32
      %dma_wait3A_85 = tpu.memref_slice %arg9[%multiple_of3A_78, %dma_wait3A_84] : memref<16384x128xf32, #tpu.memory_space<hbm>> -> memref<128x128xf32, #tpu.memory_space<hbm>>
      %dma_wait3A_86 = arith.constant 0 : i32
      %dma_wait3A_87 = tpu.memref_slice %arg9[%multiple_of3A_78, %dma_wait3A_86] : memref<16384x128xf32, #tpu.memory_space<hbm>> -> memref<128x128xf32, #tpu.memory_space<hbm>>
      %dma_wait3A_88 = arith.constant 0 : i32
      %dma_wait3A_89 = arith.constant 0 : i32
      %dma_wait3A_90 = tpu.memref_slice %run_scoped3A[%dma_wait3A_79, %dma_wait3A_88, %dma_wait3A_89] : memref<2x128x128xf32, #tpu.memory_space<vmem>> -> memref<1x128x128xf32, #tpu.memory_space<vmem>>
      %dma_wait3A_91 = tpu.memref_squeeze %dma_wait3A_90 : memref<1x128x128xf32, #tpu.memory_space<vmem>> -> memref<128x128xf32, #tpu.memory_space<vmem>>
      tpu.wait_dma2 semaphore(%arg13 : memref<!tpu.dma_semaphore, #tpu.memory_space<semaphore_mem>>) src(%dma_wait3A_91 : memref<128x128xf32, #tpu.memory_space<vmem>>) dst(%dma_wait3A_87 : memref<128x128xf32, #tpu.memory_space<hbm>>)
      %dma_start3A_92 = arith.constant 0 : i32
      %dma_start3A_93 = arith.constant 0 : i32
      %dma_start3A_94 = arith.constant 0 : i32
      %dma_start3A_95 = tpu.memref_slice %run_scoped3A[%dma_start3A_92, %dma_start3A_93, %dma_start3A_94] : memref<2x128x128xf32, #tpu.memory_space<vmem>> -> memref<1x128x128xf32, #tpu.memory_space<vmem>>
      %dma_start3A_96 = tpu.memref_squeeze %dma_start3A_95 : memref<1x128x128xf32, #tpu.memory_space<vmem>> -> memref<128x128xf32, #tpu.memory_space<vmem>>
      %dma_start3A_97 = arith.constant 256 : i32
      %dma_start3A_98 = tpu.memref_slice %arg11[%dma_start3A_97] : memref<512xi32, #tpu.memory_space<vmem>> -> memref<128xi32, #tpu.memory_space<vmem>>
      %dma_start3A_99 = arith.constant 0 : i32
      %dma_start3A_100 = arith.constant 0 : i32
      %dma_start3A_101 = tpu.memref_slice %arg4[%dma_start3A_99, %dma_start3A_100] : memref<1000x128xf32, #tpu.memory_space<hbm>> -> memref<1000x128xf32, #tpu.memory_space<hbm>>
      tpu.enqueue_indirect_dma source(%dma_start3A_101 : memref<1000x128xf32, #tpu.memory_space<hbm>>) target(%dma_start3A_96 : memref<128x128xf32, #tpu.memory_space<vmem>>) offsets(%dma_start3A_98 : memref<128xi32, #tpu.memory_space<vmem>>) semaphore(%arg12 : memref<!tpu.dma_semaphore, #tpu.memory_space<semaphore_mem>>)
      %dma_wait3A_102 = arith.constant 0 : i32
      %dma_wait3A_103 = arith.constant 0 : i32
      %dma_wait3A_104 = arith.constant 0 : i32
      %dma_wait3A_105 = tpu.memref_slice %run_scoped3A[%dma_wait3A_102, %dma_wait3A_103, %dma_wait3A_104] : memref<2x128x128xf32, #tpu.memory_space<vmem>> -> memref<1x128x128xf32, #tpu.memory_space<vmem>>
      %dma_wait3A_106 = tpu.memref_squeeze %dma_wait3A_105 : memref<1x128x128xf32, #tpu.memory_space<vmem>> -> memref<128x128xf32, #tpu.memory_space<vmem>>
      %dma_wait3A_107 = arith.constant 256 : i32
      %dma_wait3A_108 = tpu.memref_slice %arg11[%dma_wait3A_107] : memref<512xi32, #tpu.memory_space<vmem>> -> memref<128xi32, #tpu.memory_space<vmem>>
      %dma_wait3A_109 = arith.constant 0 : i32
      %dma_wait3A_110 = arith.constant 0 : i32
      %dma_wait3A_111 = tpu.memref_slice %arg4[%dma_wait3A_109, %dma_wait3A_110] : memref<1000x128xf32, #tpu.memory_space<hbm>> -> memref<1000x128xf32, #tpu.memory_space<hbm>>
      tpu.wait_indirect_dma semaphore(%arg12 : memref<!tpu.dma_semaphore, #tpu.memory_space<semaphore_mem>>) src(%dma_wait3A_111 : memref<1000x128xf32, #tpu.memory_space<hbm>>) dst(%dma_wait3A_106 : memref<128x128xf32, #tpu.memory_space<vmem>>)
      %add3A_112 = arith.constant 256 : i32
      %add3A_113 = arith.addi %multiple_of3A_5, %add3A_112 : i32
      %multiple_of3A_114 = tpu.assume_multiple %add3A_113, 128 : i32
      %dma_start3A_115 = arith.constant 0 : i32
      %dma_start3A_116 = arith.constant 0 : i32
      %dma_start3A_117 = arith.constant 0 : i32
      %dma_start3A_118 = tpu.memref_slice %run_scoped3A[%dma_start3A_115, %dma_start3A_116, %dma_start3A_117] : memref<2x128x128xf32, #tpu.memory_space<vmem>> -> memref<1x128x128xf32, #tpu.memory_space<vmem>>
      %dma_start3A_119 = tpu.memref_squeeze %dma_start3A_118 : memref<1x128x128xf32, #tpu.memory_space<vmem>> -> memref<128x128xf32, #tpu.memory_space<vmem>>
      %dma_start3A_120 = arith.constant 0 : i32
      %dma_start3A_121 = tpu.memref_slice %arg9[%multiple_of3A_114, %dma_start3A_120] : memref<16384x128xf32, #tpu.memory_space<hbm>> -> memref<128x128xf32, #tpu.memory_space<hbm>>
      %dma_start3A_122 = arith.constant 0 : i32
      %dma_start3A_123 = tpu.memref_slice %arg9[%multiple_of3A_114, %dma_start3A_122] : memref<16384x128xf32, #tpu.memory_space<hbm>> -> memref<128x128xf32, #tpu.memory_space<hbm>>
      %dma_start3A_124 = arith.constant 0 : i32
      %dma_start3A_125 = arith.constant 0 : i32
      %dma_start3A_126 = tpu.memref_slice %run_scoped3A[%dma_start3A_115, %dma_start3A_124, %dma_start3A_125] : memref<2x128x128xf32, #tpu.memory_space<vmem>> -> memref<1x128x128xf32, #tpu.memory_space<vmem>>
      %dma_start3A_127 = tpu.memref_squeeze %dma_start3A_126 : memref<1x128x128xf32, #tpu.memory_space<vmem>> -> memref<128x128xf32, #tpu.memory_space<vmem>>
      tpu.enqueue_dma source(%dma_start3A_127 : memref<128x128xf32, #tpu.memory_space<vmem>>) target(%dma_start3A_123 : memref<128x128xf32, #tpu.memory_space<hbm>>) target_semaphore(%arg13 : memref<!tpu.dma_semaphore, #tpu.memory_space<semaphore_mem>>)
      %add3A_128 = arith.constant 128 : i32
      %add3A_129 = arith.addi %multiple_of3A_5, %add3A_128 : i32
      %multiple_of3A_130 = tpu.assume_multiple %add3A_129, 128 : i32
      %dma_wait3A_131 = arith.constant 1 : i32
      %dma_wait3A_132 = arith.constant 0 : i32
      %dma_wait3A_133 = arith.constant 0 : i32
      %dma_wait3A_134 = tpu.memref_slice %run_scoped3A[%dma_wait3A_131, %dma_wait3A_132, %dma_wait3A_133] : memref<2x128x128xf32, #tpu.memory_space<vmem>> -> memref<1x128x128xf32, #tpu.memory_space<vmem>>
      %dma_wait3A_135 = tpu.memref_squeeze %dma_wait3A_134 : memref<1x128x128xf32, #tpu.memory_space<vmem>> -> memref<128x128xf32, #tpu.memory_space<vmem>>
      %dma_wait3A_136 = arith.constant 0 : i32
      %dma_wait3A_137 = tpu.memref_slice %arg9[%multiple_of3A_130, %dma_wait3A_136] : memref<16384x128xf32, #tpu.memory_space<hbm>> -> memref<128x128xf32, #tpu.memory_space<hbm>>
      %dma_wait3A_138 = arith.constant 0 : i32
      %dma_wait3A_139 = tpu.memref_slice %arg9[%multiple_of3A_130, %dma_wait3A_138] : memref<16384x128xf32, #tpu.memory_space<hbm>> -> memref<128x128xf32, #tpu.memory_space<hbm>>
      %dma_wait3A_140 = arith.constant 0 : i32
      %dma_wait3A_141 = arith.constant 0 : i32
      %dma_wait3A_142 = tpu.memref_slice %run_scoped3A[%dma_wait3A_131, %dma_wait3A_140, %dma_wait3A_141] : memref<2x128x128xf32, #tpu.memory_space<vmem>> -> memref<1x128x128xf32, #tpu.memory_space<vmem>>
      %dma_wait3A_143 = tpu.memref_squeeze %dma_wait3A_142 : memref<1x128x128xf32, #tpu.memory_space<vmem>> -> memref<128x128xf32, #tpu.memory_space<vmem>>
      tpu.wait_dma2 semaphore(%arg13 : memref<!tpu.dma_semaphore, #tpu.memory_space<semaphore_mem>>) src(%dma_wait3A_143 : memref<128x128xf32, #tpu.memory_space<vmem>>) dst(%dma_wait3A_139 : memref<128x128xf32, #tpu.memory_space<hbm>>)
      %dma_start3A_144 = arith.constant 1 : i32
      %dma_start3A_145 = arith.constant 0 : i32
      %dma_start3A_146 = arith.constant 0 : i32
      %dma_start3A_147 = tpu.memref_slice %run_scoped3A[%dma_start3A_144, %dma_start3A_145, %dma_start3A_146] : memref<2x128x128xf32, #tpu.memory_space<vmem>> -> memref<1x128x128xf32, #tpu.memory_space<vmem>>
      %dma_start3A_148 = tpu.memref_squeeze %dma_start3A_147 : memref<1x128x128xf32, #tpu.memory_space<vmem>> -> memref<128x128xf32, #tpu.memory_space<vmem>>
      %dma_start3A_149 = arith.constant 384 : i32
      %dma_start3A_150 = tpu.memref_slice %arg11[%dma_start3A_149] : memref<512xi32, #tpu.memory_space<vmem>> -> memref<128xi32, #tpu.memory_space<vmem>>
      %dma_start3A_151 = arith.constant 0 : i32
      %dma_start3A_152 = arith.constant 0 : i32
      %dma_start3A_153 = tpu.memref_slice %arg4[%dma_start3A_151, %dma_start3A_152] : memref<1000x128xf32, #tpu.memory_space<hbm>> -> memref<1000x128xf32, #tpu.memory_space<hbm>>
      tpu.enqueue_indirect_dma source(%dma_start3A_153 : memref<1000x128xf32, #tpu.memory_space<hbm>>) target(%dma_start3A_148 : memref<128x128xf32, #tpu.memory_space<vmem>>) offsets(%dma_start3A_150 : memref<128xi32, #tpu.memory_space<vmem>>) semaphore(%arg12 : memref<!tpu.dma_semaphore, #tpu.memory_space<semaphore_mem>>)
      %dma_wait3A_154 = arith.constant 1 : i32
      %dma_wait3A_155 = arith.constant 0 : i32
      %dma_wait3A_156 = arith.constant 0 : i32
      %dma_wait3A_157 = tpu.memref_slice %run_scoped3A[%dma_wait3A_154, %dma_wait3A_155, %dma_wait3A_156] : memref<2x128x128xf32, #tpu.memory_space<vmem>> -> memref<1x128x128xf32, #tpu.memory_space<vmem>>
      %dma_wait3A_158 = tpu.memref_squeeze %dma_wait3A_157 : memref<1x128x128xf32, #tpu.memory_space<vmem>> -> memref<128x128xf32, #tpu.memory_space<vmem>>
      %dma_wait3A_159 = arith.constant 384 : i32
      %dma_wait3A_160 = tpu.memref_slice %arg11[%dma_wait3A_159] : memref<512xi32, #tpu.memory_space<vmem>> -> memref<128xi32, #tpu.memory_space<vmem>>
      %dma_wait3A_161 = arith.constant 0 : i32
      %dma_wait3A_162 = arith.constant 0 : i32
      %dma_wait3A_163 = tpu.memref_slice %arg4[%dma_wait3A_161, %dma_wait3A_162] : memref<1000x128xf32, #tpu.memory_space<hbm>> -> memref<1000x128xf32, #tpu.memory_space<hbm>>
      tpu.wait_indirect_dma semaphore(%arg12 : memref<!tpu.dma_semaphore, #tpu.memory_space<semaphore_mem>>) src(%dma_wait3A_163 : memref<1000x128xf32, #tpu.memory_space<hbm>>) dst(%dma_wait3A_158 : memref<128x128xf32, #tpu.memory_space<vmem>>)
      %add3A_164 = arith.constant 384 : i32
      %add3A_165 = arith.addi %multiple_of3A_5, %add3A_164 : i32
      %multiple_of3A_166 = tpu.assume_multiple %add3A_165, 128 : i32
      %dma_start3A_167 = arith.constant 1 : i32
      %dma_start3A_168 = arith.constant 0 : i32
      %dma_start3A_169 = arith.constant 0 : i32
      %dma_start3A_170 = tpu.memref_slice %run_scoped3A[%dma_start3A_167, %dma_start3A_168, %dma_start3A_169] : memref<2x128x128xf32, #tpu.memory_space<vmem>> -> memref<1x128x128xf32, #tpu.memory_space<vmem>>
      %dma_start3A_171 = tpu.memref_squeeze %dma_start3A_170 : memref<1x128x128xf32, #tpu.memory_space<vmem>> -> memref<128x128xf32, #tpu.memory_space<vmem>>
      %dma_start3A_172 = arith.constant 0 : i32
      %dma_start3A_173 = tpu.memref_slice %arg9[%multiple_of3A_166, %dma_start3A_172] : memref<16384x128xf32, #tpu.memory_space<hbm>> -> memref<128x128xf32, #tpu.memory_space<hbm>>
      %dma_start3A_174 = arith.constant 0 : i32
      %dma_start3A_175 = tpu.memref_slice %arg9[%multiple_of3A_166, %dma_start3A_174] : memref<16384x128xf32, #tpu.memory_space<hbm>> -> memref<128x128xf32, #tpu.memory_space<hbm>>
      %dma_start3A_176 = arith.constant 0 : i32
      %dma_start3A_177 = arith.constant 0 : i32
      %dma_start3A_178 = tpu.memref_slice %run_scoped3A[%dma_start3A_167, %dma_start3A_176, %dma_start3A_177] : memref<2x128x128xf32, #tpu.memory_space<vmem>> -> memref<1x128x128xf32, #tpu.memory_space<vmem>>
      %dma_start3A_179 = tpu.memref_squeeze %dma_start3A_178 : memref<1x128x128xf32, #tpu.memory_space<vmem>> -> memref<128x128xf32, #tpu.memory_space<vmem>>
      tpu.enqueue_dma source(%dma_start3A_179 : memref<128x128xf32, #tpu.memory_space<vmem>>) target(%dma_start3A_175 : memref<128x128xf32, #tpu.memory_space<hbm>>) target_semaphore(%arg13 : memref<!tpu.dma_semaphore, #tpu.memory_space<semaphore_mem>>)
      %add3A_180 = arith.constant 256 : i32
      %add3A_181 = arith.addi %multiple_of3A_5, %add3A_180 : i32
      %multiple_of3A_182 = tpu.assume_multiple %add3A_181, 128 : i32
      %dma_wait3A_183 = arith.constant 0 : i32
      %dma_wait3A_184 = arith.constant 0 : i32
      %dma_wait3A_185 = arith.constant 0 : i32
      %dma_wait3A_186 = tpu.memref_slice %run_scoped3A[%dma_wait3A_183, %dma_wait3A_184, %dma_wait3A_185] : memref<2x128x128xf32, #tpu.memory_space<vmem>> -> memref<1x128x128xf32, #tpu.memory_space<vmem>>
      %dma_wait3A_187 = tpu.memref_squeeze %dma_wait3A_186 : memref<1x128x128xf32, #tpu.memory_space<vmem>> -> memref<128x128xf32, #tpu.memory_space<vmem>>
      %dma_wait3A_188 = arith.constant 0 : i32
      %dma_wait3A_189 = tpu.memref_slice %arg9[%multiple_of3A_182, %dma_wait3A_188] : memref<16384x128xf32, #tpu.memory_space<hbm>> -> memref<128x128xf32, #tpu.memory_space<hbm>>
      %dma_wait3A_190 = arith.constant 0 : i32
      %dma_wait3A_191 = tpu.memref_slice %arg9[%multiple_of3A_182, %dma_wait3A_190] : memref<16384x128xf32, #tpu.memory_space<hbm>> -> memref<128x128xf32, #tpu.memory_space<hbm>>
      %dma_wait3A_192 = arith.constant 0 : i32
      %dma_wait3A_193 = arith.constant 0 : i32
      %dma_wait3A_194 = tpu.memref_slice %run_scoped3A[%dma_wait3A_183, %dma_wait3A_192, %dma_wait3A_193] : memref<2x128x128xf32, #tpu.memory_space<vmem>> -> memref<1x128x128xf32, #tpu.memory_space<vmem>>
      %dma_wait3A_195 = tpu.memref_squeeze %dma_wait3A_194 : memref<1x128x128xf32, #tpu.memory_space<vmem>> -> memref<128x128xf32, #tpu.memory_space<vmem>>
      tpu.wait_dma2 semaphore(%arg13 : memref<!tpu.dma_semaphore, #tpu.memory_space<semaphore_mem>>) src(%dma_wait3A_195 : memref<128x128xf32, #tpu.memory_space<vmem>>) dst(%dma_wait3A_191 : memref<128x128xf32, #tpu.memory_space<hbm>>)
      %add3A_196 = arith.constant 384 : i32
      %add3A_197 = arith.addi %multiple_of3A_5, %add3A_196 : i32
      %multiple_of3A_198 = tpu.assume_multiple %add3A_197, 128 : i32
      %dma_wait3A_199 = arith.constant 1 : i32
      %dma_wait3A_200 = arith.constant 0 : i32
      %dma_wait3A_201 = arith.constant 0 : i32
      %dma_wait3A_202 = tpu.memref_slice %run_scoped3A[%dma_wait3A_199, %dma_wait3A_200, %dma_wait3A_201] : memref<2x128x128xf32, #tpu.memory_space<vmem>> -> memref<1x128x128xf32, #tpu.memory_space<vmem>>
      %dma_wait3A_203 = tpu.memref_squeeze %dma_wait3A_202 : memref<1x128x128xf32, #tpu.memory_space<vmem>> -> memref<128x128xf32, #tpu.memory_space<vmem>>
      %dma_wait3A_204 = arith.constant 0 : i32
      %dma_wait3A_205 = tpu.memref_slice %arg9[%multiple_of3A_198, %dma_wait3A_204] : memref<16384x128xf32, #tpu.memory_space<hbm>> -> memref<128x128xf32, #tpu.memory_space<hbm>>
      %dma_wait3A_206 = arith.constant 0 : i32
      %dma_wait3A_207 = tpu.memref_slice %arg9[%multiple_of3A_198, %dma_wait3A_206] : memref<16384x128xf32, #tpu.memory_space<hbm>> -> memref<128x128xf32, #tpu.memory_space<hbm>>
      %dma_wait3A_208 = arith.constant 0 : i32
      %dma_wait3A_209 = arith.constant 0 : i32
      %dma_wait3A_210 = tpu.memref_slice %run_scoped3A[%dma_wait3A_199, %dma_wait3A_208, %dma_wait3A_209] : memref<2x128x128xf32, #tpu.memory_space<vmem>> -> memref<1x128x128xf32, #tpu.memory_space<vmem>>
      %dma_wait3A_211 = tpu.memref_squeeze %dma_wait3A_210 : memref<1x128x128xf32, #tpu.memory_space<vmem>> -> memref<128x128xf32, #tpu.memory_space<vmem>>
      tpu.wait_dma2 semaphore(%arg13 : memref<!tpu.dma_semaphore, #tpu.memory_space<semaphore_mem>>) src(%dma_wait3A_211 : memref<128x128xf32, #tpu.memory_space<vmem>>) dst(%dma_wait3A_207 : memref<128x128xf32, #tpu.memory_space<hbm>>)
      tpu.yield
    }) : () -> ()
    return
  }
}

#map = affine_map<(d0, d1) -> (0, 0)>
#map1 = affine_map<(d0, d1) -> (0)>
module attributes {stable_mosaic.version = 14 : i64} {
  func.func @_sc_gather_b2_body(%arg0: i32, %arg1: i32, %arg2: memref<1000x384xf32, #tpu.memory_space<hbm>>, %arg3: memref<1000x128xf32, #tpu.memory_space<hbm>>, %arg4: memref<16384xi32, #tpu.memory_space<hbm>>, %arg5: memref<16384x384xf32, #tpu.memory_space<hbm>>, %arg6: memref<16384x128xf32, #tpu.memory_space<hbm>>, %arg7: memref<512xi32, #tpu.memory_space<vmem>>, %arg8: memref<!tpu.dma_semaphore, #tpu.memory_space<semaphore_mem>>, %arg9: memref<!tpu.dma_semaphore, #tpu.memory_space<semaphore_mem>>) attributes {dimension_semantics = [#tpu.dimension_semantics<core_parallel>, #tpu.dimension_semantics<subcore_parallel>], iteration_bounds = array<i64: 2, 16>, scalar_prefetch = 0 : i64, scratch_operands = 3 : i64, tpu.core_type = #tpu.core_type<sc_vector_subcore>, window_params = [{transform_indices = #map}, {transform_indices = #map}, {transform_indices = #map1}, {transform_indices = #map}, {transform_indices = #map}]} {
    %mul3A = arith.constant 2 : i32
    %mul3A_0 = arith.muli %arg1, %mul3A : i32
    %add3A = arith.addi %mul3A_0, %arg0 : i32
    %mul3A_1 = arith.constant 512 : i32
    %mul3A_2 = arith.muli %add3A, %mul3A_1 : i32
    %multiple_of3A = tpu.assume_multiple %mul3A_2, 128 : i32
    "tpu.region"() ({
      %run_scoped3A = tpu.sem_alloc : memref<!tpu.dma_semaphore, #tpu.memory_space<semaphore_mem>>
      %dma_start3A = tpu.memref_slice %arg4[%multiple_of3A] : memref<16384xi32, #tpu.memory_space<hbm>> -> memref<512xi32, #tpu.memory_space<hbm>>
      %dma_start3A_3 = tpu.memref_slice %arg4[%multiple_of3A] : memref<16384xi32, #tpu.memory_space<hbm>> -> memref<512xi32, #tpu.memory_space<hbm>>
      tpu.enqueue_dma source(%dma_start3A_3 : memref<512xi32, #tpu.memory_space<hbm>>) target(%arg7 : memref<512xi32, #tpu.memory_space<vmem>>) target_semaphore(%run_scoped3A : memref<!tpu.dma_semaphore, #tpu.memory_space<semaphore_mem>>)
      %dma_wait3A = tpu.memref_slice %arg4[%multiple_of3A] : memref<16384xi32, #tpu.memory_space<hbm>> -> memref<512xi32, #tpu.memory_space<hbm>>
      %dma_wait3A_4 = tpu.memref_slice %arg4[%multiple_of3A] : memref<16384xi32, #tpu.memory_space<hbm>> -> memref<512xi32, #tpu.memory_space<hbm>>
      tpu.wait_dma2 semaphore(%run_scoped3A : memref<!tpu.dma_semaphore, #tpu.memory_space<semaphore_mem>>) src(%dma_wait3A_4 : memref<512xi32, #tpu.memory_space<hbm>>) dst(%arg7 : memref<512xi32, #tpu.memory_space<vmem>>)
      tpu.yield
    }) : () -> ()
    "tpu.region"() ({
      %run_scoped3A = memref.alloca() : memref<2x128x384xf32, #tpu.memory_space<vmem>>
      %dma_start3A = arith.constant 0 : i32
      %dma_start3A_3 = arith.constant 0 : i32
      %dma_start3A_4 = arith.constant 0 : i32
      %dma_start3A_5 = tpu.memref_slice %run_scoped3A[%dma_start3A, %dma_start3A_3, %dma_start3A_4] : memref<2x128x384xf32, #tpu.memory_space<vmem>> -> memref<1x128x384xf32, #tpu.memory_space<vmem>>
      %dma_start3A_6 = tpu.memref_squeeze %dma_start3A_5 : memref<1x128x384xf32, #tpu.memory_space<vmem>> -> memref<128x384xf32, #tpu.memory_space<vmem>>
      %dma_start3A_7 = arith.constant 0 : i32
      %dma_start3A_8 = tpu.memref_slice %arg7[%dma_start3A_7] : memref<512xi32, #tpu.memory_space<vmem>> -> memref<128xi32, #tpu.memory_space<vmem>>
      %dma_start3A_9 = arith.constant 0 : i32
      %dma_start3A_10 = arith.constant 0 : i32
      %dma_start3A_11 = tpu.memref_slice %arg2[%dma_start3A_9, %dma_start3A_10] : memref<1000x384xf32, #tpu.memory_space<hbm>> -> memref<1000x384xf32, #tpu.memory_space<hbm>>
      tpu.enqueue_indirect_dma source(%dma_start3A_11 : memref<1000x384xf32, #tpu.memory_space<hbm>>) target(%dma_start3A_6 : memref<128x384xf32, #tpu.memory_space<vmem>>) offsets(%dma_start3A_8 : memref<128xi32, #tpu.memory_space<vmem>>) semaphore(%arg8 : memref<!tpu.dma_semaphore, #tpu.memory_space<semaphore_mem>>)
      %dma_wait3A = arith.constant 0 : i32
      %dma_wait3A_12 = arith.constant 0 : i32
      %dma_wait3A_13 = arith.constant 0 : i32
      %dma_wait3A_14 = tpu.memref_slice %run_scoped3A[%dma_wait3A, %dma_wait3A_12, %dma_wait3A_13] : memref<2x128x384xf32, #tpu.memory_space<vmem>> -> memref<1x128x384xf32, #tpu.memory_space<vmem>>
      %dma_wait3A_15 = tpu.memref_squeeze %dma_wait3A_14 : memref<1x128x384xf32, #tpu.memory_space<vmem>> -> memref<128x384xf32, #tpu.memory_space<vmem>>
      %dma_wait3A_16 = arith.constant 0 : i32
      %dma_wait3A_17 = tpu.memref_slice %arg7[%dma_wait3A_16] : memref<512xi32, #tpu.memory_space<vmem>> -> memref<128xi32, #tpu.memory_space<vmem>>
      %dma_wait3A_18 = arith.constant 0 : i32
      %dma_wait3A_19 = arith.constant 0 : i32
      %dma_wait3A_20 = tpu.memref_slice %arg2[%dma_wait3A_18, %dma_wait3A_19] : memref<1000x384xf32, #tpu.memory_space<hbm>> -> memref<1000x384xf32, #tpu.memory_space<hbm>>
      tpu.wait_indirect_dma semaphore(%arg8 : memref<!tpu.dma_semaphore, #tpu.memory_space<semaphore_mem>>) src(%dma_wait3A_20 : memref<1000x384xf32, #tpu.memory_space<hbm>>) dst(%dma_wait3A_15 : memref<128x384xf32, #tpu.memory_space<vmem>>)
      %add3A_21 = arith.constant 0 : i32
      %add3A_22 = arith.addi %multiple_of3A, %add3A_21 : i32
      %multiple_of3A_23 = tpu.assume_multiple %add3A_22, 128 : i32
      %dma_start3A_24 = arith.constant 0 : i32
      %dma_start3A_25 = arith.constant 0 : i32
      %dma_start3A_26 = arith.constant 0 : i32
      %dma_start3A_27 = tpu.memref_slice %run_scoped3A[%dma_start3A_24, %dma_start3A_25, %dma_start3A_26] : memref<2x128x384xf32, #tpu.memory_space<vmem>> -> memref<1x128x384xf32, #tpu.memory_space<vmem>>
      %dma_start3A_28 = tpu.memref_squeeze %dma_start3A_27 : memref<1x128x384xf32, #tpu.memory_space<vmem>> -> memref<128x384xf32, #tpu.memory_space<vmem>>
      %dma_start3A_29 = arith.constant 0 : i32
      %dma_start3A_30 = tpu.memref_slice %arg5[%multiple_of3A_23, %dma_start3A_29] : memref<16384x384xf32, #tpu.memory_space<hbm>> -> memref<128x384xf32, #tpu.memory_space<hbm>>
      %dma_start3A_31 = arith.constant 0 : i32
      %dma_start3A_32 = tpu.memref_slice %arg5[%multiple_of3A_23, %dma_start3A_31] : memref<16384x384xf32, #tpu.memory_space<hbm>> -> memref<128x384xf32, #tpu.memory_space<hbm>>
      %dma_start3A_33 = arith.constant 0 : i32
      %dma_start3A_34 = arith.constant 0 : i32
      %dma_start3A_35 = tpu.memref_slice %run_scoped3A[%dma_start3A_24, %dma_start3A_33, %dma_start3A_34] : memref<2x128x384xf32, #tpu.memory_space<vmem>> -> memref<1x128x384xf32, #tpu.memory_space<vmem>>
      %dma_start3A_36 = tpu.memref_squeeze %dma_start3A_35 : memref<1x128x384xf32, #tpu.memory_space<vmem>> -> memref<128x384xf32, #tpu.memory_space<vmem>>
      tpu.enqueue_dma source(%dma_start3A_36 : memref<128x384xf32, #tpu.memory_space<vmem>>) target(%dma_start3A_32 : memref<128x384xf32, #tpu.memory_space<hbm>>) target_semaphore(%arg9 : memref<!tpu.dma_semaphore, #tpu.memory_space<semaphore_mem>>)
      %dma_start3A_37 = arith.constant 1 : i32
      %dma_start3A_38 = arith.constant 0 : i32
      %dma_start3A_39 = arith.constant 0 : i32
      %dma_start3A_40 = tpu.memref_slice %run_scoped3A[%dma_start3A_37, %dma_start3A_38, %dma_start3A_39] : memref<2x128x384xf32, #tpu.memory_space<vmem>> -> memref<1x128x384xf32, #tpu.memory_space<vmem>>
      %dma_start3A_41 = tpu.memref_squeeze %dma_start3A_40 : memref<1x128x384xf32, #tpu.memory_space<vmem>> -> memref<128x384xf32, #tpu.memory_space<vmem>>
      %dma_start3A_42 = arith.constant 128 : i32
      %dma_start3A_43 = tpu.memref_slice %arg7[%dma_start3A_42] : memref<512xi32, #tpu.memory_space<vmem>> -> memref<128xi32, #tpu.memory_space<vmem>>
      %dma_start3A_44 = arith.constant 0 : i32
      %dma_start3A_45 = arith.constant 0 : i32
      %dma_start3A_46 = tpu.memref_slice %arg2[%dma_start3A_44, %dma_start3A_45] : memref<1000x384xf32, #tpu.memory_space<hbm>> -> memref<1000x384xf32, #tpu.memory_space<hbm>>
      tpu.enqueue_indirect_dma source(%dma_start3A_46 : memref<1000x384xf32, #tpu.memory_space<hbm>>) target(%dma_start3A_41 : memref<128x384xf32, #tpu.memory_space<vmem>>) offsets(%dma_start3A_43 : memref<128xi32, #tpu.memory_space<vmem>>) semaphore(%arg8 : memref<!tpu.dma_semaphore, #tpu.memory_space<semaphore_mem>>)
      %dma_wait3A_47 = arith.constant 1 : i32
      %dma_wait3A_48 = arith.constant 0 : i32
      %dma_wait3A_49 = arith.constant 0 : i32
      %dma_wait3A_50 = tpu.memref_slice %run_scoped3A[%dma_wait3A_47, %dma_wait3A_48, %dma_wait3A_49] : memref<2x128x384xf32, #tpu.memory_space<vmem>> -> memref<1x128x384xf32, #tpu.memory_space<vmem>>
      %dma_wait3A_51 = tpu.memref_squeeze %dma_wait3A_50 : memref<1x128x384xf32, #tpu.memory_space<vmem>> -> memref<128x384xf32, #tpu.memory_space<vmem>>
      %dma_wait3A_52 = arith.constant 128 : i32
      %dma_wait3A_53 = tpu.memref_slice %arg7[%dma_wait3A_52] : memref<512xi32, #tpu.memory_space<vmem>> -> memref<128xi32, #tpu.memory_space<vmem>>
      %dma_wait3A_54 = arith.constant 0 : i32
      %dma_wait3A_55 = arith.constant 0 : i32
      %dma_wait3A_56 = tpu.memref_slice %arg2[%dma_wait3A_54, %dma_wait3A_55] : memref<1000x384xf32, #tpu.memory_space<hbm>> -> memref<1000x384xf32, #tpu.memory_space<hbm>>
      tpu.wait_indirect_dma semaphore(%arg8 : memref<!tpu.dma_semaphore, #tpu.memory_space<semaphore_mem>>) src(%dma_wait3A_56 : memref<1000x384xf32, #tpu.memory_space<hbm>>) dst(%dma_wait3A_51 : memref<128x384xf32, #tpu.memory_space<vmem>>)
      %add3A_57 = arith.constant 128 : i32
      %add3A_58 = arith.addi %multiple_of3A, %add3A_57 : i32
      %multiple_of3A_59 = tpu.assume_multiple %add3A_58, 128 : i32
      %dma_start3A_60 = arith.constant 1 : i32
      %dma_start3A_61 = arith.constant 0 : i32
      %dma_start3A_62 = arith.constant 0 : i32
      %dma_start3A_63 = tpu.memref_slice %run_scoped3A[%dma_start3A_60, %dma_start3A_61, %dma_start3A_62] : memref<2x128x384xf32, #tpu.memory_space<vmem>> -> memref<1x128x384xf32, #tpu.memory_space<vmem>>
      %dma_start3A_64 = tpu.memref_squeeze %dma_start3A_63 : memref<1x128x384xf32, #tpu.memory_space<vmem>> -> memref<128x384xf32, #tpu.memory_space<vmem>>
      %dma_start3A_65 = arith.constant 0 : i32
      %dma_start3A_66 = tpu.memref_slice %arg5[%multiple_of3A_59, %dma_start3A_65] : memref<16384x384xf32, #tpu.memory_space<hbm>> -> memref<128x384xf32, #tpu.memory_space<hbm>>
      %dma_start3A_67 = arith.constant 0 : i32
      %dma_start3A_68 = tpu.memref_slice %arg5[%multiple_of3A_59, %dma_start3A_67] : memref<16384x384xf32, #tpu.memory_space<hbm>> -> memref<128x384xf32, #tpu.memory_space<hbm>>
      %dma_start3A_69 = arith.constant 0 : i32
      %dma_start3A_70 = arith.constant 0 : i32
      %dma_start3A_71 = tpu.memref_slice %run_scoped3A[%dma_start3A_60, %dma_start3A_69, %dma_start3A_70] : memref<2x128x384xf32, #tpu.memory_space<vmem>> -> memref<1x128x384xf32, #tpu.memory_space<vmem>>
      %dma_start3A_72 = tpu.memref_squeeze %dma_start3A_71 : memref<1x128x384xf32, #tpu.memory_space<vmem>> -> memref<128x384xf32, #tpu.memory_space<vmem>>
      tpu.enqueue_dma source(%dma_start3A_72 : memref<128x384xf32, #tpu.memory_space<vmem>>) target(%dma_start3A_68 : memref<128x384xf32, #tpu.memory_space<hbm>>) target_semaphore(%arg9 : memref<!tpu.dma_semaphore, #tpu.memory_space<semaphore_mem>>)
      %add3A_73 = arith.constant 0 : i32
      %add3A_74 = arith.addi %multiple_of3A, %add3A_73 : i32
      %multiple_of3A_75 = tpu.assume_multiple %add3A_74, 128 : i32
      %dma_wait3A_76 = arith.constant 0 : i32
      %dma_wait3A_77 = arith.constant 0 : i32
      %dma_wait3A_78 = arith.constant 0 : i32
      %dma_wait3A_79 = tpu.memref_slice %run_scoped3A[%dma_wait3A_76, %dma_wait3A_77, %dma_wait3A_78] : memref<2x128x384xf32, #tpu.memory_space<vmem>> -> memref<1x128x384xf32, #tpu.memory_space<vmem>>
      %dma_wait3A_80 = tpu.memref_squeeze %dma_wait3A_79 : memref<1x128x384xf32, #tpu.memory_space<vmem>> -> memref<128x384xf32, #tpu.memory_space<vmem>>
      %dma_wait3A_81 = arith.constant 0 : i32
      %dma_wait3A_82 = tpu.memref_slice %arg5[%multiple_of3A_75, %dma_wait3A_81] : memref<16384x384xf32, #tpu.memory_space<hbm>> -> memref<128x384xf32, #tpu.memory_space<hbm>>
      %dma_wait3A_83 = arith.constant 0 : i32
      %dma_wait3A_84 = tpu.memref_slice %arg5[%multiple_of3A_75, %dma_wait3A_83] : memref<16384x384xf32, #tpu.memory_space<hbm>> -> memref<128x384xf32, #tpu.memory_space<hbm>>
      %dma_wait3A_85 = arith.constant 0 : i32
      %dma_wait3A_86 = arith.constant 0 : i32
      %dma_wait3A_87 = tpu.memref_slice %run_scoped3A[%dma_wait3A_76, %dma_wait3A_85, %dma_wait3A_86] : memref<2x128x384xf32, #tpu.memory_space<vmem>> -> memref<1x128x384xf32, #tpu.memory_space<vmem>>
      %dma_wait3A_88 = tpu.memref_squeeze %dma_wait3A_87 : memref<1x128x384xf32, #tpu.memory_space<vmem>> -> memref<128x384xf32, #tpu.memory_space<vmem>>
      tpu.wait_dma2 semaphore(%arg9 : memref<!tpu.dma_semaphore, #tpu.memory_space<semaphore_mem>>) src(%dma_wait3A_88 : memref<128x384xf32, #tpu.memory_space<vmem>>) dst(%dma_wait3A_84 : memref<128x384xf32, #tpu.memory_space<hbm>>)
      %dma_start3A_89 = arith.constant 0 : i32
      %dma_start3A_90 = arith.constant 0 : i32
      %dma_start3A_91 = arith.constant 0 : i32
      %dma_start3A_92 = tpu.memref_slice %run_scoped3A[%dma_start3A_89, %dma_start3A_90, %dma_start3A_91] : memref<2x128x384xf32, #tpu.memory_space<vmem>> -> memref<1x128x384xf32, #tpu.memory_space<vmem>>
      %dma_start3A_93 = tpu.memref_squeeze %dma_start3A_92 : memref<1x128x384xf32, #tpu.memory_space<vmem>> -> memref<128x384xf32, #tpu.memory_space<vmem>>
      %dma_start3A_94 = arith.constant 256 : i32
      %dma_start3A_95 = tpu.memref_slice %arg7[%dma_start3A_94] : memref<512xi32, #tpu.memory_space<vmem>> -> memref<128xi32, #tpu.memory_space<vmem>>
      %dma_start3A_96 = arith.constant 0 : i32
      %dma_start3A_97 = arith.constant 0 : i32
      %dma_start3A_98 = tpu.memref_slice %arg2[%dma_start3A_96, %dma_start3A_97] : memref<1000x384xf32, #tpu.memory_space<hbm>> -> memref<1000x384xf32, #tpu.memory_space<hbm>>
      tpu.enqueue_indirect_dma source(%dma_start3A_98 : memref<1000x384xf32, #tpu.memory_space<hbm>>) target(%dma_start3A_93 : memref<128x384xf32, #tpu.memory_space<vmem>>) offsets(%dma_start3A_95 : memref<128xi32, #tpu.memory_space<vmem>>) semaphore(%arg8 : memref<!tpu.dma_semaphore, #tpu.memory_space<semaphore_mem>>)
      %dma_wait3A_99 = arith.constant 0 : i32
      %dma_wait3A_100 = arith.constant 0 : i32
      %dma_wait3A_101 = arith.constant 0 : i32
      %dma_wait3A_102 = tpu.memref_slice %run_scoped3A[%dma_wait3A_99, %dma_wait3A_100, %dma_wait3A_101] : memref<2x128x384xf32, #tpu.memory_space<vmem>> -> memref<1x128x384xf32, #tpu.memory_space<vmem>>
      %dma_wait3A_103 = tpu.memref_squeeze %dma_wait3A_102 : memref<1x128x384xf32, #tpu.memory_space<vmem>> -> memref<128x384xf32, #tpu.memory_space<vmem>>
      %dma_wait3A_104 = arith.constant 256 : i32
      %dma_wait3A_105 = tpu.memref_slice %arg7[%dma_wait3A_104] : memref<512xi32, #tpu.memory_space<vmem>> -> memref<128xi32, #tpu.memory_space<vmem>>
      %dma_wait3A_106 = arith.constant 0 : i32
      %dma_wait3A_107 = arith.constant 0 : i32
      %dma_wait3A_108 = tpu.memref_slice %arg2[%dma_wait3A_106, %dma_wait3A_107] : memref<1000x384xf32, #tpu.memory_space<hbm>> -> memref<1000x384xf32, #tpu.memory_space<hbm>>
      tpu.wait_indirect_dma semaphore(%arg8 : memref<!tpu.dma_semaphore, #tpu.memory_space<semaphore_mem>>) src(%dma_wait3A_108 : memref<1000x384xf32, #tpu.memory_space<hbm>>) dst(%dma_wait3A_103 : memref<128x384xf32, #tpu.memory_space<vmem>>)
      %add3A_109 = arith.constant 256 : i32
      %add3A_110 = arith.addi %multiple_of3A, %add3A_109 : i32
      %multiple_of3A_111 = tpu.assume_multiple %add3A_110, 128 : i32
      %dma_start3A_112 = arith.constant 0 : i32
      %dma_start3A_113 = arith.constant 0 : i32
      %dma_start3A_114 = arith.constant 0 : i32
      %dma_start3A_115 = tpu.memref_slice %run_scoped3A[%dma_start3A_112, %dma_start3A_113, %dma_start3A_114] : memref<2x128x384xf32, #tpu.memory_space<vmem>> -> memref<1x128x384xf32, #tpu.memory_space<vmem>>
      %dma_start3A_116 = tpu.memref_squeeze %dma_start3A_115 : memref<1x128x384xf32, #tpu.memory_space<vmem>> -> memref<128x384xf32, #tpu.memory_space<vmem>>
      %dma_start3A_117 = arith.constant 0 : i32
      %dma_start3A_118 = tpu.memref_slice %arg5[%multiple_of3A_111, %dma_start3A_117] : memref<16384x384xf32, #tpu.memory_space<hbm>> -> memref<128x384xf32, #tpu.memory_space<hbm>>
      %dma_start3A_119 = arith.constant 0 : i32
      %dma_start3A_120 = tpu.memref_slice %arg5[%multiple_of3A_111, %dma_start3A_119] : memref<16384x384xf32, #tpu.memory_space<hbm>> -> memref<128x384xf32, #tpu.memory_space<hbm>>
      %dma_start3A_121 = arith.constant 0 : i32
      %dma_start3A_122 = arith.constant 0 : i32
      %dma_start3A_123 = tpu.memref_slice %run_scoped3A[%dma_start3A_112, %dma_start3A_121, %dma_start3A_122] : memref<2x128x384xf32, #tpu.memory_space<vmem>> -> memref<1x128x384xf32, #tpu.memory_space<vmem>>
      %dma_start3A_124 = tpu.memref_squeeze %dma_start3A_123 : memref<1x128x384xf32, #tpu.memory_space<vmem>> -> memref<128x384xf32, #tpu.memory_space<vmem>>
      tpu.enqueue_dma source(%dma_start3A_124 : memref<128x384xf32, #tpu.memory_space<vmem>>) target(%dma_start3A_120 : memref<128x384xf32, #tpu.memory_space<hbm>>) target_semaphore(%arg9 : memref<!tpu.dma_semaphore, #tpu.memory_space<semaphore_mem>>)
      %add3A_125 = arith.constant 128 : i32
      %add3A_126 = arith.addi %multiple_of3A, %add3A_125 : i32
      %multiple_of3A_127 = tpu.assume_multiple %add3A_126, 128 : i32
      %dma_wait3A_128 = arith.constant 1 : i32
      %dma_wait3A_129 = arith.constant 0 : i32
      %dma_wait3A_130 = arith.constant 0 : i32
      %dma_wait3A_131 = tpu.memref_slice %run_scoped3A[%dma_wait3A_128, %dma_wait3A_129, %dma_wait3A_130] : memref<2x128x384xf32, #tpu.memory_space<vmem>> -> memref<1x128x384xf32, #tpu.memory_space<vmem>>
      %dma_wait3A_132 = tpu.memref_squeeze %dma_wait3A_131 : memref<1x128x384xf32, #tpu.memory_space<vmem>> -> memref<128x384xf32, #tpu.memory_space<vmem>>
      %dma_wait3A_133 = arith.constant 0 : i32
      %dma_wait3A_134 = tpu.memref_slice %arg5[%multiple_of3A_127, %dma_wait3A_133] : memref<16384x384xf32, #tpu.memory_space<hbm>> -> memref<128x384xf32, #tpu.memory_space<hbm>>
      %dma_wait3A_135 = arith.constant 0 : i32
      %dma_wait3A_136 = tpu.memref_slice %arg5[%multiple_of3A_127, %dma_wait3A_135] : memref<16384x384xf32, #tpu.memory_space<hbm>> -> memref<128x384xf32, #tpu.memory_space<hbm>>
      %dma_wait3A_137 = arith.constant 0 : i32
      %dma_wait3A_138 = arith.constant 0 : i32
      %dma_wait3A_139 = tpu.memref_slice %run_scoped3A[%dma_wait3A_128, %dma_wait3A_137, %dma_wait3A_138] : memref<2x128x384xf32, #tpu.memory_space<vmem>> -> memref<1x128x384xf32, #tpu.memory_space<vmem>>
      %dma_wait3A_140 = tpu.memref_squeeze %dma_wait3A_139 : memref<1x128x384xf32, #tpu.memory_space<vmem>> -> memref<128x384xf32, #tpu.memory_space<vmem>>
      tpu.wait_dma2 semaphore(%arg9 : memref<!tpu.dma_semaphore, #tpu.memory_space<semaphore_mem>>) src(%dma_wait3A_140 : memref<128x384xf32, #tpu.memory_space<vmem>>) dst(%dma_wait3A_136 : memref<128x384xf32, #tpu.memory_space<hbm>>)
      %dma_start3A_141 = arith.constant 1 : i32
      %dma_start3A_142 = arith.constant 0 : i32
      %dma_start3A_143 = arith.constant 0 : i32
      %dma_start3A_144 = tpu.memref_slice %run_scoped3A[%dma_start3A_141, %dma_start3A_142, %dma_start3A_143] : memref<2x128x384xf32, #tpu.memory_space<vmem>> -> memref<1x128x384xf32, #tpu.memory_space<vmem>>
      %dma_start3A_145 = tpu.memref_squeeze %dma_start3A_144 : memref<1x128x384xf32, #tpu.memory_space<vmem>> -> memref<128x384xf32, #tpu.memory_space<vmem>>
      %dma_start3A_146 = arith.constant 384 : i32
      %dma_start3A_147 = tpu.memref_slice %arg7[%dma_start3A_146] : memref<512xi32, #tpu.memory_space<vmem>> -> memref<128xi32, #tpu.memory_space<vmem>>
      %dma_start3A_148 = arith.constant 0 : i32
      %dma_start3A_149 = arith.constant 0 : i32
      %dma_start3A_150 = tpu.memref_slice %arg2[%dma_start3A_148, %dma_start3A_149] : memref<1000x384xf32, #tpu.memory_space<hbm>> -> memref<1000x384xf32, #tpu.memory_space<hbm>>
      tpu.enqueue_indirect_dma source(%dma_start3A_150 : memref<1000x384xf32, #tpu.memory_space<hbm>>) target(%dma_start3A_145 : memref<128x384xf32, #tpu.memory_space<vmem>>) offsets(%dma_start3A_147 : memref<128xi32, #tpu.memory_space<vmem>>) semaphore(%arg8 : memref<!tpu.dma_semaphore, #tpu.memory_space<semaphore_mem>>)
      %dma_wait3A_151 = arith.constant 1 : i32
      %dma_wait3A_152 = arith.constant 0 : i32
      %dma_wait3A_153 = arith.constant 0 : i32
      %dma_wait3A_154 = tpu.memref_slice %run_scoped3A[%dma_wait3A_151, %dma_wait3A_152, %dma_wait3A_153] : memref<2x128x384xf32, #tpu.memory_space<vmem>> -> memref<1x128x384xf32, #tpu.memory_space<vmem>>
      %dma_wait3A_155 = tpu.memref_squeeze %dma_wait3A_154 : memref<1x128x384xf32, #tpu.memory_space<vmem>> -> memref<128x384xf32, #tpu.memory_space<vmem>>
      %dma_wait3A_156 = arith.constant 384 : i32
      %dma_wait3A_157 = tpu.memref_slice %arg7[%dma_wait3A_156] : memref<512xi32, #tpu.memory_space<vmem>> -> memref<128xi32, #tpu.memory_space<vmem>>
      %dma_wait3A_158 = arith.constant 0 : i32
      %dma_wait3A_159 = arith.constant 0 : i32
      %dma_wait3A_160 = tpu.memref_slice %arg2[%dma_wait3A_158, %dma_wait3A_159] : memref<1000x384xf32, #tpu.memory_space<hbm>> -> memref<1000x384xf32, #tpu.memory_space<hbm>>
      tpu.wait_indirect_dma semaphore(%arg8 : memref<!tpu.dma_semaphore, #tpu.memory_space<semaphore_mem>>) src(%dma_wait3A_160 : memref<1000x384xf32, #tpu.memory_space<hbm>>) dst(%dma_wait3A_155 : memref<128x384xf32, #tpu.memory_space<vmem>>)
      %add3A_161 = arith.constant 384 : i32
      %add3A_162 = arith.addi %multiple_of3A, %add3A_161 : i32
      %multiple_of3A_163 = tpu.assume_multiple %add3A_162, 128 : i32
      %dma_start3A_164 = arith.constant 1 : i32
      %dma_start3A_165 = arith.constant 0 : i32
      %dma_start3A_166 = arith.constant 0 : i32
      %dma_start3A_167 = tpu.memref_slice %run_scoped3A[%dma_start3A_164, %dma_start3A_165, %dma_start3A_166] : memref<2x128x384xf32, #tpu.memory_space<vmem>> -> memref<1x128x384xf32, #tpu.memory_space<vmem>>
      %dma_start3A_168 = tpu.memref_squeeze %dma_start3A_167 : memref<1x128x384xf32, #tpu.memory_space<vmem>> -> memref<128x384xf32, #tpu.memory_space<vmem>>
      %dma_start3A_169 = arith.constant 0 : i32
      %dma_start3A_170 = tpu.memref_slice %arg5[%multiple_of3A_163, %dma_start3A_169] : memref<16384x384xf32, #tpu.memory_space<hbm>> -> memref<128x384xf32, #tpu.memory_space<hbm>>
      %dma_start3A_171 = arith.constant 0 : i32
      %dma_start3A_172 = tpu.memref_slice %arg5[%multiple_of3A_163, %dma_start3A_171] : memref<16384x384xf32, #tpu.memory_space<hbm>> -> memref<128x384xf32, #tpu.memory_space<hbm>>
      %dma_start3A_173 = arith.constant 0 : i32
      %dma_start3A_174 = arith.constant 0 : i32
      %dma_start3A_175 = tpu.memref_slice %run_scoped3A[%dma_start3A_164, %dma_start3A_173, %dma_start3A_174] : memref<2x128x384xf32, #tpu.memory_space<vmem>> -> memref<1x128x384xf32, #tpu.memory_space<vmem>>
      %dma_start3A_176 = tpu.memref_squeeze %dma_start3A_175 : memref<1x128x384xf32, #tpu.memory_space<vmem>> -> memref<128x384xf32, #tpu.memory_space<vmem>>
      tpu.enqueue_dma source(%dma_start3A_176 : memref<128x384xf32, #tpu.memory_space<vmem>>) target(%dma_start3A_172 : memref<128x384xf32, #tpu.memory_space<hbm>>) target_semaphore(%arg9 : memref<!tpu.dma_semaphore, #tpu.memory_space<semaphore_mem>>)
      %add3A_177 = arith.constant 256 : i32
      %add3A_178 = arith.addi %multiple_of3A, %add3A_177 : i32
      %multiple_of3A_179 = tpu.assume_multiple %add3A_178, 128 : i32
      %dma_wait3A_180 = arith.constant 0 : i32
      %dma_wait3A_181 = arith.constant 0 : i32
      %dma_wait3A_182 = arith.constant 0 : i32
      %dma_wait3A_183 = tpu.memref_slice %run_scoped3A[%dma_wait3A_180, %dma_wait3A_181, %dma_wait3A_182] : memref<2x128x384xf32, #tpu.memory_space<vmem>> -> memref<1x128x384xf32, #tpu.memory_space<vmem>>
      %dma_wait3A_184 = tpu.memref_squeeze %dma_wait3A_183 : memref<1x128x384xf32, #tpu.memory_space<vmem>> -> memref<128x384xf32, #tpu.memory_space<vmem>>
      %dma_wait3A_185 = arith.constant 0 : i32
      %dma_wait3A_186 = tpu.memref_slice %arg5[%multiple_of3A_179, %dma_wait3A_185] : memref<16384x384xf32, #tpu.memory_space<hbm>> -> memref<128x384xf32, #tpu.memory_space<hbm>>
      %dma_wait3A_187 = arith.constant 0 : i32
      %dma_wait3A_188 = tpu.memref_slice %arg5[%multiple_of3A_179, %dma_wait3A_187] : memref<16384x384xf32, #tpu.memory_space<hbm>> -> memref<128x384xf32, #tpu.memory_space<hbm>>
      %dma_wait3A_189 = arith.constant 0 : i32
      %dma_wait3A_190 = arith.constant 0 : i32
      %dma_wait3A_191 = tpu.memref_slice %run_scoped3A[%dma_wait3A_180, %dma_wait3A_189, %dma_wait3A_190] : memref<2x128x384xf32, #tpu.memory_space<vmem>> -> memref<1x128x384xf32, #tpu.memory_space<vmem>>
      %dma_wait3A_192 = tpu.memref_squeeze %dma_wait3A_191 : memref<1x128x384xf32, #tpu.memory_space<vmem>> -> memref<128x384xf32, #tpu.memory_space<vmem>>
      tpu.wait_dma2 semaphore(%arg9 : memref<!tpu.dma_semaphore, #tpu.memory_space<semaphore_mem>>) src(%dma_wait3A_192 : memref<128x384xf32, #tpu.memory_space<vmem>>) dst(%dma_wait3A_188 : memref<128x384xf32, #tpu.memory_space<hbm>>)
      %add3A_193 = arith.constant 384 : i32
      %add3A_194 = arith.addi %multiple_of3A, %add3A_193 : i32
      %multiple_of3A_195 = tpu.assume_multiple %add3A_194, 128 : i32
      %dma_wait3A_196 = arith.constant 1 : i32
      %dma_wait3A_197 = arith.constant 0 : i32
      %dma_wait3A_198 = arith.constant 0 : i32
      %dma_wait3A_199 = tpu.memref_slice %run_scoped3A[%dma_wait3A_196, %dma_wait3A_197, %dma_wait3A_198] : memref<2x128x384xf32, #tpu.memory_space<vmem>> -> memref<1x128x384xf32, #tpu.memory_space<vmem>>
      %dma_wait3A_200 = tpu.memref_squeeze %dma_wait3A_199 : memref<1x128x384xf32, #tpu.memory_space<vmem>> -> memref<128x384xf32, #tpu.memory_space<vmem>>
      %dma_wait3A_201 = arith.constant 0 : i32
      %dma_wait3A_202 = tpu.memref_slice %arg5[%multiple_of3A_195, %dma_wait3A_201] : memref<16384x384xf32, #tpu.memory_space<hbm>> -> memref<128x384xf32, #tpu.memory_space<hbm>>
      %dma_wait3A_203 = arith.constant 0 : i32
      %dma_wait3A_204 = tpu.memref_slice %arg5[%multiple_of3A_195, %dma_wait3A_203] : memref<16384x384xf32, #tpu.memory_space<hbm>> -> memref<128x384xf32, #tpu.memory_space<hbm>>
      %dma_wait3A_205 = arith.constant 0 : i32
      %dma_wait3A_206 = arith.constant 0 : i32
      %dma_wait3A_207 = tpu.memref_slice %run_scoped3A[%dma_wait3A_196, %dma_wait3A_205, %dma_wait3A_206] : memref<2x128x384xf32, #tpu.memory_space<vmem>> -> memref<1x128x384xf32, #tpu.memory_space<vmem>>
      %dma_wait3A_208 = tpu.memref_squeeze %dma_wait3A_207 : memref<1x128x384xf32, #tpu.memory_space<vmem>> -> memref<128x384xf32, #tpu.memory_space<vmem>>
      tpu.wait_dma2 semaphore(%arg9 : memref<!tpu.dma_semaphore, #tpu.memory_space<semaphore_mem>>) src(%dma_wait3A_208 : memref<128x384xf32, #tpu.memory_space<vmem>>) dst(%dma_wait3A_204 : memref<128x384xf32, #tpu.memory_space<hbm>>)
      tpu.yield
    }) : () -> ()
    "tpu.region"() ({
      %run_scoped3A = memref.alloca() : memref<2x128x128xf32, #tpu.memory_space<vmem>>
      %dma_start3A = arith.constant 0 : i32
      %dma_start3A_3 = arith.constant 0 : i32
      %dma_start3A_4 = arith.constant 0 : i32
      %dma_start3A_5 = tpu.memref_slice %run_scoped3A[%dma_start3A, %dma_start3A_3, %dma_start3A_4] : memref<2x128x128xf32, #tpu.memory_space<vmem>> -> memref<1x128x128xf32, #tpu.memory_space<vmem>>
      %dma_start3A_6 = tpu.memref_squeeze %dma_start3A_5 : memref<1x128x128xf32, #tpu.memory_space<vmem>> -> memref<128x128xf32, #tpu.memory_space<vmem>>
      %dma_start3A_7 = arith.constant 0 : i32
      %dma_start3A_8 = tpu.memref_slice %arg7[%dma_start3A_7] : memref<512xi32, #tpu.memory_space<vmem>> -> memref<128xi32, #tpu.memory_space<vmem>>
      %dma_start3A_9 = arith.constant 0 : i32
      %dma_start3A_10 = arith.constant 0 : i32
      %dma_start3A_11 = tpu.memref_slice %arg3[%dma_start3A_9, %dma_start3A_10] : memref<1000x128xf32, #tpu.memory_space<hbm>> -> memref<1000x128xf32, #tpu.memory_space<hbm>>
      tpu.enqueue_indirect_dma source(%dma_start3A_11 : memref<1000x128xf32, #tpu.memory_space<hbm>>) target(%dma_start3A_6 : memref<128x128xf32, #tpu.memory_space<vmem>>) offsets(%dma_start3A_8 : memref<128xi32, #tpu.memory_space<vmem>>) semaphore(%arg8 : memref<!tpu.dma_semaphore, #tpu.memory_space<semaphore_mem>>)
      %dma_wait3A = arith.constant 0 : i32
      %dma_wait3A_12 = arith.constant 0 : i32
      %dma_wait3A_13 = arith.constant 0 : i32
      %dma_wait3A_14 = tpu.memref_slice %run_scoped3A[%dma_wait3A, %dma_wait3A_12, %dma_wait3A_13] : memref<2x128x128xf32, #tpu.memory_space<vmem>> -> memref<1x128x128xf32, #tpu.memory_space<vmem>>
      %dma_wait3A_15 = tpu.memref_squeeze %dma_wait3A_14 : memref<1x128x128xf32, #tpu.memory_space<vmem>> -> memref<128x128xf32, #tpu.memory_space<vmem>>
      %dma_wait3A_16 = arith.constant 0 : i32
      %dma_wait3A_17 = tpu.memref_slice %arg7[%dma_wait3A_16] : memref<512xi32, #tpu.memory_space<vmem>> -> memref<128xi32, #tpu.memory_space<vmem>>
      %dma_wait3A_18 = arith.constant 0 : i32
      %dma_wait3A_19 = arith.constant 0 : i32
      %dma_wait3A_20 = tpu.memref_slice %arg3[%dma_wait3A_18, %dma_wait3A_19] : memref<1000x128xf32, #tpu.memory_space<hbm>> -> memref<1000x128xf32, #tpu.memory_space<hbm>>
      tpu.wait_indirect_dma semaphore(%arg8 : memref<!tpu.dma_semaphore, #tpu.memory_space<semaphore_mem>>) src(%dma_wait3A_20 : memref<1000x128xf32, #tpu.memory_space<hbm>>) dst(%dma_wait3A_15 : memref<128x128xf32, #tpu.memory_space<vmem>>)
      %add3A_21 = arith.constant 0 : i32
      %add3A_22 = arith.addi %multiple_of3A, %add3A_21 : i32
      %multiple_of3A_23 = tpu.assume_multiple %add3A_22, 128 : i32
      %dma_start3A_24 = arith.constant 0 : i32
      %dma_start3A_25 = arith.constant 0 : i32
      %dma_start3A_26 = arith.constant 0 : i32
      %dma_start3A_27 = tpu.memref_slice %run_scoped3A[%dma_start3A_24, %dma_start3A_25, %dma_start3A_26] : memref<2x128x128xf32, #tpu.memory_space<vmem>> -> memref<1x128x128xf32, #tpu.memory_space<vmem>>
      %dma_start3A_28 = tpu.memref_squeeze %dma_start3A_27 : memref<1x128x128xf32, #tpu.memory_space<vmem>> -> memref<128x128xf32, #tpu.memory_space<vmem>>
      %dma_start3A_29 = arith.constant 0 : i32
      %dma_start3A_30 = tpu.memref_slice %arg6[%multiple_of3A_23, %dma_start3A_29] : memref<16384x128xf32, #tpu.memory_space<hbm>> -> memref<128x128xf32, #tpu.memory_space<hbm>>
      %dma_start3A_31 = arith.constant 0 : i32
      %dma_start3A_32 = tpu.memref_slice %arg6[%multiple_of3A_23, %dma_start3A_31] : memref<16384x128xf32, #tpu.memory_space<hbm>> -> memref<128x128xf32, #tpu.memory_space<hbm>>
      %dma_start3A_33 = arith.constant 0 : i32
      %dma_start3A_34 = arith.constant 0 : i32
      %dma_start3A_35 = tpu.memref_slice %run_scoped3A[%dma_start3A_24, %dma_start3A_33, %dma_start3A_34] : memref<2x128x128xf32, #tpu.memory_space<vmem>> -> memref<1x128x128xf32, #tpu.memory_space<vmem>>
      %dma_start3A_36 = tpu.memref_squeeze %dma_start3A_35 : memref<1x128x128xf32, #tpu.memory_space<vmem>> -> memref<128x128xf32, #tpu.memory_space<vmem>>
      tpu.enqueue_dma source(%dma_start3A_36 : memref<128x128xf32, #tpu.memory_space<vmem>>) target(%dma_start3A_32 : memref<128x128xf32, #tpu.memory_space<hbm>>) target_semaphore(%arg9 : memref<!tpu.dma_semaphore, #tpu.memory_space<semaphore_mem>>)
      %dma_start3A_37 = arith.constant 1 : i32
      %dma_start3A_38 = arith.constant 0 : i32
      %dma_start3A_39 = arith.constant 0 : i32
      %dma_start3A_40 = tpu.memref_slice %run_scoped3A[%dma_start3A_37, %dma_start3A_38, %dma_start3A_39] : memref<2x128x128xf32, #tpu.memory_space<vmem>> -> memref<1x128x128xf32, #tpu.memory_space<vmem>>
      %dma_start3A_41 = tpu.memref_squeeze %dma_start3A_40 : memref<1x128x128xf32, #tpu.memory_space<vmem>> -> memref<128x128xf32, #tpu.memory_space<vmem>>
      %dma_start3A_42 = arith.constant 128 : i32
      %dma_start3A_43 = tpu.memref_slice %arg7[%dma_start3A_42] : memref<512xi32, #tpu.memory_space<vmem>> -> memref<128xi32, #tpu.memory_space<vmem>>
      %dma_start3A_44 = arith.constant 0 : i32
      %dma_start3A_45 = arith.constant 0 : i32
      %dma_start3A_46 = tpu.memref_slice %arg3[%dma_start3A_44, %dma_start3A_45] : memref<1000x128xf32, #tpu.memory_space<hbm>> -> memref<1000x128xf32, #tpu.memory_space<hbm>>
      tpu.enqueue_indirect_dma source(%dma_start3A_46 : memref<1000x128xf32, #tpu.memory_space<hbm>>) target(%dma_start3A_41 : memref<128x128xf32, #tpu.memory_space<vmem>>) offsets(%dma_start3A_43 : memref<128xi32, #tpu.memory_space<vmem>>) semaphore(%arg8 : memref<!tpu.dma_semaphore, #tpu.memory_space<semaphore_mem>>)
      %dma_wait3A_47 = arith.constant 1 : i32
      %dma_wait3A_48 = arith.constant 0 : i32
      %dma_wait3A_49 = arith.constant 0 : i32
      %dma_wait3A_50 = tpu.memref_slice %run_scoped3A[%dma_wait3A_47, %dma_wait3A_48, %dma_wait3A_49] : memref<2x128x128xf32, #tpu.memory_space<vmem>> -> memref<1x128x128xf32, #tpu.memory_space<vmem>>
      %dma_wait3A_51 = tpu.memref_squeeze %dma_wait3A_50 : memref<1x128x128xf32, #tpu.memory_space<vmem>> -> memref<128x128xf32, #tpu.memory_space<vmem>>
      %dma_wait3A_52 = arith.constant 128 : i32
      %dma_wait3A_53 = tpu.memref_slice %arg7[%dma_wait3A_52] : memref<512xi32, #tpu.memory_space<vmem>> -> memref<128xi32, #tpu.memory_space<vmem>>
      %dma_wait3A_54 = arith.constant 0 : i32
      %dma_wait3A_55 = arith.constant 0 : i32
      %dma_wait3A_56 = tpu.memref_slice %arg3[%dma_wait3A_54, %dma_wait3A_55] : memref<1000x128xf32, #tpu.memory_space<hbm>> -> memref<1000x128xf32, #tpu.memory_space<hbm>>
      tpu.wait_indirect_dma semaphore(%arg8 : memref<!tpu.dma_semaphore, #tpu.memory_space<semaphore_mem>>) src(%dma_wait3A_56 : memref<1000x128xf32, #tpu.memory_space<hbm>>) dst(%dma_wait3A_51 : memref<128x128xf32, #tpu.memory_space<vmem>>)
      %add3A_57 = arith.constant 128 : i32
      %add3A_58 = arith.addi %multiple_of3A, %add3A_57 : i32
      %multiple_of3A_59 = tpu.assume_multiple %add3A_58, 128 : i32
      %dma_start3A_60 = arith.constant 1 : i32
      %dma_start3A_61 = arith.constant 0 : i32
      %dma_start3A_62 = arith.constant 0 : i32
      %dma_start3A_63 = tpu.memref_slice %run_scoped3A[%dma_start3A_60, %dma_start3A_61, %dma_start3A_62] : memref<2x128x128xf32, #tpu.memory_space<vmem>> -> memref<1x128x128xf32, #tpu.memory_space<vmem>>
      %dma_start3A_64 = tpu.memref_squeeze %dma_start3A_63 : memref<1x128x128xf32, #tpu.memory_space<vmem>> -> memref<128x128xf32, #tpu.memory_space<vmem>>
      %dma_start3A_65 = arith.constant 0 : i32
      %dma_start3A_66 = tpu.memref_slice %arg6[%multiple_of3A_59, %dma_start3A_65] : memref<16384x128xf32, #tpu.memory_space<hbm>> -> memref<128x128xf32, #tpu.memory_space<hbm>>
      %dma_start3A_67 = arith.constant 0 : i32
      %dma_start3A_68 = tpu.memref_slice %arg6[%multiple_of3A_59, %dma_start3A_67] : memref<16384x128xf32, #tpu.memory_space<hbm>> -> memref<128x128xf32, #tpu.memory_space<hbm>>
      %dma_start3A_69 = arith.constant 0 : i32
      %dma_start3A_70 = arith.constant 0 : i32
      %dma_start3A_71 = tpu.memref_slice %run_scoped3A[%dma_start3A_60, %dma_start3A_69, %dma_start3A_70] : memref<2x128x128xf32, #tpu.memory_space<vmem>> -> memref<1x128x128xf32, #tpu.memory_space<vmem>>
      %dma_start3A_72 = tpu.memref_squeeze %dma_start3A_71 : memref<1x128x128xf32, #tpu.memory_space<vmem>> -> memref<128x128xf32, #tpu.memory_space<vmem>>
      tpu.enqueue_dma source(%dma_start3A_72 : memref<128x128xf32, #tpu.memory_space<vmem>>) target(%dma_start3A_68 : memref<128x128xf32, #tpu.memory_space<hbm>>) target_semaphore(%arg9 : memref<!tpu.dma_semaphore, #tpu.memory_space<semaphore_mem>>)
      %add3A_73 = arith.constant 0 : i32
      %add3A_74 = arith.addi %multiple_of3A, %add3A_73 : i32
      %multiple_of3A_75 = tpu.assume_multiple %add3A_74, 128 : i32
      %dma_wait3A_76 = arith.constant 0 : i32
      %dma_wait3A_77 = arith.constant 0 : i32
      %dma_wait3A_78 = arith.constant 0 : i32
      %dma_wait3A_79 = tpu.memref_slice %run_scoped3A[%dma_wait3A_76, %dma_wait3A_77, %dma_wait3A_78] : memref<2x128x128xf32, #tpu.memory_space<vmem>> -> memref<1x128x128xf32, #tpu.memory_space<vmem>>
      %dma_wait3A_80 = tpu.memref_squeeze %dma_wait3A_79 : memref<1x128x128xf32, #tpu.memory_space<vmem>> -> memref<128x128xf32, #tpu.memory_space<vmem>>
      %dma_wait3A_81 = arith.constant 0 : i32
      %dma_wait3A_82 = tpu.memref_slice %arg6[%multiple_of3A_75, %dma_wait3A_81] : memref<16384x128xf32, #tpu.memory_space<hbm>> -> memref<128x128xf32, #tpu.memory_space<hbm>>
      %dma_wait3A_83 = arith.constant 0 : i32
      %dma_wait3A_84 = tpu.memref_slice %arg6[%multiple_of3A_75, %dma_wait3A_83] : memref<16384x128xf32, #tpu.memory_space<hbm>> -> memref<128x128xf32, #tpu.memory_space<hbm>>
      %dma_wait3A_85 = arith.constant 0 : i32
      %dma_wait3A_86 = arith.constant 0 : i32
      %dma_wait3A_87 = tpu.memref_slice %run_scoped3A[%dma_wait3A_76, %dma_wait3A_85, %dma_wait3A_86] : memref<2x128x128xf32, #tpu.memory_space<vmem>> -> memref<1x128x128xf32, #tpu.memory_space<vmem>>
      %dma_wait3A_88 = tpu.memref_squeeze %dma_wait3A_87 : memref<1x128x128xf32, #tpu.memory_space<vmem>> -> memref<128x128xf32, #tpu.memory_space<vmem>>
      tpu.wait_dma2 semaphore(%arg9 : memref<!tpu.dma_semaphore, #tpu.memory_space<semaphore_mem>>) src(%dma_wait3A_88 : memref<128x128xf32, #tpu.memory_space<vmem>>) dst(%dma_wait3A_84 : memref<128x128xf32, #tpu.memory_space<hbm>>)
      %dma_start3A_89 = arith.constant 0 : i32
      %dma_start3A_90 = arith.constant 0 : i32
      %dma_start3A_91 = arith.constant 0 : i32
      %dma_start3A_92 = tpu.memref_slice %run_scoped3A[%dma_start3A_89, %dma_start3A_90, %dma_start3A_91] : memref<2x128x128xf32, #tpu.memory_space<vmem>> -> memref<1x128x128xf32, #tpu.memory_space<vmem>>
      %dma_start3A_93 = tpu.memref_squeeze %dma_start3A_92 : memref<1x128x128xf32, #tpu.memory_space<vmem>> -> memref<128x128xf32, #tpu.memory_space<vmem>>
      %dma_start3A_94 = arith.constant 256 : i32
      %dma_start3A_95 = tpu.memref_slice %arg7[%dma_start3A_94] : memref<512xi32, #tpu.memory_space<vmem>> -> memref<128xi32, #tpu.memory_space<vmem>>
      %dma_start3A_96 = arith.constant 0 : i32
      %dma_start3A_97 = arith.constant 0 : i32
      %dma_start3A_98 = tpu.memref_slice %arg3[%dma_start3A_96, %dma_start3A_97] : memref<1000x128xf32, #tpu.memory_space<hbm>> -> memref<1000x128xf32, #tpu.memory_space<hbm>>
      tpu.enqueue_indirect_dma source(%dma_start3A_98 : memref<1000x128xf32, #tpu.memory_space<hbm>>) target(%dma_start3A_93 : memref<128x128xf32, #tpu.memory_space<vmem>>) offsets(%dma_start3A_95 : memref<128xi32, #tpu.memory_space<vmem>>) semaphore(%arg8 : memref<!tpu.dma_semaphore, #tpu.memory_space<semaphore_mem>>)
      %dma_wait3A_99 = arith.constant 0 : i32
      %dma_wait3A_100 = arith.constant 0 : i32
      %dma_wait3A_101 = arith.constant 0 : i32
      %dma_wait3A_102 = tpu.memref_slice %run_scoped3A[%dma_wait3A_99, %dma_wait3A_100, %dma_wait3A_101] : memref<2x128x128xf32, #tpu.memory_space<vmem>> -> memref<1x128x128xf32, #tpu.memory_space<vmem>>
      %dma_wait3A_103 = tpu.memref_squeeze %dma_wait3A_102 : memref<1x128x128xf32, #tpu.memory_space<vmem>> -> memref<128x128xf32, #tpu.memory_space<vmem>>
      %dma_wait3A_104 = arith.constant 256 : i32
      %dma_wait3A_105 = tpu.memref_slice %arg7[%dma_wait3A_104] : memref<512xi32, #tpu.memory_space<vmem>> -> memref<128xi32, #tpu.memory_space<vmem>>
      %dma_wait3A_106 = arith.constant 0 : i32
      %dma_wait3A_107 = arith.constant 0 : i32
      %dma_wait3A_108 = tpu.memref_slice %arg3[%dma_wait3A_106, %dma_wait3A_107] : memref<1000x128xf32, #tpu.memory_space<hbm>> -> memref<1000x128xf32, #tpu.memory_space<hbm>>
      tpu.wait_indirect_dma semaphore(%arg8 : memref<!tpu.dma_semaphore, #tpu.memory_space<semaphore_mem>>) src(%dma_wait3A_108 : memref<1000x128xf32, #tpu.memory_space<hbm>>) dst(%dma_wait3A_103 : memref<128x128xf32, #tpu.memory_space<vmem>>)
      %add3A_109 = arith.constant 256 : i32
      %add3A_110 = arith.addi %multiple_of3A, %add3A_109 : i32
      %multiple_of3A_111 = tpu.assume_multiple %add3A_110, 128 : i32
      %dma_start3A_112 = arith.constant 0 : i32
      %dma_start3A_113 = arith.constant 0 : i32
      %dma_start3A_114 = arith.constant 0 : i32
      %dma_start3A_115 = tpu.memref_slice %run_scoped3A[%dma_start3A_112, %dma_start3A_113, %dma_start3A_114] : memref<2x128x128xf32, #tpu.memory_space<vmem>> -> memref<1x128x128xf32, #tpu.memory_space<vmem>>
      %dma_start3A_116 = tpu.memref_squeeze %dma_start3A_115 : memref<1x128x128xf32, #tpu.memory_space<vmem>> -> memref<128x128xf32, #tpu.memory_space<vmem>>
      %dma_start3A_117 = arith.constant 0 : i32
      %dma_start3A_118 = tpu.memref_slice %arg6[%multiple_of3A_111, %dma_start3A_117] : memref<16384x128xf32, #tpu.memory_space<hbm>> -> memref<128x128xf32, #tpu.memory_space<hbm>>
      %dma_start3A_119 = arith.constant 0 : i32
      %dma_start3A_120 = tpu.memref_slice %arg6[%multiple_of3A_111, %dma_start3A_119] : memref<16384x128xf32, #tpu.memory_space<hbm>> -> memref<128x128xf32, #tpu.memory_space<hbm>>
      %dma_start3A_121 = arith.constant 0 : i32
      %dma_start3A_122 = arith.constant 0 : i32
      %dma_start3A_123 = tpu.memref_slice %run_scoped3A[%dma_start3A_112, %dma_start3A_121, %dma_start3A_122] : memref<2x128x128xf32, #tpu.memory_space<vmem>> -> memref<1x128x128xf32, #tpu.memory_space<vmem>>
      %dma_start3A_124 = tpu.memref_squeeze %dma_start3A_123 : memref<1x128x128xf32, #tpu.memory_space<vmem>> -> memref<128x128xf32, #tpu.memory_space<vmem>>
      tpu.enqueue_dma source(%dma_start3A_124 : memref<128x128xf32, #tpu.memory_space<vmem>>) target(%dma_start3A_120 : memref<128x128xf32, #tpu.memory_space<hbm>>) target_semaphore(%arg9 : memref<!tpu.dma_semaphore, #tpu.memory_space<semaphore_mem>>)
      %add3A_125 = arith.constant 128 : i32
      %add3A_126 = arith.addi %multiple_of3A, %add3A_125 : i32
      %multiple_of3A_127 = tpu.assume_multiple %add3A_126, 128 : i32
      %dma_wait3A_128 = arith.constant 1 : i32
      %dma_wait3A_129 = arith.constant 0 : i32
      %dma_wait3A_130 = arith.constant 0 : i32
      %dma_wait3A_131 = tpu.memref_slice %run_scoped3A[%dma_wait3A_128, %dma_wait3A_129, %dma_wait3A_130] : memref<2x128x128xf32, #tpu.memory_space<vmem>> -> memref<1x128x128xf32, #tpu.memory_space<vmem>>
      %dma_wait3A_132 = tpu.memref_squeeze %dma_wait3A_131 : memref<1x128x128xf32, #tpu.memory_space<vmem>> -> memref<128x128xf32, #tpu.memory_space<vmem>>
      %dma_wait3A_133 = arith.constant 0 : i32
      %dma_wait3A_134 = tpu.memref_slice %arg6[%multiple_of3A_127, %dma_wait3A_133] : memref<16384x128xf32, #tpu.memory_space<hbm>> -> memref<128x128xf32, #tpu.memory_space<hbm>>
      %dma_wait3A_135 = arith.constant 0 : i32
      %dma_wait3A_136 = tpu.memref_slice %arg6[%multiple_of3A_127, %dma_wait3A_135] : memref<16384x128xf32, #tpu.memory_space<hbm>> -> memref<128x128xf32, #tpu.memory_space<hbm>>
      %dma_wait3A_137 = arith.constant 0 : i32
      %dma_wait3A_138 = arith.constant 0 : i32
      %dma_wait3A_139 = tpu.memref_slice %run_scoped3A[%dma_wait3A_128, %dma_wait3A_137, %dma_wait3A_138] : memref<2x128x128xf32, #tpu.memory_space<vmem>> -> memref<1x128x128xf32, #tpu.memory_space<vmem>>
      %dma_wait3A_140 = tpu.memref_squeeze %dma_wait3A_139 : memref<1x128x128xf32, #tpu.memory_space<vmem>> -> memref<128x128xf32, #tpu.memory_space<vmem>>
      tpu.wait_dma2 semaphore(%arg9 : memref<!tpu.dma_semaphore, #tpu.memory_space<semaphore_mem>>) src(%dma_wait3A_140 : memref<128x128xf32, #tpu.memory_space<vmem>>) dst(%dma_wait3A_136 : memref<128x128xf32, #tpu.memory_space<hbm>>)
      %dma_start3A_141 = arith.constant 1 : i32
      %dma_start3A_142 = arith.constant 0 : i32
      %dma_start3A_143 = arith.constant 0 : i32
      %dma_start3A_144 = tpu.memref_slice %run_scoped3A[%dma_start3A_141, %dma_start3A_142, %dma_start3A_143] : memref<2x128x128xf32, #tpu.memory_space<vmem>> -> memref<1x128x128xf32, #tpu.memory_space<vmem>>
      %dma_start3A_145 = tpu.memref_squeeze %dma_start3A_144 : memref<1x128x128xf32, #tpu.memory_space<vmem>> -> memref<128x128xf32, #tpu.memory_space<vmem>>
      %dma_start3A_146 = arith.constant 384 : i32
      %dma_start3A_147 = tpu.memref_slice %arg7[%dma_start3A_146] : memref<512xi32, #tpu.memory_space<vmem>> -> memref<128xi32, #tpu.memory_space<vmem>>
      %dma_start3A_148 = arith.constant 0 : i32
      %dma_start3A_149 = arith.constant 0 : i32
      %dma_start3A_150 = tpu.memref_slice %arg3[%dma_start3A_148, %dma_start3A_149] : memref<1000x128xf32, #tpu.memory_space<hbm>> -> memref<1000x128xf32, #tpu.memory_space<hbm>>
      tpu.enqueue_indirect_dma source(%dma_start3A_150 : memref<1000x128xf32, #tpu.memory_space<hbm>>) target(%dma_start3A_145 : memref<128x128xf32, #tpu.memory_space<vmem>>) offsets(%dma_start3A_147 : memref<128xi32, #tpu.memory_space<vmem>>) semaphore(%arg8 : memref<!tpu.dma_semaphore, #tpu.memory_space<semaphore_mem>>)
      %dma_wait3A_151 = arith.constant 1 : i32
      %dma_wait3A_152 = arith.constant 0 : i32
      %dma_wait3A_153 = arith.constant 0 : i32
      %dma_wait3A_154 = tpu.memref_slice %run_scoped3A[%dma_wait3A_151, %dma_wait3A_152, %dma_wait3A_153] : memref<2x128x128xf32, #tpu.memory_space<vmem>> -> memref<1x128x128xf32, #tpu.memory_space<vmem>>
      %dma_wait3A_155 = tpu.memref_squeeze %dma_wait3A_154 : memref<1x128x128xf32, #tpu.memory_space<vmem>> -> memref<128x128xf32, #tpu.memory_space<vmem>>
      %dma_wait3A_156 = arith.constant 384 : i32
      %dma_wait3A_157 = tpu.memref_slice %arg7[%dma_wait3A_156] : memref<512xi32, #tpu.memory_space<vmem>> -> memref<128xi32, #tpu.memory_space<vmem>>
      %dma_wait3A_158 = arith.constant 0 : i32
      %dma_wait3A_159 = arith.constant 0 : i32
      %dma_wait3A_160 = tpu.memref_slice %arg3[%dma_wait3A_158, %dma_wait3A_159] : memref<1000x128xf32, #tpu.memory_space<hbm>> -> memref<1000x128xf32, #tpu.memory_space<hbm>>
      tpu.wait_indirect_dma semaphore(%arg8 : memref<!tpu.dma_semaphore, #tpu.memory_space<semaphore_mem>>) src(%dma_wait3A_160 : memref<1000x128xf32, #tpu.memory_space<hbm>>) dst(%dma_wait3A_155 : memref<128x128xf32, #tpu.memory_space<vmem>>)
      %add3A_161 = arith.constant 384 : i32
      %add3A_162 = arith.addi %multiple_of3A, %add3A_161 : i32
      %multiple_of3A_163 = tpu.assume_multiple %add3A_162, 128 : i32
      %dma_start3A_164 = arith.constant 1 : i32
      %dma_start3A_165 = arith.constant 0 : i32
      %dma_start3A_166 = arith.constant 0 : i32
      %dma_start3A_167 = tpu.memref_slice %run_scoped3A[%dma_start3A_164, %dma_start3A_165, %dma_start3A_166] : memref<2x128x128xf32, #tpu.memory_space<vmem>> -> memref<1x128x128xf32, #tpu.memory_space<vmem>>
      %dma_start3A_168 = tpu.memref_squeeze %dma_start3A_167 : memref<1x128x128xf32, #tpu.memory_space<vmem>> -> memref<128x128xf32, #tpu.memory_space<vmem>>
      %dma_start3A_169 = arith.constant 0 : i32
      %dma_start3A_170 = tpu.memref_slice %arg6[%multiple_of3A_163, %dma_start3A_169] : memref<16384x128xf32, #tpu.memory_space<hbm>> -> memref<128x128xf32, #tpu.memory_space<hbm>>
      %dma_start3A_171 = arith.constant 0 : i32
      %dma_start3A_172 = tpu.memref_slice %arg6[%multiple_of3A_163, %dma_start3A_171] : memref<16384x128xf32, #tpu.memory_space<hbm>> -> memref<128x128xf32, #tpu.memory_space<hbm>>
      %dma_start3A_173 = arith.constant 0 : i32
      %dma_start3A_174 = arith.constant 0 : i32
      %dma_start3A_175 = tpu.memref_slice %run_scoped3A[%dma_start3A_164, %dma_start3A_173, %dma_start3A_174] : memref<2x128x128xf32, #tpu.memory_space<vmem>> -> memref<1x128x128xf32, #tpu.memory_space<vmem>>
      %dma_start3A_176 = tpu.memref_squeeze %dma_start3A_175 : memref<1x128x128xf32, #tpu.memory_space<vmem>> -> memref<128x128xf32, #tpu.memory_space<vmem>>
      tpu.enqueue_dma source(%dma_start3A_176 : memref<128x128xf32, #tpu.memory_space<vmem>>) target(%dma_start3A_172 : memref<128x128xf32, #tpu.memory_space<hbm>>) target_semaphore(%arg9 : memref<!tpu.dma_semaphore, #tpu.memory_space<semaphore_mem>>)
      %add3A_177 = arith.constant 256 : i32
      %add3A_178 = arith.addi %multiple_of3A, %add3A_177 : i32
      %multiple_of3A_179 = tpu.assume_multiple %add3A_178, 128 : i32
      %dma_wait3A_180 = arith.constant 0 : i32
      %dma_wait3A_181 = arith.constant 0 : i32
      %dma_wait3A_182 = arith.constant 0 : i32
      %dma_wait3A_183 = tpu.memref_slice %run_scoped3A[%dma_wait3A_180, %dma_wait3A_181, %dma_wait3A_182] : memref<2x128x128xf32, #tpu.memory_space<vmem>> -> memref<1x128x128xf32, #tpu.memory_space<vmem>>
      %dma_wait3A_184 = tpu.memref_squeeze %dma_wait3A_183 : memref<1x128x128xf32, #tpu.memory_space<vmem>> -> memref<128x128xf32, #tpu.memory_space<vmem>>
      %dma_wait3A_185 = arith.constant 0 : i32
      %dma_wait3A_186 = tpu.memref_slice %arg6[%multiple_of3A_179, %dma_wait3A_185] : memref<16384x128xf32, #tpu.memory_space<hbm>> -> memref<128x128xf32, #tpu.memory_space<hbm>>
      %dma_wait3A_187 = arith.constant 0 : i32
      %dma_wait3A_188 = tpu.memref_slice %arg6[%multiple_of3A_179, %dma_wait3A_187] : memref<16384x128xf32, #tpu.memory_space<hbm>> -> memref<128x128xf32, #tpu.memory_space<hbm>>
      %dma_wait3A_189 = arith.constant 0 : i32
      %dma_wait3A_190 = arith.constant 0 : i32
      %dma_wait3A_191 = tpu.memref_slice %run_scoped3A[%dma_wait3A_180, %dma_wait3A_189, %dma_wait3A_190] : memref<2x128x128xf32, #tpu.memory_space<vmem>> -> memref<1x128x128xf32, #tpu.memory_space<vmem>>
      %dma_wait3A_192 = tpu.memref_squeeze %dma_wait3A_191 : memref<1x128x128xf32, #tpu.memory_space<vmem>> -> memref<128x128xf32, #tpu.memory_space<vmem>>
      tpu.wait_dma2 semaphore(%arg9 : memref<!tpu.dma_semaphore, #tpu.memory_space<semaphore_mem>>) src(%dma_wait3A_192 : memref<128x128xf32, #tpu.memory_space<vmem>>) dst(%dma_wait3A_188 : memref<128x128xf32, #tpu.memory_space<hbm>>)
      %add3A_193 = arith.constant 384 : i32
      %add3A_194 = arith.addi %multiple_of3A, %add3A_193 : i32
      %multiple_of3A_195 = tpu.assume_multiple %add3A_194, 128 : i32
      %dma_wait3A_196 = arith.constant 1 : i32
      %dma_wait3A_197 = arith.constant 0 : i32
      %dma_wait3A_198 = arith.constant 0 : i32
      %dma_wait3A_199 = tpu.memref_slice %run_scoped3A[%dma_wait3A_196, %dma_wait3A_197, %dma_wait3A_198] : memref<2x128x128xf32, #tpu.memory_space<vmem>> -> memref<1x128x128xf32, #tpu.memory_space<vmem>>
      %dma_wait3A_200 = tpu.memref_squeeze %dma_wait3A_199 : memref<1x128x128xf32, #tpu.memory_space<vmem>> -> memref<128x128xf32, #tpu.memory_space<vmem>>
      %dma_wait3A_201 = arith.constant 0 : i32
      %dma_wait3A_202 = tpu.memref_slice %arg6[%multiple_of3A_195, %dma_wait3A_201] : memref<16384x128xf32, #tpu.memory_space<hbm>> -> memref<128x128xf32, #tpu.memory_space<hbm>>
      %dma_wait3A_203 = arith.constant 0 : i32
      %dma_wait3A_204 = tpu.memref_slice %arg6[%multiple_of3A_195, %dma_wait3A_203] : memref<16384x128xf32, #tpu.memory_space<hbm>> -> memref<128x128xf32, #tpu.memory_space<hbm>>
      %dma_wait3A_205 = arith.constant 0 : i32
      %dma_wait3A_206 = arith.constant 0 : i32
      %dma_wait3A_207 = tpu.memref_slice %run_scoped3A[%dma_wait3A_196, %dma_wait3A_205, %dma_wait3A_206] : memref<2x128x128xf32, #tpu.memory_space<vmem>> -> memref<1x128x128xf32, #tpu.memory_space<vmem>>
      %dma_wait3A_208 = tpu.memref_squeeze %dma_wait3A_207 : memref<1x128x128xf32, #tpu.memory_space<vmem>> -> memref<128x128xf32, #tpu.memory_space<vmem>>
      tpu.wait_dma2 semaphore(%arg9 : memref<!tpu.dma_semaphore, #tpu.memory_space<semaphore_mem>>) src(%dma_wait3A_208 : memref<128x128xf32, #tpu.memory_space<vmem>>) dst(%dma_wait3A_204 : memref<128x128xf32, #tpu.memory_space<hbm>>)
      tpu.yield
    }) : () -> ()
    return
  }
}

module attributes {stable_mosaic.version = 14 : i64} {
  func.func @_etab_kernel(%arg0: memref<1000x256xf32, #tpu.memory_space<vmem>>, %arg1: memref<256x768xf32, #tpu.memory_space<vmem>>, %arg2: memref<1x768xf32, #tpu.memory_space<vmem>>, %arg3: memref<256x256xf32, #tpu.memory_space<vmem>>, %arg4: memref<1x256xf32, #tpu.memory_space<vmem>>, %arg5: memref<1000x384xf32, #tpu.memory_space<vmem>>, %arg6: memref<1000x128xf32, #tpu.memory_space<vmem>>, %arg7: memref<1000x256xf32, #tpu.memory_space<vmem>>) attributes {dimension_semantics = [], scalar_prefetch = 0 : i64, scratch_operands = 0 : i64, tpu.core_type = #tpu.core_type<tc>} {
    %get3A = arith.constant 0 : index
    %get3A_0 = arith.constant 0 : index
    %get3A_1 = vector.load %arg0[%get3A, %get3A_0] : memref<1000x256xf32, #tpu.memory_space<vmem>>, vector<1000x256xf32>
    %get3A_2 = arith.constant 0 : index
    %get3A_3 = arith.constant 0 : index
    %get3A_4 = vector.load %arg1[%get3A_2, %get3A_3] : memref<256x768xf32, #tpu.memory_space<vmem>>, vector<256x768xf32>
    %dot_general3A = arith.constant dense<0.000000e+00> : vector<1000x768xf32>
    %dot_general3A_5 = tpu.matmul %get3A_1, %get3A_4, %dot_general3A {dimension_numbers = #tpu.dot_dimension_numbers<[1], [0], [0], [1], [0, 0, 1, 1], [], []>, transpose_lhs_hint = false} : vector<1000x256xf32>, vector<256x768xf32>, vector<1000x768xf32> -> vector<1000x768xf32>
    %get3A_6 = arith.constant 0 : index
    %get3A_7 = arith.constant 0 : index
    %get3A_8 = vector.load %arg2[%get3A_6, %get3A_7] : memref<1x768xf32, #tpu.memory_space<vmem>>, vector<1x768xf32>
    %add3A = vector.broadcast %get3A_8 : vector<1x768xf32> to vector<1000x768xf32>
    %add3A_9 = arith.addf %dot_general3A_5, %add3A : vector<1000x768xf32>
    %slice3A = vector.extract_strided_slice %add3A_9 {offsets = [0, 0], sizes = [1000, 384], strides = [1, 1]} : vector<1000x768xf32> to vector<1000x384xf32>
    %slice3A_10 = vector.extract_strided_slice %add3A_9 {offsets = [0, 384], sizes = [1000, 384], strides = [1, 1]} : vector<1000x768xf32> to vector<1000x384xf32>
    %convert_element_type3A = arith.truncf %slice3A : vector<1000x384xf32> to vector<1000x384xbf16>
    %convert_element_type3A_11 = arith.extf %convert_element_type3A : vector<1000x384xbf16> to vector<1000x384xf32>
    %bitcast_convert_type3A = tpu.bitcast %convert_element_type3A_11 : vector<1000x384xf32> -> vector<1000x384xi32>
    %convert_element_type3A_12 = arith.truncf %slice3A_10 : vector<1000x384xf32> to vector<1000x384xbf16>
    %convert_element_type3A_13 = arith.extf %convert_element_type3A_12 : vector<1000x384xbf16> to vector<1000x384xf32>
    %bitcast_convert_type3A_14 = tpu.bitcast %convert_element_type3A_13 : vector<1000x384xf32> -> vector<1000x384xi32>
    %shift_right_logical3A = arith.constant 16 : i32
    %shift_right_logical3A_15 = vector.broadcast %shift_right_logical3A : i32 to vector<1000x384xi32>
    %shift_right_logical3A_16 = arith.shrui %bitcast_convert_type3A, %shift_right_logical3A_15 : vector<1000x384xi32>
    %or3A = arith.ori %bitcast_convert_type3A_14, %shift_right_logical3A_16 : vector<1000x384xi32>
    %bitcast_convert_type3A_17 = tpu.bitcast %or3A : vector<1000x384xi32> -> vector<1000x384xf32>
    %swap3A = arith.constant 0 : index
    %swap3A_18 = arith.constant 0 : index
    %swap3A_19 = vector.load %arg5[%swap3A, %swap3A_18] : memref<1000x384xf32, #tpu.memory_space<vmem>>, vector<1000x384xf32>
    tpu.vector_store %arg5[%swap3A, %swap3A_18], %bitcast_convert_type3A_17 {strides = array<i32>} : memref<1000x384xf32, #tpu.memory_space<vmem>>, vector<1000x384xf32>,
    %get3A_20 = arith.constant 0 : index
    %get3A_21 = arith.constant 0 : index
    %get3A_22 = vector.load %arg3[%get3A_20, %get3A_21] : memref<256x256xf32, #tpu.memory_space<vmem>>, vector<256x256xf32>
    %dot_general3A_23 = arith.constant dense<0.000000e+00> : vector<1000x256xf32>
    %dot_general3A_24 = tpu.matmul %get3A_1, %get3A_22, %dot_general3A_23 {dimension_numbers = #tpu.dot_dimension_numbers<[1], [0], [0], [1], [0, 0, 1, 1], [], []>, transpose_lhs_hint = false} : vector<1000x256xf32>, vector<256x256xf32>, vector<1000x256xf32> -> vector<1000x256xf32>
    %get3A_25 = arith.constant 0 : index
    %get3A_26 = arith.constant 0 : index
    %get3A_27 = vector.load %arg4[%get3A_25, %get3A_26] : memref<1x256xf32, #tpu.memory_space<vmem>>, vector<1x256xf32>
    %add3A_28 = vector.broadcast %get3A_27 : vector<1x256xf32> to vector<1000x256xf32>
    %add3A_29 = arith.addf %dot_general3A_24, %add3A_28 : vector<1000x256xf32>
    %slice3A_30 = vector.extract_strided_slice %add3A_29 {offsets = [0, 0], sizes = [1000, 128], strides = [1, 1]} : vector<1000x256xf32> to vector<1000x128xf32>
    %slice3A_31 = vector.extract_strided_slice %add3A_29 {offsets = [0, 128], sizes = [1000, 128], strides = [1, 1]} : vector<1000x256xf32> to vector<1000x128xf32>
    %convert_element_type3A_32 = arith.truncf %slice3A_30 : vector<1000x128xf32> to vector<1000x128xbf16>
    %convert_element_type3A_33 = arith.extf %convert_element_type3A_32 : vector<1000x128xbf16> to vector<1000x128xf32>
    %bitcast_convert_type3A_34 = tpu.bitcast %convert_element_type3A_33 : vector<1000x128xf32> -> vector<1000x128xi32>
    %convert_element_type3A_35 = arith.truncf %slice3A_31 : vector<1000x128xf32> to vector<1000x128xbf16>
    %convert_element_type3A_36 = arith.extf %convert_element_type3A_35 : vector<1000x128xbf16> to vector<1000x128xf32>
    %bitcast_convert_type3A_37 = tpu.bitcast %convert_element_type3A_36 : vector<1000x128xf32> -> vector<1000x128xi32>
    %shift_right_logical3A_38 = arith.constant 16 : i32
    %shift_right_logical3A_39 = vector.broadcast %shift_right_logical3A_38 : i32 to vector<1000x128xi32>
    %shift_right_logical3A_40 = arith.shrui %bitcast_convert_type3A_34, %shift_right_logical3A_39 : vector<1000x128xi32>
    %or3A_41 = arith.ori %bitcast_convert_type3A_37, %shift_right_logical3A_40 : vector<1000x128xi32>
    %bitcast_convert_type3A_42 = tpu.bitcast %or3A_41 : vector<1000x128xi32> -> vector<1000x128xf32>
    %swap3A_43 = arith.constant 0 : index
    %swap3A_44 = arith.constant 0 : index
    %swap3A_45 = vector.load %arg6[%swap3A_43, %swap3A_44] : memref<1000x128xf32, #tpu.memory_space<vmem>>, vector<1000x128xf32>
    tpu.vector_store %arg6[%swap3A_43, %swap3A_44], %bitcast_convert_type3A_42 {strides = array<i32>} : memref<1000x128xf32, #tpu.memory_space<vmem>>, vector<1000x128xf32>,
    %slice3A_46 = vector.extract_strided_slice %add3A_9 {offsets = [0, 0], sizes = [1000, 256], strides = [1, 1]} : vector<1000x768xf32> to vector<1000x256xf32>
    %logistic3A = arith.negf %slice3A_46 : vector<1000x256xf32>
    %logistic3A_47 = math.exp %logistic3A : vector<1000x256xf32>
    %logistic3A_48 = arith.constant 1.000000e+00 : f32
    %logistic3A_49 = vector.broadcast %logistic3A_48 : f32 to vector<1000x256xf32>
    %logistic3A_50 = arith.addf %logistic3A_49, %logistic3A_47 : vector<1000x256xf32>
    %logistic3A_51 = arith.divf %logistic3A_49, %logistic3A_50 : vector<1000x256xf32>
    %slice3A_52 = vector.extract_strided_slice %add3A_9 {offsets = [0, 512], sizes = [1000, 256], strides = [1, 1]} : vector<1000x768xf32> to vector<1000x256xf32>
    %tanh3A = math.tanh %slice3A_52 : vector<1000x256xf32>
    %mul3A = arith.mulf %logistic3A_51, %tanh3A : vector<1000x256xf32>
    %slice3A_53 = vector.extract_strided_slice %add3A_9 {offsets = [0, 256], sizes = [1000, 256], strides = [1, 1]} : vector<1000x768xf32> to vector<1000x256xf32>
    %logistic3A_54 = arith.negf %slice3A_53 : vector<1000x256xf32>
    %logistic3A_55 = math.exp %logistic3A_54 : vector<1000x256xf32>
    %logistic3A_56 = arith.constant 1.000000e+00 : f32
    %logistic3A_57 = vector.broadcast %logistic3A_56 : f32 to vector<1000x256xf32>
    %logistic3A_58 = arith.addf %logistic3A_57, %logistic3A_55 : vector<1000x256xf32>
    %logistic3A_59 = arith.divf %logistic3A_57, %logistic3A_58 : vector<1000x256xf32>
    %tanh3A_60 = math.tanh %mul3A : vector<1000x256xf32>
    %mul3A_61 = arith.mulf %logistic3A_59, %tanh3A_60 : vector<1000x256xf32>
    %convert_element_type3A_62 = arith.truncf %mul3A_61 : vector<1000x256xf32> to vector<1000x256xbf16>
    %convert_element_type3A_63 = arith.extf %convert_element_type3A_62 : vector<1000x256xbf16> to vector<1000x256xf32>
    %bitcast_convert_type3A_64 = tpu.bitcast %convert_element_type3A_63 : vector<1000x256xf32> -> vector<1000x256xi32>
    %convert_element_type3A_65 = arith.truncf %mul3A : vector<1000x256xf32> to vector<1000x256xbf16>
    %convert_element_type3A_66 = arith.extf %convert_element_type3A_65 : vector<1000x256xbf16> to vector<1000x256xf32>
    %bitcast_convert_type3A_67 = tpu.bitcast %convert_element_type3A_66 : vector<1000x256xf32> -> vector<1000x256xi32>
    %shift_right_logical3A_68 = arith.constant 16 : i32
    %shift_right_logical3A_69 = vector.broadcast %shift_right_logical3A_68 : i32 to vector<1000x256xi32>
    %shift_right_logical3A_70 = arith.shrui %bitcast_convert_type3A_64, %shift_right_logical3A_69 : vector<1000x256xi32>
    %or3A_71 = arith.ori %bitcast_convert_type3A_67, %shift_right_logical3A_70 : vector<1000x256xi32>
    %bitcast_convert_type3A_72 = tpu.bitcast %or3A_71 : vector<1000x256xi32> -> vector<1000x256xf32>
    %swap3A_73 = arith.constant 0 : index
    %swap3A_74 = arith.constant 0 : index
    %swap3A_75 = vector.load %arg7[%swap3A_73, %swap3A_74] : memref<1000x256xf32, #tpu.memory_space<vmem>>, vector<1000x256xf32>
    tpu.vector_store %arg7[%swap3A_73, %swap3A_74], %bitcast_convert_type3A_72 {strides = array<i32>} : memref<1000x256xf32, #tpu.memory_space<vmem>>, vector<1000x256xf32>,
    return
  }
}

module attributes {stable_mosaic.version = 14 : i64} {
  func.func @_leaf8_kernel(%arg0: i32, %arg1: memref<512x512xf32, #tpu.memory_space<vmem>>, %arg2: memref<512x384xf32, #tpu.memory_space<vmem>>, %arg3: memref<512x128xf32, #tpu.memory_space<vmem>>, %arg4: memref<256x768xf32, #tpu.memory_space<vmem>>, %arg5: memref<256x256xf32, #tpu.memory_space<vmem>>, %arg6: memref<512x256xf32, #tpu.memory_space<vmem>>, %arg7: memref<512x256xf32, #tpu.memory_space<vmem>>) attributes {dimension_semantics = [#tpu.dimension_semantics<arbitrary>], iteration_bounds = array<i64: 32>, scalar_prefetch = 0 : i64, scratch_operands = 0 : i64, tpu.core_type = #tpu.core_type<tc>, window_params = [{transform_indices = @transform_0, window_bounds = array<i64: 512, 512>}, {transform_indices = @transform_1, window_bounds = array<i64: 512, 384>}, {transform_indices = @transform_2, window_bounds = array<i64: 512, 128>}, {pipeline_mode = #tpu.pipeline_mode<synchronous>, transform_indices = @transform_3, window_bounds = array<i64: 256, 768>}, {pipeline_mode = #tpu.pipeline_mode<synchronous>, transform_indices = @transform_4, window_bounds = array<i64: 256, 256>}, {transform_indices = @transform_5, window_bounds = array<i64: 512, 256>}, {transform_indices = @transform_6, window_bounds = array<i64: 512, 256>}]} {
    %get3A = arith.constant 0 : index
    %get3A_0 = arith.constant 0 : index
    %get3A_1 = vector.load %arg1[%get3A, %get3A_0] : memref<512x512xf32, #tpu.memory_space<vmem>>, vector<512x512xf32>
    %slice3A = vector.extract_strided_slice %get3A_1 {offsets = [0, 0], sizes = [512, 256], strides = [1, 1]} : vector<512x512xf32> to vector<512x256xf32>
    %bitcast_convert_type3A = tpu.bitcast %slice3A : vector<512x256xf32> -> vector<512x256xi32>
    %shift_left3A = arith.constant 16 : i32
    %shift_left3A_2 = vector.broadcast %shift_left3A : i32 to vector<512x256xi32>
    %shift_left3A_3 = arith.shli %bitcast_convert_type3A, %shift_left3A_2 : vector<512x256xi32>
    %bitcast_convert_type3A_4 = tpu.bitcast %shift_left3A_3 : vector<512x256xi32> -> vector<512x256xf32>
    %slice3A_5 = vector.extract_strided_slice %get3A_1 {offsets = [0, 0], sizes = [512, 256], strides = [1, 1]} : vector<512x512xf32> to vector<512x256xf32>
    %bitcast_convert_type3A_6 = tpu.bitcast %slice3A_5 : vector<512x256xf32> -> vector<512x256xi32>
    %and3A = arith.constant -65536 : i32
    %and3A_7 = vector.broadcast %and3A : i32 to vector<512x256xi32>
    %and3A_8 = arith.andi %bitcast_convert_type3A_6, %and3A_7 : vector<512x256xi32>
    %bitcast_convert_type3A_9 = tpu.bitcast %and3A_8 : vector<512x256xi32> -> vector<512x256xf32>
    %slice3A_10 = vector.extract_strided_slice %get3A_1 {offsets = [0, 256], sizes = [512, 256], strides = [1, 1]} : vector<512x512xf32> to vector<512x256xf32>
    %bitcast_convert_type3A_11 = tpu.bitcast %slice3A_10 : vector<512x256xf32> -> vector<512x256xi32>
    %shift_left3A_12 = arith.constant 16 : i32
    %shift_left3A_13 = vector.broadcast %shift_left3A_12 : i32 to vector<512x256xi32>
    %shift_left3A_14 = arith.shli %bitcast_convert_type3A_11, %shift_left3A_13 : vector<512x256xi32>
    %bitcast_convert_type3A_15 = tpu.bitcast %shift_left3A_14 : vector<512x256xi32> -> vector<512x256xf32>
    %slice3A_16 = vector.extract_strided_slice %get3A_1 {offsets = [0, 256], sizes = [512, 256], strides = [1, 1]} : vector<512x512xf32> to vector<512x256xf32>
    %bitcast_convert_type3A_17 = tpu.bitcast %slice3A_16 : vector<512x256xf32> -> vector<512x256xi32>
    %and3A_18 = arith.constant -65536 : i32
    %and3A_19 = vector.broadcast %and3A_18 : i32 to vector<512x256xi32>
    %and3A_20 = arith.andi %bitcast_convert_type3A_17, %and3A_19 : vector<512x256xi32>
    %bitcast_convert_type3A_21 = tpu.bitcast %and3A_20 : vector<512x256xi32> -> vector<512x256xf32>
    %add3A = arith.addf %bitcast_convert_type3A_4, %bitcast_convert_type3A_15 : vector<512x256xf32>
    %get3A_22 = arith.constant 0 : index
    %get3A_23 = arith.constant 0 : index
    %get3A_24 = vector.load %arg4[%get3A_22, %get3A_23] : memref<256x768xf32, #tpu.memory_space<vmem>>, vector<256x768xf32>
    %dot_general3A = arith.constant dense<0.000000e+00> : vector<512x768xf32>
    %dot_general3A_25 = tpu.matmul %add3A, %get3A_24, %dot_general3A {dimension_numbers = #tpu.dot_dimension_numbers<[1], [0], [0], [1], [0, 0, 1, 1], [], []>, transpose_lhs_hint = false} : vector<512x256xf32>, vector<256x768xf32>, vector<512x768xf32> -> vector<512x768xf32>
    %get3A_26 = arith.constant 0 : index
    %get3A_27 = arith.constant 0 : index
    %get3A_28 = vector.load %arg2[%get3A_26, %get3A_27] : memref<512x384xf32, #tpu.memory_space<vmem>>, vector<512x384xf32>
    %bitcast_convert_type3A_29 = tpu.bitcast %get3A_28 : vector<512x384xf32> -> vector<512x384xi32>
    %shift_left3A_30 = arith.constant 16 : i32
    %shift_left3A_31 = vector.broadcast %shift_left3A_30 : i32 to vector<512x384xi32>
    %shift_left3A_32 = arith.shli %bitcast_convert_type3A_29, %shift_left3A_31 : vector<512x384xi32>
    %bitcast_convert_type3A_33 = tpu.bitcast %shift_left3A_32 : vector<512x384xi32> -> vector<512x384xf32>
    %bitcast_convert_type3A_34 = tpu.bitcast %get3A_28 : vector<512x384xf32> -> vector<512x384xi32>
    %and3A_35 = arith.constant -65536 : i32
    %and3A_36 = vector.broadcast %and3A_35 : i32 to vector<512x384xi32>
    %and3A_37 = arith.andi %bitcast_convert_type3A_34, %and3A_36 : vector<512x384xi32>
    %bitcast_convert_type3A_38 = tpu.bitcast %and3A_37 : vector<512x384xi32> -> vector<512x384xf32>
    %slice3A_39 = vector.extract_strided_slice %bitcast_convert_type3A_33 {offsets = [0, 0], sizes = [512, 256], strides = [1, 1]} : vector<512x384xf32> to vector<512x256xf32>
    %slice3A_40 = vector.extract_strided_slice %bitcast_convert_type3A_33 {offsets = [0, 256], sizes = [512, 128], strides = [1, 1]} : vector<512x384xf32> to vector<512x128xf32>
    %slice3A_41 = vector.extract_strided_slice %bitcast_convert_type3A_38 {offsets = [0, 0], sizes = [512, 128], strides = [1, 1]} : vector<512x384xf32> to vector<512x128xf32>
    %concatenate3A = tpu.concatenate %slice3A_40, %slice3A_41 in 1 : vector<512x128xf32>, vector<512x128xf32> -> vector<512x256xf32>
    %slice3A_42 = vector.extract_strided_slice %bitcast_convert_type3A_38 {offsets = [0, 128], sizes = [512, 256], strides = [1, 1]} : vector<512x384xf32> to vector<512x256xf32>
    %slice3A_43 = vector.extract_strided_slice %dot_general3A_25 {offsets = [0, 0], sizes = [512, 256], strides = [1, 1]} : vector<512x768xf32> to vector<512x256xf32>
    %add3A_44 = arith.addf %slice3A_39, %slice3A_43 : vector<512x256xf32>
    %logistic3A = arith.negf %add3A_44 : vector<512x256xf32>
    %logistic3A_45 = math.exp %logistic3A : vector<512x256xf32>
    %logistic3A_46 = arith.constant 1.000000e+00 : f32
    %logistic3A_47 = vector.broadcast %logistic3A_46 : f32 to vector<512x256xf32>
    %logistic3A_48 = arith.addf %logistic3A_47, %logistic3A_45 : vector<512x256xf32>
    %logistic3A_49 = arith.divf %logistic3A_47, %logistic3A_48 : vector<512x256xf32>
    %slice3A_50 = vector.extract_strided_slice %dot_general3A_25 {offsets = [0, 256], sizes = [512, 256], strides = [1, 1]} : vector<512x768xf32> to vector<512x256xf32>
    %add3A_51 = arith.addf %concatenate3A, %slice3A_50 : vector<512x256xf32>
    %logistic3A_52 = arith.negf %add3A_51 : vector<512x256xf32>
    %logistic3A_53 = math.exp %logistic3A_52 : vector<512x256xf32>
    %logistic3A_54 = arith.constant 1.000000e+00 : f32
    %logistic3A_55 = vector.broadcast %logistic3A_54 : f32 to vector<512x256xf32>
    %logistic3A_56 = arith.addf %logistic3A_55, %logistic3A_53 : vector<512x256xf32>
    %logistic3A_57 = arith.divf %logistic3A_55, %logistic3A_56 : vector<512x256xf32>
    %slice3A_58 = vector.extract_strided_slice %dot_general3A_25 {offsets = [0, 512], sizes = [512, 256], strides = [1, 1]} : vector<512x768xf32> to vector<512x256xf32>
    %add3A_59 = arith.addf %slice3A_42, %slice3A_58 : vector<512x256xf32>
    %tanh3A = math.tanh %add3A_59 : vector<512x256xf32>
    %get3A_60 = arith.constant 0 : index
    %get3A_61 = arith.constant 0 : index
    %get3A_62 = vector.load %arg3[%get3A_60, %get3A_61] : memref<512x128xf32, #tpu.memory_space<vmem>>, vector<512x128xf32>
    %bitcast_convert_type3A_63 = tpu.bitcast %get3A_62 : vector<512x128xf32> -> vector<512x128xi32>
    %shift_left3A_64 = arith.constant 16 : i32
    %shift_left3A_65 = vector.broadcast %shift_left3A_64 : i32 to vector<512x128xi32>
    %shift_left3A_66 = arith.shli %bitcast_convert_type3A_63, %shift_left3A_65 : vector<512x128xi32>
    %bitcast_convert_type3A_67 = tpu.bitcast %shift_left3A_66 : vector<512x128xi32> -> vector<512x128xf32>
    %bitcast_convert_type3A_68 = tpu.bitcast %get3A_62 : vector<512x128xf32> -> vector<512x128xi32>
    %and3A_69 = arith.constant -65536 : i32
    %and3A_70 = vector.broadcast %and3A_69 : i32 to vector<512x128xi32>
    %and3A_71 = arith.andi %bitcast_convert_type3A_68, %and3A_70 : vector<512x128xi32>
    %bitcast_convert_type3A_72 = tpu.bitcast %and3A_71 : vector<512x128xi32> -> vector<512x128xf32>
    %concatenate3A_73 = tpu.concatenate %bitcast_convert_type3A_67, %bitcast_convert_type3A_72 in 1 : vector<512x128xf32>, vector<512x128xf32> -> vector<512x256xf32>
    %get3A_74 = arith.constant 0 : index
    %get3A_75 = arith.constant 0 : index
    %get3A_76 = vector.load %arg5[%get3A_74, %get3A_75] : memref<256x256xf32, #tpu.memory_space<vmem>>, vector<256x256xf32>
    %dot_general3A_77 = arith.constant dense<0.000000e+00> : vector<512x256xf32>
    %dot_general3A_78 = tpu.matmul %bitcast_convert_type3A_4, %get3A_76, %dot_general3A_77 {dimension_numbers = #tpu.dot_dimension_numbers<[1], [0], [0], [1], [0, 0, 1, 1], [], []>, transpose_lhs_hint = false} : vector<512x256xf32>, vector<256x256xf32>, vector<512x256xf32> -> vector<512x256xf32>
    %add3A_79 = arith.addf %concatenate3A_73, %dot_general3A_78 : vector<512x256xf32>
    %logistic3A_80 = arith.negf %add3A_79 : vector<512x256xf32>
    %logistic3A_81 = math.exp %logistic3A_80 : vector<512x256xf32>
    %logistic3A_82 = arith.constant 1.000000e+00 : f32
    %logistic3A_83 = vector.broadcast %logistic3A_82 : f32 to vector<512x256xf32>
    %logistic3A_84 = arith.addf %logistic3A_83, %logistic3A_81 : vector<512x256xf32>
    %logistic3A_85 = arith.divf %logistic3A_83, %logistic3A_84 : vector<512x256xf32>
    %dot_general3A_86 = arith.constant dense<0.000000e+00> : vector<512x256xf32>
    %dot_general3A_87 = tpu.matmul %bitcast_convert_type3A_15, %get3A_76, %dot_general3A_86 {dimension_numbers = #tpu.dot_dimension_numbers<[1], [0], [0], [1], [0, 0, 1, 1], [], []>, transpose_lhs_hint = false} : vector<512x256xf32>, vector<256x256xf32>, vector<512x256xf32> -> vector<512x256xf32>
    %add3A_88 = arith.addf %concatenate3A_73, %dot_general3A_87 : vector<512x256xf32>
    %logistic3A_89 = arith.negf %add3A_88 : vector<512x256xf32>
    %logistic3A_90 = math.exp %logistic3A_89 : vector<512x256xf32>
    %logistic3A_91 = arith.constant 1.000000e+00 : f32
    %logistic3A_92 = vector.broadcast %logistic3A_91 : f32 to vector<512x256xf32>
    %logistic3A_93 = arith.addf %logistic3A_92, %logistic3A_90 : vector<512x256xf32>
    %logistic3A_94 = arith.divf %logistic3A_92, %logistic3A_93 : vector<512x256xf32>
    %mul3A = arith.mulf %logistic3A_49, %tanh3A : vector<512x256xf32>
    %mul3A_95 = arith.mulf %logistic3A_85, %bitcast_convert_type3A_9 : vector<512x256xf32>
    %add3A_96 = arith.addf %mul3A, %mul3A_95 : vector<512x256xf32>
    %mul3A_97 = arith.mulf %logistic3A_94, %bitcast_convert_type3A_21 : vector<512x256xf32>
    %add3A_98 = arith.addf %add3A_96, %mul3A_97 : vector<512x256xf32>
    %swap3A = arith.constant 0 : index
    %swap3A_99 = arith.constant 0 : index
    %swap3A_100 = vector.load %arg7[%swap3A, %swap3A_99] : memref<512x256xf32, #tpu.memory_space<vmem>>, vector<512x256xf32>
    tpu.vector_store %arg7[%swap3A, %swap3A_99], %add3A_98 {strides = array<i32>} : memref<512x256xf32, #tpu.memory_space<vmem>>, vector<512x256xf32>,
    %tanh3A_101 = math.tanh %add3A_98 : vector<512x256xf32>
    %mul3A_102 = arith.mulf %logistic3A_57, %tanh3A_101 : vector<512x256xf32>
    %swap3A_103 = arith.constant 0 : index
    %swap3A_104 = arith.constant 0 : index
    %swap3A_105 = vector.load %arg6[%swap3A_103, %swap3A_104] : memref<512x256xf32, #tpu.memory_space<vmem>>, vector<512x256xf32>
    tpu.vector_store %arg6[%swap3A_103, %swap3A_104], %mul3A_102 {strides = array<i32>} : memref<512x256xf32, #tpu.memory_space<vmem>>, vector<512x256xf32>,
    return
  }
  func.func @transform_0(%arg0: i32) -> (i32, i32) {
    %c0_i32 = arith.constant 0 : i32
    %c0_i32_0 = arith.constant 0 : i32
    return %arg0, %c0_i32 : i32, i32
  }
  func.func @transform_1(%arg0: i32) -> (i32, i32) {
    %c0_i32 = arith.constant 0 : i32
    %c0_i32_0 = arith.constant 0 : i32
    return %arg0, %c0_i32 : i32, i32
  }
  func.func @transform_2(%arg0: i32) -> (i32, i32) {
    %c0_i32 = arith.constant 0 : i32
    %c0_i32_0 = arith.constant 0 : i32
    return %arg0, %c0_i32 : i32, i32
  }
  func.func @transform_3(%arg0: i32) -> (i32, i32) {
    %c0_i32 = arith.constant 0 : i32
    %c0_i32_0 = arith.constant 0 : i32
    %c0_i32_1 = arith.constant 0 : i32
    return %c0_i32, %c0_i32_0 : i32, i32
  }
  func.func @transform_4(%arg0: i32) -> (i32, i32) {
    %c0_i32 = arith.constant 0 : i32
    %c0_i32_0 = arith.constant 0 : i32
    %c0_i32_1 = arith.constant 0 : i32
    return %c0_i32, %c0_i32_0 : i32, i32
  }
  func.func @transform_5(%arg0: i32) -> (i32, i32) {
    %c0_i32 = arith.constant 0 : i32
    %c0_i32_0 = arith.constant 0 : i32
    return %arg0, %c0_i32 : i32, i32
  }
  func.func @transform_6(%arg0: i32) -> (i32, i32) {
    %c0_i32 = arith.constant 0 : i32
    %c0_i32_0 = arith.constant 0 : i32
    return %arg0, %c0_i32 : i32, i32
  }
}

module attributes {stable_mosaic.version = 14 : i64} {
  func.func @_level_kernel(%arg0: i32, %arg1: memref<512x384xf32, #tpu.memory_space<vmem>>, %arg2: memref<512x128xf32, #tpu.memory_space<vmem>>, %arg3: memref<512x512xf32, #tpu.memory_space<vmem>>, %arg4: memref<512x512xf32, #tpu.memory_space<vmem>>, %arg5: memref<256x768xf32, #tpu.memory_space<vmem>>, %arg6: memref<256x256xf32, #tpu.memory_space<vmem>>, %arg7: memref<512x256xf32, #tpu.memory_space<vmem>>, %arg8: memref<512x256xf32, #tpu.memory_space<vmem>>) attributes {dimension_semantics = [#tpu.dimension_semantics<arbitrary>], iteration_bounds = array<i64: 16>, scalar_prefetch = 0 : i64, scratch_operands = 0 : i64, tpu.core_type = #tpu.core_type<tc>, window_params = [{transform_indices = @transform_0, window_bounds = array<i64: 512, 384>}, {transform_indices = @transform_1, window_bounds = array<i64: 512, 128>}, {transform_indices = @transform_2, window_bounds = array<i64: 512, 512>}, {transform_indices = @transform_3, window_bounds = array<i64: 512, 512>}, {pipeline_mode = #tpu.pipeline_mode<synchronous>, transform_indices = @transform_4, window_bounds = array<i64: 256, 768>}, {pipeline_mode = #tpu.pipeline_mode<synchronous>, transform_indices = @transform_5, window_bounds = array<i64: 256, 256>}, {transform_indices = @transform_6, window_bounds = array<i64: 512, 256>}, {transform_indices = @transform_7, window_bounds = array<i64: 512, 256>}]} {
    %get3A = arith.constant 0 : index
    %get3A_0 = arith.constant 0 : index
    %get3A_1 = vector.load %arg3[%get3A, %get3A_0] : memref<512x512xf32, #tpu.memory_space<vmem>>, vector<512x512xf32>
    %get3A_2 = arith.constant 0 : index
    %get3A_3 = arith.constant 0 : index
    %get3A_4 = vector.load %arg4[%get3A_2, %get3A_3] : memref<512x512xf32, #tpu.memory_space<vmem>>, vector<512x512xf32>
    %slice3A = vector.extract_strided_slice %get3A_1 {offsets = [0, 0], sizes = [512, 256], strides = [1, 1]} : vector<512x512xf32> to vector<512x256xf32>
    %slice3A_5 = vector.extract_strided_slice %get3A_1 {offsets = [0, 256], sizes = [512, 256], strides = [1, 1]} : vector<512x512xf32> to vector<512x256xf32>
    %slice3A_6 = vector.extract_strided_slice %get3A_4 {offsets = [0, 0], sizes = [512, 256], strides = [1, 1]} : vector<512x512xf32> to vector<512x256xf32>
    %slice3A_7 = vector.extract_strided_slice %get3A_4 {offsets = [0, 256], sizes = [512, 256], strides = [1, 1]} : vector<512x512xf32> to vector<512x256xf32>
    %add3A = arith.addf %slice3A, %slice3A_5 : vector<512x256xf32>
    %get3A_8 = arith.constant 0 : index
    %get3A_9 = arith.constant 0 : index
    %get3A_10 = vector.load %arg5[%get3A_8, %get3A_9] : memref<256x768xf32, #tpu.memory_space<vmem>>, vector<256x768xf32>
    %dot_general3A = arith.constant dense<0.000000e+00> : vector<512x768xf32>
    %dot_general3A_11 = tpu.matmul %add3A, %get3A_10, %dot_general3A {dimension_numbers = #tpu.dot_dimension_numbers<[1], [0], [0], [1], [0, 0, 1, 1], [], []>, transpose_lhs_hint = false} : vector<512x256xf32>, vector<256x768xf32>, vector<512x768xf32> -> vector<512x768xf32>
    %get3A_12 = arith.constant 0 : index
    %get3A_13 = arith.constant 0 : index
    %get3A_14 = vector.load %arg1[%get3A_12, %get3A_13] : memref<512x384xf32, #tpu.memory_space<vmem>>, vector<512x384xf32>
    %bitcast_convert_type3A = tpu.bitcast %get3A_14 : vector<512x384xf32> -> vector<512x384xi32>
    %shift_left3A = arith.constant 16 : i32
    %shift_left3A_15 = vector.broadcast %shift_left3A : i32 to vector<512x384xi32>
    %shift_left3A_16 = arith.shli %bitcast_convert_type3A, %shift_left3A_15 : vector<512x384xi32>
    %bitcast_convert_type3A_17 = tpu.bitcast %shift_left3A_16 : vector<512x384xi32> -> vector<512x384xf32>
    %bitcast_convert_type3A_18 = tpu.bitcast %get3A_14 : vector<512x384xf32> -> vector<512x384xi32>
    %and3A = arith.constant -65536 : i32
    %and3A_19 = vector.broadcast %and3A : i32 to vector<512x384xi32>
    %and3A_20 = arith.andi %bitcast_convert_type3A_18, %and3A_19 : vector<512x384xi32>
    %bitcast_convert_type3A_21 = tpu.bitcast %and3A_20 : vector<512x384xi32> -> vector<512x384xf32>
    %slice3A_22 = vector.extract_strided_slice %bitcast_convert_type3A_17 {offsets = [0, 0], sizes = [512, 256], strides = [1, 1]} : vector<512x384xf32> to vector<512x256xf32>
    %slice3A_23 = vector.extract_strided_slice %bitcast_convert_type3A_17 {offsets = [0, 256], sizes = [512, 128], strides = [1, 1]} : vector<512x384xf32> to vector<512x128xf32>
    %slice3A_24 = vector.extract_strided_slice %bitcast_convert_type3A_21 {offsets = [0, 0], sizes = [512, 128], strides = [1, 1]} : vector<512x384xf32> to vector<512x128xf32>
    %concatenate3A = tpu.concatenate %slice3A_23, %slice3A_24 in 1 : vector<512x128xf32>, vector<512x128xf32> -> vector<512x256xf32>
    %slice3A_25 = vector.extract_strided_slice %bitcast_convert_type3A_21 {offsets = [0, 128], sizes = [512, 256], strides = [1, 1]} : vector<512x384xf32> to vector<512x256xf32>
    %slice3A_26 = vector.extract_strided_slice %dot_general3A_11 {offsets = [0, 0], sizes = [512, 256], strides = [1, 1]} : vector<512x768xf32> to vector<512x256xf32>
    %add3A_27 = arith.addf %slice3A_22, %slice3A_26 : vector<512x256xf32>
    %logistic3A = arith.negf %add3A_27 : vector<512x256xf32>
    %logistic3A_28 = math.exp %logistic3A : vector<512x256xf32>
    %logistic3A_29 = arith.constant 1.000000e+00 : f32
    %logistic3A_30 = vector.broadcast %logistic3A_29 : f32 to vector<512x256xf32>
    %logistic3A_31 = arith.addf %logistic3A_30, %logistic3A_28 : vector<512x256xf32>
    %logistic3A_32 = arith.divf %logistic3A_30, %logistic3A_31 : vector<512x256xf32>
    %slice3A_33 = vector.extract_strided_slice %dot_general3A_11 {offsets = [0, 256], sizes = [512, 256], strides = [1, 1]} : vector<512x768xf32> to vector<512x256xf32>
    %add3A_34 = arith.addf %concatenate3A, %slice3A_33 : vector<512x256xf32>
    %logistic3A_35 = arith.negf %add3A_34 : vector<512x256xf32>
    %logistic3A_36 = math.exp %logistic3A_35 : vector<512x256xf32>
    %logistic3A_37 = arith.constant 1.000000e+00 : f32
    %logistic3A_38 = vector.broadcast %logistic3A_37 : f32 to vector<512x256xf32>
    %logistic3A_39 = arith.addf %logistic3A_38, %logistic3A_36 : vector<512x256xf32>
    %logistic3A_40 = arith.divf %logistic3A_38, %logistic3A_39 : vector<512x256xf32>
    %slice3A_41 = vector.extract_strided_slice %dot_general3A_11 {offsets = [0, 512], sizes = [512, 256], strides = [1, 1]} : vector<512x768xf32> to vector<512x256xf32>
    %add3A_42 = arith.addf %slice3A_25, %slice3A_41 : vector<512x256xf32>
    %tanh3A = math.tanh %add3A_42 : vector<512x256xf32>
    %get3A_43 = arith.constant 0 : index
    %get3A_44 = arith.constant 0 : index
    %get3A_45 = vector.load %arg2[%get3A_43, %get3A_44] : memref<512x128xf32, #tpu.memory_space<vmem>>, vector<512x128xf32>
    %bitcast_convert_type3A_46 = tpu.bitcast %get3A_45 : vector<512x128xf32> -> vector<512x128xi32>
    %shift_left3A_47 = arith.constant 16 : i32
    %shift_left3A_48 = vector.broadcast %shift_left3A_47 : i32 to vector<512x128xi32>
    %shift_left3A_49 = arith.shli %bitcast_convert_type3A_46, %shift_left3A_48 : vector<512x128xi32>
    %bitcast_convert_type3A_50 = tpu.bitcast %shift_left3A_49 : vector<512x128xi32> -> vector<512x128xf32>
    %bitcast_convert_type3A_51 = tpu.bitcast %get3A_45 : vector<512x128xf32> -> vector<512x128xi32>
    %and3A_52 = arith.constant -65536 : i32
    %and3A_53 = vector.broadcast %and3A_52 : i32 to vector<512x128xi32>
    %and3A_54 = arith.andi %bitcast_convert_type3A_51, %and3A_53 : vector<512x128xi32>
    %bitcast_convert_type3A_55 = tpu.bitcast %and3A_54 : vector<512x128xi32> -> vector<512x128xf32>
    %concatenate3A_56 = tpu.concatenate %bitcast_convert_type3A_50, %bitcast_convert_type3A_55 in 1 : vector<512x128xf32>, vector<512x128xf32> -> vector<512x256xf32>
    %get3A_57 = arith.constant 0 : index
    %get3A_58 = arith.constant 0 : index
    %get3A_59 = vector.load %arg6[%get3A_57, %get3A_58] : memref<256x256xf32, #tpu.memory_space<vmem>>, vector<256x256xf32>
    %dot_general3A_60 = arith.constant dense<0.000000e+00> : vector<512x256xf32>
    %dot_general3A_61 = tpu.matmul %slice3A, %get3A_59, %dot_general3A_60 {dimension_numbers = #tpu.dot_dimension_numbers<[1], [0], [0], [1], [0, 0, 1, 1], [], []>, transpose_lhs_hint = false} : vector<512x256xf32>, vector<256x256xf32>, vector<512x256xf32> -> vector<512x256xf32>
    %add3A_62 = arith.addf %concatenate3A_56, %dot_general3A_61 : vector<512x256xf32>
    %logistic3A_63 = arith.negf %add3A_62 : vector<512x256xf32>
    %logistic3A_64 = math.exp %logistic3A_63 : vector<512x256xf32>
    %logistic3A_65 = arith.constant 1.000000e+00 : f32
    %logistic3A_66 = vector.broadcast %logistic3A_65 : f32 to vector<512x256xf32>
    %logistic3A_67 = arith.addf %logistic3A_66, %logistic3A_64 : vector<512x256xf32>
    %logistic3A_68 = arith.divf %logistic3A_66, %logistic3A_67 : vector<512x256xf32>
    %dot_general3A_69 = arith.constant dense<0.000000e+00> : vector<512x256xf32>
    %dot_general3A_70 = tpu.matmul %slice3A_5, %get3A_59, %dot_general3A_69 {dimension_numbers = #tpu.dot_dimension_numbers<[1], [0], [0], [1], [0, 0, 1, 1], [], []>, transpose_lhs_hint = false} : vector<512x256xf32>, vector<256x256xf32>, vector<512x256xf32> -> vector<512x256xf32>
    %add3A_71 = arith.addf %concatenate3A_56, %dot_general3A_70 : vector<512x256xf32>
    %logistic3A_72 = arith.negf %add3A_71 : vector<512x256xf32>
    %logistic3A_73 = math.exp %logistic3A_72 : vector<512x256xf32>
    %logistic3A_74 = arith.constant 1.000000e+00 : f32
    %logistic3A_75 = vector.broadcast %logistic3A_74 : f32 to vector<512x256xf32>
    %logistic3A_76 = arith.addf %logistic3A_75, %logistic3A_73 : vector<512x256xf32>
    %logistic3A_77 = arith.divf %logistic3A_75, %logistic3A_76 : vector<512x256xf32>
    %mul3A = arith.mulf %logistic3A_32, %tanh3A : vector<512x256xf32>
    %mul3A_78 = arith.mulf %logistic3A_68, %slice3A_6 : vector<512x256xf32>
    %add3A_79 = arith.addf %mul3A, %mul3A_78 : vector<512x256xf32>
    %mul3A_80 = arith.mulf %logistic3A_77, %slice3A_7 : vector<512x256xf32>
    %add3A_81 = arith.addf %add3A_79, %mul3A_80 : vector<512x256xf32>
    %swap3A = arith.constant 0 : index
    %swap3A_82 = arith.constant 0 : index
    %swap3A_83 = vector.load %arg8[%swap3A, %swap3A_82] : memref<512x256xf32, #tpu.memory_space<vmem>>, vector<512x256xf32>
    tpu.vector_store %arg8[%swap3A, %swap3A_82], %add3A_81 {strides = array<i32>} : memref<512x256xf32, #tpu.memory_space<vmem>>, vector<512x256xf32>,
    %tanh3A_84 = math.tanh %add3A_81 : vector<512x256xf32>
    %mul3A_85 = arith.mulf %logistic3A_40, %tanh3A_84 : vector<512x256xf32>
    %swap3A_86 = arith.constant 0 : index
    %swap3A_87 = arith.constant 0 : index
    %swap3A_88 = vector.load %arg7[%swap3A_86, %swap3A_87] : memref<512x256xf32, #tpu.memory_space<vmem>>, vector<512x256xf32>
    tpu.vector_store %arg7[%swap3A_86, %swap3A_87], %mul3A_85 {strides = array<i32>} : memref<512x256xf32, #tpu.memory_space<vmem>>, vector<512x256xf32>,
    return
  }
  func.func @transform_0(%arg0: i32) -> (i32, i32) {
    %add3A = arith.constant 0 : i32
    %add3A_0 = arith.addi %arg0, %add3A : i32
    %c0_i32 = arith.constant 0 : i32
    %c0_i32_1 = arith.constant 0 : i32
    return %add3A_0, %c0_i32 : i32, i32
  }
  func.func @transform_1(%arg0: i32) -> (i32, i32) {
    %add3A = arith.constant 0 : i32
    %add3A_0 = arith.addi %arg0, %add3A : i32
    %c0_i32 = arith.constant 0 : i32
    %c0_i32_1 = arith.constant 0 : i32
    return %add3A_0, %c0_i32 : i32, i32
  }
  func.func @transform_2(%arg0: i32) -> (i32, i32) {
    %c0_i32 = arith.constant 0 : i32
    %c0_i32_0 = arith.constant 0 : i32
    return %arg0, %c0_i32 : i32, i32
  }
  func.func @transform_3(%arg0: i32) -> (i32, i32) {
    %c0_i32 = arith.constant 0 : i32
    %c0_i32_0 = arith.constant 0 : i32
    return %arg0, %c0_i32 : i32, i32
  }
  func.func @transform_4(%arg0: i32) -> (i32, i32) {
    %c0_i32 = arith.constant 0 : i32
    %c0_i32_0 = arith.constant 0 : i32
    %c0_i32_1 = arith.constant 0 : i32
    return %c0_i32, %c0_i32_0 : i32, i32
  }
  func.func @transform_5(%arg0: i32) -> (i32, i32) {
    %c0_i32 = arith.constant 0 : i32
    %c0_i32_0 = arith.constant 0 : i32
    %c0_i32_1 = arith.constant 0 : i32
    return %c0_i32, %c0_i32_0 : i32, i32
  }
  func.func @transform_6(%arg0: i32) -> (i32, i32) {
    %c0_i32 = arith.constant 0 : i32
    %c0_i32_0 = arith.constant 0 : i32
    return %arg0, %c0_i32 : i32, i32
  }
  func.func @transform_7(%arg0: i32) -> (i32, i32) {
    %c0_i32 = arith.constant 0 : i32
    %c0_i32_0 = arith.constant 0 : i32
    return %arg0, %c0_i32 : i32, i32
  }
}

module attributes {stable_mosaic.version = 14 : i64} {
  func.func @_tail_kernel(%arg0: i32, %arg1: memref<4096x512xf32, #tpu.memory_space<vmem>>, %arg2: memref<4096x512xf32, #tpu.memory_space<vmem>>, %arg3: memref<8192x384xf32, #tpu.memory_space<vmem>>, %arg4: memref<8192x128xf32, #tpu.memory_space<vmem>>, %arg5: memref<256x768xf32, #tpu.memory_space<vmem>>, %arg6: memref<256x256xf32, #tpu.memory_space<vmem>>, %arg7: memref<256x64xf32, #tpu.memory_space<vmem>>, %arg8: memref<1x64xf32, #tpu.memory_space<vmem>>, %arg9: memref<256x64xf32, #tpu.memory_space<vmem>>, %arg10: memref<1x64xf32, #tpu.memory_space<vmem>>, %arg11: memref<64x64xf32, #tpu.memory_space<vmem>>, %arg12: memref<64x64xf32, #tpu.memory_space<vmem>>) attributes {dimension_semantics = [#tpu.dimension_semantics<arbitrary>], iteration_bounds = array<i64: 1>, scalar_prefetch = 0 : i64, scratch_operands = 0 : i64, tpu.core_type = #tpu.core_type<tc>, window_params = [{pipeline_mode = #tpu.pipeline_mode<synchronous>, transform_indices = @transform_0, window_bounds = array<i64: 4096, 512>}, {pipeline_mode = #tpu.pipeline_mode<synchronous>, transform_indices = @transform_1, window_bounds = array<i64: 4096, 512>}, {transform_indices = @transform_2, window_bounds = array<i64: 8192, 384>}, {transform_indices = @transform_3, window_bounds = array<i64: 8192, 128>}, {pipeline_mode = #tpu.pipeline_mode<synchronous>, transform_indices = @transform_4, window_bounds = array<i64: 256, 768>}, {pipeline_mode = #tpu.pipeline_mode<synchronous>, transform_indices = @transform_5, window_bounds = array<i64: 256, 256>}, {pipeline_mode = #tpu.pipeline_mode<synchronous>, transform_indices = @transform_6, window_bounds = array<i64: 256, 64>}, {pipeline_mode = #tpu.pipeline_mode<synchronous>, transform_indices = @transform_7, window_bounds = array<i64: 1, 64>}, {pipeline_mode = #tpu.pipeline_mode<synchronous>, transform_indices = @transform_8, window_bounds = array<i64: 256, 64>}, {pipeline_mode = #tpu.pipeline_mode<synchronous>, transform_indices = @transform_9, window_bounds = array<i64: 1, 64>}, {pipeline_mode = #tpu.pipeline_mode<synchronous>, transform_indices = @transform_10, window_bounds = array<i64: 64, 64>}, {pipeline_mode = #tpu.pipeline_mode<synchronous>, transform_indices = @transform_11, window_bounds = array<i64: 64, 64>}]} {
    %get3A = arith.constant 0 : index
    %get3A_0 = arith.constant 0 : index
    %get3A_1 = vector.load %arg1[%get3A, %get3A_0] : memref<4096x512xf32, #tpu.memory_space<vmem>>, vector<4096x512xf32>
    %get3A_2 = arith.constant 0 : index
    %get3A_3 = arith.constant 0 : index
    %get3A_4 = vector.load %arg2[%get3A_2, %get3A_3] : memref<4096x512xf32, #tpu.memory_space<vmem>>, vector<4096x512xf32>
    %get3A_5 = arith.constant 0 : index
    %get3A_6 = arith.constant 0 : index
    %get3A_7 = vector.load %arg5[%get3A_5, %get3A_6] : memref<256x768xf32, #tpu.memory_space<vmem>>, vector<256x768xf32>
    %get3A_8 = arith.constant 0 : index
    %get3A_9 = arith.constant 0 : index
    %get3A_10 = vector.load %arg6[%get3A_8, %get3A_9] : memref<256x256xf32, #tpu.memory_space<vmem>>, vector<256x256xf32>
    %slice3A = vector.extract_strided_slice %get3A_1 {offsets = [0, 0], sizes = [4096, 256], strides = [1, 1]} : vector<4096x512xf32> to vector<4096x256xf32>
    %slice3A_11 = vector.extract_strided_slice %get3A_1 {offsets = [0, 256], sizes = [4096, 256], strides = [1, 1]} : vector<4096x512xf32> to vector<4096x256xf32>
    %slice3A_12 = vector.extract_strided_slice %get3A_4 {offsets = [0, 0], sizes = [4096, 256], strides = [1, 1]} : vector<4096x512xf32> to vector<4096x256xf32>
    %slice3A_13 = vector.extract_strided_slice %get3A_4 {offsets = [0, 256], sizes = [4096, 256], strides = [1, 1]} : vector<4096x512xf32> to vector<4096x256xf32>
    %add3A = arith.addf %slice3A, %slice3A_11 : vector<4096x256xf32>
    %dot_general3A = arith.constant dense<0.000000e+00> : vector<4096x768xf32>
    %dot_general3A_14 = tpu.matmul %add3A, %get3A_7, %dot_general3A {dimension_numbers = #tpu.dot_dimension_numbers<[1], [0], [0], [1], [0, 0, 1, 1], [], []>, transpose_lhs_hint = false} : vector<4096x256xf32>, vector<256x768xf32>, vector<4096x768xf32> -> vector<4096x768xf32>
    %get3A_15 = arith.constant 0 : index
    %get3A_16 = arith.constant 0 : index
    %get3A_17 = vector.load %arg3[%get3A_15, %get3A_16] : memref<8192x384xf32, #tpu.memory_space<vmem>>, vector<4096x384xf32>
    %bitcast_convert_type3A = tpu.bitcast %get3A_17 : vector<4096x384xf32> -> vector<4096x384xi32>
    %shift_left3A = arith.constant 16 : i32
    %shift_left3A_18 = vector.broadcast %shift_left3A : i32 to vector<4096x384xi32>
    %shift_left3A_19 = arith.shli %bitcast_convert_type3A, %shift_left3A_18 : vector<4096x384xi32>
    %bitcast_convert_type3A_20 = tpu.bitcast %shift_left3A_19 : vector<4096x384xi32> -> vector<4096x384xf32>
    %bitcast_convert_type3A_21 = tpu.bitcast %get3A_17 : vector<4096x384xf32> -> vector<4096x384xi32>
    %and3A = arith.constant -65536 : i32
    %and3A_22 = vector.broadcast %and3A : i32 to vector<4096x384xi32>
    %and3A_23 = arith.andi %bitcast_convert_type3A_21, %and3A_22 : vector<4096x384xi32>
    %bitcast_convert_type3A_24 = tpu.bitcast %and3A_23 : vector<4096x384xi32> -> vector<4096x384xf32>
    %slice3A_25 = vector.extract_strided_slice %bitcast_convert_type3A_20 {offsets = [0, 0], sizes = [4096, 256], strides = [1, 1]} : vector<4096x384xf32> to vector<4096x256xf32>
    %slice3A_26 = vector.extract_strided_slice %bitcast_convert_type3A_20 {offsets = [0, 256], sizes = [4096, 128], strides = [1, 1]} : vector<4096x384xf32> to vector<4096x128xf32>
    %slice3A_27 = vector.extract_strided_slice %bitcast_convert_type3A_24 {offsets = [0, 0], sizes = [4096, 128], strides = [1, 1]} : vector<4096x384xf32> to vector<4096x128xf32>
    %concatenate3A = tpu.concatenate %slice3A_26, %slice3A_27 in 1 : vector<4096x128xf32>, vector<4096x128xf32> -> vector<4096x256xf32>
    %slice3A_28 = vector.extract_strided_slice %bitcast_convert_type3A_24 {offsets = [0, 128], sizes = [4096, 256], strides = [1, 1]} : vector<4096x384xf32> to vector<4096x256xf32>
    %slice3A_29 = vector.extract_strided_slice %dot_general3A_14 {offsets = [0, 0], sizes = [4096, 256], strides = [1, 1]} : vector<4096x768xf32> to vector<4096x256xf32>
    %add3A_30 = arith.addf %slice3A_25, %slice3A_29 : vector<4096x256xf32>
    %logistic3A = arith.negf %add3A_30 : vector<4096x256xf32>
    %logistic3A_31 = math.exp %logistic3A : vector<4096x256xf32>
    %logistic3A_32 = arith.constant 1.000000e+00 : f32
    %logistic3A_33 = vector.broadcast %logistic3A_32 : f32 to vector<4096x256xf32>
    %logistic3A_34 = arith.addf %logistic3A_33, %logistic3A_31 : vector<4096x256xf32>
    %logistic3A_35 = arith.divf %logistic3A_33, %logistic3A_34 : vector<4096x256xf32>
    %slice3A_36 = vector.extract_strided_slice %dot_general3A_14 {offsets = [0, 256], sizes = [4096, 256], strides = [1, 1]} : vector<4096x768xf32> to vector<4096x256xf32>
    %add3A_37 = arith.addf %concatenate3A, %slice3A_36 : vector<4096x256xf32>
    %logistic3A_38 = arith.negf %add3A_37 : vector<4096x256xf32>
    %logistic3A_39 = math.exp %logistic3A_38 : vector<4096x256xf32>
    %logistic3A_40 = arith.constant 1.000000e+00 : f32
    %logistic3A_41 = vector.broadcast %logistic3A_40 : f32 to vector<4096x256xf32>
    %logistic3A_42 = arith.addf %logistic3A_41, %logistic3A_39 : vector<4096x256xf32>
    %logistic3A_43 = arith.divf %logistic3A_41, %logistic3A_42 : vector<4096x256xf32>
    %slice3A_44 = vector.extract_strided_slice %dot_general3A_14 {offsets = [0, 512], sizes = [4096, 256], strides = [1, 1]} : vector<4096x768xf32> to vector<4096x256xf32>
    %add3A_45 = arith.addf %slice3A_28, %slice3A_44 : vector<4096x256xf32>
    %tanh3A = math.tanh %add3A_45 : vector<4096x256xf32>
    %get3A_46 = arith.constant 0 : index
    %get3A_47 = arith.constant 0 : index
    %get3A_48 = vector.load %arg4[%get3A_46, %get3A_47] : memref<8192x128xf32, #tpu.memory_space<vmem>>, vector<4096x128xf32>
    %bitcast_convert_type3A_49 = tpu.bitcast %get3A_48 : vector<4096x128xf32> -> vector<4096x128xi32>
    %shift_left3A_50 = arith.constant 16 : i32
    %shift_left3A_51 = vector.broadcast %shift_left3A_50 : i32 to vector<4096x128xi32>
    %shift_left3A_52 = arith.shli %bitcast_convert_type3A_49, %shift_left3A_51 : vector<4096x128xi32>
    %bitcast_convert_type3A_53 = tpu.bitcast %shift_left3A_52 : vector<4096x128xi32> -> vector<4096x128xf32>
    %bitcast_convert_type3A_54 = tpu.bitcast %get3A_48 : vector<4096x128xf32> -> vector<4096x128xi32>
    %and3A_55 = arith.constant -65536 : i32
    %and3A_56 = vector.broadcast %and3A_55 : i32 to vector<4096x128xi32>
    %and3A_57 = arith.andi %bitcast_convert_type3A_54, %and3A_56 : vector<4096x128xi32>
    %bitcast_convert_type3A_58 = tpu.bitcast %and3A_57 : vector<4096x128xi32> -> vector<4096x128xf32>
    %concatenate3A_59 = tpu.concatenate %bitcast_convert_type3A_53, %bitcast_convert_type3A_58 in 1 : vector<4096x128xf32>, vector<4096x128xf32> -> vector<4096x256xf32>
    %dot_general3A_60 = arith.constant dense<0.000000e+00> : vector<4096x256xf32>
    %dot_general3A_61 = tpu.matmul %slice3A, %get3A_10, %dot_general3A_60 {dimension_numbers = #tpu.dot_dimension_numbers<[1], [0], [0], [1], [0, 0, 1, 1], [], []>, transpose_lhs_hint = false} : vector<4096x256xf32>, vector<256x256xf32>, vector<4096x256xf32> -> vector<4096x256xf32>
    %add3A_62 = arith.addf %concatenate3A_59, %dot_general3A_61 : vector<4096x256xf32>
    %logistic3A_63 = arith.negf %add3A_62 : vector<4096x256xf32>
    %logistic3A_64 = math.exp %logistic3A_63 : vector<4096x256xf32>
    %logistic3A_65 = arith.constant 1.000000e+00 : f32
    %logistic3A_66 = vector.broadcast %logistic3A_65 : f32 to vector<4096x256xf32>
    %logistic3A_67 = arith.addf %logistic3A_66, %logistic3A_64 : vector<4096x256xf32>
    %logistic3A_68 = arith.divf %logistic3A_66, %logistic3A_67 : vector<4096x256xf32>
    %dot_general3A_69 = arith.constant dense<0.000000e+00> : vector<4096x256xf32>
    %dot_general3A_70 = tpu.matmul %slice3A_11, %get3A_10, %dot_general3A_69 {dimension_numbers = #tpu.dot_dimension_numbers<[1], [0], [0], [1], [0, 0, 1, 1], [], []>, transpose_lhs_hint = false} : vector<4096x256xf32>, vector<256x256xf32>, vector<4096x256xf32> -> vector<4096x256xf32>
    %add3A_71 = arith.addf %concatenate3A_59, %dot_general3A_70 : vector<4096x256xf32>
    %logistic3A_72 = arith.negf %add3A_71 : vector<4096x256xf32>
    %logistic3A_73 = math.exp %logistic3A_72 : vector<4096x256xf32>
    %logistic3A_74 = arith.constant 1.000000e+00 : f32
    %logistic3A_75 = vector.broadcast %logistic3A_74 : f32 to vector<4096x256xf32>
    %logistic3A_76 = arith.addf %logistic3A_75, %logistic3A_73 : vector<4096x256xf32>
    %logistic3A_77 = arith.divf %logistic3A_75, %logistic3A_76 : vector<4096x256xf32>
    %mul3A = arith.mulf %logistic3A_35, %tanh3A : vector<4096x256xf32>
    %mul3A_78 = arith.mulf %logistic3A_68, %slice3A_12 : vector<4096x256xf32>
    %add3A_79 = arith.addf %mul3A, %mul3A_78 : vector<4096x256xf32>
    %mul3A_80 = arith.mulf %logistic3A_77, %slice3A_13 : vector<4096x256xf32>
    %add3A_81 = arith.addf %add3A_79, %mul3A_80 : vector<4096x256xf32>
    %tanh3A_82 = math.tanh %add3A_81 : vector<4096x256xf32>
    %mul3A_83 = arith.mulf %logistic3A_43, %tanh3A_82 : vector<4096x256xf32>
    %reshape3A = vector.shape_cast %mul3A_83 : vector<4096x256xf32> to vector<2048x512xf32>
    %reshape3A_84 = vector.shape_cast %add3A_81 : vector<4096x256xf32> to vector<2048x512xf32>
    %slice3A_85 = vector.extract_strided_slice %reshape3A {offsets = [0, 0], sizes = [2048, 256], strides = [1, 1]} : vector<2048x512xf32> to vector<2048x256xf32>
    %slice3A_86 = vector.extract_strided_slice %reshape3A {offsets = [0, 256], sizes = [2048, 256], strides = [1, 1]} : vector<2048x512xf32> to vector<2048x256xf32>
    %slice3A_87 = vector.extract_strided_slice %reshape3A_84 {offsets = [0, 0], sizes = [2048, 256], strides = [1, 1]} : vector<2048x512xf32> to vector<2048x256xf32>
    %slice3A_88 = vector.extract_strided_slice %reshape3A_84 {offsets = [0, 256], sizes = [2048, 256], strides = [1, 1]} : vector<2048x512xf32> to vector<2048x256xf32>
    %add3A_89 = arith.addf %slice3A_85, %slice3A_86 : vector<2048x256xf32>
    %dot_general3A_90 = arith.constant dense<0.000000e+00> : vector<2048x768xf32>
    %dot_general3A_91 = tpu.matmul %add3A_89, %get3A_7, %dot_general3A_90 {dimension_numbers = #tpu.dot_dimension_numbers<[1], [0], [0], [1], [0, 0, 1, 1], [], []>, transpose_lhs_hint = false} : vector<2048x256xf32>, vector<256x768xf32>, vector<2048x768xf32> -> vector<2048x768xf32>
    %get3A_92 = arith.constant 4096 : index
    %get3A_93 = arith.constant 0 : index
    %get3A_94 = vector.load %arg3[%get3A_92, %get3A_93] : memref<8192x384xf32, #tpu.memory_space<vmem>>, vector<2048x384xf32>
    %bitcast_convert_type3A_95 = tpu.bitcast %get3A_94 : vector<2048x384xf32> -> vector<2048x384xi32>
    %shift_left3A_96 = arith.constant 16 : i32
    %shift_left3A_97 = vector.broadcast %shift_left3A_96 : i32 to vector<2048x384xi32>
    %shift_left3A_98 = arith.shli %bitcast_convert_type3A_95, %shift_left3A_97 : vector<2048x384xi32>
    %bitcast_convert_type3A_99 = tpu.bitcast %shift_left3A_98 : vector<2048x384xi32> -> vector<2048x384xf32>
    %bitcast_convert_type3A_100 = tpu.bitcast %get3A_94 : vector<2048x384xf32> -> vector<2048x384xi32>
    %and3A_101 = arith.constant -65536 : i32
    %and3A_102 = vector.broadcast %and3A_101 : i32 to vector<2048x384xi32>
    %and3A_103 = arith.andi %bitcast_convert_type3A_100, %and3A_102 : vector<2048x384xi32>
    %bitcast_convert_type3A_104 = tpu.bitcast %and3A_103 : vector<2048x384xi32> -> vector<2048x384xf32>
    %slice3A_105 = vector.extract_strided_slice %bitcast_convert_type3A_99 {offsets = [0, 0], sizes = [2048, 256], strides = [1, 1]} : vector<2048x384xf32> to vector<2048x256xf32>
    %slice3A_106 = vector.extract_strided_slice %bitcast_convert_type3A_99 {offsets = [0, 256], sizes = [2048, 128], strides = [1, 1]} : vector<2048x384xf32> to vector<2048x128xf32>
    %slice3A_107 = vector.extract_strided_slice %bitcast_convert_type3A_104 {offsets = [0, 0], sizes = [2048, 128], strides = [1, 1]} : vector<2048x384xf32> to vector<2048x128xf32>
    %concatenate3A_108 = tpu.concatenate %slice3A_106, %slice3A_107 in 1 : vector<2048x128xf32>, vector<2048x128xf32> -> vector<2048x256xf32>
    %slice3A_109 = vector.extract_strided_slice %bitcast_convert_type3A_104 {offsets = [0, 128], sizes = [2048, 256], strides = [1, 1]} : vector<2048x384xf32> to vector<2048x256xf32>
    %slice3A_110 = vector.extract_strided_slice %dot_general3A_91 {offsets = [0, 0], sizes = [2048, 256], strides = [1, 1]} : vector<2048x768xf32> to vector<2048x256xf32>
    %add3A_111 = arith.addf %slice3A_105, %slice3A_110 : vector<2048x256xf32>
    %logistic3A_112 = arith.negf %add3A_111 : vector<2048x256xf32>
    %logistic3A_113 = math.exp %logistic3A_112 : vector<2048x256xf32>
    %logistic3A_114 = arith.constant 1.000000e+00 : f32
    %logistic3A_115 = vector.broadcast %logistic3A_114 : f32 to vector<2048x256xf32>
    %logistic3A_116 = arith.addf %logistic3A_115, %logistic3A_113 : vector<2048x256xf32>
    %logistic3A_117 = arith.divf %logistic3A_115, %logistic3A_116 : vector<2048x256xf32>
    %slice3A_118 = vector.extract_strided_slice %dot_general3A_91 {offsets = [0, 256], sizes = [2048, 256], strides = [1, 1]} : vector<2048x768xf32> to vector<2048x256xf32>
    %add3A_119 = arith.addf %concatenate3A_108, %slice3A_118 : vector<2048x256xf32>
    %logistic3A_120 = arith.negf %add3A_119 : vector<2048x256xf32>
    %logistic3A_121 = math.exp %logistic3A_120 : vector<2048x256xf32>
    %logistic3A_122 = arith.constant 1.000000e+00 : f32
    %logistic3A_123 = vector.broadcast %logistic3A_122 : f32 to vector<2048x256xf32>
    %logistic3A_124 = arith.addf %logistic3A_123, %logistic3A_121 : vector<2048x256xf32>
    %logistic3A_125 = arith.divf %logistic3A_123, %logistic3A_124 : vector<2048x256xf32>
    %slice3A_126 = vector.extract_strided_slice %dot_general3A_91 {offsets = [0, 512], sizes = [2048, 256], strides = [1, 1]} : vector<2048x768xf32> to vector<2048x256xf32>
    %add3A_127 = arith.addf %slice3A_109, %slice3A_126 : vector<2048x256xf32>
    %tanh3A_128 = math.tanh %add3A_127 : vector<2048x256xf32>
    %get3A_129 = arith.constant 4096 : index
    %get3A_130 = arith.constant 0 : index
    %get3A_131 = vector.load %arg4[%get3A_129, %get3A_130] : memref<8192x128xf32, #tpu.memory_space<vmem>>, vector<2048x128xf32>
    %bitcast_convert_type3A_132 = tpu.bitcast %get3A_131 : vector<2048x128xf32> -> vector<2048x128xi32>
    %shift_left3A_133 = arith.constant 16 : i32
    %shift_left3A_134 = vector.broadcast %shift_left3A_133 : i32 to vector<2048x128xi32>
    %shift_left3A_135 = arith.shli %bitcast_convert_type3A_132, %shift_left3A_134 : vector<2048x128xi32>
    %bitcast_convert_type3A_136 = tpu.bitcast %shift_left3A_135 : vector<2048x128xi32> -> vector<2048x128xf32>
    %bitcast_convert_type3A_137 = tpu.bitcast %get3A_131 : vector<2048x128xf32> -> vector<2048x128xi32>
    %and3A_138 = arith.constant -65536 : i32
    %and3A_139 = vector.broadcast %and3A_138 : i32 to vector<2048x128xi32>
    %and3A_140 = arith.andi %bitcast_convert_type3A_137, %and3A_139 : vector<2048x128xi32>
    %bitcast_convert_type3A_141 = tpu.bitcast %and3A_140 : vector<2048x128xi32> -> vector<2048x128xf32>
    %concatenate3A_142 = tpu.concatenate %bitcast_convert_type3A_136, %bitcast_convert_type3A_141 in 1 : vector<2048x128xf32>, vector<2048x128xf32> -> vector<2048x256xf32>
    %dot_general3A_143 = arith.constant dense<0.000000e+00> : vector<2048x256xf32>
    %dot_general3A_144 = tpu.matmul %slice3A_85, %get3A_10, %dot_general3A_143 {dimension_numbers = #tpu.dot_dimension_numbers<[1], [0], [0], [1], [0, 0, 1, 1], [], []>, transpose_lhs_hint = false} : vector<2048x256xf32>, vector<256x256xf32>, vector<2048x256xf32> -> vector<2048x256xf32>
    %add3A_145 = arith.addf %concatenate3A_142, %dot_general3A_144 : vector<2048x256xf32>
    %logistic3A_146 = arith.negf %add3A_145 : vector<2048x256xf32>
    %logistic3A_147 = math.exp %logistic3A_146 : vector<2048x256xf32>
    %logistic3A_148 = arith.constant 1.000000e+00 : f32
    %logistic3A_149 = vector.broadcast %logistic3A_148 : f32 to vector<2048x256xf32>
    %logistic3A_150 = arith.addf %logistic3A_149, %logistic3A_147 : vector<2048x256xf32>
    %logistic3A_151 = arith.divf %logistic3A_149, %logistic3A_150 : vector<2048x256xf32>
    %dot_general3A_152 = arith.constant dense<0.000000e+00> : vector<2048x256xf32>
    %dot_general3A_153 = tpu.matmul %slice3A_86, %get3A_10, %dot_general3A_152 {dimension_numbers = #tpu.dot_dimension_numbers<[1], [0], [0], [1], [0, 0, 1, 1], [], []>, transpose_lhs_hint = false} : vector<2048x256xf32>, vector<256x256xf32>, vector<2048x256xf32> -> vector<2048x256xf32>
    %add3A_154 = arith.addf %concatenate3A_142, %dot_general3A_153 : vector<2048x256xf32>
    %logistic3A_155 = arith.negf %add3A_154 : vector<2048x256xf32>
    %logistic3A_156 = math.exp %logistic3A_155 : vector<2048x256xf32>
    %logistic3A_157 = arith.constant 1.000000e+00 : f32
    %logistic3A_158 = vector.broadcast %logistic3A_157 : f32 to vector<2048x256xf32>
    %logistic3A_159 = arith.addf %logistic3A_158, %logistic3A_156 : vector<2048x256xf32>
    %logistic3A_160 = arith.divf %logistic3A_158, %logistic3A_159 : vector<2048x256xf32>
    %mul3A_161 = arith.mulf %logistic3A_117, %tanh3A_128 : vector<2048x256xf32>
    %mul3A_162 = arith.mulf %logistic3A_151, %slice3A_87 : vector<2048x256xf32>
    %add3A_163 = arith.addf %mul3A_161, %mul3A_162 : vector<2048x256xf32>
    %mul3A_164 = arith.mulf %logistic3A_160, %slice3A_88 : vector<2048x256xf32>
    %add3A_165 = arith.addf %add3A_163, %mul3A_164 : vector<2048x256xf32>
    %tanh3A_166 = math.tanh %add3A_165 : vector<2048x256xf32>
    %mul3A_167 = arith.mulf %logistic3A_125, %tanh3A_166 : vector<2048x256xf32>
    %reshape3A_168 = vector.shape_cast %mul3A_167 : vector<2048x256xf32> to vector<1024x512xf32>
    %reshape3A_169 = vector.shape_cast %add3A_165 : vector<2048x256xf32> to vector<1024x512xf32>
    %slice3A_170 = vector.extract_strided_slice %reshape3A_168 {offsets = [0, 0], sizes = [1024, 256], strides = [1, 1]} : vector<1024x512xf32> to vector<1024x256xf32>
    %slice3A_171 = vector.extract_strided_slice %reshape3A_168 {offsets = [0, 256], sizes = [1024, 256], strides = [1, 1]} : vector<1024x512xf32> to vector<1024x256xf32>
    %slice3A_172 = vector.extract_strided_slice %reshape3A_169 {offsets = [0, 0], sizes = [1024, 256], strides = [1, 1]} : vector<1024x512xf32> to vector<1024x256xf32>
    %slice3A_173 = vector.extract_strided_slice %reshape3A_169 {offsets = [0, 256], sizes = [1024, 256], strides = [1, 1]} : vector<1024x512xf32> to vector<1024x256xf32>
    %add3A_174 = arith.addf %slice3A_170, %slice3A_171 : vector<1024x256xf32>
    %dot_general3A_175 = arith.constant dense<0.000000e+00> : vector<1024x768xf32>
    %dot_general3A_176 = tpu.matmul %add3A_174, %get3A_7, %dot_general3A_175 {dimension_numbers = #tpu.dot_dimension_numbers<[1], [0], [0], [1], [0, 0, 1, 1], [], []>, transpose_lhs_hint = false} : vector<1024x256xf32>, vector<256x768xf32>, vector<1024x768xf32> -> vector<1024x768xf32>
    %get3A_177 = arith.constant 6144 : index
    %get3A_178 = arith.constant 0 : index
    %get3A_179 = vector.load %arg3[%get3A_177, %get3A_178] : memref<8192x384xf32, #tpu.memory_space<vmem>>, vector<1024x384xf32>
    %bitcast_convert_type3A_180 = tpu.bitcast %get3A_179 : vector<1024x384xf32> -> vector<1024x384xi32>
    %shift_left3A_181 = arith.constant 16 : i32
    %shift_left3A_182 = vector.broadcast %shift_left3A_181 : i32 to vector<1024x384xi32>
    %shift_left3A_183 = arith.shli %bitcast_convert_type3A_180, %shift_left3A_182 : vector<1024x384xi32>
    %bitcast_convert_type3A_184 = tpu.bitcast %shift_left3A_183 : vector<1024x384xi32> -> vector<1024x384xf32>
    %bitcast_convert_type3A_185 = tpu.bitcast %get3A_179 : vector<1024x384xf32> -> vector<1024x384xi32>
    %and3A_186 = arith.constant -65536 : i32
    %and3A_187 = vector.broadcast %and3A_186 : i32 to vector<1024x384xi32>
    %and3A_188 = arith.andi %bitcast_convert_type3A_185, %and3A_187 : vector<1024x384xi32>
    %bitcast_convert_type3A_189 = tpu.bitcast %and3A_188 : vector<1024x384xi32> -> vector<1024x384xf32>
    %slice3A_190 = vector.extract_strided_slice %bitcast_convert_type3A_184 {offsets = [0, 0], sizes = [1024, 256], strides = [1, 1]} : vector<1024x384xf32> to vector<1024x256xf32>
    %slice3A_191 = vector.extract_strided_slice %bitcast_convert_type3A_184 {offsets = [0, 256], sizes = [1024, 128], strides = [1, 1]} : vector<1024x384xf32> to vector<1024x128xf32>
    %slice3A_192 = vector.extract_strided_slice %bitcast_convert_type3A_189 {offsets = [0, 0], sizes = [1024, 128], strides = [1, 1]} : vector<1024x384xf32> to vector<1024x128xf32>
    %concatenate3A_193 = tpu.concatenate %slice3A_191, %slice3A_192 in 1 : vector<1024x128xf32>, vector<1024x128xf32> -> vector<1024x256xf32>
    %slice3A_194 = vector.extract_strided_slice %bitcast_convert_type3A_189 {offsets = [0, 128], sizes = [1024, 256], strides = [1, 1]} : vector<1024x384xf32> to vector<1024x256xf32>
    %slice3A_195 = vector.extract_strided_slice %dot_general3A_176 {offsets = [0, 0], sizes = [1024, 256], strides = [1, 1]} : vector<1024x768xf32> to vector<1024x256xf32>
    %add3A_196 = arith.addf %slice3A_190, %slice3A_195 : vector<1024x256xf32>
    %logistic3A_197 = arith.negf %add3A_196 : vector<1024x256xf32>
    %logistic3A_198 = math.exp %logistic3A_197 : vector<1024x256xf32>
    %logistic3A_199 = arith.constant 1.000000e+00 : f32
    %logistic3A_200 = vector.broadcast %logistic3A_199 : f32 to vector<1024x256xf32>
    %logistic3A_201 = arith.addf %logistic3A_200, %logistic3A_198 : vector<1024x256xf32>
    %logistic3A_202 = arith.divf %logistic3A_200, %logistic3A_201 : vector<1024x256xf32>
    %slice3A_203 = vector.extract_strided_slice %dot_general3A_176 {offsets = [0, 256], sizes = [1024, 256], strides = [1, 1]} : vector<1024x768xf32> to vector<1024x256xf32>
    %add3A_204 = arith.addf %concatenate3A_193, %slice3A_203 : vector<1024x256xf32>
    %logistic3A_205 = arith.negf %add3A_204 : vector<1024x256xf32>
    %logistic3A_206 = math.exp %logistic3A_205 : vector<1024x256xf32>
    %logistic3A_207 = arith.constant 1.000000e+00 : f32
    %logistic3A_208 = vector.broadcast %logistic3A_207 : f32 to vector<1024x256xf32>
    %logistic3A_209 = arith.addf %logistic3A_208, %logistic3A_206 : vector<1024x256xf32>
    %logistic3A_210 = arith.divf %logistic3A_208, %logistic3A_209 : vector<1024x256xf32>
    %slice3A_211 = vector.extract_strided_slice %dot_general3A_176 {offsets = [0, 512], sizes = [1024, 256], strides = [1, 1]} : vector<1024x768xf32> to vector<1024x256xf32>
    %add3A_212 = arith.addf %slice3A_194, %slice3A_211 : vector<1024x256xf32>
    %tanh3A_213 = math.tanh %add3A_212 : vector<1024x256xf32>
    %get3A_214 = arith.constant 6144 : index
    %get3A_215 = arith.constant 0 : index
    %get3A_216 = vector.load %arg4[%get3A_214, %get3A_215] : memref<8192x128xf32, #tpu.memory_space<vmem>>, vector<1024x128xf32>
    %bitcast_convert_type3A_217 = tpu.bitcast %get3A_216 : vector<1024x128xf32> -> vector<1024x128xi32>
    %shift_left3A_218 = arith.constant 16 : i32
    %shift_left3A_219 = vector.broadcast %shift_left3A_218 : i32 to vector<1024x128xi32>
    %shift_left3A_220 = arith.shli %bitcast_convert_type3A_217, %shift_left3A_219 : vector<1024x128xi32>
    %bitcast_convert_type3A_221 = tpu.bitcast %shift_left3A_220 : vector<1024x128xi32> -> vector<1024x128xf32>
    %bitcast_convert_type3A_222 = tpu.bitcast %get3A_216 : vector<1024x128xf32> -> vector<1024x128xi32>
    %and3A_223 = arith.constant -65536 : i32
    %and3A_224 = vector.broadcast %and3A_223 : i32 to vector<1024x128xi32>
    %and3A_225 = arith.andi %bitcast_convert_type3A_222, %and3A_224 : vector<1024x128xi32>
    %bitcast_convert_type3A_226 = tpu.bitcast %and3A_225 : vector<1024x128xi32> -> vector<1024x128xf32>
    %concatenate3A_227 = tpu.concatenate %bitcast_convert_type3A_221, %bitcast_convert_type3A_226 in 1 : vector<1024x128xf32>, vector<1024x128xf32> -> vector<1024x256xf32>
    %dot_general3A_228 = arith.constant dense<0.000000e+00> : vector<1024x256xf32>
    %dot_general3A_229 = tpu.matmul %slice3A_170, %get3A_10, %dot_general3A_228 {dimension_numbers = #tpu.dot_dimension_numbers<[1], [0], [0], [1], [0, 0, 1, 1], [], []>, transpose_lhs_hint = false} : vector<1024x256xf32>, vector<256x256xf32>, vector<1024x256xf32> -> vector<1024x256xf32>
    %add3A_230 = arith.addf %concatenate3A_227, %dot_general3A_229 : vector<1024x256xf32>
    %logistic3A_231 = arith.negf %add3A_230 : vector<1024x256xf32>
    %logistic3A_232 = math.exp %logistic3A_231 : vector<1024x256xf32>
    %logistic3A_233 = arith.constant 1.000000e+00 : f32
    %logistic3A_234 = vector.broadcast %logistic3A_233 : f32 to vector<1024x256xf32>
    %logistic3A_235 = arith.addf %logistic3A_234, %logistic3A_232 : vector<1024x256xf32>
    %logistic3A_236 = arith.divf %logistic3A_234, %logistic3A_235 : vector<1024x256xf32>
    %dot_general3A_237 = arith.constant dense<0.000000e+00> : vector<1024x256xf32>
    %dot_general3A_238 = tpu.matmul %slice3A_171, %get3A_10, %dot_general3A_237 {dimension_numbers = #tpu.dot_dimension_numbers<[1], [0], [0], [1], [0, 0, 1, 1], [], []>, transpose_lhs_hint = false} : vector<1024x256xf32>, vector<256x256xf32>, vector<1024x256xf32> -> vector<1024x256xf32>
    %add3A_239 = arith.addf %concatenate3A_227, %dot_general3A_238 : vector<1024x256xf32>
    %logistic3A_240 = arith.negf %add3A_239 : vector<1024x256xf32>
    %logistic3A_241 = math.exp %logistic3A_240 : vector<1024x256xf32>
    %logistic3A_242 = arith.constant 1.000000e+00 : f32
    %logistic3A_243 = vector.broadcast %logistic3A_242 : f32 to vector<1024x256xf32>
    %logistic3A_244 = arith.addf %logistic3A_243, %logistic3A_241 : vector<1024x256xf32>
    %logistic3A_245 = arith.divf %logistic3A_243, %logistic3A_244 : vector<1024x256xf32>
    %mul3A_246 = arith.mulf %logistic3A_202, %tanh3A_213 : vector<1024x256xf32>
    %mul3A_247 = arith.mulf %logistic3A_236, %slice3A_172 : vector<1024x256xf32>
    %add3A_248 = arith.addf %mul3A_246, %mul3A_247 : vector<1024x256xf32>
    %mul3A_249 = arith.mulf %logistic3A_245, %slice3A_173 : vector<1024x256xf32>
    %add3A_250 = arith.addf %add3A_248, %mul3A_249 : vector<1024x256xf32>
    %tanh3A_251 = math.tanh %add3A_250 : vector<1024x256xf32>
    %mul3A_252 = arith.mulf %logistic3A_210, %tanh3A_251 : vector<1024x256xf32>
    %reshape3A_253 = vector.shape_cast %mul3A_252 : vector<1024x256xf32> to vector<512x512xf32>
    %reshape3A_254 = vector.shape_cast %add3A_250 : vector<1024x256xf32> to vector<512x512xf32>
    %slice3A_255 = vector.extract_strided_slice %reshape3A_253 {offsets = [0, 0], sizes = [512, 256], strides = [1, 1]} : vector<512x512xf32> to vector<512x256xf32>
    %slice3A_256 = vector.extract_strided_slice %reshape3A_253 {offsets = [0, 256], sizes = [512, 256], strides = [1, 1]} : vector<512x512xf32> to vector<512x256xf32>
    %slice3A_257 = vector.extract_strided_slice %reshape3A_254 {offsets = [0, 0], sizes = [512, 256], strides = [1, 1]} : vector<512x512xf32> to vector<512x256xf32>
    %slice3A_258 = vector.extract_strided_slice %reshape3A_254 {offsets = [0, 256], sizes = [512, 256], strides = [1, 1]} : vector<512x512xf32> to vector<512x256xf32>
    %add3A_259 = arith.addf %slice3A_255, %slice3A_256 : vector<512x256xf32>
    %dot_general3A_260 = arith.constant dense<0.000000e+00> : vector<512x768xf32>
    %dot_general3A_261 = tpu.matmul %add3A_259, %get3A_7, %dot_general3A_260 {dimension_numbers = #tpu.dot_dimension_numbers<[1], [0], [0], [1], [0, 0, 1, 1], [], []>, transpose_lhs_hint = false} : vector<512x256xf32>, vector<256x768xf32>, vector<512x768xf32> -> vector<512x768xf32>
    %get3A_262 = arith.constant 7168 : index
    %get3A_263 = arith.constant 0 : index
    %get3A_264 = vector.load %arg3[%get3A_262, %get3A_263] : memref<8192x384xf32, #tpu.memory_space<vmem>>, vector<512x384xf32>
    %bitcast_convert_type3A_265 = tpu.bitcast %get3A_264 : vector<512x384xf32> -> vector<512x384xi32>
    %shift_left3A_266 = arith.constant 16 : i32
    %shift_left3A_267 = vector.broadcast %shift_left3A_266 : i32 to vector<512x384xi32>
    %shift_left3A_268 = arith.shli %bitcast_convert_type3A_265, %shift_left3A_267 : vector<512x384xi32>
    %bitcast_convert_type3A_269 = tpu.bitcast %shift_left3A_268 : vector<512x384xi32> -> vector<512x384xf32>
    %bitcast_convert_type3A_270 = tpu.bitcast %get3A_264 : vector<512x384xf32> -> vector<512x384xi32>
    %and3A_271 = arith.constant -65536 : i32
    %and3A_272 = vector.broadcast %and3A_271 : i32 to vector<512x384xi32>
    %and3A_273 = arith.andi %bitcast_convert_type3A_270, %and3A_272 : vector<512x384xi32>
    %bitcast_convert_type3A_274 = tpu.bitcast %and3A_273 : vector<512x384xi32> -> vector<512x384xf32>
    %slice3A_275 = vector.extract_strided_slice %bitcast_convert_type3A_269 {offsets = [0, 0], sizes = [512, 256], strides = [1, 1]} : vector<512x384xf32> to vector<512x256xf32>
    %slice3A_276 = vector.extract_strided_slice %bitcast_convert_type3A_269 {offsets = [0, 256], sizes = [512, 128], strides = [1, 1]} : vector<512x384xf32> to vector<512x128xf32>
    %slice3A_277 = vector.extract_strided_slice %bitcast_convert_type3A_274 {offsets = [0, 0], sizes = [512, 128], strides = [1, 1]} : vector<512x384xf32> to vector<512x128xf32>
    %concatenate3A_278 = tpu.concatenate %slice3A_276, %slice3A_277 in 1 : vector<512x128xf32>, vector<512x128xf32> -> vector<512x256xf32>
    %slice3A_279 = vector.extract_strided_slice %bitcast_convert_type3A_274 {offsets = [0, 128], sizes = [512, 256], strides = [1, 1]} : vector<512x384xf32> to vector<512x256xf32>
    %slice3A_280 = vector.extract_strided_slice %dot_general3A_261 {offsets = [0, 0], sizes = [512, 256], strides = [1, 1]} : vector<512x768xf32> to vector<512x256xf32>
    %add3A_281 = arith.addf %slice3A_275, %slice3A_280 : vector<512x256xf32>
    %logistic3A_282 = arith.negf %add3A_281 : vector<512x256xf32>
    %logistic3A_283 = math.exp %logistic3A_282 : vector<512x256xf32>
    %logistic3A_284 = arith.constant 1.000000e+00 : f32
    %logistic3A_285 = vector.broadcast %logistic3A_284 : f32 to vector<512x256xf32>
    %logistic3A_286 = arith.addf %logistic3A_285, %logistic3A_283 : vector<512x256xf32>
    %logistic3A_287 = arith.divf %logistic3A_285, %logistic3A_286 : vector<512x256xf32>
    %slice3A_288 = vector.extract_strided_slice %dot_general3A_261 {offsets = [0, 256], sizes = [512, 256], strides = [1, 1]} : vector<512x768xf32> to vector<512x256xf32>
    %add3A_289 = arith.addf %concatenate3A_278, %slice3A_288 : vector<512x256xf32>
    %logistic3A_290 = arith.negf %add3A_289 : vector<512x256xf32>
    %logistic3A_291 = math.exp %logistic3A_290 : vector<512x256xf32>
    %logistic3A_292 = arith.constant 1.000000e+00 : f32
    %logistic3A_293 = vector.broadcast %logistic3A_292 : f32 to vector<512x256xf32>
    %logistic3A_294 = arith.addf %logistic3A_293, %logistic3A_291 : vector<512x256xf32>
    %logistic3A_295 = arith.divf %logistic3A_293, %logistic3A_294 : vector<512x256xf32>
    %slice3A_296 = vector.extract_strided_slice %dot_general3A_261 {offsets = [0, 512], sizes = [512, 256], strides = [1, 1]} : vector<512x768xf32> to vector<512x256xf32>
    %add3A_297 = arith.addf %slice3A_279, %slice3A_296 : vector<512x256xf32>
    %tanh3A_298 = math.tanh %add3A_297 : vector<512x256xf32>
    %get3A_299 = arith.constant 7168 : index
    %get3A_300 = arith.constant 0 : index
    %get3A_301 = vector.load %arg4[%get3A_299, %get3A_300] : memref<8192x128xf32, #tpu.memory_space<vmem>>, vector<512x128xf32>
    %bitcast_convert_type3A_302 = tpu.bitcast %get3A_301 : vector<512x128xf32> -> vector<512x128xi32>
    %shift_left3A_303 = arith.constant 16 : i32
    %shift_left3A_304 = vector.broadcast %shift_left3A_303 : i32 to vector<512x128xi32>
    %shift_left3A_305 = arith.shli %bitcast_convert_type3A_302, %shift_left3A_304 : vector<512x128xi32>
    %bitcast_convert_type3A_306 = tpu.bitcast %shift_left3A_305 : vector<512x128xi32> -> vector<512x128xf32>
    %bitcast_convert_type3A_307 = tpu.bitcast %get3A_301 : vector<512x128xf32> -> vector<512x128xi32>
    %and3A_308 = arith.constant -65536 : i32
    %and3A_309 = vector.broadcast %and3A_308 : i32 to vector<512x128xi32>
    %and3A_310 = arith.andi %bitcast_convert_type3A_307, %and3A_309 : vector<512x128xi32>
    %bitcast_convert_type3A_311 = tpu.bitcast %and3A_310 : vector<512x128xi32> -> vector<512x128xf32>
    %concatenate3A_312 = tpu.concatenate %bitcast_convert_type3A_306, %bitcast_convert_type3A_311 in 1 : vector<512x128xf32>, vector<512x128xf32> -> vector<512x256xf32>
    %dot_general3A_313 = arith.constant dense<0.000000e+00> : vector<512x256xf32>
    %dot_general3A_314 = tpu.matmul %slice3A_255, %get3A_10, %dot_general3A_313 {dimension_numbers = #tpu.dot_dimension_numbers<[1], [0], [0], [1], [0, 0, 1, 1], [], []>, transpose_lhs_hint = false} : vector<512x256xf32>, vector<256x256xf32>, vector<512x256xf32> -> vector<512x256xf32>
    %add3A_315 = arith.addf %concatenate3A_312, %dot_general3A_314 : vector<512x256xf32>
    %logistic3A_316 = arith.negf %add3A_315 : vector<512x256xf32>
    %logistic3A_317 = math.exp %logistic3A_316 : vector<512x256xf32>
    %logistic3A_318 = arith.constant 1.000000e+00 : f32
    %logistic3A_319 = vector.broadcast %logistic3A_318 : f32 to vector<512x256xf32>
    %logistic3A_320 = arith.addf %logistic3A_319, %logistic3A_317 : vector<512x256xf32>
    %logistic3A_321 = arith.divf %logistic3A_319, %logistic3A_320 : vector<512x256xf32>
    %dot_general3A_322 = arith.constant dense<0.000000e+00> : vector<512x256xf32>
    %dot_general3A_323 = tpu.matmul %slice3A_256, %get3A_10, %dot_general3A_322 {dimension_numbers = #tpu.dot_dimension_numbers<[1], [0], [0], [1], [0, 0, 1, 1], [], []>, transpose_lhs_hint = false} : vector<512x256xf32>, vector<256x256xf32>, vector<512x256xf32> -> vector<512x256xf32>
    %add3A_324 = arith.addf %concatenate3A_312, %dot_general3A_323 : vector<512x256xf32>
    %logistic3A_325 = arith.negf %add3A_324 : vector<512x256xf32>
    %logistic3A_326 = math.exp %logistic3A_325 : vector<512x256xf32>
    %logistic3A_327 = arith.constant 1.000000e+00 : f32
    %logistic3A_328 = vector.broadcast %logistic3A_327 : f32 to vector<512x256xf32>
    %logistic3A_329 = arith.addf %logistic3A_328, %logistic3A_326 : vector<512x256xf32>
    %logistic3A_330 = arith.divf %logistic3A_328, %logistic3A_329 : vector<512x256xf32>
    %mul3A_331 = arith.mulf %logistic3A_287, %tanh3A_298 : vector<512x256xf32>
    %mul3A_332 = arith.mulf %logistic3A_321, %slice3A_257 : vector<512x256xf32>
    %add3A_333 = arith.addf %mul3A_331, %mul3A_332 : vector<512x256xf32>
    %mul3A_334 = arith.mulf %logistic3A_330, %slice3A_258 : vector<512x256xf32>
    %add3A_335 = arith.addf %add3A_333, %mul3A_334 : vector<512x256xf32>
    %tanh3A_336 = math.tanh %add3A_335 : vector<512x256xf32>
    %mul3A_337 = arith.mulf %logistic3A_295, %tanh3A_336 : vector<512x256xf32>
    %reshape3A_338 = vector.shape_cast %mul3A_337 : vector<512x256xf32> to vector<256x512xf32>
    %reshape3A_339 = vector.shape_cast %add3A_335 : vector<512x256xf32> to vector<256x512xf32>
    %slice3A_340 = vector.extract_strided_slice %reshape3A_338 {offsets = [0, 0], sizes = [256, 256], strides = [1, 1]} : vector<256x512xf32> to vector<256x256xf32>
    %slice3A_341 = vector.extract_strided_slice %reshape3A_338 {offsets = [0, 256], sizes = [256, 256], strides = [1, 1]} : vector<256x512xf32> to vector<256x256xf32>
    %slice3A_342 = vector.extract_strided_slice %reshape3A_339 {offsets = [0, 0], sizes = [256, 256], strides = [1, 1]} : vector<256x512xf32> to vector<256x256xf32>
    %slice3A_343 = vector.extract_strided_slice %reshape3A_339 {offsets = [0, 256], sizes = [256, 256], strides = [1, 1]} : vector<256x512xf32> to vector<256x256xf32>
    %add3A_344 = arith.addf %slice3A_340, %slice3A_341 : vector<256x256xf32>
    %dot_general3A_345 = arith.constant dense<0.000000e+00> : vector<256x768xf32>
    %dot_general3A_346 = tpu.matmul %add3A_344, %get3A_7, %dot_general3A_345 {dimension_numbers = #tpu.dot_dimension_numbers<[1], [0], [0], [1], [0, 0, 1, 1], [], []>, transpose_lhs_hint = false} : vector<256x256xf32>, vector<256x768xf32>, vector<256x768xf32> -> vector<256x768xf32>
    %get3A_347 = arith.constant 7680 : index
    %get3A_348 = arith.constant 0 : index
    %get3A_349 = vector.load %arg3[%get3A_347, %get3A_348] : memref<8192x384xf32, #tpu.memory_space<vmem>>, vector<256x384xf32>
    %bitcast_convert_type3A_350 = tpu.bitcast %get3A_349 : vector<256x384xf32> -> vector<256x384xi32>
    %shift_left3A_351 = arith.constant 16 : i32
    %shift_left3A_352 = vector.broadcast %shift_left3A_351 : i32 to vector<256x384xi32>
    %shift_left3A_353 = arith.shli %bitcast_convert_type3A_350, %shift_left3A_352 : vector<256x384xi32>
    %bitcast_convert_type3A_354 = tpu.bitcast %shift_left3A_353 : vector<256x384xi32> -> vector<256x384xf32>
    %bitcast_convert_type3A_355 = tpu.bitcast %get3A_349 : vector<256x384xf32> -> vector<256x384xi32>
    %and3A_356 = arith.constant -65536 : i32
    %and3A_357 = vector.broadcast %and3A_356 : i32 to vector<256x384xi32>
    %and3A_358 = arith.andi %bitcast_convert_type3A_355, %and3A_357 : vector<256x384xi32>
    %bitcast_convert_type3A_359 = tpu.bitcast %and3A_358 : vector<256x384xi32> -> vector<256x384xf32>
    %slice3A_360 = vector.extract_strided_slice %bitcast_convert_type3A_354 {offsets = [0, 0], sizes = [256, 256], strides = [1, 1]} : vector<256x384xf32> to vector<256x256xf32>
    %slice3A_361 = vector.extract_strided_slice %bitcast_convert_type3A_354 {offsets = [0, 256], sizes = [256, 128], strides = [1, 1]} : vector<256x384xf32> to vector<256x128xf32>
    %slice3A_362 = vector.extract_strided_slice %bitcast_convert_type3A_359 {offsets = [0, 0], sizes = [256, 128], strides = [1, 1]} : vector<256x384xf32> to vector<256x128xf32>
    %concatenate3A_363 = tpu.concatenate %slice3A_361, %slice3A_362 in 1 : vector<256x128xf32>, vector<256x128xf32> -> vector<256x256xf32>
    %slice3A_364 = vector.extract_strided_slice %bitcast_convert_type3A_359 {offsets = [0, 128], sizes = [256, 256], strides = [1, 1]} : vector<256x384xf32> to vector<256x256xf32>
    %slice3A_365 = vector.extract_strided_slice %dot_general3A_346 {offsets = [0, 0], sizes = [256, 256], strides = [1, 1]} : vector<256x768xf32> to vector<256x256xf32>
    %add3A_366 = arith.addf %slice3A_360, %slice3A_365 : vector<256x256xf32>
    %logistic3A_367 = arith.negf %add3A_366 : vector<256x256xf32>
    %logistic3A_368 = math.exp %logistic3A_367 : vector<256x256xf32>
    %logistic3A_369 = arith.constant 1.000000e+00 : f32
    %logistic3A_370 = vector.broadcast %logistic3A_369 : f32 to vector<256x256xf32>
    %logistic3A_371 = arith.addf %logistic3A_370, %logistic3A_368 : vector<256x256xf32>
    %logistic3A_372 = arith.divf %logistic3A_370, %logistic3A_371 : vector<256x256xf32>
    %slice3A_373 = vector.extract_strided_slice %dot_general3A_346 {offsets = [0, 256], sizes = [256, 256], strides = [1, 1]} : vector<256x768xf32> to vector<256x256xf32>
    %add3A_374 = arith.addf %concatenate3A_363, %slice3A_373 : vector<256x256xf32>
    %logistic3A_375 = arith.negf %add3A_374 : vector<256x256xf32>
    %logistic3A_376 = math.exp %logistic3A_375 : vector<256x256xf32>
    %logistic3A_377 = arith.constant 1.000000e+00 : f32
    %logistic3A_378 = vector.broadcast %logistic3A_377 : f32 to vector<256x256xf32>
    %logistic3A_379 = arith.addf %logistic3A_378, %logistic3A_376 : vector<256x256xf32>
    %logistic3A_380 = arith.divf %logistic3A_378, %logistic3A_379 : vector<256x256xf32>
    %slice3A_381 = vector.extract_strided_slice %dot_general3A_346 {offsets = [0, 512], sizes = [256, 256], strides = [1, 1]} : vector<256x768xf32> to vector<256x256xf32>
    %add3A_382 = arith.addf %slice3A_364, %slice3A_381 : vector<256x256xf32>
    %tanh3A_383 = math.tanh %add3A_382 : vector<256x256xf32>
    %get3A_384 = arith.constant 7680 : index
    %get3A_385 = arith.constant 0 : index
    %get3A_386 = vector.load %arg4[%get3A_384, %get3A_385] : memref<8192x128xf32, #tpu.memory_space<vmem>>, vector<256x128xf32>
    %bitcast_convert_type3A_387 = tpu.bitcast %get3A_386 : vector<256x128xf32> -> vector<256x128xi32>
    %shift_left3A_388 = arith.constant 16 : i32
    %shift_left3A_389 = vector.broadcast %shift_left3A_388 : i32 to vector<256x128xi32>
    %shift_left3A_390 = arith.shli %bitcast_convert_type3A_387, %shift_left3A_389 : vector<256x128xi32>
    %bitcast_convert_type3A_391 = tpu.bitcast %shift_left3A_390 : vector<256x128xi32> -> vector<256x128xf32>
    %bitcast_convert_type3A_392 = tpu.bitcast %get3A_386 : vector<256x128xf32> -> vector<256x128xi32>
    %and3A_393 = arith.constant -65536 : i32
    %and3A_394 = vector.broadcast %and3A_393 : i32 to vector<256x128xi32>
    %and3A_395 = arith.andi %bitcast_convert_type3A_392, %and3A_394 : vector<256x128xi32>
    %bitcast_convert_type3A_396 = tpu.bitcast %and3A_395 : vector<256x128xi32> -> vector<256x128xf32>
    %concatenate3A_397 = tpu.concatenate %bitcast_convert_type3A_391, %bitcast_convert_type3A_396 in 1 : vector<256x128xf32>, vector<256x128xf32> -> vector<256x256xf32>
    %dot_general3A_398 = arith.constant dense<0.000000e+00> : vector<256x256xf32>
    %dot_general3A_399 = tpu.matmul %slice3A_340, %get3A_10, %dot_general3A_398 {dimension_numbers = #tpu.dot_dimension_numbers<[1], [0], [0], [1], [0, 0, 1, 1], [], []>, transpose_lhs_hint = false} : vector<256x256xf32>, vector<256x256xf32>, vector<256x256xf32> -> vector<256x256xf32>
    %add3A_400 = arith.addf %concatenate3A_397, %dot_general3A_399 : vector<256x256xf32>
    %logistic3A_401 = arith.negf %add3A_400 : vector<256x256xf32>
    %logistic3A_402 = math.exp %logistic3A_401 : vector<256x256xf32>
    %logistic3A_403 = arith.constant 1.000000e+00 : f32
    %logistic3A_404 = vector.broadcast %logistic3A_403 : f32 to vector<256x256xf32>
    %logistic3A_405 = arith.addf %logistic3A_404, %logistic3A_402 : vector<256x256xf32>
    %logistic3A_406 = arith.divf %logistic3A_404, %logistic3A_405 : vector<256x256xf32>
    %dot_general3A_407 = arith.constant dense<0.000000e+00> : vector<256x256xf32>
    %dot_general3A_408 = tpu.matmul %slice3A_341, %get3A_10, %dot_general3A_407 {dimension_numbers = #tpu.dot_dimension_numbers<[1], [0], [0], [1], [0, 0, 1, 1], [], []>, transpose_lhs_hint = false} : vector<256x256xf32>, vector<256x256xf32>, vector<256x256xf32> -> vector<256x256xf32>
    %add3A_409 = arith.addf %concatenate3A_397, %dot_general3A_408 : vector<256x256xf32>
    %logistic3A_410 = arith.negf %add3A_409 : vector<256x256xf32>
    %logistic3A_411 = math.exp %logistic3A_410 : vector<256x256xf32>
    %logistic3A_412 = arith.constant 1.000000e+00 : f32
    %logistic3A_413 = vector.broadcast %logistic3A_412 : f32 to vector<256x256xf32>
    %logistic3A_414 = arith.addf %logistic3A_413, %logistic3A_411 : vector<256x256xf32>
    %logistic3A_415 = arith.divf %logistic3A_413, %logistic3A_414 : vector<256x256xf32>
    %mul3A_416 = arith.mulf %logistic3A_372, %tanh3A_383 : vector<256x256xf32>
    %mul3A_417 = arith.mulf %logistic3A_406, %slice3A_342 : vector<256x256xf32>
    %add3A_418 = arith.addf %mul3A_416, %mul3A_417 : vector<256x256xf32>
    %mul3A_419 = arith.mulf %logistic3A_415, %slice3A_343 : vector<256x256xf32>
    %add3A_420 = arith.addf %add3A_418, %mul3A_419 : vector<256x256xf32>
    %tanh3A_421 = math.tanh %add3A_420 : vector<256x256xf32>
    %mul3A_422 = arith.mulf %logistic3A_380, %tanh3A_421 : vector<256x256xf32>
    %reshape3A_423 = vector.shape_cast %mul3A_422 : vector<256x256xf32> to vector<128x512xf32>
    %reshape3A_424 = vector.shape_cast %add3A_420 : vector<256x256xf32> to vector<128x512xf32>
    %slice3A_425 = vector.extract_strided_slice %reshape3A_423 {offsets = [0, 0], sizes = [128, 256], strides = [1, 1]} : vector<128x512xf32> to vector<128x256xf32>
    %slice3A_426 = vector.extract_strided_slice %reshape3A_423 {offsets = [0, 256], sizes = [128, 256], strides = [1, 1]} : vector<128x512xf32> to vector<128x256xf32>
    %slice3A_427 = vector.extract_strided_slice %reshape3A_424 {offsets = [0, 0], sizes = [128, 256], strides = [1, 1]} : vector<128x512xf32> to vector<128x256xf32>
    %slice3A_428 = vector.extract_strided_slice %reshape3A_424 {offsets = [0, 256], sizes = [128, 256], strides = [1, 1]} : vector<128x512xf32> to vector<128x256xf32>
    %add3A_429 = arith.addf %slice3A_425, %slice3A_426 : vector<128x256xf32>
    %dot_general3A_430 = arith.constant dense<0.000000e+00> : vector<128x768xf32>
    %dot_general3A_431 = tpu.matmul %add3A_429, %get3A_7, %dot_general3A_430 {dimension_numbers = #tpu.dot_dimension_numbers<[1], [0], [0], [1], [0, 0, 1, 1], [], []>, transpose_lhs_hint = false} : vector<128x256xf32>, vector<256x768xf32>, vector<128x768xf32> -> vector<128x768xf32>
    %get3A_432 = arith.constant 7936 : index
    %get3A_433 = arith.constant 0 : index
    %get3A_434 = vector.load %arg3[%get3A_432, %get3A_433] : memref<8192x384xf32, #tpu.memory_space<vmem>>, vector<128x384xf32>
    %bitcast_convert_type3A_435 = tpu.bitcast %get3A_434 : vector<128x384xf32> -> vector<128x384xi32>
    %shift_left3A_436 = arith.constant 16 : i32
    %shift_left3A_437 = vector.broadcast %shift_left3A_436 : i32 to vector<128x384xi32>
    %shift_left3A_438 = arith.shli %bitcast_convert_type3A_435, %shift_left3A_437 : vector<128x384xi32>
    %bitcast_convert_type3A_439 = tpu.bitcast %shift_left3A_438 : vector<128x384xi32> -> vector<128x384xf32>
    %bitcast_convert_type3A_440 = tpu.bitcast %get3A_434 : vector<128x384xf32> -> vector<128x384xi32>
    %and3A_441 = arith.constant -65536 : i32
    %and3A_442 = vector.broadcast %and3A_441 : i32 to vector<128x384xi32>
    %and3A_443 = arith.andi %bitcast_convert_type3A_440, %and3A_442 : vector<128x384xi32>
    %bitcast_convert_type3A_444 = tpu.bitcast %and3A_443 : vector<128x384xi32> -> vector<128x384xf32>
    %slice3A_445 = vector.extract_strided_slice %bitcast_convert_type3A_439 {offsets = [0, 0], sizes = [128, 256], strides = [1, 1]} : vector<128x384xf32> to vector<128x256xf32>
    %slice3A_446 = vector.extract_strided_slice %bitcast_convert_type3A_439 {offsets = [0, 256], sizes = [128, 128], strides = [1, 1]} : vector<128x384xf32> to vector<128x128xf32>
    %slice3A_447 = vector.extract_strided_slice %bitcast_convert_type3A_444 {offsets = [0, 0], sizes = [128, 128], strides = [1, 1]} : vector<128x384xf32> to vector<128x128xf32>
    %concatenate3A_448 = tpu.concatenate %slice3A_446, %slice3A_447 in 1 : vector<128x128xf32>, vector<128x128xf32> -> vector<128x256xf32>
    %slice3A_449 = vector.extract_strided_slice %bitcast_convert_type3A_444 {offsets = [0, 128], sizes = [128, 256], strides = [1, 1]} : vector<128x384xf32> to vector<128x256xf32>
    %slice3A_450 = vector.extract_strided_slice %dot_general3A_431 {offsets = [0, 0], sizes = [128, 256], strides = [1, 1]} : vector<128x768xf32> to vector<128x256xf32>
    %add3A_451 = arith.addf %slice3A_445, %slice3A_450 : vector<128x256xf32>
    %logistic3A_452 = arith.negf %add3A_451 : vector<128x256xf32>
    %logistic3A_453 = math.exp %logistic3A_452 : vector<128x256xf32>
    %logistic3A_454 = arith.constant 1.000000e+00 : f32
    %logistic3A_455 = vector.broadcast %logistic3A_454 : f32 to vector<128x256xf32>
    %logistic3A_456 = arith.addf %logistic3A_455, %logistic3A_453 : vector<128x256xf32>
    %logistic3A_457 = arith.divf %logistic3A_455, %logistic3A_456 : vector<128x256xf32>
    %slice3A_458 = vector.extract_strided_slice %dot_general3A_431 {offsets = [0, 256], sizes = [128, 256], strides = [1, 1]} : vector<128x768xf32> to vector<128x256xf32>
    %add3A_459 = arith.addf %concatenate3A_448, %slice3A_458 : vector<128x256xf32>
    %logistic3A_460 = arith.negf %add3A_459 : vector<128x256xf32>
    %logistic3A_461 = math.exp %logistic3A_460 : vector<128x256xf32>
    %logistic3A_462 = arith.constant 1.000000e+00 : f32
    %logistic3A_463 = vector.broadcast %logistic3A_462 : f32 to vector<128x256xf32>
    %logistic3A_464 = arith.addf %logistic3A_463, %logistic3A_461 : vector<128x256xf32>
    %logistic3A_465 = arith.divf %logistic3A_463, %logistic3A_464 : vector<128x256xf32>
    %slice3A_466 = vector.extract_strided_slice %dot_general3A_431 {offsets = [0, 512], sizes = [128, 256], strides = [1, 1]} : vector<128x768xf32> to vector<128x256xf32>
    %add3A_467 = arith.addf %slice3A_449, %slice3A_466 : vector<128x256xf32>
    %tanh3A_468 = math.tanh %add3A_467 : vector<128x256xf32>
    %get3A_469 = arith.constant 7936 : index
    %get3A_470 = arith.constant 0 : index
    %get3A_471 = vector.load %arg4[%get3A_469, %get3A_470] : memref<8192x128xf32, #tpu.memory_space<vmem>>, vector<128x128xf32>
    %bitcast_convert_type3A_472 = tpu.bitcast %get3A_471 : vector<128x128xf32> -> vector<128x128xi32>
    %shift_left3A_473 = arith.constant 16 : i32
    %shift_left3A_474 = vector.broadcast %shift_left3A_473 : i32 to vector<128x128xi32>
    %shift_left3A_475 = arith.shli %bitcast_convert_type3A_472, %shift_left3A_474 : vector<128x128xi32>
    %bitcast_convert_type3A_476 = tpu.bitcast %shift_left3A_475 : vector<128x128xi32> -> vector<128x128xf32>
    %bitcast_convert_type3A_477 = tpu.bitcast %get3A_471 : vector<128x128xf32> -> vector<128x128xi32>
    %and3A_478 = arith.constant -65536 : i32
    %and3A_479 = vector.broadcast %and3A_478 : i32 to vector<128x128xi32>
    %and3A_480 = arith.andi %bitcast_convert_type3A_477, %and3A_479 : vector<128x128xi32>
    %bitcast_convert_type3A_481 = tpu.bitcast %and3A_480 : vector<128x128xi32> -> vector<128x128xf32>
    %concatenate3A_482 = tpu.concatenate %bitcast_convert_type3A_476, %bitcast_convert_type3A_481 in 1 : vector<128x128xf32>, vector<128x128xf32> -> vector<128x256xf32>
    %dot_general3A_483 = arith.constant dense<0.000000e+00> : vector<128x256xf32>
    %dot_general3A_484 = tpu.matmul %slice3A_425, %get3A_10, %dot_general3A_483 {dimension_numbers = #tpu.dot_dimension_numbers<[1], [0], [0], [1], [0, 0, 1, 1], [], []>, transpose_lhs_hint = false} : vector<128x256xf32>, vector<256x256xf32>, vector<128x256xf32> -> vector<128x256xf32>
    %add3A_485 = arith.addf %concatenate3A_482, %dot_general3A_484 : vector<128x256xf32>
    %logistic3A_486 = arith.negf %add3A_485 : vector<128x256xf32>
    %logistic3A_487 = math.exp %logistic3A_486 : vector<128x256xf32>
    %logistic3A_488 = arith.constant 1.000000e+00 : f32
    %logistic3A_489 = vector.broadcast %logistic3A_488 : f32 to vector<128x256xf32>
    %logistic3A_490 = arith.addf %logistic3A_489, %logistic3A_487 : vector<128x256xf32>
    %logistic3A_491 = arith.divf %logistic3A_489, %logistic3A_490 : vector<128x256xf32>
    %dot_general3A_492 = arith.constant dense<0.000000e+00> : vector<128x256xf32>
    %dot_general3A_493 = tpu.matmul %slice3A_426, %get3A_10, %dot_general3A_492 {dimension_numbers = #tpu.dot_dimension_numbers<[1], [0], [0], [1], [0, 0, 1, 1], [], []>, transpose_lhs_hint = false} : vector<128x256xf32>, vector<256x256xf32>, vector<128x256xf32> -> vector<128x256xf32>
    %add3A_494 = arith.addf %concatenate3A_482, %dot_general3A_493 : vector<128x256xf32>
    %logistic3A_495 = arith.negf %add3A_494 : vector<128x256xf32>
    %logistic3A_496 = math.exp %logistic3A_495 : vector<128x256xf32>
    %logistic3A_497 = arith.constant 1.000000e+00 : f32
    %logistic3A_498 = vector.broadcast %logistic3A_497 : f32 to vector<128x256xf32>
    %logistic3A_499 = arith.addf %logistic3A_498, %logistic3A_496 : vector<128x256xf32>
    %logistic3A_500 = arith.divf %logistic3A_498, %logistic3A_499 : vector<128x256xf32>
    %mul3A_501 = arith.mulf %logistic3A_457, %tanh3A_468 : vector<128x256xf32>
    %mul3A_502 = arith.mulf %logistic3A_491, %slice3A_427 : vector<128x256xf32>
    %add3A_503 = arith.addf %mul3A_501, %mul3A_502 : vector<128x256xf32>
    %mul3A_504 = arith.mulf %logistic3A_500, %slice3A_428 : vector<128x256xf32>
    %add3A_505 = arith.addf %add3A_503, %mul3A_504 : vector<128x256xf32>
    %tanh3A_506 = math.tanh %add3A_505 : vector<128x256xf32>
    %mul3A_507 = arith.mulf %logistic3A_465, %tanh3A_506 : vector<128x256xf32>
    %reshape3A_508 = vector.shape_cast %mul3A_507 : vector<128x256xf32> to vector<64x512xf32>
    %reshape3A_509 = vector.shape_cast %add3A_505 : vector<128x256xf32> to vector<64x512xf32>
    %slice3A_510 = vector.extract_strided_slice %reshape3A_508 {offsets = [0, 0], sizes = [64, 256], strides = [1, 1]} : vector<64x512xf32> to vector<64x256xf32>
    %slice3A_511 = vector.extract_strided_slice %reshape3A_508 {offsets = [0, 256], sizes = [64, 256], strides = [1, 1]} : vector<64x512xf32> to vector<64x256xf32>
    %slice3A_512 = vector.extract_strided_slice %reshape3A_509 {offsets = [0, 0], sizes = [64, 256], strides = [1, 1]} : vector<64x512xf32> to vector<64x256xf32>
    %slice3A_513 = vector.extract_strided_slice %reshape3A_509 {offsets = [0, 256], sizes = [64, 256], strides = [1, 1]} : vector<64x512xf32> to vector<64x256xf32>
    %add3A_514 = arith.addf %slice3A_510, %slice3A_511 : vector<64x256xf32>
    %dot_general3A_515 = arith.constant dense<0.000000e+00> : vector<64x768xf32>
    %dot_general3A_516 = tpu.matmul %add3A_514, %get3A_7, %dot_general3A_515 {dimension_numbers = #tpu.dot_dimension_numbers<[1], [0], [0], [1], [0, 0, 1, 1], [], []>, transpose_lhs_hint = false} : vector<64x256xf32>, vector<256x768xf32>, vector<64x768xf32> -> vector<64x768xf32>
    %get3A_517 = arith.constant 8064 : index
    %get3A_518 = arith.constant 0 : index
    %get3A_519 = vector.load %arg3[%get3A_517, %get3A_518] : memref<8192x384xf32, #tpu.memory_space<vmem>>, vector<64x384xf32>
    %bitcast_convert_type3A_520 = tpu.bitcast %get3A_519 : vector<64x384xf32> -> vector<64x384xi32>
    %shift_left3A_521 = arith.constant 16 : i32
    %shift_left3A_522 = vector.broadcast %shift_left3A_521 : i32 to vector<64x384xi32>
    %shift_left3A_523 = arith.shli %bitcast_convert_type3A_520, %shift_left3A_522 : vector<64x384xi32>
    %bitcast_convert_type3A_524 = tpu.bitcast %shift_left3A_523 : vector<64x384xi32> -> vector<64x384xf32>
    %bitcast_convert_type3A_525 = tpu.bitcast %get3A_519 : vector<64x384xf32> -> vector<64x384xi32>
    %and3A_526 = arith.constant -65536 : i32
    %and3A_527 = vector.broadcast %and3A_526 : i32 to vector<64x384xi32>
    %and3A_528 = arith.andi %bitcast_convert_type3A_525, %and3A_527 : vector<64x384xi32>
    %bitcast_convert_type3A_529 = tpu.bitcast %and3A_528 : vector<64x384xi32> -> vector<64x384xf32>
    %slice3A_530 = vector.extract_strided_slice %bitcast_convert_type3A_524 {offsets = [0, 0], sizes = [64, 256], strides = [1, 1]} : vector<64x384xf32> to vector<64x256xf32>
    %slice3A_531 = vector.extract_strided_slice %bitcast_convert_type3A_524 {offsets = [0, 256], sizes = [64, 128], strides = [1, 1]} : vector<64x384xf32> to vector<64x128xf32>
    %slice3A_532 = vector.extract_strided_slice %bitcast_convert_type3A_529 {offsets = [0, 0], sizes = [64, 128], strides = [1, 1]} : vector<64x384xf32> to vector<64x128xf32>
    %concatenate3A_533 = tpu.concatenate %slice3A_531, %slice3A_532 in 1 : vector<64x128xf32>, vector<64x128xf32> -> vector<64x256xf32>
    %slice3A_534 = vector.extract_strided_slice %bitcast_convert_type3A_529 {offsets = [0, 128], sizes = [64, 256], strides = [1, 1]} : vector<64x384xf32> to vector<64x256xf32>
    %slice3A_535 = vector.extract_strided_slice %dot_general3A_516 {offsets = [0, 0], sizes = [64, 256], strides = [1, 1]} : vector<64x768xf32> to vector<64x256xf32>
    %add3A_536 = arith.addf %slice3A_530, %slice3A_535 : vector<64x256xf32>
    %logistic3A_537 = arith.negf %add3A_536 : vector<64x256xf32>
    %logistic3A_538 = math.exp %logistic3A_537 : vector<64x256xf32>
    %logistic3A_539 = arith.constant 1.000000e+00 : f32
    %logistic3A_540 = vector.broadcast %logistic3A_539 : f32 to vector<64x256xf32>
    %logistic3A_541 = arith.addf %logistic3A_540, %logistic3A_538 : vector<64x256xf32>
    %logistic3A_542 = arith.divf %logistic3A_540, %logistic3A_541 : vector<64x256xf32>
    %slice3A_543 = vector.extract_strided_slice %dot_general3A_516 {offsets = [0, 256], sizes = [64, 256], strides = [1, 1]} : vector<64x768xf32> to vector<64x256xf32>
    %add3A_544 = arith.addf %concatenate3A_533, %slice3A_543 : vector<64x256xf32>
    %logistic3A_545 = arith.negf %add3A_544 : vector<64x256xf32>
    %logistic3A_546 = math.exp %logistic3A_545 : vector<64x256xf32>
    %logistic3A_547 = arith.constant 1.000000e+00 : f32
    %logistic3A_548 = vector.broadcast %logistic3A_547 : f32 to vector<64x256xf32>
    %logistic3A_549 = arith.addf %logistic3A_548, %logistic3A_546 : vector<64x256xf32>
    %logistic3A_550 = arith.divf %logistic3A_548, %logistic3A_549 : vector<64x256xf32>
    %slice3A_551 = vector.extract_strided_slice %dot_general3A_516 {offsets = [0, 512], sizes = [64, 256], strides = [1, 1]} : vector<64x768xf32> to vector<64x256xf32>
    %add3A_552 = arith.addf %slice3A_534, %slice3A_551 : vector<64x256xf32>
    %tanh3A_553 = math.tanh %add3A_552 : vector<64x256xf32>
    %get3A_554 = arith.constant 8064 : index
    %get3A_555 = arith.constant 0 : index
    %get3A_556 = vector.load %arg4[%get3A_554, %get3A_555] : memref<8192x128xf32, #tpu.memory_space<vmem>>, vector<64x128xf32>
    %bitcast_convert_type3A_557 = tpu.bitcast %get3A_556 : vector<64x128xf32> -> vector<64x128xi32>
    %shift_left3A_558 = arith.constant 16 : i32
    %shift_left3A_559 = vector.broadcast %shift_left3A_558 : i32 to vector<64x128xi32>
    %shift_left3A_560 = arith.shli %bitcast_convert_type3A_557, %shift_left3A_559 : vector<64x128xi32>
    %bitcast_convert_type3A_561 = tpu.bitcast %shift_left3A_560 : vector<64x128xi32> -> vector<64x128xf32>
    %bitcast_convert_type3A_562 = tpu.bitcast %get3A_556 : vector<64x128xf32> -> vector<64x128xi32>
    %and3A_563 = arith.constant -65536 : i32
    %and3A_564 = vector.broadcast %and3A_563 : i32 to vector<64x128xi32>
    %and3A_565 = arith.andi %bitcast_convert_type3A_562, %and3A_564 : vector<64x128xi32>
    %bitcast_convert_type3A_566 = tpu.bitcast %and3A_565 : vector<64x128xi32> -> vector<64x128xf32>
    %concatenate3A_567 = tpu.concatenate %bitcast_convert_type3A_561, %bitcast_convert_type3A_566 in 1 : vector<64x128xf32>, vector<64x128xf32> -> vector<64x256xf32>
    %dot_general3A_568 = arith.constant dense<0.000000e+00> : vector<64x256xf32>
    %dot_general3A_569 = tpu.matmul %slice3A_510, %get3A_10, %dot_general3A_568 {dimension_numbers = #tpu.dot_dimension_numbers<[1], [0], [0], [1], [0, 0, 1, 1], [], []>, transpose_lhs_hint = false} : vector<64x256xf32>, vector<256x256xf32>, vector<64x256xf32> -> vector<64x256xf32>
    %add3A_570 = arith.addf %concatenate3A_567, %dot_general3A_569 : vector<64x256xf32>
    %logistic3A_571 = arith.negf %add3A_570 : vector<64x256xf32>
    %logistic3A_572 = math.exp %logistic3A_571 : vector<64x256xf32>
    %logistic3A_573 = arith.constant 1.000000e+00 : f32
    %logistic3A_574 = vector.broadcast %logistic3A_573 : f32 to vector<64x256xf32>
    %logistic3A_575 = arith.addf %logistic3A_574, %logistic3A_572 : vector<64x256xf32>
    %logistic3A_576 = arith.divf %logistic3A_574, %logistic3A_575 : vector<64x256xf32>
    %dot_general3A_577 = arith.constant dense<0.000000e+00> : vector<64x256xf32>
    %dot_general3A_578 = tpu.matmul %slice3A_511, %get3A_10, %dot_general3A_577 {dimension_numbers = #tpu.dot_dimension_numbers<[1], [0], [0], [1], [0, 0, 1, 1], [], []>, transpose_lhs_hint = false} : vector<64x256xf32>, vector<256x256xf32>, vector<64x256xf32> -> vector<64x256xf32>
    %add3A_579 = arith.addf %concatenate3A_567, %dot_general3A_578 : vector<64x256xf32>
    %logistic3A_580 = arith.negf %add3A_579 : vector<64x256xf32>
    %logistic3A_581 = math.exp %logistic3A_580 : vector<64x256xf32>
    %logistic3A_582 = arith.constant 1.000000e+00 : f32
    %logistic3A_583 = vector.broadcast %logistic3A_582 : f32 to vector<64x256xf32>
    %logistic3A_584 = arith.addf %logistic3A_583, %logistic3A_581 : vector<64x256xf32>
    %logistic3A_585 = arith.divf %logistic3A_583, %logistic3A_584 : vector<64x256xf32>
    %mul3A_586 = arith.mulf %logistic3A_542, %tanh3A_553 : vector<64x256xf32>
    %mul3A_587 = arith.mulf %logistic3A_576, %slice3A_512 : vector<64x256xf32>
    %add3A_588 = arith.addf %mul3A_586, %mul3A_587 : vector<64x256xf32>
    %mul3A_589 = arith.mulf %logistic3A_585, %slice3A_513 : vector<64x256xf32>
    %add3A_590 = arith.addf %add3A_588, %mul3A_589 : vector<64x256xf32>
    %tanh3A_591 = math.tanh %add3A_590 : vector<64x256xf32>
    %mul3A_592 = arith.mulf %logistic3A_550, %tanh3A_591 : vector<64x256xf32>
    %get3A_593 = arith.constant 0 : index
    %get3A_594 = arith.constant 0 : index
    %get3A_595 = vector.load %arg7[%get3A_593, %get3A_594] : memref<256x64xf32, #tpu.memory_space<vmem>>, vector<256x64xf32>
    %dot_general3A_596 = arith.constant dense<0.000000e+00> : vector<64x64xf32>
    %dot_general3A_597 = tpu.matmul %mul3A_592, %get3A_595, %dot_general3A_596 {dimension_numbers = #tpu.dot_dimension_numbers<[1], [0], [0], [1], [0, 0, 1, 1], [], []>, transpose_lhs_hint = false} : vector<64x256xf32>, vector<256x64xf32>, vector<64x64xf32> -> vector<64x64xf32>
    %get3A_598 = arith.constant 0 : index
    %get3A_599 = arith.constant 0 : index
    %get3A_600 = vector.load %arg8[%get3A_598, %get3A_599] : memref<1x64xf32, #tpu.memory_space<vmem>>, vector<1x64xf32>
    %add3A_601 = vector.broadcast %get3A_600 : vector<1x64xf32> to vector<64x64xf32>
    %add3A_602 = arith.addf %dot_general3A_597, %add3A_601 : vector<64x64xf32>
    %swap3A = arith.constant 0 : index
    %swap3A_603 = arith.constant 0 : index
    %swap3A_604 = vector.load %arg11[%swap3A, %swap3A_603] : memref<64x64xf32, #tpu.memory_space<vmem>>, vector<64x64xf32>
    tpu.vector_store %arg11[%swap3A, %swap3A_603], %add3A_602 {strides = array<i32>} : memref<64x64xf32, #tpu.memory_space<vmem>>, vector<64x64xf32>,
    %get3A_605 = arith.constant 0 : index
    %get3A_606 = arith.constant 0 : index
    %get3A_607 = vector.load %arg9[%get3A_605, %get3A_606] : memref<256x64xf32, #tpu.memory_space<vmem>>, vector<256x64xf32>
    %dot_general3A_608 = arith.constant dense<0.000000e+00> : vector<64x64xf32>
    %dot_general3A_609 = tpu.matmul %mul3A_592, %get3A_607, %dot_general3A_608 {dimension_numbers = #tpu.dot_dimension_numbers<[1], [0], [0], [1], [0, 0, 1, 1], [], []>, transpose_lhs_hint = false} : vector<64x256xf32>, vector<256x64xf32>, vector<64x64xf32> -> vector<64x64xf32>
    %get3A_610 = arith.constant 0 : index
    %get3A_611 = arith.constant 0 : index
    %get3A_612 = vector.load %arg10[%get3A_610, %get3A_611] : memref<1x64xf32, #tpu.memory_space<vmem>>, vector<1x64xf32>
    %add3A_613 = vector.broadcast %get3A_612 : vector<1x64xf32> to vector<64x64xf32>
    %add3A_614 = arith.addf %dot_general3A_609, %add3A_613 : vector<64x64xf32>
    %swap3A_615 = arith.constant 0 : index
    %swap3A_616 = arith.constant 0 : index
    %swap3A_617 = vector.load %arg12[%swap3A_615, %swap3A_616] : memref<64x64xf32, #tpu.memory_space<vmem>>, vector<64x64xf32>
    tpu.vector_store %arg12[%swap3A_615, %swap3A_616], %add3A_614 {strides = array<i32>} : memref<64x64xf32, #tpu.memory_space<vmem>>, vector<64x64xf32>,
    return
  }
  func.func @transform_0(%arg0: i32) -> (i32, i32) {
    %c0_i32 = arith.constant 0 : i32
    %c0_i32_0 = arith.constant 0 : i32
    %c0_i32_1 = arith.constant 0 : i32
    return %c0_i32, %c0_i32_0 : i32, i32
  }
  func.func @transform_1(%arg0: i32) -> (i32, i32) {
    %c0_i32 = arith.constant 0 : i32
    %c0_i32_0 = arith.constant 0 : i32
    %c0_i32_1 = arith.constant 0 : i32
    return %c0_i32, %c0_i32_0 : i32, i32
  }
  func.func @transform_2(%arg0: i32) -> (i32, i32) {
    %c1_i32 = arith.constant 1 : i32
    %c0_i32 = arith.constant 0 : i32
    %c0_i32_0 = arith.constant 0 : i32
    return %c1_i32, %c0_i32 : i32, i32
  }
  func.func @transform_3(%arg0: i32) -> (i32, i32) {
    %c1_i32 = arith.constant 1 : i32
    %c0_i32 = arith.constant 0 : i32
    %c0_i32_0 = arith.constant 0 : i32
    return %c1_i32, %c0_i32 : i32, i32
  }
  func.func @transform_4(%arg0: i32) -> (i32, i32) {
    %c0_i32 = arith.constant 0 : i32
    %c0_i32_0 = arith.constant 0 : i32
    %c0_i32_1 = arith.constant 0 : i32
    return %c0_i32, %c0_i32_0 : i32, i32
  }
  func.func @transform_5(%arg0: i32) -> (i32, i32) {
    %c0_i32 = arith.constant 0 : i32
    %c0_i32_0 = arith.constant 0 : i32
    %c0_i32_1 = arith.constant 0 : i32
    return %c0_i32, %c0_i32_0 : i32, i32
  }
  func.func @transform_6(%arg0: i32) -> (i32, i32) {
    %c0_i32 = arith.constant 0 : i32
    %c0_i32_0 = arith.constant 0 : i32
    %c0_i32_1 = arith.constant 0 : i32
    return %c0_i32, %c0_i32_0 : i32, i32
  }
  func.func @transform_7(%arg0: i32) -> (i32, i32) {
    %c0_i32 = arith.constant 0 : i32
    %c0_i32_0 = arith.constant 0 : i32
    %c0_i32_1 = arith.constant 0 : i32
    return %c0_i32, %c0_i32_0 : i32, i32
  }
  func.func @transform_8(%arg0: i32) -> (i32, i32) {
    %c0_i32 = arith.constant 0 : i32
    %c0_i32_0 = arith.constant 0 : i32
    %c0_i32_1 = arith.constant 0 : i32
    return %c0_i32, %c0_i32_0 : i32, i32
  }
  func.func @transform_9(%arg0: i32) -> (i32, i32) {
    %c0_i32 = arith.constant 0 : i32
    %c0_i32_0 = arith.constant 0 : i32
    %c0_i32_1 = arith.constant 0 : i32
    return %c0_i32, %c0_i32_0 : i32, i32
  }
  func.func @transform_10(%arg0: i32) -> (i32, i32) {
    %c0_i32 = arith.constant 0 : i32
    %c0_i32_0 = arith.constant 0 : i32
    %c0_i32_1 = arith.constant 0 : i32
    return %c0_i32, %c0_i32_0 : i32, i32
  }
  func.func @transform_11(%arg0: i32) -> (i32, i32) {
    %c0_i32 = arith.constant 0 : i32
    %c0_i32_0 = arith.constant 0 : i32
    %c0_i32_1 = arith.constant 0 : i32
    return %c0_i32, %c0_i32_0 : i32, i32
  }
}

</mosaic_0001>

<sc_bundles>
// kernel: kernel.11.cloned.1.call-start
scs
__scs_entry_jumppad:
0x0: {  	(pc) =	sbr.rel $0x88, $3  }
0x1: {  	(tag) =	ssettag $0x0;
	lr =	simm.s32 $0x1  }
0x2: {  	[smem:$0x3F95] =	sst lr;
	_ =	strace $0xD0000000  }
0x3: {  	_ = 	snop  }
0x4: {  	_ = 	snop  }
0x5: {  	_ = 	snop  }
0x6: {  	_ = 	snop  }
0x7: {  	_ = 	snop  }
__scs_overlays_trampoline_lowered:
0x8: {  	[smem:$0x3FA4] =	sst s0  }
0x9: {  	[smem:$0x3FA5] =	sst s1  }
0xa: {  	[smem:$0x3FA6] =	sst s2  }
0xb: {  	[smem:$0x3FA7] =	sst s3  }
0xc: {  	[smem:$0x3FA8] =	sst s4  }
0xd: {  	[smem:$0x3FA9] =	sst s5  }
0xe: {  	[smem:$0x3FAA] =	sst s6  }
0xf: {  	[smem:$0x3FAB] =	sst s7  }
0x10: {  	[smem:$0x3FAC] =	sst s8  }
0x11: {  	[smem:$0x3FAD] =	sst s9;
	s0 =	simm.s32 @!p0 $0x0  }
0x12: {  	s1 =	sld [smem:$0x3F93];
	s0 =	simm.s32 @p0 $0x1  }
0x13: {  	[smem:$0x3FAE] =	sst s0;
	s0 =	simm.s32 @!p1 $0x0  }
0x14: {  	s2 =	sld [smem:$0x3F92];
	s0 =	simm.s32 @p1 $0x1  }
0x15: {  	[smem:$0x3FAF] =	sst s0;
	s0 =	simm.s32 @!p2 $0x0  }
0x16: {  	s3 =	sld [smem:$0x3FDB];
	s0 =	simm.s32 @p2 $0x1  }
0x17: {  	s4 =	simm.s32 $0x1BF5;
	[smem:$0x3FB1] =	sst s0  }
0x18: {  	s0 =	sld [smem:$0x3F94];
	_ =	swait.ge [sflag:s4], $0x0  }
0x19: {  	s7 =	sld [smem:$0x3F95]  }
0x1a: {  	s8 =	sadd.s32 $0xFFFFE003, lr  }
0x1b: {  	s9 =	sadd.s32 $0xFFFFFEF7, lr;
	s5 =	simm.s32 $0xFFFFFFFF;
	p2 =	slt.u32 s8, $0xFFFFF086  }
0x1c: {  	p1 =	slt.u32 s9, $0xF7A;
	s5 =	simm.s32 @!p2 $0x0  }
0x1d: {  	s5 =	simm.s32 @p1 $0x1;
	p0 =	seq.s32 s7, s2  }
0x1e: {  	s7 =	smul.u32 @!p0 $0xF7A, s2;
	p2 =	seq.s32 @!p0 s5, $0x0  }
0x1f: {  	s9 =	smul.u32 $0xF7A, s1;
	s8 =	simm.s32 @!p0 $0x1BF5;
	p2 =	por !p2, p0  }
0x20: {  	[sflag:s8] =	ssyncset.s32 @!p0 $0xFFFFF086;
	s6 =	sadd.s32 @!p0 s3, s7;
	s7 =	simm.s32 @!p0 $0x108  }
0x21: {  	s3 =	sadd.s32 s3, s9;
	s6 =	sadd.s32 @!p0 $0x88, s6;
	s7 =	simm.s32 @p2 $0x1082  }
0x22: {  	[simem:s7], [sflag:s8] =	dma.local @!p0 [hbm:s6], $0xF7A  }
0x23: {  	s9 =	sor.u32 $0xD0000000, s2;
	s6 =	simm.s32 $0x108;
	_ =	swait.ge @!p0 [sflag:s8], $0x0  }
0x24: {  	s3 =	sadd.s32 $0x88, s3;
	s6 =	simm.s32 @!p1 $0x1082;
	[sflag:s4] =	ssyncset.s32 $0xFFFFF086  }
0x25: {  	[simem:s6], [sflag:s4] =	dma.local [hbm:s3], $0xF7A  }
0x26: {  	[smem:$0x3F95] =	sst s1;
	(tag) =	ssettag s2;
	_ =	strace s9  }
0x27: {  	s1 =	sld [smem:$0x3FA5]  }
0x28: {  	s2 =	sld [smem:$0x3FA6]  }
0x29: {  	s4 =	sld [smem:$0x3FA8]  }
0x2a: {  	p0 =	seq.s32 s5, $0x0;
	s5 =	sld [smem:$0x3FA9]  }
0x2b: {  	s6 =	sld [smem:$0x3FAA]  }
0x2c: {  	s7 =	sld [smem:$0x3FAB]  }
0x2d: {  	s3 =	simm.s32 $0x108;
	s8 =	sld [smem:$0x3FAC]  }
0x2e: {  	s3 =	simm.s32 @!p0 $0x1082;
	s9 =	sld [smem:$0x3FAD]  }
0x2f: {  	lr =	sadd.s32 s0, s3;
	s0 =	sld [smem:$0x3FA4]  }
0x30: {  	s3 =	sld [smem:$0x3FA7]  }
0x31: {  	[smem:$0x3FB0] =	sst s10  }
0x32: {  	s10 =	sld [smem:$0x3FAE];
	_ =	sdelay $0x3  }
0x33: {  	p0 =	seq.s32 s10, $0x1;
	s10 =	sld [smem:$0x3FB0];
	_ =	sdelay $0x3  }
0x34: {  	[smem:$0x3FB0] =	sst s10  }
0x35: {  	s10 =	sld [smem:$0x3FAF];
	_ =	sdelay $0x3  }
0x36: {  	p1 =	seq.s32 s10, $0x1;
	s10 =	sld [smem:$0x3FB0];
	_ =	sdelay $0x3  }
0x37: {  	[smem:$0x3FB0] =	sst s10  }
0x38: {  	s10 =	sld [smem:$0x3FB1]  }
0x39: {  	_ = 	snop;
	(pc) =	sbr.ind lr, $3  }
0x3a: {  	_ = 	snop  }
0x3b: {  	_ = 	snop  }
0x3c: {  	p2 =	seq.s32 s10, $0x1;
	s10 =	sld [smem:$0x3FB0]  }
0x3d: {  	_ =	shalt  }
0x3e: {  	_ =	shalt  }
0x3f: {  	_ =	shalt  }
0x40: {  	_ =	shalt  }
0x41: {  	_ =	shalt  }
0x42: {  	_ =	shalt  }
0x43: {  	_ =	shalt  }
0x44: {  	_ =	shalt  }
0x45: {  	_ =	shalt  }
0x46: {  	_ =	shalt  }
0x47: {  	_ =	shalt  }
0x48: {  	_ =	shalt  }
0x49: {  	_ =	shalt  }
0x4a: {  	_ =	shalt  }
0x4b: {  	_ =	shalt  }
0x4c: {  	_ =	shalt  }
0x4d: {  	_ =	shalt  }
0x4e: {  	_ =	shalt  }
0x4f: {  	_ =	shalt  }
0x50: {  	_ =	shalt  }
0x51: {  	_ =	shalt  }
0x52: {  	_ =	shalt  }
0x53: {  	_ =	shalt  }
0x54: {  	_ =	shalt  }
0x55: {  	_ =	shalt  }
0x56: {  	_ =	shalt  }
0x57: {  	_ =	shalt  }
0x58: {  	_ =	shalt  }
0x59: {  	_ =	shalt  }
0x5a: {  	_ =	shalt  }
0x5b: {  	_ =	shalt  }
0x5c: {  	_ =	shalt  }
0x5d: {  	_ =	shalt  }
0x5e: {  	_ =	shalt  }
0x5f: {  	_ =	shalt  }
0x60: {  	_ =	shalt  }
0x61: {  	_ =	shalt  }
0x62: {  	_ =	shalt  }
0x63: {  	_ =	shalt  }
0x64: {  	_ =	shalt  }
0x65: {  	_ =	shalt  }
0x66: {  	_ =	shalt  }
0x67: {  	_ =	shalt  }
0x68: {  	_ =	shalt  }
0x69: {  	_ =	shalt  }
0x6a: {  	_ =	shalt  }
0x6b: {  	_ =	shalt  }
0x6c: {  	_ =	shalt  }
0x6d: {  	_ =	shalt  }
0x6e: {  	_ =	shalt  }
0x6f: {  	_ =	shalt  }
0x70: {  	_ =	shalt  }
0x71: {  	_ =	shalt  }
0x72: {  	_ =	shalt  }
0x73: {  	_ =	shalt  }
0x74: {  	_ =	shalt  }
0x75: {  	_ =	shalt  }
0x76: {  	_ =	shalt  }
0x77: {  	_ =	shalt  }
0x78: {  	_ =	shalt  }
0x79: {  	_ =	shalt  }
0x7a: {  	_ =	shalt  }
0x7b: {  	_ =	shalt  }
0x7c: {  	_ =	shalt  }
0x7d: {  	_ =	shalt  }
0x7e: {  	_ =	shalt  }
0x7f: {  	_ =	shalt  }
0x80: {  	_ =	shalt  }
0x81: {  	_ =	shalt  }
0x82: {  	_ =	shalt  }
0x83: {  	_ =	shalt  }
0x84: {  	_ =	shalt  }
0x85: {  	_ =	shalt  }
0x86: {  	_ =	shalt  }
0x87: {  	_ =	shalt  }
.Lfunc_end0:
.L_simem_size_0:
called_computation.1_lowered:
.L_overlay_start_0:
0x88: {  	s2 =	sld [smem:$0x3FD9]  }
0x89: {  	s3 =	sld [smem:$0x3FFE];
	_ =	sdelay $0x1  }
0x8a: {  	s1 =	srdreg.scid  }
0x8b: {  	s0 =	sand.u32 $0x1, s1  }
0x8c: {  	s17 =	sshll.u32 s0, $0xA;
	s2 =	sadd.s32 s3, s2  }
0x8d: {  	s2 =	sadd.s32 s2, s17  }
0x8e: {  	[smem:$0x3FBC] =	sst s2  }
0x8f: {  	_ = 	snop  }
0x90: {  	(tm) =	ssettm $0x1  }
0x91: {  	s18 =	sld [smem:$0x3FFB];
	_ =	sdelay $0x3  }
0x92: {  	_ =	strace s18  }
0x93: {  	s2 =	sld [smem:$0x3FFC];
	_ =	sdelay $0x3  }
0x94: {  	_ =	strace s2  }
0x95: {  	s2 =	sld [smem:$0x3FFD];
	_ =	sdelay $0x3  }
0x96: {  	_ =	strace s2  }
0x97: {  	_ =	strace $0x8FFFFFFF  }
0x98: {  	s19 =	sld [smem:$0x3FDB];
	_ =	sdelay $0x1  }
0x99: {  	s20 =	simm.s32 $_scs_section_size  }
0x9a: {  	s4 =	simm.s32 $_size__tile_overlayer_lowered;
	s5 =	simm.s32 $_tile_overlayer_lowered  }
0x9b: {  	s6 =	simm.s32 $0x1BFF;
	s21 =	sshll.u32 s5, $0x1;
	s3 =	sadd.s32 s20, s19  }
0x9c: {  	s22 =	simm.s32 $0x0;
	s4 =	sshll.u32 s4, $0x1;
	s5 =	sadd.s32 s21, s3  }
0x9d: {  	[timem:s22], [sflag:s6] =	dma.local [hbm:s5], s4  }
0x9e: {  	_ =	swait.ge [sflag:s6], s4  }
0x9f: {  	s4 =	ssub.s32 $0x0, s4;
	[sflag:s6] =	ssyncset.done $0x0  }
0xa0: {  	[sflag:s6] =	ssyncadd.s32 s4;
	_ =	sdelay $0x1  }
0xa1: {  	s23 =	simm.s32 $0x1B8B  }
0xa2: {  	_ =	swait.ge [sflag:s23], $0x1  }
0xa3: {  	[sflag:s23] =	ssyncset.done $0x0  }
0xa4: {  	[sflag:s23] =	ssyncadd.s32 $0xFFFFFFFF  }
0xa5: {  	s4 =	sld [smem:$0x0]  }
0xa6: {  	s5 =	sand.u32 $0xFFFFFFFE, s1  }
0xa7: {  	p0 =	sne.s32 s1, s5  }
0xa8: {  	s5 =	sshll.u32 @p0 s5, $0xE  }
0xa9: {  	s5 =	sadd.s32 @p0 $0x11B8D, s5;
	s6 =	sshll.u32 @p0 s4, $0x11  }
0xaa: {  	s5 =	sor.u32 @p0 s6, s5  }
0xab: {  	[sflag:s5] =	ssyncadd.remote.s32 @p0 $0x1;
	_ =	sdelay $0x1  }
0xac: {  	s5 =	simm.s32 @p0 $0x1B8D  }
0xad: {  	_ =	swait.eq @p0 [sflag:s5], $0x1  }
0xae: {  	[sflag:s5] =	ssyncadd.s32 @p0 $0xFFFFFFFF  }
0xaf: {  	s6 =	sshll.u32 @!p0 s1, $0xE  }
0xb0: {  	s6 =	sor.u32 @!p0 $0x4000, s6;
	s5 =	simm.s32 @!p0 $0x1B8D  }
0xb1: {  	s4 =	sshll.u32 @!p0 s4, $0x11;
	s6 =	sadd.s32 @!p0 $0x11B8D, s6;
	_ =	swait.eq @!p0 [sflag:s5], $0x1  }
0xb2: {  	s4 =	sor.u32 @!p0 s4, s6;
	[sflag:s5] =	ssyncadd.s32 @!p0 $0xFFFFFFFF  }
0xb3: {  	s25 =	simm.s32 $0x1B8E;
	s24 =	sld [smem:$0x3FFE];
	[sflag:s4] =	ssyncadd.remote.s32 @!p0 $0x1  }
0xb4: {  	s26 =	simm.s32 $execute0_lowered;
	[smem:$0x3FD2] =	sst s25  }
0xb5: {  	s5 =	sshll.u32 s26, $0x1;
	_ =	strace $0x80000049;
	[dreg:$0x1] =	wrdreg $0xFFFFFFFF  }
0xb6: {  	s28 =	simm.s32 $_size_execute0_lowered;
	s3 =	sadd.s32 s3, s5;
	[dreg:$0x0] =	wrdreg $0x0  }
0xb7: {  	s5 =	sshll.u32 s28, $0x1;
	[dreg:$0x2] =	wrdreg s3  }
0xb8: {  	[dreg:$0x3] =	wrdreg s5  }
0xb9: {  	[dreg:$0x4] =	wrdreg $0xC0  }
0xba: {  	_ =	task [dreg:s22], $0x5FFFF  }
0xbb: {  	[dreg:$0x1] =	wrdreg $0xFFFFFFFF  }
0xbc: {  	[dreg:$0x0] =	wrdreg $0x60  }
0xbd: {  	[dreg:$0x2] =	wrdreg s24  }
0xbe: {  	[dreg:$0x3] =	wrdreg $0xA  }
0xbf: {  	_ =	task.clear_ibuf [dreg:s22], $0x4FFFF;
	_ =	strace $0x90000049  }
0xc0: {  	s29 =	simm.s32 $0xA;
	_ =	strace $0x8000004B  }
0xc1: {  	_ =	swait.ge [sflag:s29], $0x1  }
0xc2: {  	[sflag:s29] =	ssyncadd.s32 $0xFFFFFFFF  }
0xc3: {  	_ =	strace $0x9000004B  }
0xc4: {  	_ =	sfence  }
0xc5: {  	s30 =	sld [smem:$0x0];
	_ =	sdelay $0x2  }
0xc6: {  	s31 =	sshll.u32 s1, $0xD;
	s1 =	sshrl.u32 s1, $0x2  }
0xc7: {  	s4 =	sand.u32 $0x4000, s31;
	s1 =	sadd.s32 s1, s30  }
0xc8: {  	s0 =	sor.u32 s4, s0;
	s1 =	sshll.u32 s1, $0x11  }
0xc9: {  	s0 =	sor.u32 s1, s0  }
0xca: {  	s0 =	sadd.s32 $0x8F2B, s0  }
0xcb: {  	[sflag:s0] =	ssyncadd.remote.s32 $0x1  }
0xcc: {  	_ =	sfence.sel $0xFFFF  }
0xcd: {  	[dreg:$0x0] =	wrdreg $0xFFFFFFFF;
	(pc) =	sbr.abs _section_cstart, $3  }
0xce: {  	[dreg:$0x1] =	wrdreg $0xFFFFFFFF  }
0xcf: {  	_ =	task.clear_ibuf [dreg:s22], $0x2FFFF;
	_ =	strace $0x9FFFFFFF  }
0xd0: {  	(tm) =	ssettm $0x7FFFFFFF  }
0xd1: {  	_ =	shalt  }
tec
execute0_lowered:
.L_overlay_start_1:
0x0: {  	(tag) =	ssettag $0x1  }
0x1: {  	s0 =	rddreg [dreg:$0x0];
	s1 =	srdreg.scid  }
0x2: {  	s3 =	stileid.u32;
	s2 =	simm.s32 $0x0;
	s26 =	simm.s32 $0x100  }
0x3: {  	s31 =	simm.s32 $0x180;
	s16 =	simm.s32 $0x1;
	s28 =	simm.s32 $0x2  }
0x4: {  	s15 =	simm.s32 $0x3A00;
	s17 =	simm.s32 $0x7A00;
	s29 =	simm.s32 $0x8200  }
0x5: {  	s30 =	simm.s32 $0x8600;
	s3 =	sshll.u32 s3, $0xA;
	[smem:$0x7FF] =	sst s2  }
0x6: {  	s1 =	sand.u32 $0x1, s1;
	s8 =	sadd.s32 $0x21C800, s0;
	s9 =	sadd.s32 $0x2DC800, s0  }
0x7: {  	s4 =	sshll.u32 s1, $0x9;
	_ =	strace $0x8000004A;
	[dreg:$0xb] =	wrdreg s26  }
0x8: {  	s1 =	ssub.s32 $0x2, s1;
	[dreg:$0xc] =	wrdreg s31;
	s26 =	simm.s32 $0x6E00  }
0x9: {  	s5 =	sor.u32 s4, s3;
	s3 =	sadd.s32 $0x4600, s0;
	s10 =	sshrl.u32 s1, $0x1  }
0xa: {  	s4 =	sadd.s32 $0x10200, s0;
	s6 =	sshrl.u32 s5, $0x3;
	s1 =	ssub.s32 s1, s10  }
0xb: {  	s5 =	sshll.u32 s5, $0x4;
	s11 =	smul.u32 $0x180, s6;
	s12 =	sor.u32 $0x10, s6  }
0xc: {  	s10 =	simm.s32 $0x1A00;
	s13 =	sor.u32 $0x20, s6;
	s18 =	smul.u32 $0x180, s12  }
0xd: {  	s7 =	sadd.s32 s6, s0;
	s6 =	sor.u32 $0x30, s6;
	s14 =	smul.u32 $0x180, s13  }
0xe: {  	s5 =	sadd.s32 s9, s5;
	s7 =	sadd.s32 $0x21C000, s7;
	s19 =	smul.u32 $0x180, s6  }
0xf: {  	s22 =	sshll.u32 s12, $0x7;
	[dreg:$0x7] =	wrdreg s5;
	s24 =	sshll.u32 s13, $0x7  }
0x10: {  	s6 =	sshll.u32 s6, $0x7;
	s5 =	sadd.s32 $0x4700, s0;
	s12 =	simm.s32 $0x2600  }
0x11: {  	s13 =	simm.s32 $0x2E00;
	[dreg:$0x2] =	wrdreg s7;
	s11 =	sadd.s32 s8, s11  }
0x12: {  	s23 =	sadd.s32 s9, s22;
	s25 =	sadd.s32 s9, s6;
	s6 =	smax.u32 s1, $0x1  }
0x13: {  	s22 =	simm.s32 $0x5600;
	[dreg:$0x3] =	wrdreg s11;
	s7 =	sadd.s32 s8, s18  }
0x14: {  	s20 =	sadd.s32 s8, s14;
	s21 =	sadd.s32 s8, s19;
	[dreg:$0x8] =	wrdreg s23  }
0x15: {  	[dreg:$0xa] =	wrdreg s25;
	s8 =	simm.s32 $0x200;
	s11 =	simm.s32 $0x2200  }
0x16: {  	s14 =	simm.s32 $0x3200;
	s18 =	simm.s32 $0x3E00;
	[dreg:$0x4] =	wrdreg s7  }
0x17: {  	s19 =	simm.s32 $0x4600;
	s23 =	simm.s32 $0x5E00;
	[dreg:$0x5] =	wrdreg s20  }
0x18: {  	v2 =	vlaneseq.u32;
	s25 =	simm.s32 $0x6A00;
	[dreg:$0x6] =	wrdreg s21;
	s7 =	sadd.s32 s9, s24  }
0x19: {  	vm0 =	vmmov $0xffff;
	vm1 =	vmmov $0xff;
	v1 =	vshrl.u32 v2, $0x3;
	s9 =	simm.s32 $0x1600;
	s20 =	simm.s32 $0x4A00;
	s21 =	simm.s32 $0x5200  }
0x1a: {  	v0 =	vand.u32 $0x7, v2;
	v2 =	vor.u32 $0x8, v2;
	v1 =	vmul.u32 $0x8, v1;
	s24 =	simm.s32 $0x6200;
	[dreg:$0x9] =	wrdreg s7;
	s7 =	simm.s32 $0x7600  }
.LBB2_1:
0x1b: {  	s31 =	rddreg [dreg:$0x2];
	s0 =	simm.s32 $0x3  }
0x1c: {  	[tilespmem:s2], [sflag:$0x3] =	stream.linear.gather [hbm4b:s31+s2], $0x200, $0x38;
	[tilespmem:$0x18200] =	vst v63  }
0x1d: {  	_ =	swait.ge [sflag:s0], $0x200  }
0x1e: {  	[sflag:s0] =	ssyncset.done $0x0  }
0x1f: {  	[sflag:s0] =	ssyncadd.s32 $0xFFFFFE00  }
0x20: {  	v3 =	vld [tilespmem:$0x0];
	_ =	sdelay $0x4  }
0x21: {  	v4 =	vshrl.u32 v3, $0x3  }
0x22: {  	v4 =	vmul.u32 $0x18, v4  }
0x23: {  	v3 =	vand.u32 $0x7, v3  }
0x24: {  	v3 =	vor.u32 v3, v4  }
0x25: {  	v4 =	vperm.xlane v3, v0;
	_ =	sdelay $0x1  }
0x26: {  	v4 =	vadd.s32 v1, v4;
	_ =	sdelay $0x1  }
0x27: {  	v3 =	vperm.xlane v3, v2;
	_ =	sdelay $0x1  }
0x28: {  	v3 =	vadd.s32 v1, v3  }
0x29: {  	[tilespmem:s8], [sflag:$0x1] =	stream.indirect_vreg.gather [hbm4b:s3+s2], $0x80, v4, vm0, $0xb8;
	[tilespmem:$0x18200] =	vst v63  }
0x2a: {  	s1 =	simm.s32 $0xA00  }
0x2b: {  	[tilespmem:s1], [sflag:$0x1] =	stream.indirect_vreg.gather [hbm4b:s5+s2], $0x80, v4, vm1, $0xb8;
	[tilespmem:$0x18200] =	vst v63  }
0x2c: {  	s1 =	simm.s32 $0xE00  }
0x2d: {  	[tilespmem:s1], [sflag:$0x1] =	stream.indirect_vreg.gather [hbm4b:s3+s2], $0x80, v3, vm0, $0xb8;
	[tilespmem:$0x18200] =	vst v63  }
0x2e: {  	_ = 	snop  }
0x2f: {  	[tilespmem:s9], [sflag:$0x1] =	stream.indirect_vreg.gather [hbm4b:s5+s2], $0x80, v3, vm1, $0xb8;
	[tilespmem:$0x18200] =	vst v63  }
0x30: {  	v3 =	vld [tilespmem:$0x10];
	_ =	sdelay $0x4  }
0x31: {  	v33 =	vshrl.u32 v3, $0x3  }
0x32: {  	v4 =	vmul.u32 $0x18, v33  }
0x33: {  	v3 =	vand.u32 $0x7, v3  }
0x34: {  	v3 =	vor.u32 v3, v4  }
0x35: {  	v4 =	vperm.xlane v3, v0;
	_ =	sdelay $0x1  }
0x36: {  	v4 =	vadd.s32 v1, v4;
	_ =	sdelay $0x1  }
0x37: {  	v3 =	vperm.xlane v3, v2;
	_ =	sdelay $0x1  }
0x38: {  	v3 =	vadd.s32 v1, v3  }
0x39: {  	[tilespmem:s10], [sflag:$0x1] =	stream.indirect_vreg.gather [hbm4b:s3+s2], $0x80, v4, vm0, $0xb8;
	[tilespmem:$0x18200] =	vst v63  }
0x3a: {  	_ = 	snop  }
0x3b: {  	[tilespmem:s11], [sflag:$0x1] =	stream.indirect_vreg.gather [hbm4b:s5+s2], $0x80, v4, vm1, $0xb8;
	[tilespmem:$0x18200] =	vst v63  }
0x3c: {  	_ = 	snop  }
0x3d: {  	[tilespmem:s12], [sflag:$0x1] =	stream.indirect_vreg.gather [hbm4b:s3+s2], $0x80, v3, vm0, $0xb8;
	[tilespmem:$0x18200] =	vst v63  }
0x3e: {  	_ = 	snop  }
0x3f: {  	[tilespmem:s13], [sflag:$0x1] =	stream.indirect_vreg.gather [hbm4b:s5+s2], $0x80, v3, vm1, $0xb8;
	[tilespmem:$0x18200] =	vst v63  }
0x40: {  	v3 =	vld [tilespmem:$0x20];
	_ =	sdelay $0x4  }
0x41: {  	v34 =	vshrl.u32 v3, $0x3  }
0x42: {  	v4 =	vmul.u32 $0x18, v34  }
0x43: {  	v3 =	vand.u32 $0x7, v3  }
0x44: {  	v3 =	vor.u32 v3, v4  }
0x45: {  	v4 =	vperm.xlane v3, v0;
	_ =	sdelay $0x1  }
0x46: {  	v4 =	vadd.s32 v1, v4;
	_ =	sdelay $0x1  }
0x47: {  	v3 =	vperm.xlane v3, v2;
	_ =	sdelay $0x1  }
0x48: {  	v3 =	vadd.s32 v1, v3  }
0x49: {  	[tilespmem:s14], [sflag:$0x1] =	stream.indirect_vreg.gather [hbm4b:s3+s2], $0x80, v4, vm0, $0xb8;
	[tilespmem:$0x18200] =	vst v63  }
0x4a: {  	_ = 	snop  }
0x4b: {  	[tilespmem:s15], [sflag:$0x1] =	stream.indirect_vreg.gather [hbm4b:s5+s2], $0x80, v4, vm1, $0xb8;
	[tilespmem:$0x18200] =	vst v63  }
0x4c: {  	_ = 	snop  }
0x4d: {  	[tilespmem:s18], [sflag:$0x1] =	stream.indirect_vreg.gather [hbm4b:s3+s2], $0x80, v3, vm0, $0xb8;
	[tilespmem:$0x18200] =	vst v63  }
0x4e: {  	_ = 	snop  }
0x4f: {  	[tilespmem:s19], [sflag:$0x1] =	stream.indirect_vreg.gather [hbm4b:s5+s2], $0x80, v3, vm1, $0xb8;
	[tilespmem:$0x18200] =	vst v63  }
0x50: {  	v3 =	vld [tilespmem:$0x30];
	_ =	sdelay $0x4  }
0x51: {  	v35 =	vshrl.u32 v3, $0x3  }
0x52: {  	v4 =	vmul.u32 $0x18, v35  }
0x53: {  	v3 =	vand.u32 $0x7, v3  }
0x54: {  	v3 =	vor.u32 v3, v4  }
0x55: {  	v4 =	vperm.xlane v3, v0;
	_ =	sdelay $0x1  }
0x56: {  	v4 =	vadd.s32 v1, v4;
	_ =	sdelay $0x1  }
0x57: {  	v3 =	vperm.xlane v3, v2;
	_ =	sdelay $0x1  }
0x58: {  	v3 =	vadd.s32 v1, v3  }
0x59: {  	[tilespmem:s20], [sflag:$0x1] =	stream.indirect_vreg.gather [hbm4b:s3+s2], $0x80, v4, vm0, $0xb8;
	[tilespmem:$0x18200] =	vst v63  }
0x5a: {  	_ = 	snop  }
0x5b: {  	[tilespmem:s21], [sflag:$0x1] =	stream.indirect_vreg.gather [hbm4b:s5+s2], $0x80, v4, vm1, $0xb8;
	[tilespmem:$0x18200] =	vst v63  }
0x5c: {  	_ = 	snop  }
0x5d: {  	[tilespmem:s22], [sflag:$0x1] =	stream.indirect_vreg.gather [hbm4b:s3+s2], $0x80, v3, vm0, $0xb8;
	[tilespmem:$0x18200] =	vst v63  }
0x5e: {  	_ = 	snop  }
0x5f: {  	[tilespmem:s23], [sflag:$0x1] =	stream.indirect_vreg.gather [hbm4b:s5+s2], $0x80, v3, vm1, $0xb8;
	[tilespmem:$0x18200] =	vst v63  }
0x60: {  	v3 =	vld [tilespmem:$0x40];
	_ =	sdelay $0x4  }
0x61: {  	v36 =	vshrl.u32 v3, $0x3  }
0x62: {  	v4 =	vmul.u32 $0x18, v36  }
0x63: {  	v3 =	vand.u32 $0x7, v3  }
0x64: {  	v3 =	vor.u32 v3, v4  }
0x65: {  	v4 =	vperm.xlane v3, v0;
	_ =	sdelay $0x1  }
0x66: {  	v4 =	vadd.s32 v1, v4;
	_ =	sdelay $0x1  }
0x67: {  	v3 =	vperm.xlane v3, v2;
	_ =	sdelay $0x1  }
0x68: {  	v3 =	vadd.s32 v1, v3  }
0x69: {  	[tilespmem:s24], [sflag:$0x1] =	stream.indirect_vreg.gather [hbm4b:s3+s2], $0x80, v4, vm0, $0xb8;
	[tilespmem:$0x18200] =	vst v63  }
0x6a: {  	_ = 	snop  }
0x6b: {  	[tilespmem:s25], [sflag:$0x1] =	stream.indirect_vreg.gather [hbm4b:s5+s2], $0x80, v4, vm1, $0xb8;
	[tilespmem:$0x18200] =	vst v63  }
0x6c: {  	_ = 	snop  }
0x6d: {  	[tilespmem:s26], [sflag:$0x1] =	stream.indirect_vreg.gather [hbm4b:s3+s2], $0x80, v3, vm0, $0xb8;
	[tilespmem:$0x18200] =	vst v63  }
0x6e: {  	_ = 	snop  }
0x6f: {  	[tilespmem:s7], [sflag:$0x1] =	stream.indirect_vreg.gather [hbm4b:s5+s2], $0x80, v3, vm1, $0xb8;
	[tilespmem:$0x18200] =	vst v63  }
0x70: {  	v3 =	vld [tilespmem:$0x50];
	_ =	sdelay $0x4  }
0x71: {  	v37 =	vshrl.u32 v3, $0x3  }
0x72: {  	v4 =	vmul.u32 $0x18, v37  }
0x73: {  	v3 =	vand.u32 $0x7, v3  }
0x74: {  	v3 =	vor.u32 v3, v4  }
0x75: {  	v4 =	vperm.xlane v3, v0;
	_ =	sdelay $0x1  }
0x76: {  	v4 =	vadd.s32 v1, v4;
	_ =	sdelay $0x1  }
0x77: {  	v3 =	vperm.xlane v3, v2;
	_ =	sdelay $0x1  }
0x78: {  	v3 =	vadd.s32 v1, v3  }
0x79: {  	[tilespmem:s17], [sflag:$0x1] =	stream.indirect_vreg.gather [hbm4b:s3+s2], $0x80, v4, vm0, $0xb8;
	[tilespmem:$0x18200] =	vst v63  }
0x7a: {  	_ = 	snop  }
0x7b: {  	[tilespmem:s29], [sflag:$0x1] =	stream.indirect_vreg.gather [hbm4b:s5+s2], $0x80, v4, vm1, $0xb8;
	[tilespmem:$0x18200] =	vst v63  }
0x7c: {  	_ = 	snop  }
0x7d: {  	[tilespmem:s30], [sflag:$0x1] =	stream.indirect_vreg.gather [hbm4b:s3+s2], $0x80, v3, vm0, $0xb8;
	[tilespmem:$0x18200] =	vst v63  }
0x7e: {  	s31 =	simm.s32 $0x8E00  }
0x7f: {  	[tilespmem:s31], [sflag:$0x1] =	stream.indirect_vreg.gather [hbm4b:s5+s2], $0x80, v3, vm1, $0xb8;
	[tilespmem:$0x18200] =	vst v63  }
0x80: {  	v3 =	vld [tilespmem:$0x60];
	_ =	sdelay $0x4  }
0x81: {  	v38 =	vshrl.u32 v3, $0x3  }
0x82: {  	v4 =	vmul.u32 $0x18, v38  }
0x83: {  	v3 =	vand.u32 $0x7, v3  }
0x84: {  	v3 =	vor.u32 v3, v4  }
0x85: {  	v4 =	vperm.xlane v3, v0;
	_ =	sdelay $0x1  }
0x86: {  	v4 =	vadd.s32 v1, v4;
	_ =	sdelay $0x1  }
0x87: {  	v3 =	vperm.xlane v3, v2;
	_ =	sdelay $0x1  }
0x88: {  	s31 =	simm.s32 $0x9200;
	v3 =	vadd.s32 v1, v3  }
0x89: {  	[tilespmem:s31], [sflag:$0x1] =	stream.indirect_vreg.gather [hbm4b:s3+s2], $0x80, v4, vm0, $0xb8;
	[tilespmem:$0x18200] =	vst v63  }
0x8a: {  	s31 =	simm.s32 $0x9A00  }
0x8b: {  	[tilespmem:s31], [sflag:$0x1] =	stream.indirect_vreg.gather [hbm4b:s5+s2], $0x80, v4, vm1, $0xb8;
	[tilespmem:$0x18200] =	vst v63  }
0x8c: {  	s31 =	simm.s32 $0x9E00  }
0x8d: {  	[tilespmem:s31], [sflag:$0x1] =	stream.indirect_vreg.gather [hbm4b:s3+s2], $0x80, v3, vm0, $0xb8;
	[tilespmem:$0x18200] =	vst v63  }
0x8e: {  	s31 =	simm.s32 $0xA600  }
0x8f: {  	[tilespmem:s31], [sflag:$0x1] =	stream.indirect_vreg.gather [hbm4b:s5+s2], $0x80, v3, vm1, $0xb8;
	[tilespmem:$0x18200] =	vst v63  }
0x90: {  	v3 =	vld [tilespmem:$0x70];
	_ =	sdelay $0x4  }
0x91: {  	v39 =	vshrl.u32 v3, $0x3  }
0x92: {  	v4 =	vmul.u32 $0x18, v39  }
0x93: {  	v3 =	vand.u32 $0x7, v3  }
0x94: {  	v3 =	vor.u32 v3, v4  }
0x95: {  	v4 =	vperm.xlane v3, v0;
	_ =	sdelay $0x1  }
0x96: {  	v4 =	vadd.s32 v1, v4;
	_ =	sdelay $0x1  }
0x97: {  	v3 =	vperm.xlane v3, v2;
	_ =	sdelay $0x1  }
0x98: {  	s31 =	simm.s32 $0xAA00;
	v3 =	vadd.s32 v1, v3  }
0x99: {  	[tilespmem:s31], [sflag:$0x1] =	stream.indirect_vreg.gather [hbm4b:s3+s2], $0x80, v4, vm0, $0xb8;
	[tilespmem:$0x18200] =	vst v63  }
0x9a: {  	s31 =	simm.s32 $0xB200  }
0x9b: {  	[tilespmem:s31], [sflag:$0x1] =	stream.indirect_vreg.gather [hbm4b:s5+s2], $0x80, v4, vm1, $0xb8;
	[tilespmem:$0x18200] =	vst v63  }
0x9c: {  	s31 =	simm.s32 $0xB600  }
0x9d: {  	[tilespmem:s31], [sflag:$0x1] =	stream.indirect_vreg.gather [hbm4b:s3+s2], $0x80, v3, vm0, $0xb8;
	[tilespmem:$0x18200] =	vst v63  }
0x9e: {  	s31 =	simm.s32 $0xBE00  }
0x9f: {  	[tilespmem:s31], [sflag:$0x1] =	stream.indirect_vreg.gather [hbm4b:s5+s2], $0x80, v3, vm1, $0xb8;
	[tilespmem:$0x18200] =	vst v63  }
0xa0: {  	_ =	swait.ge [sflag:s16], $0xC000  }
0xa1: {  	[sflag:s16] =	ssyncset.done $0x0  }
0xa2: {  	s0 =	rddreg [dreg:$0x3];
	[sflag:s16] =	ssyncadd.s32 $0xFFFF4000  }
0xa3: {  	[hbm4b:s0+s2] =	stream.linear.scatter [tilespmem:s8], [sflag:$0x2], $0xC000, $0x38;
	[tilespmem:$0x18200] =	vst v63  }
0xa4: {  	v3 =	vld [tilespmem:$0x80];
	_ =	sdelay $0x4  }
0xa5: {  	v40 =	vshrl.u32 v3, $0x3  }
0xa6: {  	v4 =	vmul.u32 $0x18, v40  }
0xa7: {  	v3 =	vand.u32 $0x7, v3  }
0xa8: {  	v3 =	vor.u32 v3, v4  }
0xa9: {  	v4 =	vperm.xlane v3, v0;
	_ =	sdelay $0x1  }
0xaa: {  	v4 =	vadd.s32 v1, v4;
	_ =	sdelay $0x1  }
0xab: {  	v3 =	vperm.xlane v3, v2;
	_ =	sdelay $0x1  }
0xac: {  	s0 =	simm.s32 $0xC200;
	v3 =	vadd.s32 v1, v3  }
0xad: {  	[tilespmem:s0], [sflag:$0x1] =	stream.indirect_vreg.gather [hbm4b:s3+s2], $0x80, v4, vm0, $0xb8;
	[tilespmem:$0x18200] =	vst v63  }
0xae: {  	s31 =	simm.s32 $0xCA00  }
0xaf: {  	[tilespmem:s31], [sflag:$0x1] =	stream.indirect_vreg.gather [hbm4b:s5+s2], $0x80, v4, vm1, $0xb8;
	[tilespmem:$0x18200] =	vst v63  }
0xb0: {  	s31 =	simm.s32 $0xCE00  }
0xb1: {  	[tilespmem:s31], [sflag:$0x1] =	stream.indirect_vreg.gather [hbm4b:s3+s2], $0x80, v3, vm0, $0xb8;
	[tilespmem:$0x18200] =	vst v63  }
0xb2: {  	s31 =	simm.s32 $0xD600  }
0xb3: {  	[tilespmem:s31], [sflag:$0x1] =	stream.indirect_vreg.gather [hbm4b:s5+s2], $0x80, v3, vm1, $0xb8;
	[tilespmem:$0x18200] =	vst v63  }
0xb4: {  	v3 =	vld [tilespmem:$0x90];
	_ =	sdelay $0x4  }
0xb5: {  	v41 =	vshrl.u32 v3, $0x3  }
0xb6: {  	v4 =	vmul.u32 $0x18, v41  }
0xb7: {  	v3 =	vand.u32 $0x7, v3  }
0xb8: {  	v3 =	vor.u32 v3, v4  }
0xb9: {  	v4 =	vperm.xlane v3, v0;
	_ =	sdelay $0x1  }
0xba: {  	v4 =	vadd.s32 v1, v4;
	_ =	sdelay $0x1  }
0xbb: {  	v3 =	vperm.xlane v3, v2;
	_ =	sdelay $0x1  }
0xbc: {  	s31 =	simm.s32 $0xDA00;
	v3 =	vadd.s32 v1, v3  }
0xbd: {  	[tilespmem:s31], [sflag:$0x1] =	stream.indirect_vreg.gather [hbm4b:s3+s2], $0x80, v4, vm0, $0xb8;
	[tilespmem:$0x18200] =	vst v63  }
0xbe: {  	s31 =	simm.s32 $0xE200  }
0xbf: {  	[tilespmem:s31], [sflag:$0x1] =	stream.indirect_vreg.gather [hbm4b:s5+s2], $0x80, v4, vm1, $0xb8;
	[tilespmem:$0x18200] =	vst v63  }
0xc0: {  	s31 =	simm.s32 $0xE600  }
0xc1: {  	[tilespmem:s31], [sflag:$0x1] =	stream.indirect_vreg.gather [hbm4b:s3+s2], $0x80, v3, vm0, $0xb8;
	[tilespmem:$0x18200] =	vst v63  }
0xc2: {  	s31 =	simm.s32 $0xEE00  }
0xc3: {  	[tilespmem:s31], [sflag:$0x1] =	stream.indirect_vreg.gather [hbm4b:s5+s2], $0x80, v3, vm1, $0xb8;
	[tilespmem:$0x18200] =	vst v63  }
0xc4: {  	v3 =	vld [tilespmem:$0xA0];
	_ =	sdelay $0x4  }
0xc5: {  	v42 =	vshrl.u32 v3, $0x3  }
0xc6: {  	v4 =	vmul.u32 $0x18, v42  }
0xc7: {  	v3 =	vand.u32 $0x7, v3  }
0xc8: {  	v3 =	vor.u32 v3, v4  }
0xc9: {  	v4 =	vperm.xlane v3, v0;
	_ =	sdelay $0x1  }
0xca: {  	v4 =	vadd.s32 v1, v4;
	_ =	sdelay $0x1  }
0xcb: {  	v3 =	vperm.xlane v3, v2;
	_ =	sdelay $0x1  }
0xcc: {  	s31 =	simm.s32 $0xF200;
	v3 =	vadd.s32 v1, v3  }
0xcd: {  	[tilespmem:s31], [sflag:$0x1] =	stream.indirect_vreg.gather [hbm4b:s3+s2], $0x80, v4, vm0, $0xb8;
	[tilespmem:$0x18200] =	vst v63  }
0xce: {  	s31 =	simm.s32 $0xFA00  }
0xcf: {  	[tilespmem:s31], [sflag:$0x1] =	stream.indirect_vreg.gather [hbm4b:s5+s2], $0x80, v4, vm1, $0xb8;
	[tilespmem:$0x18200] =	vst v63  }
0xd0: {  	s31 =	simm.s32 $0xFE00  }
0xd1: {  	[tilespmem:s31], [sflag:$0x1] =	stream.indirect_vreg.gather [hbm4b:s3+s2], $0x80, v3, vm0, $0xb8;
	[tilespmem:$0x18200] =	vst v63  }
0xd2: {  	s31 =	simm.s32 $0x10600  }
0xd3: {  	[tilespmem:s31], [sflag:$0x1] =	stream.indirect_vreg.gather [hbm4b:s5+s2], $0x80, v3, vm1, $0xb8;
	[tilespmem:$0x18200] =	vst v63  }
0xd4: {  	v3 =	vld [tilespmem:$0xB0];
	_ =	sdelay $0x4  }
0xd5: {  	v43 =	vshrl.u32 v3, $0x3  }
0xd6: {  	v4 =	vmul.u32 $0x18, v43  }
0xd7: {  	v3 =	vand.u32 $0x7, v3  }
0xd8: {  	v3 =	vor.u32 v3, v4  }
0xd9: {  	v4 =	vperm.xlane v3, v0;
	_ =	sdelay $0x1  }
0xda: {  	v4 =	vadd.s32 v1, v4;
	_ =	sdelay $0x1  }
0xdb: {  	v3 =	vperm.xlane v3, v2;
	_ =	sdelay $0x1  }
0xdc: {  	s31 =	simm.s32 $0x10A00;
	v3 =	vadd.s32 v1, v3  }
0xdd: {  	[tilespmem:s31], [sflag:$0x1] =	stream.indirect_vreg.gather [hbm4b:s3+s2], $0x80, v4, vm0, $0xb8;
	[tilespmem:$0x18200] =	vst v63  }
0xde: {  	s31 =	simm.s32 $0x11200  }
0xdf: {  	[tilespmem:s31], [sflag:$0x1] =	stream.indirect_vreg.gather [hbm4b:s5+s2], $0x80, v4, vm1, $0xb8;
	[tilespmem:$0x18200] =	vst v63  }
0xe0: {  	s31 =	simm.s32 $0x11600  }
0xe1: {  	[tilespmem:s31], [sflag:$0x1] =	stream.indirect_vreg.gather [hbm4b:s3+s2], $0x80, v3, vm0, $0xb8;
	[tilespmem:$0x18200] =	vst v63  }
0xe2: {  	s31 =	simm.s32 $0x11E00  }
0xe3: {  	[tilespmem:s31], [sflag:$0x1] =	stream.indirect_vreg.gather [hbm4b:s5+s2], $0x80, v3, vm1, $0xb8;
	[tilespmem:$0x18200] =	vst v63  }
0xe4: {  	v3 =	vld [tilespmem:$0xC0];
	_ =	sdelay $0x4  }
0xe5: {  	v44 =	vshrl.u32 v3, $0x3  }
0xe6: {  	v4 =	vmul.u32 $0x18, v44  }
0xe7: {  	v3 =	vand.u32 $0x7, v3  }
0xe8: {  	v3 =	vor.u32 v3, v4  }
0xe9: {  	v4 =	vperm.xlane v3, v0;
	_ =	sdelay $0x1  }
0xea: {  	v4 =	vadd.s32 v1, v4;
	_ =	sdelay $0x1  }
0xeb: {  	v3 =	vperm.xlane v3, v2;
	_ =	sdelay $0x1  }
0xec: {  	s31 =	simm.s32 $0x12200;
	v3 =	vadd.s32 v1, v3  }
0xed: {  	[tilespmem:s31], [sflag:$0x1] =	stream.indirect_vreg.gather [hbm4b:s3+s2], $0x80, v4, vm0, $0xb8;
	[tilespmem:$0x18200] =	vst v63  }
0xee: {  	s31 =	simm.s32 $0x12A00  }
0xef: {  	[tilespmem:s31], [sflag:$0x1] =	stream.indirect_vreg.gather [hbm4b:s5+s2], $0x80, v4, vm1, $0xb8;
	[tilespmem:$0x18200] =	vst v63  }
0xf0: {  	s31 =	simm.s32 $0x12E00  }
0xf1: {  	[tilespmem:s31], [sflag:$0x1] =	stream.indirect_vreg.gather [hbm4b:s3+s2], $0x80, v3, vm0, $0xb8;
	[tilespmem:$0x18200] =	vst v63  }
0xf2: {  	s31 =	simm.s32 $0x13600  }
0xf3: {  	[tilespmem:s31], [sflag:$0x1] =	stream.indirect_vreg.gather [hbm4b:s5+s2], $0x80, v3, vm1, $0xb8;
	[tilespmem:$0x18200] =	vst v63  }
0xf4: {  	v3 =	vld [tilespmem:$0xD0];
	_ =	sdelay $0x4  }
0xf5: {  	v45 =	vshrl.u32 v3, $0x3  }
0xf6: {  	v4 =	vmul.u32 $0x18, v45  }
0xf7: {  	v3 =	vand.u32 $0x7, v3  }
0xf8: {  	v3 =	vor.u32 v3, v4  }
0xf9: {  	v4 =	vperm.xlane v3, v0;
	_ =	sdelay $0x1  }
0xfa: {  	v4 =	vadd.s32 v1, v4;
	_ =	sdelay $0x1  }
0xfb: {  	v3 =	vperm.xlane v3, v2;
	_ =	sdelay $0x1  }
0xfc: {  	s31 =	simm.s32 $0x13A00;
	v3 =	vadd.s32 v1, v3  }
0xfd: {  	[tilespmem:s31], [sflag:$0x1] =	stream.indirect_vreg.gather [hbm4b:s3+s2], $0x80, v4, vm0, $0xb8;
	[tilespmem:$0x18200] =	vst v63  }
0xfe: {  	s31 =	simm.s32 $0x14200  }
0xff: {  	[tilespmem:s31], [sflag:$0x1] =	stream.indirect_vreg.gather [hbm4b:s5+s2], $0x80, v4, vm1, $0xb8;
	[tilespmem:$0x18200] =	vst v63  }
0x100: {  	s31 =	simm.s32 $0x14600  }
0x101: {  	[tilespmem:s31], [sflag:$0x1] =	stream.indirect_vreg.gather [hbm4b:s3+s2], $0x80, v3, vm0, $0xb8;
	[tilespmem:$0x18200] =	vst v63  }
0x102: {  	s31 =	simm.s32 $0x14E00  }
0x103: {  	[tilespmem:s31], [sflag:$0x1] =	stream.indirect_vreg.gather [hbm4b:s5+s2], $0x80, v3, vm1, $0xb8;
	[tilespmem:$0x18200] =	vst v63  }
0x104: {  	v3 =	vld [tilespmem:$0xE0];
	_ =	sdelay $0x4  }
0x105: {  	v46 =	vshrl.u32 v3, $0x3  }
0x106: {  	v4 =	vmul.u32 $0x18, v46  }
0x107: {  	v3 =	vand.u32 $0x7, v3  }
0x108: {  	v3 =	vor.u32 v3, v4  }
0x109: {  	v4 =	vperm.xlane v3, v0;
	_ =	sdelay $0x1  }
0x10a: {  	v4 =	vadd.s32 v1, v4;
	_ =	sdelay $0x1  }
0x10b: {  	v3 =	vperm.xlane v3, v2;
	_ =	sdelay $0x1  }
0x10c: {  	s31 =	simm.s32 $0x15200;
	v3 =	vadd.s32 v1, v3  }
0x10d: {  	[tilespmem:s31], [sflag:$0x1] =	stream.indirect_vreg.gather [hbm4b:s3+s2], $0x80, v4, vm0, $0xb8;
	[tilespmem:$0x18200] =	vst v63  }
0x10e: {  	s31 =	simm.s32 $0x15A00  }
0x10f: {  	[tilespmem:s31], [sflag:$0x1] =	stream.indirect_vreg.gather [hbm4b:s5+s2], $0x80, v4, vm1, $0xb8;
	[tilespmem:$0x18200] =	vst v63  }
0x110: {  	s31 =	simm.s32 $0x15E00  }
0x111: {  	[tilespmem:s31], [sflag:$0x1] =	stream.indirect_vreg.gather [hbm4b:s3+s2], $0x80, v3, vm0, $0xb8;
	[tilespmem:$0x18200] =	vst v63  }
0x112: {  	s31 =	simm.s32 $0x16600  }
0x113: {  	[tilespmem:s31], [sflag:$0x1] =	stream.indirect_vreg.gather [hbm4b:s5+s2], $0x80, v3, vm1, $0xb8;
	[tilespmem:$0x18200] =	vst v63  }
0x114: {  	v3 =	vld [tilespmem:$0xF0];
	_ =	sdelay $0x4  }
0x115: {  	v47 =	vshrl.u32 v3, $0x3  }
0x116: {  	v4 =	vmul.u32 $0x18, v47  }
0x117: {  	v3 =	vand.u32 $0x7, v3  }
0x118: {  	v3 =	vor.u32 v3, v4  }
0x119: {  	v4 =	vperm.xlane v3, v0;
	_ =	sdelay $0x1  }
0x11a: {  	v4 =	vadd.s32 v1, v4;
	_ =	sdelay $0x1  }
0x11b: {  	v3 =	vperm.xlane v3, v2;
	_ =	sdelay $0x1  }
0x11c: {  	s31 =	simm.s32 $0x16A00;
	v3 =	vadd.s32 v1, v3  }
0x11d: {  	[tilespmem:s31], [sflag:$0x1] =	stream.indirect_vreg.gather [hbm4b:s3+s2], $0x80, v4, vm0, $0xb8;
	[tilespmem:$0x18200] =	vst v63  }
0x11e: {  	s31 =	simm.s32 $0x17200  }
0x11f: {  	[tilespmem:s31], [sflag:$0x1] =	stream.indirect_vreg.gather [hbm4b:s5+s2], $0x80, v4, vm1, $0xb8;
	[tilespmem:$0x18200] =	vst v63  }
0x120: {  	s31 =	simm.s32 $0x17600  }
0x121: {  	[tilespmem:s31], [sflag:$0x1] =	stream.indirect_vreg.gather [hbm4b:s3+s2], $0x80, v3, vm0, $0xb8;
	[tilespmem:$0x18200] =	vst v63  }
0x122: {  	s31 =	simm.s32 $0x17E00  }
0x123: {  	[tilespmem:s31], [sflag:$0x1] =	stream.indirect_vreg.gather [hbm4b:s5+s2], $0x80, v3, vm1, $0xb8;
	[tilespmem:$0x18200] =	vst v63  }
0x124: {  	_ =	swait.ge [sflag:s16], $0xC000  }
0x125: {  	[sflag:s16] =	ssyncset.done $0x0  }
0x126: {  	s31 =	rddreg [dreg:$0x4];
	[sflag:s16] =	ssyncadd.s32 $0xFFFF4000  }
0x127: {  	[hbm4b:s31+s2] =	stream.linear.scatter [tilespmem:s0], [sflag:$0x2], $0xC000, $0x38;
	[tilespmem:$0x18200] =	vst v63  }
0x128: {  	_ =	swait.ge [sflag:s28], $0xC000  }
0x129: {  	[sflag:s28] =	ssyncset.done $0x0  }
0x12a: {  	[sflag:s28] =	ssyncadd.s32 $0xFFFF4000  }
0x12b: {  	v3 =	vld [tilespmem:$0x100];
	_ =	sdelay $0x4  }
0x12c: {  	v48 =	vshrl.u32 v3, $0x3  }
0x12d: {  	v4 =	vmul.u32 $0x18, v48  }
0x12e: {  	v3 =	vand.u32 $0x7, v3  }
0x12f: {  	v3 =	vor.u32 v3, v4  }
0x130: {  	v4 =	vperm.xlane v3, v0;
	_ =	sdelay $0x1  }
0x131: {  	v4 =	vadd.s32 v1, v4;
	_ =	sdelay $0x1  }
0x132: {  	v3 =	vperm.xlane v3, v2;
	_ =	sdelay $0x1  }
0x133: {  	v3 =	vadd.s32 v1, v3  }
0x134: {  	[tilespmem:s8], [sflag:$0x1] =	stream.indirect_vreg.gather [hbm4b:s3+s2], $0x80, v4, vm0, $0xb8;
	[tilespmem:$0x18200] =	vst v63  }
0x135: {  	s31 =	simm.s32 $0xA00  }
0x136: {  	[tilespmem:s31], [sflag:$0x1] =	stream.indirect_vreg.gather [hbm4b:s5+s2], $0x80, v4, vm1, $0xb8;
	[tilespmem:$0x18200] =	vst v63  }
0x137: {  	_ = 	snop  }
0x138: {  	[tilespmem:s1], [sflag:$0x1] =	stream.indirect_vreg.gather [hbm4b:s3+s2], $0x80, v3, vm0, $0xb8;
	[tilespmem:$0x18200] =	vst v63  }
0x139: {  	_ = 	snop  }
0x13a: {  	[tilespmem:s9], [sflag:$0x1] =	stream.indirect_vreg.gather [hbm4b:s5+s2], $0x80, v3, vm1, $0xb8;
	[tilespmem:$0x18200] =	vst v63  }
0x13b: {  	v3 =	vld [tilespmem:$0x110];
	_ =	sdelay $0x4  }
0x13c: {  	v49 =	vshrl.u32 v3, $0x3  }
0x13d: {  	v4 =	vmul.u32 $0x18, v49  }
0x13e: {  	v3 =	vand.u32 $0x7, v3  }
0x13f: {  	v3 =	vor.u32 v3, v4  }
0x140: {  	v4 =	vperm.xlane v3, v0;
	_ =	sdelay $0x1  }
0x141: {  	v4 =	vadd.s32 v1, v4;
	_ =	sdelay $0x1  }
0x142: {  	v3 =	vperm.xlane v3, v2;
	_ =	sdelay $0x1  }
0x143: {  	v3 =	vadd.s32 v1, v3  }
0x144: {  	[tilespmem:s10], [sflag:$0x1] =	stream.indirect_vreg.gather [hbm4b:s3+s2], $0x80, v4, vm0, $0xb8;
	[tilespmem:$0x18200] =	vst v63  }
0x145: {  	_ = 	snop  }
0x146: {  	[tilespmem:s11], [sflag:$0x1] =	stream.indirect_vreg.gather [hbm4b:s5+s2], $0x80, v4, vm1, $0xb8;
	[tilespmem:$0x18200] =	vst v63  }
0x147: {  	_ = 	snop  }
0x148: {  	[tilespmem:s12], [sflag:$0x1] =	stream.indirect_vreg.gather [hbm4b:s3+s2], $0x80, v3, vm0, $0xb8;
	[tilespmem:$0x18200] =	vst v63  }
0x149: {  	_ = 	snop  }
0x14a: {  	[tilespmem:s13], [sflag:$0x1] =	stream.indirect_vreg.gather [hbm4b:s5+s2], $0x80, v3, vm1, $0xb8;
	[tilespmem:$0x18200] =	vst v63  }
0x14b: {  	v3 =	vld [tilespmem:$0x120];
	_ =	sdelay $0x4  }
0x14c: {  	v50 =	vshrl.u32 v3, $0x3  }
0x14d: {  	v4 =	vmul.u32 $0x18, v50  }
0x14e: {  	v3 =	vand.u32 $0x7, v3  }
0x14f: {  	v3 =	vor.u32 v3, v4  }
0x150: {  	v4 =	vperm.xlane v3, v0;
	_ =	sdelay $0x1  }
0x151: {  	v4 =	vadd.s32 v1, v4;
	_ =	sdelay $0x1  }
0x152: {  	v3 =	vperm.xlane v3, v2;
	_ =	sdelay $0x1  }
0x153: {  	v3 =	vadd.s32 v1, v3  }
0x154: {  	[tilespmem:s14], [sflag:$0x1] =	stream.indirect_vreg.gather [hbm4b:s3+s2], $0x80, v4, vm0, $0xb8;
	[tilespmem:$0x18200] =	vst v63  }
0x155: {  	_ = 	snop  }
0x156: {  	[tilespmem:s15], [sflag:$0x1] =	stream.indirect_vreg.gather [hbm4b:s5+s2], $0x80, v4, vm1, $0xb8;
	[tilespmem:$0x18200] =	vst v63  }
0x157: {  	_ = 	snop  }
0x158: {  	[tilespmem:s18], [sflag:$0x1] =	stream.indirect_vreg.gather [hbm4b:s3+s2], $0x80, v3, vm0, $0xb8;
	[tilespmem:$0x18200] =	vst v63  }
0x159: {  	_ = 	snop  }
0x15a: {  	[tilespmem:s19], [sflag:$0x1] =	stream.indirect_vreg.gather [hbm4b:s5+s2], $0x80, v3, vm1, $0xb8;
	[tilespmem:$0x18200] =	vst v63  }
0x15b: {  	v3 =	vld [tilespmem:$0x130];
	_ =	sdelay $0x4  }
0x15c: {  	v51 =	vshrl.u32 v3, $0x3  }
0x15d: {  	v4 =	vmul.u32 $0x18, v51  }
0x15e: {  	v3 =	vand.u32 $0x7, v3  }
0x15f: {  	v3 =	vor.u32 v3, v4  }
0x160: {  	v4 =	vperm.xlane v3, v0;
	_ =	sdelay $0x1  }
0x161: {  	v4 =	vadd.s32 v1, v4;
	_ =	sdelay $0x1  }
0x162: {  	v3 =	vperm.xlane v3, v2;
	_ =	sdelay $0x1  }
0x163: {  	v3 =	vadd.s32 v1, v3  }
0x164: {  	[tilespmem:s20], [sflag:$0x1] =	stream.indirect_vreg.gather [hbm4b:s3+s2], $0x80, v4, vm0, $0xb8;
	[tilespmem:$0x18200] =	vst v63  }
0x165: {  	_ = 	snop  }
0x166: {  	[tilespmem:s21], [sflag:$0x1] =	stream.indirect_vreg.gather [hbm4b:s5+s2], $0x80, v4, vm1, $0xb8;
	[tilespmem:$0x18200] =	vst v63  }
0x167: {  	_ = 	snop  }
0x168: {  	[tilespmem:s22], [sflag:$0x1] =	stream.indirect_vreg.gather [hbm4b:s3+s2], $0x80, v3, vm0, $0xb8;
	[tilespmem:$0x18200] =	vst v63  }
0x169: {  	_ = 	snop  }
0x16a: {  	[tilespmem:s23], [sflag:$0x1] =	stream.indirect_vreg.gather [hbm4b:s5+s2], $0x80, v3, vm1, $0xb8;
	[tilespmem:$0x18200] =	vst v63  }
0x16b: {  	v3 =	vld [tilespmem:$0x140];
	_ =	sdelay $0x4  }
0x16c: {  	v52 =	vshrl.u32 v3, $0x3  }
0x16d: {  	v4 =	vmul.u32 $0x18, v52  }
0x16e: {  	v3 =	vand.u32 $0x7, v3  }
0x16f: {  	v3 =	vor.u32 v3, v4  }
0x170: {  	v4 =	vperm.xlane v3, v0;
	_ =	sdelay $0x1  }
0x171: {  	v4 =	vadd.s32 v1, v4;
	_ =	sdelay $0x1  }
0x172: {  	v3 =	vperm.xlane v3, v2;
	_ =	sdelay $0x1  }
0x173: {  	v3 =	vadd.s32 v1, v3  }
0x174: {  	[tilespmem:s24], [sflag:$0x1] =	stream.indirect_vreg.gather [hbm4b:s3+s2], $0x80, v4, vm0, $0xb8;
	[tilespmem:$0x18200] =	vst v63  }
0x175: {  	_ = 	snop  }
0x176: {  	[tilespmem:s25], [sflag:$0x1] =	stream.indirect_vreg.gather [hbm4b:s5+s2], $0x80, v4, vm1, $0xb8;
	[tilespmem:$0x18200] =	vst v63  }
0x177: {  	_ = 	snop  }
0x178: {  	[tilespmem:s26], [sflag:$0x1] =	stream.indirect_vreg.gather [hbm4b:s3+s2], $0x80, v3, vm0, $0xb8;
	[tilespmem:$0x18200] =	vst v63  }
0x179: {  	_ = 	snop  }
0x17a: {  	[tilespmem:s7], [sflag:$0x1] =	stream.indirect_vreg.gather [hbm4b:s5+s2], $0x80, v3, vm1, $0xb8;
	[tilespmem:$0x18200] =	vst v63  }
0x17b: {  	v3 =	vld [tilespmem:$0x150];
	_ =	sdelay $0x4  }
0x17c: {  	v53 =	vshrl.u32 v3, $0x3  }
0x17d: {  	v4 =	vmul.u32 $0x18, v53  }
0x17e: {  	v3 =	vand.u32 $0x7, v3  }
0x17f: {  	v3 =	vor.u32 v3, v4  }
0x180: {  	v4 =	vperm.xlane v3, v0;
	_ =	sdelay $0x1  }
0x181: {  	v4 =	vadd.s32 v1, v4;
	_ =	sdelay $0x1  }
0x182: {  	v3 =	vperm.xlane v3, v2;
	_ =	sdelay $0x1  }
0x183: {  	v3 =	vadd.s32 v1, v3  }
0x184: {  	[tilespmem:s17], [sflag:$0x1] =	stream.indirect_vreg.gather [hbm4b:s3+s2], $0x80, v4, vm0, $0xb8;
	[tilespmem:$0x18200] =	vst v63  }
0x185: {  	_ = 	snop  }
0x186: {  	[tilespmem:s29], [sflag:$0x1] =	stream.indirect_vreg.gather [hbm4b:s5+s2], $0x80, v4, vm1, $0xb8;
	[tilespmem:$0x18200] =	vst v63  }
0x187: {  	_ = 	snop  }
0x188: {  	[tilespmem:s30], [sflag:$0x1] =	stream.indirect_vreg.gather [hbm4b:s3+s2], $0x80, v3, vm0, $0xb8;
	[tilespmem:$0x18200] =	vst v63  }
0x189: {  	s31 =	simm.s32 $0x8E00  }
0x18a: {  	[tilespmem:s31], [sflag:$0x1] =	stream.indirect_vreg.gather [hbm4b:s5+s2], $0x80, v3, vm1, $0xb8;
	[tilespmem:$0x18200] =	vst v63  }
0x18b: {  	v3 =	vld [tilespmem:$0x160];
	_ =	sdelay $0x4  }
0x18c: {  	v54 =	vshrl.u32 v3, $0x3  }
0x18d: {  	v4 =	vmul.u32 $0x18, v54  }
0x18e: {  	v3 =	vand.u32 $0x7, v3  }
0x18f: {  	v3 =	vor.u32 v3, v4  }
0x190: {  	v4 =	vperm.xlane v3, v0;
	_ =	sdelay $0x1  }
0x191: {  	v4 =	vadd.s32 v1, v4;
	_ =	sdelay $0x1  }
0x192: {  	v3 =	vperm.xlane v3, v2;
	_ =	sdelay $0x1  }
0x193: {  	s31 =	simm.s32 $0x9200;
	v3 =	vadd.s32 v1, v3  }
0x194: {  	[tilespmem:s31], [sflag:$0x1] =	stream.indirect_vreg.gather [hbm4b:s3+s2], $0x80, v4, vm0, $0xb8;
	[tilespmem:$0x18200] =	vst v63  }
0x195: {  	s31 =	simm.s32 $0x9A00  }
0x196: {  	[tilespmem:s31], [sflag:$0x1] =	stream.indirect_vreg.gather [hbm4b:s5+s2], $0x80, v4, vm1, $0xb8;
	[tilespmem:$0x18200] =	vst v63  }
0x197: {  	s31 =	simm.s32 $0x9E00  }
0x198: {  	[tilespmem:s31], [sflag:$0x1] =	stream.indirect_vreg.gather [hbm4b:s3+s2], $0x80, v3, vm0, $0xb8;
	[tilespmem:$0x18200] =	vst v63  }
0x199: {  	s31 =	simm.s32 $0xA600  }
0x19a: {  	[tilespmem:s31], [sflag:$0x1] =	stream.indirect_vreg.gather [hbm4b:s5+s2], $0x80, v3, vm1, $0xb8;
	[tilespmem:$0x18200] =	vst v63  }
0x19b: {  	v3 =	vld [tilespmem:$0x170];
	_ =	sdelay $0x4  }
0x19c: {  	v55 =	vshrl.u32 v3, $0x3  }
0x19d: {  	v4 =	vmul.u32 $0x18, v55  }
0x19e: {  	v3 =	vand.u32 $0x7, v3  }
0x19f: {  	v3 =	vor.u32 v3, v4  }
0x1a0: {  	v4 =	vperm.xlane v3, v0;
	_ =	sdelay $0x1  }
0x1a1: {  	v4 =	vadd.s32 v1, v4;
	_ =	sdelay $0x1  }
0x1a2: {  	v3 =	vperm.xlane v3, v2;
	_ =	sdelay $0x1  }
0x1a3: {  	s31 =	simm.s32 $0xAA00;
	v3 =	vadd.s32 v1, v3  }
0x1a4: {  	[tilespmem:s31], [sflag:$0x1] =	stream.indirect_vreg.gather [hbm4b:s3+s2], $0x80, v4, vm0, $0xb8;
	[tilespmem:$0x18200] =	vst v63  }
0x1a5: {  	s31 =	simm.s32 $0xB200  }
0x1a6: {  	[tilespmem:s31], [sflag:$0x1] =	stream.indirect_vreg.gather [hbm4b:s5+s2], $0x80, v4, vm1, $0xb8;
	[tilespmem:$0x18200] =	vst v63  }
0x1a7: {  	s31 =	simm.s32 $0xB600  }
0x1a8: {  	[tilespmem:s31], [sflag:$0x1] =	stream.indirect_vreg.gather [hbm4b:s3+s2], $0x80, v3, vm0, $0xb8;
	[tilespmem:$0x18200] =	vst v63  }
0x1a9: {  	s31 =	simm.s32 $0xBE00  }
0x1aa: {  	[tilespmem:s31], [sflag:$0x1] =	stream.indirect_vreg.gather [hbm4b:s5+s2], $0x80, v3, vm1, $0xb8;
	[tilespmem:$0x18200] =	vst v63  }
0x1ab: {  	_ =	swait.ge [sflag:s16], $0xC000  }
0x1ac: {  	[sflag:s16] =	ssyncset.done $0x0  }
0x1ad: {  	s1 =	rddreg [dreg:$0x5];
	[sflag:s16] =	ssyncadd.s32 $0xFFFF4000  }
0x1ae: {  	[hbm4b:s1+s2] =	stream.linear.scatter [tilespmem:s8], [sflag:$0x2], $0xC000, $0x38;
	[tilespmem:$0x18200] =	vst v63  }
0x1af: {  	_ =	swait.ge [sflag:s28], $0xC000  }
0x1b0: {  	[sflag:s28] =	ssyncset.done $0x0  }
0x1b1: {  	[sflag:s28] =	ssyncadd.s32 $0xFFFF4000  }
0x1b2: {  	v3 =	vld [tilespmem:$0x180];
	_ =	sdelay $0x4  }
0x1b3: {  	v56 =	vshrl.u32 v3, $0x3  }
0x1b4: {  	v4 =	vmul.u32 $0x18, v56  }
0x1b5: {  	v3 =	vand.u32 $0x7, v3  }
0x1b6: {  	v3 =	vor.u32 v3, v4  }
0x1b7: {  	v4 =	vperm.xlane v3, v0;
	_ =	sdelay $0x1  }
0x1b8: {  	v4 =	vadd.s32 v1, v4;
	_ =	sdelay $0x1  }
0x1b9: {  	v3 =	vperm.xlane v3, v2;
	_ =	sdelay $0x1  }
0x1ba: {  	v3 =	vadd.s32 v1, v3  }
0x1bb: {  	[tilespmem:s0], [sflag:$0x1] =	stream.indirect_vreg.gather [hbm4b:s3+s2], $0x80, v4, vm0, $0xb8;
	[tilespmem:$0x18200] =	vst v63  }
0x1bc: {  	s31 =	simm.s32 $0xCA00  }
0x1bd: {  	[tilespmem:s31], [sflag:$0x1] =	stream.indirect_vreg.gather [hbm4b:s5+s2], $0x80, v4, vm1, $0xb8;
	[tilespmem:$0x18200] =	vst v63  }
0x1be: {  	s31 =	simm.s32 $0xCE00  }
0x1bf: {  	[tilespmem:s31], [sflag:$0x1] =	stream.indirect_vreg.gather [hbm4b:s3+s2], $0x80, v3, vm0, $0xb8;
	[tilespmem:$0x18200] =	vst v63  }
0x1c0: {  	s31 =	simm.s32 $0xD600  }
0x1c1: {  	[tilespmem:s31], [sflag:$0x1] =	stream.indirect_vreg.gather [hbm4b:s5+s2], $0x80, v3, vm1, $0xb8;
	[tilespmem:$0x18200] =	vst v63  }
0x1c2: {  	v3 =	vld [tilespmem:$0x190];
	_ =	sdelay $0x4  }
0x1c3: {  	v57 =	vshrl.u32 v3, $0x3  }
0x1c4: {  	v4 =	vmul.u32 $0x18, v57  }
0x1c5: {  	v3 =	vand.u32 $0x7, v3  }
0x1c6: {  	v3 =	vor.u32 v3, v4  }
0x1c7: {  	v4 =	vperm.xlane v3, v0;
	_ =	sdelay $0x1  }
0x1c8: {  	v4 =	vadd.s32 v1, v4;
	_ =	sdelay $0x1  }
0x1c9: {  	v3 =	vperm.xlane v3, v2;
	_ =	sdelay $0x1  }
0x1ca: {  	s31 =	simm.s32 $0xDA00;
	v3 =	vadd.s32 v1, v3  }
0x1cb: {  	[tilespmem:s31], [sflag:$0x1] =	stream.indirect_vreg.gather [hbm4b:s3+s2], $0x80, v4, vm0, $0xb8;
	[tilespmem:$0x18200] =	vst v63  }
0x1cc: {  	s31 =	simm.s32 $0xE200  }
0x1cd: {  	[tilespmem:s31], [sflag:$0x1] =	stream.indirect_vreg.gather [hbm4b:s5+s2], $0x80, v4, vm1, $0xb8;
	[tilespmem:$0x18200] =	vst v63  }
0x1ce: {  	s31 =	simm.s32 $0xE600  }
0x1cf: {  	[tilespmem:s31], [sflag:$0x1] =	stream.indirect_vreg.gather [hbm4b:s3+s2], $0x80, v3, vm0, $0xb8;
	[tilespmem:$0x18200] =	vst v63  }
0x1d0: {  	s31 =	simm.s32 $0xEE00  }
0x1d1: {  	[tilespmem:s31], [sflag:$0x1] =	stream.indirect_vreg.gather [hbm4b:s5+s2], $0x80, v3, vm1, $0xb8;
	[tilespmem:$0x18200] =	vst v63  }
0x1d2: {  	v3 =	vld [tilespmem:$0x1A0];
	_ =	sdelay $0x4  }
0x1d3: {  	v58 =	vshrl.u32 v3, $0x3  }
0x1d4: {  	v4 =	vmul.u32 $0x18, v58  }
0x1d5: {  	v3 =	vand.u32 $0x7, v3  }
0x1d6: {  	v3 =	vor.u32 v3, v4  }
0x1d7: {  	v4 =	vperm.xlane v3, v0;
	_ =	sdelay $0x1  }
0x1d8: {  	v4 =	vadd.s32 v1, v4;
	_ =	sdelay $0x1  }
0x1d9: {  	v3 =	vperm.xlane v3, v2;
	_ =	sdelay $0x1  }
0x1da: {  	s31 =	simm.s32 $0xF200;
	v3 =	vadd.s32 v1, v3  }
0x1db: {  	[tilespmem:s31], [sflag:$0x1] =	stream.indirect_vreg.gather [hbm4b:s3+s2], $0x80, v4, vm0, $0xb8;
	[tilespmem:$0x18200] =	vst v63  }
0x1dc: {  	s31 =	simm.s32 $0xFA00  }
0x1dd: {  	[tilespmem:s31], [sflag:$0x1] =	stream.indirect_vreg.gather [hbm4b:s5+s2], $0x80, v4, vm1, $0xb8;
	[tilespmem:$0x18200] =	vst v63  }
0x1de: {  	s31 =	simm.s32 $0xFE00  }
0x1df: {  	[tilespmem:s31], [sflag:$0x1] =	stream.indirect_vreg.gather [hbm4b:s3+s2], $0x80, v3, vm0, $0xb8;
	[tilespmem:$0x18200] =	vst v63  }
0x1e0: {  	s31 =	simm.s32 $0x10600  }
0x1e1: {  	[tilespmem:s31], [sflag:$0x1] =	stream.indirect_vreg.gather [hbm4b:s5+s2], $0x80, v3, vm1, $0xb8;
	[tilespmem:$0x18200] =	vst v63  }
0x1e2: {  	v3 =	vld [tilespmem:$0x1B0];
	_ =	sdelay $0x4  }
0x1e3: {  	v59 =	vshrl.u32 v3, $0x3  }
0x1e4: {  	v4 =	vmul.u32 $0x18, v59  }
0x1e5: {  	v3 =	vand.u32 $0x7, v3  }
0x1e6: {  	v3 =	vor.u32 v3, v4  }
0x1e7: {  	v4 =	vperm.xlane v3, v0;
	_ =	sdelay $0x1  }
0x1e8: {  	v4 =	vadd.s32 v1, v4;
	_ =	sdelay $0x1  }
0x1e9: {  	v3 =	vperm.xlane v3, v2;
	_ =	sdelay $0x1  }
0x1ea: {  	s31 =	simm.s32 $0x10A00;
	v3 =	vadd.s32 v1, v3  }
0x1eb: {  	[tilespmem:s31], [sflag:$0x1] =	stream.indirect_vreg.gather [hbm4b:s3+s2], $0x80, v4, vm0, $0xb8;
	[tilespmem:$0x18200] =	vst v63  }
0x1ec: {  	s31 =	simm.s32 $0x11200  }
0x1ed: {  	[tilespmem:s31], [sflag:$0x1] =	stream.indirect_vreg.gather [hbm4b:s5+s2], $0x80, v4, vm1, $0xb8;
	[tilespmem:$0x18200] =	vst v63  }
0x1ee: {  	s31 =	simm.s32 $0x11600  }
0x1ef: {  	[tilespmem:s31], [sflag:$0x1] =	stream.indirect_vreg.gather [hbm4b:s3+s2], $0x80, v3, vm0, $0xb8;
	[tilespmem:$0x18200] =	vst v63  }
0x1f0: {  	s31 =	simm.s32 $0x11E00  }
0x1f1: {  	[tilespmem:s31], [sflag:$0x1] =	stream.indirect_vreg.gather [hbm4b:s5+s2], $0x80, v3, vm1, $0xb8;
	[tilespmem:$0x18200] =	vst v63  }
0x1f2: {  	v3 =	vld [tilespmem:$0x1C0];
	_ =	sdelay $0x4  }
0x1f3: {  	v60 =	vshrl.u32 v3, $0x3  }
0x1f4: {  	v4 =	vmul.u32 $0x18, v60  }
0x1f5: {  	v3 =	vand.u32 $0x7, v3  }
0x1f6: {  	v3 =	vor.u32 v3, v4  }
0x1f7: {  	v4 =	vperm.xlane v3, v0;
	_ =	sdelay $0x1  }
0x1f8: {  	v4 =	vadd.s32 v1, v4;
	_ =	sdelay $0x1  }
0x1f9: {  	v3 =	vperm.xlane v3, v2;
	_ =	sdelay $0x1  }
0x1fa: {  	s31 =	simm.s32 $0x12200;
	v3 =	vadd.s32 v1, v3  }
0x1fb: {  	[tilespmem:s31], [sflag:$0x1] =	stream.indirect_vreg.gather [hbm4b:s3+s2], $0x80, v4, vm0, $0xb8;
	[tilespmem:$0x18200] =	vst v63  }
0x1fc: {  	s31 =	simm.s32 $0x12A00  }
0x1fd: {  	[tilespmem:s31], [sflag:$0x1] =	stream.indirect_vreg.gather [hbm4b:s5+s2], $0x80, v4, vm1, $0xb8;
	[tilespmem:$0x18200] =	vst v63  }
0x1fe: {  	s31 =	simm.s32 $0x12E00  }
0x1ff: {  	[tilespmem:s31], [sflag:$0x1] =	stream.indirect_vreg.gather [hbm4b:s3+s2], $0x80, v3, vm0, $0xb8;
	[tilespmem:$0x18200] =	vst v63  }
0x200: {  	s31 =	simm.s32 $0x13600  }
0x201: {  	[tilespmem:s31], [sflag:$0x1] =	stream.indirect_vreg.gather [hbm4b:s5+s2], $0x80, v3, vm1, $0xb8;
	[tilespmem:$0x18200] =	vst v63  }
0x202: {  	v3 =	vld [tilespmem:$0x1D0];
	_ =	sdelay $0x4  }
0x203: {  	v61 =	vshrl.u32 v3, $0x3  }
0x204: {  	v4 =	vmul.u32 $0x18, v61  }
0x205: {  	v3 =	vand.u32 $0x7, v3  }
0x206: {  	v3 =	vor.u32 v3, v4  }
0x207: {  	v4 =	vperm.xlane v3, v0;
	_ =	sdelay $0x1  }
0x208: {  	v4 =	vadd.s32 v1, v4;
	_ =	sdelay $0x1  }
0x209: {  	v3 =	vperm.xlane v3, v2;
	_ =	sdelay $0x1  }
0x20a: {  	s31 =	simm.s32 $0x13A00;
	v3 =	vadd.s32 v1, v3  }
0x20b: {  	[tilespmem:s31], [sflag:$0x1] =	stream.indirect_vreg.gather [hbm4b:s3+s2], $0x80, v4, vm0, $0xb8;
	[tilespmem:$0x18200] =	vst v63  }
0x20c: {  	s31 =	simm.s32 $0x14200  }
0x20d: {  	[tilespmem:s31], [sflag:$0x1] =	stream.indirect_vreg.gather [hbm4b:s5+s2], $0x80, v4, vm1, $0xb8;
	[tilespmem:$0x18200] =	vst v63  }
0x20e: {  	s31 =	simm.s32 $0x14600  }
0x20f: {  	[tilespmem:s31], [sflag:$0x1] =	stream.indirect_vreg.gather [hbm4b:s3+s2], $0x80, v3, vm0, $0xb8;
	[tilespmem:$0x18200] =	vst v63  }
0x210: {  	s31 =	simm.s32 $0x14E00  }
0x211: {  	[tilespmem:s31], [sflag:$0x1] =	stream.indirect_vreg.gather [hbm4b:s5+s2], $0x80, v3, vm1, $0xb8;
	[tilespmem:$0x18200] =	vst v63  }
0x212: {  	v3 =	vld [tilespmem:$0x1E0];
	_ =	sdelay $0x4  }
0x213: {  	v62 =	vshrl.u32 v3, $0x3  }
0x214: {  	v4 =	vmul.u32 $0x18, v62  }
0x215: {  	v3 =	vand.u32 $0x7, v3  }
0x216: {  	v3 =	vor.u32 v3, v4  }
0x217: {  	v4 =	vperm.xlane v3, v0;
	_ =	sdelay $0x1  }
0x218: {  	v4 =	vadd.s32 v1, v4;
	_ =	sdelay $0x1  }
0x219: {  	v3 =	vperm.xlane v3, v2;
	_ =	sdelay $0x1  }
0x21a: {  	s31 =	simm.s32 $0x15200;
	v3 =	vadd.s32 v1, v3  }
0x21b: {  	[tilespmem:s31], [sflag:$0x1] =	stream.indirect_vreg.gather [hbm4b:s3+s2], $0x80, v4, vm0, $0xb8;
	[tilespmem:$0x18200] =	vst v63  }
0x21c: {  	s31 =	simm.s32 $0x15A00  }
0x21d: {  	[tilespmem:s31], [sflag:$0x1] =	stream.indirect_vreg.gather [hbm4b:s5+s2], $0x80, v4, vm1, $0xb8;
	[tilespmem:$0x18200] =	vst v63  }
0x21e: {  	s31 =	simm.s32 $0x15E00  }
0x21f: {  	[tilespmem:s31], [sflag:$0x1] =	stream.indirect_vreg.gather [hbm4b:s3+s2], $0x80, v3, vm0, $0xb8;
	[tilespmem:$0x18200] =	vst v63  }
0x220: {  	s31 =	simm.s32 $0x16600  }
0x221: {  	[tilespmem:s31], [sflag:$0x1] =	stream.indirect_vreg.gather [hbm4b:s5+s2], $0x80, v3, vm1, $0xb8;
	[tilespmem:$0x18200] =	vst v63  }
0x222: {  	v3 =	vld [tilespmem:$0x1F0];
	_ =	sdelay $0x4  }
0x223: {  	v63 =	vshrl.u32 v3, $0x3  }
0x224: {  	v4 =	vmul.u32 $0x18, v63  }
0x225: {  	v3 =	vand.u32 $0x7, v3  }
0x226: {  	v3 =	vor.u32 v3, v4  }
0x227: {  	v4 =	vperm.xlane v3, v0;
	_ =	sdelay $0x1  }
0x228: {  	v4 =	vadd.s32 v1, v4;
	_ =	sdelay $0x1  }
0x229: {  	v3 =	vperm.xlane v3, v2;
	_ =	sdelay $0x1  }
0x22a: {  	s31 =	simm.s32 $0x16A00;
	v3 =	vadd.s32 v1, v3  }
0x22b: {  	[tilespmem:s31], [sflag:$0x1] =	stream.indirect_vreg.gather [hbm4b:s3+s2], $0x80, v4, vm0, $0xb8;
	[tilespmem:$0x18200] =	vst v63  }
0x22c: {  	s31 =	simm.s32 $0x17200  }
0x22d: {  	[tilespmem:s31], [sflag:$0x1] =	stream.indirect_vreg.gather [hbm4b:s5+s2], $0x80, v4, vm1, $0xb8;
	[tilespmem:$0x18200] =	vst v63  }
0x22e: {  	s31 =	simm.s32 $0x17600  }
0x22f: {  	[tilespmem:s31], [sflag:$0x1] =	stream.indirect_vreg.gather [hbm4b:s3+s2], $0x80, v3, vm0, $0xb8;
	[tilespmem:$0x18200] =	vst v63  }
0x230: {  	s31 =	simm.s32 $0x17E00  }
0x231: {  	[tilespmem:s31], [sflag:$0x1] =	stream.indirect_vreg.gather [hbm4b:s5+s2], $0x80, v3, vm1, $0xb8;
	[tilespmem:$0x18200] =	vst v63  }
0x232: {  	_ =	swait.ge [sflag:s16], $0xC000  }
0x233: {  	[sflag:s16] =	ssyncset.done $0x0  }
0x234: {  	s1 =	rddreg [dreg:$0x6];
	[sflag:s16] =	ssyncadd.s32 $0xFFFF4000  }
0x235: {  	[hbm4b:s1+s2] =	stream.linear.scatter [tilespmem:s0], [sflag:$0x2], $0xC000, $0x38;
	[tilespmem:$0x18200] =	vst v63  }
0x236: {  	_ =	swait.ge [sflag:s28], $0xC000  }
0x237: {  	[sflag:s28] =	ssyncset.done $0x0  }
0x238: {  	[sflag:s28] =	ssyncadd.s32 $0xFFFF4000  }
0x239: {  	_ =	swait.ge [sflag:s28], $0xC000  }
0x23a: {  	[sflag:s28] =	ssyncset.done $0x0  }
0x23b: {  	s0 =	simm.s32 $0x80;
	[sflag:s28] =	ssyncadd.s32 $0xFFFF4000  }
0x23c: {  	[tilespmem:s8], [sflag:$0x1] =	stream.indirect.gather [hbm4b:s4+s0], $0x80, s2, s0, $0xb8;
	[tilespmem:$0x18200] =	vst v63  }
0x23d: {  	_ =	swait.ge [sflag:s16], $0x4000  }
0x23e: {  	[sflag:s16] =	ssyncset.done $0x0  }
0x23f: {  	s1 =	rddreg [dreg:$0x7];
	[sflag:s16] =	ssyncadd.s32 $0xFFFFC000  }
0x240: {  	[hbm4b:s1+s2] =	stream.linear.scatter [tilespmem:s8], [sflag:$0x2], $0x4000, $0x38;
	[tilespmem:$0x18200] =	vst v63  }
0x241: {  	s1 =	simm.s32 $0x4200  }
0x242: {  	[tilespmem:s1], [sflag:$0x1] =	stream.indirect.gather [hbm4b:s4+s0], $0x80, s0, s0, $0xb8;
	[tilespmem:$0x18200] =	vst v63  }
0x243: {  	_ =	swait.ge [sflag:s16], $0x4000  }
0x244: {  	[sflag:s16] =	ssyncset.done $0x0  }
0x245: {  	s31 =	rddreg [dreg:$0x8];
	[sflag:s16] =	ssyncadd.s32 $0xFFFFC000  }
0x246: {  	[hbm4b:s31+s2] =	stream.linear.scatter [tilespmem:s1], [sflag:$0x2], $0x4000, $0x38;
	[tilespmem:$0x18200] =	vst v63  }
0x247: {  	_ =	swait.ge [sflag:s28], $0x4000  }
0x248: {  	[sflag:s28] =	ssyncset.done $0x0  }
0x249: {  	s31 =	rddreg [dreg:$0xb];
	[sflag:s28] =	ssyncadd.s32 $0xFFFFC000  }
0x24a: {  	[tilespmem:s8], [sflag:$0x1] =	stream.indirect.gather [hbm4b:s4+s0], $0x80, s31, s0, $0xb8;
	[tilespmem:$0x18200] =	vst v63  }
0x24b: {  	_ =	swait.ge [sflag:s16], $0x4000  }
0x24c: {  	[sflag:s16] =	ssyncset.done $0x0  }
0x24d: {  	s31 =	rddreg [dreg:$0x9];
	[sflag:s16] =	ssyncadd.s32 $0xFFFFC000  }
0x24e: {  	[hbm4b:s31+s2] =	stream.linear.scatter [tilespmem:s8], [sflag:$0x2], $0x4000, $0x38;
	[tilespmem:$0x18200] =	vst v63  }
0x24f: {  	_ =	swait.ge [sflag:s28], $0x4000  }
0x250: {  	[sflag:s28] =	ssyncset.done $0x0  }
0x251: {  	s31 =	rddreg [dreg:$0xc];
	[sflag:s28] =	ssyncadd.s32 $0xFFFFC000  }
0x252: {  	[tilespmem:s1], [sflag:$0x1] =	stream.indirect.gather [hbm4b:s4+s0], $0x80, s31, s0, $0xb8;
	[tilespmem:$0x18200] =	vst v63  }
0x253: {  	_ =	swait.ge [sflag:s16], $0x4000  }
0x254: {  	[sflag:s16] =	ssyncset.done $0x0  }
0x255: {  	s0 =	rddreg [dreg:$0xa];
	[sflag:s16] =	ssyncadd.s32 $0xFFFFC000  }
0x256: {  	[hbm4b:s0+s2] =	stream.linear.scatter [tilespmem:s1], [sflag:$0x2], $0x4000, $0x38;
	[tilespmem:$0x18200] =	vst v63  }
0x257: {  	p0 =	sne.s32 s6, $0x1;
	_ =	swait.ge [sflag:s28], $0x4000  }
.Ltmp0:
0x258: {  	[sflag:s28] =	ssyncset.done $0x0;
	(pc) =	sbr.rel @p0 .LBB2_1-.Ltmp0, $4  }
0x259: {  	[sflag:s28] =	ssyncadd.s32 $0xFFFFC000  }
0x25a: {  	_ =	swait.ge [sflag:s28], $0x4000  }
0x25b: {  	[sflag:s28] =	ssyncset.done $0x0  }
0x25c: {  	s6 =	sadd.s32 $0xFFFFFFFF, s6;
	[sflag:s28] =	ssyncadd.s32 $0xFFFFC000  }
0x25d: {  	_ =	sfence.sel $0x180000  }
0x25e: {  	[bflag:$0x0] =	sbarrier.arrive $0xFFFF  }
0x25f: {  	_ =	strace $0x9000004A  }
0x260: {  	s0 =	stileid.u32;
	[bflag:$0x2] =	sbarrier.arrive $0xFFFF  }
0x261: {  	p0 =	sne.s32 s0, $0x0;
	s0 =	rddreg [dreg:$0x1]  }
0x262: {  	s0 =	sadd.s32 @!p0 $0x100000, s0  }
0x263: {  	[sflag:s0] =	ssyncadd.tile.s32 @!p0 $0x1;
	_ =	shalt  }
.Lfunc_end2:
_tile_overlayer_lowered:
.L_overlay_start_2:
0x264: {  	(tag) =	ssettag $0x2  }
0x265: {  	s0 =	rddreg [dreg:$0x0];
	s2 =	stileid.u32  }
0x266: {  	s1 =	rddreg [dreg:$0x1];
	p0 =	sne.s32 s2, $0x0  }
0x267: {  	s3 =	rddreg [dreg:$0x2];
	[bflag:$0x3] =	sbarrier.arrive $0xFFFF;
	s2 =	simm.s32 @!p0 $0x1C03  }
0x268: {  	[timem:s3], [sflag:s2] =	dma.local @!p0 [hbm:s0], s1  }
0x269: {  	s0 =	simm.s32 @!p0 $0x3  }
0x26a: {  	_ =	swait.ge @!p0 [sflag:s0], s1  }
0x26b: {  	s1 =	ssub.s32 @!p0 $0x0, s1;
	[sflag:s0] =	ssyncset.done @!p0 $0x0  }
0x26c: {  	[sflag:s0] =	ssyncadd.s32 @!p0 s1  }
0x26d: {  	[bflag:$0x3] =	sbarrier.arrive $0xFFFF  }
0x26e: {  	_ =	shalt  }

// kernel: kernel.8.cloned.1.call-start
scs
__scs_entry_jumppad:
0x0: {  	(pc) =	sbr.rel $0x88, $3  }
0x1: {  	(tag) =	ssettag $0x0;
	lr =	simm.s32 $0x1  }
0x2: {  	[smem:$0x3F95] =	sst lr;
	_ =	strace $0xD0000000  }
0x3: {  	_ = 	snop  }
0x4: {  	_ = 	snop  }
0x5: {  	_ = 	snop  }
0x6: {  	_ = 	snop  }
0x7: {  	_ = 	snop  }
__scs_overlays_trampoline_lowered:
0x8: {  	[smem:$0x3FA4] =	sst s0  }
0x9: {  	[smem:$0x3FA5] =	sst s1  }
0xa: {  	[smem:$0x3FA6] =	sst s2  }
0xb: {  	[smem:$0x3FA7] =	sst s3  }
0xc: {  	[smem:$0x3FA8] =	sst s4  }
0xd: {  	[smem:$0x3FA9] =	sst s5  }
0xe: {  	[smem:$0x3FAA] =	sst s6  }
0xf: {  	[smem:$0x3FAB] =	sst s7  }
0x10: {  	[smem:$0x3FAC] =	sst s8  }
0x11: {  	[smem:$0x3FAD] =	sst s9;
	s0 =	simm.s32 @!p0 $0x0  }
0x12: {  	s1 =	sld [smem:$0x3F93];
	s0 =	simm.s32 @p0 $0x1  }
0x13: {  	[smem:$0x3FAE] =	sst s0;
	s0 =	simm.s32 @!p1 $0x0  }
0x14: {  	s2 =	sld [smem:$0x3F92];
	s0 =	simm.s32 @p1 $0x1  }
0x15: {  	[smem:$0x3FAF] =	sst s0;
	s0 =	simm.s32 @!p2 $0x0  }
0x16: {  	s3 =	sld [smem:$0x3FDB];
	s0 =	simm.s32 @p2 $0x1  }
0x17: {  	s4 =	simm.s32 $0x1BF5;
	[smem:$0x3FB1] =	sst s0  }
0x18: {  	s0 =	sld [smem:$0x3F94];
	_ =	swait.ge [sflag:s4], $0x0  }
0x19: {  	s7 =	sld [smem:$0x3F95]  }
0x1a: {  	s8 =	sadd.s32 $0xFFFFE003, lr  }
0x1b: {  	s9 =	sadd.s32 $0xFFFFFEF7, lr;
	s5 =	simm.s32 $0xFFFFFFFF;
	p2 =	slt.u32 s8, $0xFFFFF086  }
0x1c: {  	p1 =	slt.u32 s9, $0xF7A;
	s5 =	simm.s32 @!p2 $0x0  }
0x1d: {  	s5 =	simm.s32 @p1 $0x1;
	p0 =	seq.s32 s7, s2  }
0x1e: {  	s7 =	smul.u32 @!p0 $0xF7A, s2;
	p2 =	seq.s32 @!p0 s5, $0x0  }
0x1f: {  	s9 =	smul.u32 $0xF7A, s1;
	s8 =	simm.s32 @!p0 $0x1BF5;
	p2 =	por !p2, p0  }
0x20: {  	[sflag:s8] =	ssyncset.s32 @!p0 $0xFFFFF086;
	s6 =	sadd.s32 @!p0 s3, s7;
	s7 =	simm.s32 @!p0 $0x108  }
0x21: {  	s3 =	sadd.s32 s3, s9;
	s6 =	sadd.s32 @!p0 $0x88, s6;
	s7 =	simm.s32 @p2 $0x1082  }
0x22: {  	[simem:s7], [sflag:s8] =	dma.local @!p0 [hbm:s6], $0xF7A  }
0x23: {  	s9 =	sor.u32 $0xD0000000, s2;
	s6 =	simm.s32 $0x108;
	_ =	swait.ge @!p0 [sflag:s8], $0x0  }
0x24: {  	s3 =	sadd.s32 $0x88, s3;
	s6 =	simm.s32 @!p1 $0x1082;
	[sflag:s4] =	ssyncset.s32 $0xFFFFF086  }
0x25: {  	[simem:s6], [sflag:s4] =	dma.local [hbm:s3], $0xF7A  }
0x26: {  	[smem:$0x3F95] =	sst s1;
	(tag) =	ssettag s2;
	_ =	strace s9  }
0x27: {  	s1 =	sld [smem:$0x3FA5]  }
0x28: {  	s2 =	sld [smem:$0x3FA6]  }
0x29: {  	s4 =	sld [smem:$0x3FA8]  }
0x2a: {  	p0 =	seq.s32 s5, $0x0;
	s5 =	sld [smem:$0x3FA9]  }
0x2b: {  	s6 =	sld [smem:$0x3FAA]  }
0x2c: {  	s7 =	sld [smem:$0x3FAB]  }
0x2d: {  	s3 =	simm.s32 $0x108;
	s8 =	sld [smem:$0x3FAC]  }
0x2e: {  	s3 =	simm.s32 @!p0 $0x1082;
	s9 =	sld [smem:$0x3FAD]  }
0x2f: {  	lr =	sadd.s32 s0, s3;
	s0 =	sld [smem:$0x3FA4]  }
0x30: {  	s3 =	sld [smem:$0x3FA7]  }
0x31: {  	[smem:$0x3FB0] =	sst s10  }
0x32: {  	s10 =	sld [smem:$0x3FAE];
	_ =	sdelay $0x3  }
0x33: {  	p0 =	seq.s32 s10, $0x1;
	s10 =	sld [smem:$0x3FB0];
	_ =	sdelay $0x3  }
0x34: {  	[smem:$0x3FB0] =	sst s10  }
0x35: {  	s10 =	sld [smem:$0x3FAF];
	_ =	sdelay $0x3  }
0x36: {  	p1 =	seq.s32 s10, $0x1;
	s10 =	sld [smem:$0x3FB0];
	_ =	sdelay $0x3  }
0x37: {  	[smem:$0x3FB0] =	sst s10  }
0x38: {  	s10 =	sld [smem:$0x3FB1]  }
0x39: {  	_ = 	snop;
	(pc) =	sbr.ind lr, $3  }
0x3a: {  	_ = 	snop  }
0x3b: {  	_ = 	snop  }
0x3c: {  	p2 =	seq.s32 s10, $0x1;
	s10 =	sld [smem:$0x3FB0]  }
0x3d: {  	_ =	shalt  }
0x3e: {  	_ =	shalt  }
0x3f: {  	_ =	shalt  }
0x40: {  	_ =	shalt  }
0x41: {  	_ =	shalt  }
0x42: {  	_ =	shalt  }
0x43: {  	_ =	shalt  }
0x44: {  	_ =	shalt  }
0x45: {  	_ =	shalt  }
0x46: {  	_ =	shalt  }
0x47: {  	_ =	shalt  }
0x48: {  	_ =	shalt  }
0x49: {  	_ =	shalt  }
0x4a: {  	_ =	shalt  }
0x4b: {  	_ =	shalt  }
0x4c: {  	_ =	shalt  }
0x4d: {  	_ =	shalt  }
0x4e: {  	_ =	shalt  }
0x4f: {  	_ =	shalt  }
0x50: {  	_ =	shalt  }
0x51: {  	_ =	shalt  }
0x52: {  	_ =	shalt  }
0x53: {  	_ =	shalt  }
0x54: {  	_ =	shalt  }
0x55: {  	_ =	shalt  }
0x56: {  	_ =	shalt  }
0x57: {  	_ =	shalt  }
0x58: {  	_ =	shalt  }
0x59: {  	_ =	shalt  }
0x5a: {  	_ =	shalt  }
0x5b: {  	_ =	shalt  }
0x5c: {  	_ =	shalt  }
0x5d: {  	_ =	shalt  }
0x5e: {  	_ =	shalt  }
0x5f: {  	_ =	shalt  }
0x60: {  	_ =	shalt  }
0x61: {  	_ =	shalt  }
0x62: {  	_ =	shalt  }
0x63: {  	_ =	shalt  }
0x64: {  	_ =	shalt  }
0x65: {  	_ =	shalt  }
0x66: {  	_ =	shalt  }
0x67: {  	_ =	shalt  }
0x68: {  	_ =	shalt  }
0x69: {  	_ =	shalt  }
0x6a: {  	_ =	shalt  }
0x6b: {  	_ =	shalt  }
0x6c: {  	_ =	shalt  }
0x6d: {  	_ =	shalt  }
0x6e: {  	_ =	shalt  }
0x6f: {  	_ =	shalt  }
0x70: {  	_ =	shalt  }
0x71: {  	_ =	shalt  }
0x72: {  	_ =	shalt  }
0x73: {  	_ =	shalt  }
0x74: {  	_ =	shalt  }
0x75: {  	_ =	shalt  }
0x76: {  	_ =	shalt  }
0x77: {  	_ =	shalt  }
0x78: {  	_ =	shalt  }
0x79: {  	_ =	shalt  }
0x7a: {  	_ =	shalt  }
0x7b: {  	_ =	shalt  }
0x7c: {  	_ =	shalt  }
0x7d: {  	_ =	shalt  }
0x7e: {  	_ =	shalt  }
0x7f: {  	_ =	shalt  }
0x80: {  	_ =	shalt  }
0x81: {  	_ =	shalt  }
0x82: {  	_ =	shalt  }
0x83: {  	_ =	shalt  }
0x84: {  	_ =	shalt  }
0x85: {  	_ =	shalt  }
0x86: {  	_ =	shalt  }
0x87: {  	_ =	shalt  }
.Lfunc_end0:
.L_simem_size_0:
called_computation_lowered:
.L_overlay_start_0:
0x88: {  	s2 =	sld [smem:$0x3FD9]  }
0x89: {  	s3 =	sld [smem:$0x3FFE];
	_ =	sdelay $0x1  }
0x8a: {  	s1 =	srdreg.scid  }
0x8b: {  	s0 =	sand.u32 $0x1, s1  }
0x8c: {  	s16 =	sshll.u32 s0, $0xA;
	s2 =	sadd.s32 s3, s2  }
0x8d: {  	s2 =	sadd.s32 s2, s16  }
0x8e: {  	[smem:$0x3FBC] =	sst s2  }
0x8f: {  	_ = 	snop  }
0x90: {  	(tm) =	ssettm $0x1  }
0x91: {  	s17 =	sld [smem:$0x3FFB];
	_ =	sdelay $0x3  }
0x92: {  	_ =	strace s17  }
0x93: {  	s2 =	sld [smem:$0x3FFC];
	_ =	sdelay $0x3  }
0x94: {  	_ =	strace s2  }
0x95: {  	s2 =	sld [smem:$0x3FFD];
	_ =	sdelay $0x3  }
0x96: {  	_ =	strace s2  }
0x97: {  	_ =	strace $0x8FFFFFFF  }
0x98: {  	s18 =	sld [smem:$0x3FDB];
	_ =	sdelay $0x1  }
0x99: {  	s19 =	simm.s32 $_scs_section_size  }
0x9a: {  	s4 =	simm.s32 $_size__tile_overlayer_lowered;
	s5 =	simm.s32 $_tile_overlayer_lowered  }
0x9b: {  	s22 =	simm.s32 $0x1BFF;
	s21 =	sshll.u32 s5, $0x1;
	s2 =	sadd.s32 s19, s18  }
0x9c: {  	s6 =	simm.s32 $0x0;
	s20 =	sshll.u32 s4, $0x1;
	s4 =	sadd.s32 s21, s2  }
0x9d: {  	[timem:s6], [sflag:s22] =	dma.local [hbm:s4], s20  }
0x9e: {  	_ =	swait.ge [sflag:s22], s20  }
0x9f: {  	s3 =	ssub.s32 $0x0, s20;
	[sflag:s22] =	ssyncset.done $0x0  }
0xa0: {  	[sflag:s22] =	ssyncadd.s32 s3;
	_ =	sdelay $0x1  }
0xa1: {  	s23 =	simm.s32 $0x1B8B  }
0xa2: {  	_ =	swait.ge [sflag:s23], $0x1  }
0xa3: {  	[sflag:s23] =	ssyncset.done $0x0  }
0xa4: {  	s25 =	simm.s32 $0x1B8E;
	s24 =	sld [smem:$0x3FFE];
	[sflag:s23] =	ssyncadd.s32 $0xFFFFFFFF  }
0xa5: {  	s26 =	simm.s32 $execute0_lowered;
	[smem:$0x3FD2] =	sst s25  }
0xa6: {  	s4 =	sshll.u32 s26, $0x1;
	_ =	strace $0x80000046;
	[dreg:$0x1] =	wrdreg $0xFFFFFFFF  }
0xa7: {  	s28 =	simm.s32 $_size_execute0_lowered;
	s2 =	sadd.s32 s2, s4;
	[dreg:$0x0] =	wrdreg $0x0  }
0xa8: {  	s4 =	sshll.u32 s28, $0x1;
	[dreg:$0x2] =	wrdreg s2  }
0xa9: {  	[dreg:$0x3] =	wrdreg s4  }
0xaa: {  	[dreg:$0x4] =	wrdreg $0xC0  }
0xab: {  	_ =	task [dreg:s6], $0x5FFFF  }
0xac: {  	[dreg:$0x1] =	wrdreg $0xFFFFFFFF  }
0xad: {  	[dreg:$0x0] =	wrdreg $0x60  }
0xae: {  	[dreg:$0x2] =	wrdreg s24  }
0xaf: {  	[dreg:$0x3] =	wrdreg $0x9  }
0xb0: {  	_ =	task.clear_ibuf [dreg:s6], $0x4FFFF;
	_ =	strace $0x90000046  }
0xb1: {  	s29 =	simm.s32 $0x9;
	_ =	strace $0x80000048  }
0xb2: {  	_ =	swait.ge [sflag:s29], $0x1  }
0xb3: {  	[sflag:s29] =	ssyncadd.s32 $0xFFFFFFFF  }
0xb4: {  	_ =	strace $0x90000048  }
0xb5: {  	_ =	sfence  }
0xb6: {  	s30 =	sld [smem:$0x0];
	_ =	sdelay $0x2  }
0xb7: {  	s31 =	sshll.u32 s1, $0xD;
	s1 =	sshrl.u32 s1, $0x2  }
0xb8: {  	s3 =	sand.u32 $0x4000, s31;
	s1 =	sadd.s32 s1, s30  }
0xb9: {  	s0 =	sor.u32 s3, s0;
	s1 =	sshll.u32 s1, $0x11  }
0xba: {  	s0 =	sor.u32 s1, s0  }
0xbb: {  	s0 =	sadd.s32 $0x8F2B, s0  }
0xbc: {  	[sflag:s0] =	ssyncadd.remote.s32 $0x1  }
0xbd: {  	_ =	sfence.sel $0xFFFF  }
0xbe: {  	[dreg:$0x0] =	wrdreg $0xFFFFFFFF;
	(pc) =	sbr.abs _section_cstart, $3  }
0xbf: {  	[dreg:$0x1] =	wrdreg $0xFFFFFFFF  }
0xc0: {  	_ =	task.clear_ibuf [dreg:s6], $0x2FFFF;
	_ =	strace $0x9FFFFFFF  }
0xc1: {  	(tm) =	ssettm $0x7FFFFFFF  }
tec
execute0_lowered:
.L_overlay_start_1:
0x0: {  	(tag) =	ssettag $0x1  }
0x1: {  	s1 =	srdreg.scid  }
0x2: {  	s2 =	stileid.u32;
	s0 =	rddreg [dreg:$0x0];
	s29 =	simm.s32 $0x480  }
0x3: {  	s30 =	simm.s32 $0x500;
	s31 =	simm.s32 $0x580;
	s1 =	sand.u32 $0x1, s1  }
0x4: {  	s3 =	sshll.u32 s2, $0x1;
	s2 =	simm.s32 $0x0;
	s15 =	sadd.s32 $0x10200, s0  }
0x5: {  	s11 =	sadd.s32 $0x11C000, s0;
	s6 =	sor.u32 s1, s3;
	[smem:$0x7FF] =	sst s2  }
0x6: {  	s3 =	sshll.u32 s6, $0x7;
	_ =	strace $0x80000047;
	[dreg:$0x17] =	wrdreg s15  }
0x7: {  	s7 =	sshll.u32 s6, $0x6;
	s5 =	sshll.u32 s6, $0xF;
	[dreg:$0x14] =	wrdreg s29  }
0x8: {  	s19 =	smul.u32 $0x6000, s6;
	s6 =	sshll.u32 s6, $0xD;
	[dreg:$0x15] =	wrdreg s30  }
0x9: {  	[dreg:$0x16] =	wrdreg s31;
	s3 =	sadd.s32 s3, s0;
	s6 =	sadd.s32 s11, s6  }
0xa: {  	s4 =	sadd.s32 s7, s0;
	s3 =	sadd.s32 $0x2E00, s3;
	[dreg:$0x10] =	wrdreg s6  }
0xb: {  	s8 =	sadd.s32 s5, s0;
	s12 =	sadd.s32 $0x3E00, s4;
	[dreg:$0x2] =	wrdreg s3  }
0xc: {  	s13 =	sadd.s32 $0x1C000, s8;
	[dreg:$0x3] =	wrdreg s12  }
0xd: {  	s14 =	sadd.s32 $0x1D000, s8;
	[dreg:$0x4] =	wrdreg s13  }
0xe: {  	s5 =	sadd.s32 $0x1E000, s8;
	[dreg:$0x5] =	wrdreg s14  }
0xf: {  	s10 =	sadd.s32 $0x15C000, s0;
	s9 =	sadd.s32 $0x1F000, s8;
	[dreg:$0x6] =	wrdreg s5  }
0x10: {  	s1 =	ssub.s32 $0x2, s1;
	s16 =	sadd.s32 $0x20000, s8;
	[dreg:$0x7] =	wrdreg s9  }
0x11: {  	s4 =	sadd.s32 $0x4600, s0;
	s17 =	sadd.s32 $0x21000, s8;
	[dreg:$0x8] =	wrdreg s16  }
0x12: {  	s18 =	sadd.s32 $0x22000, s8;
	s8 =	sadd.s32 $0x23000, s8;
	[dreg:$0x9] =	wrdreg s17  }
0x13: {  	s6 =	sadd.s32 $0x4700, s0;
	s3 =	sadd.s32 $0x14200, s0;
	[dreg:$0xa] =	wrdreg s18  }
0x14: {  	s12 =	sshrl.u32 s1, $0x1;
	s13 =	sor.u32 $0x10, s7;
	[dreg:$0xb] =	wrdreg s8  }
0x15: {  	s14 =	sor.u32 $0x20, s7;
	s9 =	sadd.s32 s10, s19;
	s7 =	sor.u32 $0x30, s7  }
0x16: {  	s20 =	smul.u32 $0x180, s13;
	[dreg:$0xc] =	wrdreg s9;
	s24 =	sshll.u32 s13, $0x7  }
0x17: {  	s21 =	smul.u32 $0x180, s7;
	s7 =	sshll.u32 s7, $0x7;
	s25 =	sadd.s32 s11, s24  }
0x18: {  	s15 =	smul.u32 $0x180, s14;
	s28 =	sadd.s32 s11, s7;
	[dreg:$0x11] =	wrdreg s25  }
0x19: {  	s1 =	ssub.s32 s1, s12;
	s8 =	sadd.s32 s10, s20;
	[dreg:$0x13] =	wrdreg s28  }
0x1a: {  	s26 =	sshll.u32 s14, $0x7;
	s22 =	sadd.s32 s10, s15;
	[dreg:$0xd] =	wrdreg s8  }
0x1b: {  	v2 =	vlaneseq.u32;
	s14 =	simm.s32 $0x600;
	s23 =	sadd.s32 s10, s21;
	[dreg:$0xe] =	wrdreg s22  }
0x1c: {  	vm0 =	vmmov $0xffff;
	vm1 =	vmmov $0xff;
	v1 =	vshrl.u32 v2, $0x3;
	s1 =	smax.u32 s1, $0x1;
	[dreg:$0xf] =	wrdreg s23;
	s8 =	sadd.s32 s11, s26  }
0x1d: {  	v0 =	vand.u32 $0x7, v2;
	v2 =	vor.u32 $0x8, v2;
	v1 =	vmul.u32 $0x8, v1;
	s26 =	simm.s32 $0x1;
	[dreg:$0x12] =	wrdreg s8;
	s8 =	simm.s32 $0x2  }
.LBB2_1:
0x1e: {  	[dreg:$0x18] =	wrdreg s1  }
0x1f: {  	s11 =	rddreg [dreg:$0x2];
	s13 =	simm.s32 $0x3  }
0x20: {  	[tilespmem:s2], [sflag:$0x3] =	stream.linear.gather [hbm4b:s11+s2], $0x400, $0x38;
	[tilespmem:$0x18600] =	vst v63  }
0x21: {  	_ =	swait.ge [sflag:s13], $0x400  }
0x22: {  	[sflag:s13] =	ssyncset.done $0x0  }
0x23: {  	s0 =	simm.s32 $0x400;
	s25 =	rddreg [dreg:$0x3];
	[sflag:s13] =	ssyncadd.s32 $0xFFFFFC00  }
0x24: {  	[tilespmem:s0], [sflag:$0x3] =	stream.linear.gather [hbm4b:s25+s2], $0x200, $0x38;
	[tilespmem:$0x18600] =	vst v63  }
0x25: {  	_ =	swait.ge [sflag:s13], $0x200  }
0x26: {  	[sflag:s13] =	ssyncset.done $0x0  }
0x27: {  	[sflag:s13] =	ssyncadd.s32 $0xFFFFFE00  }
0x28: {  	v3 =	vld [tilespmem:$0x0];
	_ =	sdelay $0x4  }
0x29: {  	v4 =	vshll.u32 v3, $0x1  }
0x2a: {  	v3 =	vand.u32 $0x7, v3;
	v4 =	vand.u32 $0xFFFFFFF0, v4  }
0x2b: {  	v3 =	vor.u32 v3, v4  }
0x2c: {  	v4 =	vperm.xlane v3, v0;
	_ =	sdelay $0x1  }
0x2d: {  	v3 =	vperm.xlane v3, v2;
	v4 =	vadd.s32 v1, v4;
	_ =	sdelay $0x1  }
0x2e: {  	v3 =	vadd.s32 v1, v3;
	_ =	sdelay $0x2  }
0x2f: {  	[tilespmem:s14], [sflag:$0x1] =	stream.indirect_vreg.gather [hbm4b:s3+s2], $0x80, v4, vm0, $0xb8;
	[tilespmem:$0x18600] =	vst v63  }
0x30: {  	s28 =	simm.s32 $0xE00  }
0x31: {  	[tilespmem:s28], [sflag:$0x1] =	stream.indirect_vreg.gather [hbm4b:s3+s2], $0x80, v3, vm0, $0xb8;
	[tilespmem:$0x18600] =	vst v63  }
0x32: {  	v3 =	vld [tilespmem:$0x10];
	_ =	sdelay $0x4  }
0x33: {  	v25 =	vshll.u32 v3, $0x1  }
0x34: {  	v3 =	vand.u32 $0x7, v3;
	v4 =	vand.u32 $0xFFFFFFF0, v25  }
0x35: {  	v3 =	vor.u32 v3, v4  }
0x36: {  	v4 =	vperm.xlane v3, v0;
	_ =	sdelay $0x1  }
0x37: {  	v3 =	vperm.xlane v3, v2;
	v4 =	vadd.s32 v1, v4;
	_ =	sdelay $0x1  }
0x38: {  	v3 =	vadd.s32 v1, v3;
	_ =	sdelay $0x1  }
0x39: {  	s29 =	simm.s32 $0x1600  }
0x3a: {  	[tilespmem:s29], [sflag:$0x1] =	stream.indirect_vreg.gather [hbm4b:s3+s2], $0x80, v4, vm0, $0xb8;
	[tilespmem:$0x18600] =	vst v63  }
0x3b: {  	s30 =	simm.s32 $0x1E00  }
0x3c: {  	[tilespmem:s30], [sflag:$0x1] =	stream.indirect_vreg.gather [hbm4b:s3+s2], $0x80, v3, vm0, $0xb8;
	[tilespmem:$0x18600] =	vst v63  }
0x3d: {  	v3 =	vld [tilespmem:$0x20];
	_ =	sdelay $0x4  }
0x3e: {  	v26 =	vshll.u32 v3, $0x1  }
0x3f: {  	v3 =	vand.u32 $0x7, v3;
	v4 =	vand.u32 $0xFFFFFFF0, v26  }
0x40: {  	v3 =	vor.u32 v3, v4  }
0x41: {  	v4 =	vperm.xlane v3, v0;
	_ =	sdelay $0x1  }
0x42: {  	v3 =	vperm.xlane v3, v2;
	v4 =	vadd.s32 v1, v4;
	_ =	sdelay $0x1  }
0x43: {  	v3 =	vadd.s32 v1, v3;
	_ =	sdelay $0x1  }
0x44: {  	s31 =	simm.s32 $0x2600  }
0x45: {  	[tilespmem:s31], [sflag:$0x1] =	stream.indirect_vreg.gather [hbm4b:s3+s2], $0x80, v4, vm0, $0xb8;
	[tilespmem:$0x18600] =	vst v63  }
0x46: {  	s1 =	simm.s32 $0x2E00  }
0x47: {  	[tilespmem:s1], [sflag:$0x1] =	stream.indirect_vreg.gather [hbm4b:s3+s2], $0x80, v3, vm0, $0xb8;
	[tilespmem:$0x18600] =	vst v63  }
0x48: {  	v3 =	vld [tilespmem:$0x30];
	_ =	sdelay $0x4  }
0x49: {  	v27 =	vshll.u32 v3, $0x1  }
0x4a: {  	v3 =	vand.u32 $0x7, v3;
	v4 =	vand.u32 $0xFFFFFFF0, v27  }
0x4b: {  	v3 =	vor.u32 v3, v4  }
0x4c: {  	v4 =	vperm.xlane v3, v0;
	_ =	sdelay $0x1  }
0x4d: {  	v3 =	vperm.xlane v3, v2;
	v4 =	vadd.s32 v1, v4;
	_ =	sdelay $0x1  }
0x4e: {  	v3 =	vadd.s32 v1, v3;
	_ =	sdelay $0x1  }
0x4f: {  	s7 =	simm.s32 $0x3600  }
0x50: {  	[tilespmem:s7], [sflag:$0x1] =	stream.indirect_vreg.gather [hbm4b:s3+s2], $0x80, v4, vm0, $0xb8;
	[tilespmem:$0x18600] =	vst v63  }
0x51: {  	s9 =	simm.s32 $0x3E00  }
0x52: {  	[tilespmem:s9], [sflag:$0x1] =	stream.indirect_vreg.gather [hbm4b:s3+s2], $0x80, v3, vm0, $0xb8;
	[tilespmem:$0x18600] =	vst v63  }
0x53: {  	v3 =	vld [tilespmem:$0x40];
	_ =	sdelay $0x4  }
0x54: {  	v28 =	vshll.u32 v3, $0x1  }
0x55: {  	v3 =	vand.u32 $0x7, v3;
	v4 =	vand.u32 $0xFFFFFFF0, v28  }
0x56: {  	v3 =	vor.u32 v3, v4  }
0x57: {  	v4 =	vperm.xlane v3, v0;
	_ =	sdelay $0x1  }
0x58: {  	v3 =	vperm.xlane v3, v2;
	v4 =	vadd.s32 v1, v4;
	_ =	sdelay $0x1  }
0x59: {  	v3 =	vadd.s32 v1, v3;
	_ =	sdelay $0x1  }
0x5a: {  	s10 =	simm.s32 $0x4600  }
0x5b: {  	[tilespmem:s10], [sflag:$0x1] =	stream.indirect_vreg.gather [hbm4b:s3+s2], $0x80, v4, vm0, $0xb8;
	[tilespmem:$0x18600] =	vst v63  }
0x5c: {  	s11 =	simm.s32 $0x4E00  }
0x5d: {  	[tilespmem:s11], [sflag:$0x1] =	stream.indirect_vreg.gather [hbm4b:s3+s2], $0x80, v3, vm0, $0xb8;
	[tilespmem:$0x18600] =	vst v63  }
0x5e: {  	v3 =	vld [tilespmem:$0x50];
	_ =	sdelay $0x4  }
0x5f: {  	v29 =	vshll.u32 v3, $0x1  }
0x60: {  	v3 =	vand.u32 $0x7, v3;
	v4 =	vand.u32 $0xFFFFFFF0, v29  }
0x61: {  	v3 =	vor.u32 v3, v4  }
0x62: {  	v4 =	vperm.xlane v3, v0;
	_ =	sdelay $0x1  }
0x63: {  	v3 =	vperm.xlane v3, v2;
	v4 =	vadd.s32 v1, v4;
	_ =	sdelay $0x1  }
0x64: {  	v3 =	vadd.s32 v1, v3;
	_ =	sdelay $0x1  }
0x65: {  	s12 =	simm.s32 $0x5600  }
0x66: {  	[tilespmem:s12], [sflag:$0x1] =	stream.indirect_vreg.gather [hbm4b:s3+s2], $0x80, v4, vm0, $0xb8;
	[tilespmem:$0x18600] =	vst v63  }
0x67: {  	s13 =	simm.s32 $0x5E00  }
0x68: {  	[tilespmem:s13], [sflag:$0x1] =	stream.indirect_vreg.gather [hbm4b:s3+s2], $0x80, v3, vm0, $0xb8;
	[tilespmem:$0x18600] =	vst v63  }
0x69: {  	v3 =	vld [tilespmem:$0x60];
	_ =	sdelay $0x4  }
0x6a: {  	v30 =	vshll.u32 v3, $0x1  }
0x6b: {  	v3 =	vand.u32 $0x7, v3;
	v4 =	vand.u32 $0xFFFFFFF0, v30  }
0x6c: {  	v3 =	vor.u32 v3, v4  }
0x6d: {  	v4 =	vperm.xlane v3, v0;
	_ =	sdelay $0x1  }
0x6e: {  	v3 =	vperm.xlane v3, v2;
	v4 =	vadd.s32 v1, v4;
	_ =	sdelay $0x1  }
0x6f: {  	v3 =	vadd.s32 v1, v3;
	_ =	sdelay $0x1  }
0x70: {  	s15 =	simm.s32 $0x6600  }
0x71: {  	[tilespmem:s15], [sflag:$0x1] =	stream.indirect_vreg.gather [hbm4b:s3+s2], $0x80, v4, vm0, $0xb8;
	[tilespmem:$0x18600] =	vst v63  }
0x72: {  	s18 =	simm.s32 $0x6E00  }
0x73: {  	[tilespmem:s18], [sflag:$0x1] =	stream.indirect_vreg.gather [hbm4b:s3+s2], $0x80, v3, vm0, $0xb8;
	[tilespmem:$0x18600] =	vst v63  }
0x74: {  	v3 =	vld [tilespmem:$0x70];
	_ =	sdelay $0x4  }
0x75: {  	v31 =	vshll.u32 v3, $0x1  }
0x76: {  	v3 =	vand.u32 $0x7, v3;
	v4 =	vand.u32 $0xFFFFFFF0, v31  }
0x77: {  	v3 =	vor.u32 v3, v4  }
0x78: {  	v4 =	vperm.xlane v3, v0;
	_ =	sdelay $0x1  }
0x79: {  	v3 =	vperm.xlane v3, v2;
	v4 =	vadd.s32 v1, v4;
	_ =	sdelay $0x1  }
0x7a: {  	v3 =	vadd.s32 v1, v3;
	_ =	sdelay $0x1  }
0x7b: {  	s19 =	simm.s32 $0x7600  }
0x7c: {  	[tilespmem:s19], [sflag:$0x1] =	stream.indirect_vreg.gather [hbm4b:s3+s2], $0x80, v4, vm0, $0xb8;
	[tilespmem:$0x18600] =	vst v63  }
0x7d: {  	s20 =	simm.s32 $0x7E00  }
0x7e: {  	[tilespmem:s20], [sflag:$0x1] =	stream.indirect_vreg.gather [hbm4b:s3+s2], $0x80, v3, vm0, $0xb8;
	[tilespmem:$0x18600] =	vst v63  }
0x7f: {  	_ =	swait.ge [sflag:s26], $0x8000  }
0x80: {  	[sflag:s26] =	ssyncset.done $0x0  }
0x81: {  	s22 =	rddreg [dreg:$0x4];
	[sflag:s26] =	ssyncadd.s32 $0xFFFF8000  }
0x82: {  	[hbm4b:s22+s2] =	stream.linear.scatter [tilespmem:s14], [sflag:$0x2], $0x8000, $0x38;
	[tilespmem:$0x18600] =	vst v63  }
0x83: {  	v3 =	vld [tilespmem:$0x80];
	_ =	sdelay $0x4  }
0x84: {  	v32 =	vshll.u32 v3, $0x1  }
0x85: {  	v3 =	vand.u32 $0x7, v3;
	v4 =	vand.u32 $0xFFFFFFF0, v32  }
0x86: {  	v3 =	vor.u32 v3, v4  }
0x87: {  	v4 =	vperm.xlane v3, v0;
	_ =	sdelay $0x1  }
0x88: {  	v3 =	vperm.xlane v3, v2;
	v4 =	vadd.s32 v1, v4;
	_ =	sdelay $0x1  }
0x89: {  	v3 =	vadd.s32 v1, v3;
	_ =	sdelay $0x1  }
0x8a: {  	s24 =	simm.s32 $0x8600  }
0x8b: {  	[tilespmem:s24], [sflag:$0x1] =	stream.indirect_vreg.gather [hbm4b:s3+s2], $0x80, v4, vm0, $0xb8;
	[tilespmem:$0x18600] =	vst v63  }
0x8c: {  	s25 =	simm.s32 $0x8E00  }
0x8d: {  	[tilespmem:s25], [sflag:$0x1] =	stream.indirect_vreg.gather [hbm4b:s3+s2], $0x80, v3, vm0, $0xb8;
	[tilespmem:$0x18600] =	vst v63  }
0x8e: {  	v3 =	vld [tilespmem:$0x90];
	_ =	sdelay $0x4  }
0x8f: {  	v33 =	vshll.u32 v3, $0x1  }
0x90: {  	v3 =	vand.u32 $0x7, v3;
	v4 =	vand.u32 $0xFFFFFFF0, v33  }
0x91: {  	v3 =	vor.u32 v3, v4  }
0x92: {  	v4 =	vperm.xlane v3, v0;
	_ =	sdelay $0x1  }
0x93: {  	v3 =	vperm.xlane v3, v2;
	v4 =	vadd.s32 v1, v4;
	_ =	sdelay $0x1  }
0x94: {  	v3 =	vadd.s32 v1, v3;
	_ =	sdelay $0x1  }
0x95: {  	s28 =	simm.s32 $0x9600  }
0x96: {  	[tilespmem:s28], [sflag:$0x1] =	stream.indirect_vreg.gather [hbm4b:s3+s2], $0x80, v4, vm0, $0xb8;
	[tilespmem:$0x18600] =	vst v63  }
0x97: {  	s29 =	simm.s32 $0x9E00  }
0x98: {  	[tilespmem:s29], [sflag:$0x1] =	stream.indirect_vreg.gather [hbm4b:s3+s2], $0x80, v3, vm0, $0xb8;
	[tilespmem:$0x18600] =	vst v63  }
0x99: {  	v3 =	vld [tilespmem:$0xA0];
	_ =	sdelay $0x4  }
0x9a: {  	v34 =	vshll.u32 v3, $0x1  }
0x9b: {  	v3 =	vand.u32 $0x7, v3;
	v4 =	vand.u32 $0xFFFFFFF0, v34  }
0x9c: {  	v3 =	vor.u32 v3, v4  }
0x9d: {  	v4 =	vperm.xlane v3, v0;
	_ =	sdelay $0x1  }
0x9e: {  	v3 =	vperm.xlane v3, v2;
	v4 =	vadd.s32 v1, v4;
	_ =	sdelay $0x1  }
0x9f: {  	v3 =	vadd.s32 v1, v3;
	_ =	sdelay $0x1  }
0xa0: {  	s30 =	simm.s32 $0xA600  }
0xa1: {  	[tilespmem:s30], [sflag:$0x1] =	stream.indirect_vreg.gather [hbm4b:s3+s2], $0x80, v4, vm0, $0xb8;
	[tilespmem:$0x18600] =	vst v63  }
0xa2: {  	s31 =	simm.s32 $0xAE00  }
0xa3: {  	[tilespmem:s31], [sflag:$0x1] =	stream.indirect_vreg.gather [hbm4b:s3+s2], $0x80, v3, vm0, $0xb8;
	[tilespmem:$0x18600] =	vst v63  }
0xa4: {  	v3 =	vld [tilespmem:$0xB0];
	_ =	sdelay $0x4  }
0xa5: {  	v35 =	vshll.u32 v3, $0x1  }
0xa6: {  	v3 =	vand.u32 $0x7, v3;
	v4 =	vand.u32 $0xFFFFFFF0, v35  }
0xa7: {  	v3 =	vor.u32 v3, v4  }
0xa8: {  	v4 =	vperm.xlane v3, v0;
	_ =	sdelay $0x1  }
0xa9: {  	v3 =	vperm.xlane v3, v2;
	v4 =	vadd.s32 v1, v4;
	_ =	sdelay $0x1  }
0xaa: {  	v3 =	vadd.s32 v1, v3;
	_ =	sdelay $0x1  }
0xab: {  	s7 =	simm.s32 $0xB600  }
0xac: {  	[tilespmem:s7], [sflag:$0x1] =	stream.indirect_vreg.gather [hbm4b:s3+s2], $0x80, v4, vm0, $0xb8;
	[tilespmem:$0x18600] =	vst v63  }
0xad: {  	s9 =	simm.s32 $0xBE00  }
0xae: {  	[tilespmem:s9], [sflag:$0x1] =	stream.indirect_vreg.gather [hbm4b:s3+s2], $0x80, v3, vm0, $0xb8;
	[tilespmem:$0x18600] =	vst v63  }
0xaf: {  	v3 =	vld [tilespmem:$0xC0];
	_ =	sdelay $0x4  }
0xb0: {  	v36 =	vshll.u32 v3, $0x1  }
0xb1: {  	v3 =	vand.u32 $0x7, v3;
	v4 =	vand.u32 $0xFFFFFFF0, v36  }
0xb2: {  	v3 =	vor.u32 v3, v4  }
0xb3: {  	v4 =	vperm.xlane v3, v0;
	_ =	sdelay $0x1  }
0xb4: {  	v3 =	vperm.xlane v3, v2;
	v4 =	vadd.s32 v1, v4;
	_ =	sdelay $0x1  }
0xb5: {  	v3 =	vadd.s32 v1, v3;
	_ =	sdelay $0x1  }
0xb6: {  	s10 =	simm.s32 $0xC600  }
0xb7: {  	[tilespmem:s10], [sflag:$0x1] =	stream.indirect_vreg.gather [hbm4b:s3+s2], $0x80, v4, vm0, $0xb8;
	[tilespmem:$0x18600] =	vst v63  }
0xb8: {  	s10 =	simm.s32 $0xCE00  }
0xb9: {  	[tilespmem:s10], [sflag:$0x1] =	stream.indirect_vreg.gather [hbm4b:s3+s2], $0x80, v3, vm0, $0xb8;
	[tilespmem:$0x18600] =	vst v63  }
0xba: {  	v3 =	vld [tilespmem:$0xD0];
	_ =	sdelay $0x4  }
0xbb: {  	v37 =	vshll.u32 v3, $0x1  }
0xbc: {  	v3 =	vand.u32 $0x7, v3;
	v4 =	vand.u32 $0xFFFFFFF0, v37  }
0xbd: {  	v3 =	vor.u32 v3, v4  }
0xbe: {  	v4 =	vperm.xlane v3, v0;
	_ =	sdelay $0x1  }
0xbf: {  	v3 =	vperm.xlane v3, v2;
	v4 =	vadd.s32 v1, v4;
	_ =	sdelay $0x1  }
0xc0: {  	v3 =	vadd.s32 v1, v3;
	_ =	sdelay $0x1  }
0xc1: {  	s11 =	simm.s32 $0xD600  }
0xc2: {  	[tilespmem:s11], [sflag:$0x1] =	stream.indirect_vreg.gather [hbm4b:s3+s2], $0x80, v4, vm0, $0xb8;
	[tilespmem:$0x18600] =	vst v63  }
0xc3: {  	s13 =	simm.s32 $0xDE00  }
0xc4: {  	[tilespmem:s13], [sflag:$0x1] =	stream.indirect_vreg.gather [hbm4b:s3+s2], $0x80, v3, vm0, $0xb8;
	[tilespmem:$0x18600] =	vst v63  }
0xc5: {  	v3 =	vld [tilespmem:$0xE0];
	_ =	sdelay $0x4  }
0xc6: {  	v38 =	vshll.u32 v3, $0x1  }
0xc7: {  	v3 =	vand.u32 $0x7, v3;
	v4 =	vand.u32 $0xFFFFFFF0, v38  }
0xc8: {  	v3 =	vor.u32 v3, v4  }
0xc9: {  	v4 =	vperm.xlane v3, v0;
	_ =	sdelay $0x1  }
0xca: {  	v3 =	vperm.xlane v3, v2;
	v4 =	vadd.s32 v1, v4;
	_ =	sdelay $0x1  }
0xcb: {  	v3 =	vadd.s32 v1, v3;
	_ =	sdelay $0x1  }
0xcc: {  	s15 =	simm.s32 $0xE600  }
0xcd: {  	[tilespmem:s15], [sflag:$0x1] =	stream.indirect_vreg.gather [hbm4b:s3+s2], $0x80, v4, vm0, $0xb8;
	[tilespmem:$0x18600] =	vst v63  }
0xce: {  	s18 =	simm.s32 $0xEE00  }
0xcf: {  	[tilespmem:s18], [sflag:$0x1] =	stream.indirect_vreg.gather [hbm4b:s3+s2], $0x80, v3, vm0, $0xb8;
	[tilespmem:$0x18600] =	vst v63  }
0xd0: {  	v3 =	vld [tilespmem:$0xF0];
	_ =	sdelay $0x4  }
0xd1: {  	v39 =	vshll.u32 v3, $0x1  }
0xd2: {  	v3 =	vand.u32 $0x7, v3;
	v4 =	vand.u32 $0xFFFFFFF0, v39  }
0xd3: {  	v3 =	vor.u32 v3, v4  }
0xd4: {  	v4 =	vperm.xlane v3, v0;
	_ =	sdelay $0x1  }
0xd5: {  	v3 =	vperm.xlane v3, v2;
	v4 =	vadd.s32 v1, v4;
	_ =	sdelay $0x1  }
0xd6: {  	v3 =	vadd.s32 v1, v3;
	_ =	sdelay $0x1  }
0xd7: {  	s20 =	simm.s32 $0xF600  }
0xd8: {  	[tilespmem:s20], [sflag:$0x1] =	stream.indirect_vreg.gather [hbm4b:s3+s2], $0x80, v4, vm0, $0xb8;
	[tilespmem:$0x18600] =	vst v63  }
0xd9: {  	s24 =	simm.s32 $0xFE00  }
0xda: {  	[tilespmem:s24], [sflag:$0x1] =	stream.indirect_vreg.gather [hbm4b:s3+s2], $0x80, v3, vm0, $0xb8;
	[tilespmem:$0x18600] =	vst v63  }
0xdb: {  	_ =	swait.ge [sflag:s26], $0x8000  }
0xdc: {  	[sflag:s26] =	ssyncset.done $0x0  }
0xdd: {  	s29 =	simm.s32 $0x8600;
	s25 =	rddreg [dreg:$0x5];
	[sflag:s26] =	ssyncadd.s32 $0xFFFF8000  }
0xde: {  	[hbm4b:s25+s2] =	stream.linear.scatter [tilespmem:s29], [sflag:$0x2], $0x8000, $0x38;
	[tilespmem:$0x18600] =	vst v63  }
0xdf: {  	_ =	swait.ge [sflag:s8], $0x8000  }
0xe0: {  	[sflag:s8] =	ssyncset.done $0x0  }
0xe1: {  	[sflag:s8] =	ssyncadd.s32 $0xFFFF8000  }
0xe2: {  	v3 =	vld [tilespmem:$0x100];
	_ =	sdelay $0x4  }
0xe3: {  	v40 =	vshll.u32 v3, $0x1  }
0xe4: {  	v3 =	vand.u32 $0x7, v3;
	v4 =	vand.u32 $0xFFFFFFF0, v40  }
0xe5: {  	v3 =	vor.u32 v3, v4  }
0xe6: {  	v4 =	vperm.xlane v3, v0;
	_ =	sdelay $0x1  }
0xe7: {  	v3 =	vperm.xlane v3, v2;
	v4 =	vadd.s32 v1, v4;
	_ =	sdelay $0x1  }
0xe8: {  	v3 =	vadd.s32 v1, v3;
	_ =	sdelay $0x2  }
0xe9: {  	[tilespmem:s14], [sflag:$0x1] =	stream.indirect_vreg.gather [hbm4b:s3+s2], $0x80, v4, vm0, $0xb8;
	[tilespmem:$0x18600] =	vst v63  }
0xea: {  	s15 =	simm.s32 $0xE00  }
0xeb: {  	[tilespmem:s15], [sflag:$0x1] =	stream.indirect_vreg.gather [hbm4b:s3+s2], $0x80, v3, vm0, $0xb8;
	[tilespmem:$0x18600] =	vst v63  }
0xec: {  	v3 =	vld [tilespmem:$0x110];
	_ =	sdelay $0x4  }
0xed: {  	v41 =	vshll.u32 v3, $0x1  }
0xee: {  	v3 =	vand.u32 $0x7, v3;
	v4 =	vand.u32 $0xFFFFFFF0, v41  }
0xef: {  	v3 =	vor.u32 v3, v4  }
0xf0: {  	v4 =	vperm.xlane v3, v0;
	_ =	sdelay $0x1  }
0xf1: {  	v3 =	vperm.xlane v3, v2;
	v4 =	vadd.s32 v1, v4;
	_ =	sdelay $0x1  }
0xf2: {  	v3 =	vadd.s32 v1, v3;
	_ =	sdelay $0x1  }
0xf3: {  	s5 =	simm.s32 $0x1600  }
0xf4: {  	[tilespmem:s5], [sflag:$0x1] =	stream.indirect_vreg.gather [hbm4b:s3+s2], $0x80, v4, vm0, $0xb8;
	[tilespmem:$0x18600] =	vst v63  }
0xf5: {  	s13 =	simm.s32 $0x1E00  }
0xf6: {  	[tilespmem:s13], [sflag:$0x1] =	stream.indirect_vreg.gather [hbm4b:s3+s2], $0x80, v3, vm0, $0xb8;
	[tilespmem:$0x18600] =	vst v63  }
0xf7: {  	v3 =	vld [tilespmem:$0x120];
	_ =	sdelay $0x4  }
0xf8: {  	v42 =	vshll.u32 v3, $0x1  }
0xf9: {  	v3 =	vand.u32 $0x7, v3;
	v4 =	vand.u32 $0xFFFFFFF0, v42  }
0xfa: {  	v3 =	vor.u32 v3, v4  }
0xfb: {  	v4 =	vperm.xlane v3, v0;
	_ =	sdelay $0x1  }
0xfc: {  	v3 =	vperm.xlane v3, v2;
	v4 =	vadd.s32 v1, v4;
	_ =	sdelay $0x1  }
0xfd: {  	v3 =	vadd.s32 v1, v3;
	_ =	sdelay $0x1  }
0xfe: {  	s20 =	simm.s32 $0x2600  }
0xff: {  	[tilespmem:s20], [sflag:$0x1] =	stream.indirect_vreg.gather [hbm4b:s3+s2], $0x80, v4, vm0, $0xb8;
	[tilespmem:$0x18600] =	vst v63  }
0x100: {  	s17 =	simm.s32 $0x2E00  }
0x101: {  	[tilespmem:s17], [sflag:$0x1] =	stream.indirect_vreg.gather [hbm4b:s3+s2], $0x80, v3, vm0, $0xb8;
	[tilespmem:$0x18600] =	vst v63  }
0x102: {  	v3 =	vld [tilespmem:$0x130];
	_ =	sdelay $0x4  }
0x103: {  	v43 =	vshll.u32 v3, $0x1  }
0x104: {  	v3 =	vand.u32 $0x7, v3;
	v4 =	vand.u32 $0xFFFFFFF0, v43  }
0x105: {  	v3 =	vor.u32 v3, v4  }
0x106: {  	v4 =	vperm.xlane v3, v0;
	_ =	sdelay $0x1  }
0x107: {  	v3 =	vperm.xlane v3, v2;
	v4 =	vadd.s32 v1, v4;
	_ =	sdelay $0x1  }
0x108: {  	v3 =	vadd.s32 v1, v3;
	_ =	sdelay $0x1  }
0x109: {  	s17 =	simm.s32 $0x3600  }
0x10a: {  	[tilespmem:s17], [sflag:$0x1] =	stream.indirect_vreg.gather [hbm4b:s3+s2], $0x80, v4, vm0, $0xb8;
	[tilespmem:$0x18600] =	vst v63  }
0x10b: {  	s18 =	simm.s32 $0x3E00  }
0x10c: {  	[tilespmem:s18], [sflag:$0x1] =	stream.indirect_vreg.gather [hbm4b:s3+s2], $0x80, v3, vm0, $0xb8;
	[tilespmem:$0x18600] =	vst v63  }
0x10d: {  	v3 =	vld [tilespmem:$0x140];
	_ =	sdelay $0x4  }
0x10e: {  	v44 =	vshll.u32 v3, $0x1  }
0x10f: {  	v3 =	vand.u32 $0x7, v3;
	v4 =	vand.u32 $0xFFFFFFF0, v44  }
0x110: {  	v3 =	vor.u32 v3, v4  }
0x111: {  	v4 =	vperm.xlane v3, v0;
	_ =	sdelay $0x1  }
0x112: {  	v3 =	vperm.xlane v3, v2;
	v4 =	vadd.s32 v1, v4;
	_ =	sdelay $0x1  }
0x113: {  	v3 =	vadd.s32 v1, v3;
	_ =	sdelay $0x1  }
0x114: {  	s16 =	simm.s32 $0x4600  }
0x115: {  	[tilespmem:s16], [sflag:$0x1] =	stream.indirect_vreg.gather [hbm4b:s3+s2], $0x80, v4, vm0, $0xb8;
	[tilespmem:$0x18600] =	vst v63  }
0x116: {  	s16 =	simm.s32 $0x4E00  }
0x117: {  	[tilespmem:s16], [sflag:$0x1] =	stream.indirect_vreg.gather [hbm4b:s3+s2], $0x80, v3, vm0, $0xb8;
	[tilespmem:$0x18600] =	vst v63  }
0x118: {  	v3 =	vld [tilespmem:$0x150];
	_ =	sdelay $0x4  }
0x119: {  	v45 =	vshll.u32 v3, $0x1  }
0x11a: {  	v3 =	vand.u32 $0x7, v3;
	v4 =	vand.u32 $0xFFFFFFF0, v45  }
0x11b: {  	v3 =	vor.u32 v3, v4  }
0x11c: {  	v4 =	vperm.xlane v3, v0;
	_ =	sdelay $0x1  }
0x11d: {  	v3 =	vperm.xlane v3, v2;
	v4 =	vadd.s32 v1, v4;
	_ =	sdelay $0x1  }
0x11e: {  	v3 =	vadd.s32 v1, v3;
	_ =	sdelay $0x1  }
0x11f: {  	s25 =	simm.s32 $0x5600  }
0x120: {  	[tilespmem:s25], [sflag:$0x1] =	stream.indirect_vreg.gather [hbm4b:s3+s2], $0x80, v4, vm0, $0xb8;
	[tilespmem:$0x18600] =	vst v63  }
0x121: {  	s23 =	simm.s32 $0x5E00  }
0x122: {  	[tilespmem:s23], [sflag:$0x1] =	stream.indirect_vreg.gather [hbm4b:s3+s2], $0x80, v3, vm0, $0xb8;
	[tilespmem:$0x18600] =	vst v63  }
0x123: {  	v3 =	vld [tilespmem:$0x160];
	_ =	sdelay $0x4  }
0x124: {  	v46 =	vshll.u32 v3, $0x1  }
0x125: {  	v3 =	vand.u32 $0x7, v3;
	v4 =	vand.u32 $0xFFFFFFF0, v46  }
0x126: {  	v3 =	vor.u32 v3, v4  }
0x127: {  	v4 =	vperm.xlane v3, v0;
	_ =	sdelay $0x1  }
0x128: {  	v3 =	vperm.xlane v3, v2;
	v4 =	vadd.s32 v1, v4;
	_ =	sdelay $0x1  }
0x129: {  	v3 =	vadd.s32 v1, v3;
	_ =	sdelay $0x1  }
0x12a: {  	s23 =	simm.s32 $0x6600  }
0x12b: {  	[tilespmem:s23], [sflag:$0x1] =	stream.indirect_vreg.gather [hbm4b:s3+s2], $0x80, v4, vm0, $0xb8;
	[tilespmem:$0x18600] =	vst v63  }
0x12c: {  	s24 =	simm.s32 $0x6E00  }
0x12d: {  	[tilespmem:s24], [sflag:$0x1] =	stream.indirect_vreg.gather [hbm4b:s3+s2], $0x80, v3, vm0, $0xb8;
	[tilespmem:$0x18600] =	vst v63  }
0x12e: {  	v3 =	vld [tilespmem:$0x170];
	_ =	sdelay $0x4  }
0x12f: {  	v47 =	vshll.u32 v3, $0x1  }
0x130: {  	v3 =	vand.u32 $0x7, v3;
	v4 =	vand.u32 $0xFFFFFFF0, v47  }
0x131: {  	v3 =	vor.u32 v3, v4  }
0x132: {  	v4 =	vperm.xlane v3, v0;
	_ =	sdelay $0x1  }
0x133: {  	v3 =	vperm.xlane v3, v2;
	v4 =	vadd.s32 v1, v4;
	_ =	sdelay $0x1  }
0x134: {  	v3 =	vadd.s32 v1, v3;
	_ =	sdelay $0x1  }
0x135: {  	s21 =	simm.s32 $0x7600  }
0x136: {  	[tilespmem:s21], [sflag:$0x1] =	stream.indirect_vreg.gather [hbm4b:s3+s2], $0x80, v4, vm0, $0xb8;
	[tilespmem:$0x18600] =	vst v63  }
0x137: {  	s21 =	simm.s32 $0x7E00  }
0x138: {  	[tilespmem:s21], [sflag:$0x1] =	stream.indirect_vreg.gather [hbm4b:s3+s2], $0x80, v3, vm0, $0xb8;
	[tilespmem:$0x18600] =	vst v63  }
0x139: {  	_ =	swait.ge [sflag:s26], $0x8000  }
0x13a: {  	[sflag:s26] =	ssyncset.done $0x0  }
0x13b: {  	s10 =	rddreg [dreg:$0x6];
	[sflag:s26] =	ssyncadd.s32 $0xFFFF8000  }
0x13c: {  	[hbm4b:s10+s2] =	stream.linear.scatter [tilespmem:s14], [sflag:$0x2], $0x8000, $0x38;
	[tilespmem:$0x18600] =	vst v63  }
0x13d: {  	_ =	swait.ge [sflag:s8], $0x8000  }
0x13e: {  	[sflag:s8] =	ssyncset.done $0x0  }
0x13f: {  	[sflag:s8] =	ssyncadd.s32 $0xFFFF8000  }
0x140: {  	v3 =	vld [tilespmem:$0x180];
	_ =	sdelay $0x4  }
0x141: {  	v48 =	vshll.u32 v3, $0x1  }
0x142: {  	v3 =	vand.u32 $0x7, v3;
	v4 =	vand.u32 $0xFFFFFFF0, v48  }
0x143: {  	v3 =	vor.u32 v3, v4  }
0x144: {  	v4 =	vperm.xlane v3, v0;
	_ =	sdelay $0x1  }
0x145: {  	v3 =	vperm.xlane v3, v2;
	v4 =	vadd.s32 v1, v4;
	_ =	sdelay $0x1  }
0x146: {  	v3 =	vadd.s32 v1, v3;
	_ =	sdelay $0x2  }
0x147: {  	[tilespmem:s29], [sflag:$0x1] =	stream.indirect_vreg.gather [hbm4b:s3+s2], $0x80, v4, vm0, $0xb8;
	[tilespmem:$0x18600] =	vst v63  }
0x148: {  	s1 =	simm.s32 $0x8E00  }
0x149: {  	[tilespmem:s1], [sflag:$0x1] =	stream.indirect_vreg.gather [hbm4b:s3+s2], $0x80, v3, vm0, $0xb8;
	[tilespmem:$0x18600] =	vst v63  }
0x14a: {  	v3 =	vld [tilespmem:$0x190];
	_ =	sdelay $0x4  }
0x14b: {  	v49 =	vshll.u32 v3, $0x1  }
0x14c: {  	v3 =	vand.u32 $0x7, v3;
	v4 =	vand.u32 $0xFFFFFFF0, v49  }
0x14d: {  	v3 =	vor.u32 v3, v4  }
0x14e: {  	v4 =	vperm.xlane v3, v0;
	_ =	sdelay $0x1  }
0x14f: {  	v3 =	vperm.xlane v3, v2;
	v4 =	vadd.s32 v1, v4;
	_ =	sdelay $0x1  }
0x150: {  	v3 =	vadd.s32 v1, v3;
	_ =	sdelay $0x1  }
0x151: {  	s1 =	simm.s32 $0x9600  }
0x152: {  	[tilespmem:s1], [sflag:$0x1] =	stream.indirect_vreg.gather [hbm4b:s3+s2], $0x80, v4, vm0, $0xb8;
	[tilespmem:$0x18600] =	vst v63  }
0x153: {  	s5 =	simm.s32 $0x9E00  }
0x154: {  	[tilespmem:s5], [sflag:$0x1] =	stream.indirect_vreg.gather [hbm4b:s3+s2], $0x80, v3, vm0, $0xb8;
	[tilespmem:$0x18600] =	vst v63  }
0x155: {  	v3 =	vld [tilespmem:$0x1A0];
	_ =	sdelay $0x4  }
0x156: {  	v50 =	vshll.u32 v3, $0x1  }
0x157: {  	v3 =	vand.u32 $0x7, v3;
	v4 =	vand.u32 $0xFFFFFFF0, v50  }
0x158: {  	v3 =	vor.u32 v3, v4  }
0x159: {  	v4 =	vperm.xlane v3, v0;
	_ =	sdelay $0x1  }
0x15a: {  	v3 =	vperm.xlane v3, v2;
	v4 =	vadd.s32 v1, v4;
	_ =	sdelay $0x1  }
0x15b: {  	v3 =	vadd.s32 v1, v3;
	_ =	sdelay $0x1  }
0x15c: {  	s12 =	simm.s32 $0xA600  }
0x15d: {  	[tilespmem:s12], [sflag:$0x1] =	stream.indirect_vreg.gather [hbm4b:s3+s2], $0x80, v4, vm0, $0xb8;
	[tilespmem:$0x18600] =	vst v63  }
0x15e: {  	s12 =	simm.s32 $0xAE00  }
0x15f: {  	[tilespmem:s12], [sflag:$0x1] =	stream.indirect_vreg.gather [hbm4b:s3+s2], $0x80, v3, vm0, $0xb8;
	[tilespmem:$0x18600] =	vst v63  }
0x160: {  	v3 =	vld [tilespmem:$0x1B0];
	_ =	sdelay $0x4  }
0x161: {  	v51 =	vshll.u32 v3, $0x1  }
0x162: {  	v3 =	vand.u32 $0x7, v3;
	v4 =	vand.u32 $0xFFFFFFF0, v51  }
0x163: {  	v3 =	vor.u32 v3, v4  }
0x164: {  	v4 =	vperm.xlane v3, v0;
	_ =	sdelay $0x1  }
0x165: {  	v3 =	vperm.xlane v3, v2;
	v4 =	vadd.s32 v1, v4;
	_ =	sdelay $0x1  }
0x166: {  	v3 =	vadd.s32 v1, v3;
	_ =	sdelay $0x1  }
0x167: {  	s10 =	simm.s32 $0xB600  }
0x168: {  	[tilespmem:s10], [sflag:$0x1] =	stream.indirect_vreg.gather [hbm4b:s3+s2], $0x80, v4, vm0, $0xb8;
	[tilespmem:$0x18600] =	vst v63  }
0x169: {  	s19 =	simm.s32 $0xBE00  }
0x16a: {  	[tilespmem:s19], [sflag:$0x1] =	stream.indirect_vreg.gather [hbm4b:s3+s2], $0x80, v3, vm0, $0xb8;
	[tilespmem:$0x18600] =	vst v63  }
0x16b: {  	v3 =	vld [tilespmem:$0x1C0];
	_ =	sdelay $0x4  }
0x16c: {  	v52 =	vshll.u32 v3, $0x1  }
0x16d: {  	v3 =	vand.u32 $0x7, v3;
	v4 =	vand.u32 $0xFFFFFFF0, v52  }
0x16e: {  	v3 =	vor.u32 v3, v4  }
0x16f: {  	v4 =	vperm.xlane v3, v0;
	_ =	sdelay $0x1  }
0x170: {  	v3 =	vperm.xlane v3, v2;
	v4 =	vadd.s32 v1, v4;
	_ =	sdelay $0x1  }
0x171: {  	v3 =	vadd.s32 v1, v3;
	_ =	sdelay $0x1  }
0x172: {  	s9 =	simm.s32 $0xC600  }
0x173: {  	[tilespmem:s9], [sflag:$0x1] =	stream.indirect_vreg.gather [hbm4b:s3+s2], $0x80, v4, vm0, $0xb8;
	[tilespmem:$0x18600] =	vst v63  }
0x174: {  	s7 =	simm.s32 $0xCE00  }
0x175: {  	[tilespmem:s7], [sflag:$0x1] =	stream.indirect_vreg.gather [hbm4b:s3+s2], $0x80, v3, vm0, $0xb8;
	[tilespmem:$0x18600] =	vst v63  }
0x176: {  	v3 =	vld [tilespmem:$0x1D0];
	_ =	sdelay $0x4  }
0x177: {  	v53 =	vshll.u32 v3, $0x1  }
0x178: {  	v3 =	vand.u32 $0x7, v3;
	v4 =	vand.u32 $0xFFFFFFF0, v53  }
0x179: {  	v3 =	vor.u32 v3, v4  }
0x17a: {  	v4 =	vperm.xlane v3, v0;
	_ =	sdelay $0x1  }
0x17b: {  	v3 =	vperm.xlane v3, v2;
	v4 =	vadd.s32 v1, v4;
	_ =	sdelay $0x1  }
0x17c: {  	v3 =	vadd.s32 v1, v3;
	_ =	sdelay $0x1  }
0x17d: {  	s22 =	simm.s32 $0xD600  }
0x17e: {  	[tilespmem:s22], [sflag:$0x1] =	stream.indirect_vreg.gather [hbm4b:s3+s2], $0x80, v4, vm0, $0xb8;
	[tilespmem:$0x18600] =	vst v63  }
0x17f: {  	s31 =	simm.s32 $0xDE00  }
0x180: {  	[tilespmem:s31], [sflag:$0x1] =	stream.indirect_vreg.gather [hbm4b:s3+s2], $0x80, v3, vm0, $0xb8;
	[tilespmem:$0x18600] =	vst v63  }
0x181: {  	v3 =	vld [tilespmem:$0x1E0];
	_ =	sdelay $0x4  }
0x182: {  	v54 =	vshll.u32 v3, $0x1  }
0x183: {  	v3 =	vand.u32 $0x7, v3;
	v4 =	vand.u32 $0xFFFFFFF0, v54  }
0x184: {  	v3 =	vor.u32 v3, v4  }
0x185: {  	v4 =	vperm.xlane v3, v0;
	_ =	sdelay $0x1  }
0x186: {  	v3 =	vperm.xlane v3, v2;
	v4 =	vadd.s32 v1, v4;
	_ =	sdelay $0x1  }
0x187: {  	v3 =	vadd.s32 v1, v3;
	_ =	sdelay $0x1  }
0x188: {  	s9 =	simm.s32 $0xE600  }
0x189: {  	[tilespmem:s9], [sflag:$0x1] =	stream.indirect_vreg.gather [hbm4b:s3+s2], $0x80, v4, vm0, $0xb8;
	[tilespmem:$0x18600] =	vst v63  }
0x18a: {  	s28 =	simm.s32 $0xEE00  }
0x18b: {  	[tilespmem:s28], [sflag:$0x1] =	stream.indirect_vreg.gather [hbm4b:s3+s2], $0x80, v3, vm0, $0xb8;
	[tilespmem:$0x18600] =	vst v63  }
0x18c: {  	v3 =	vld [tilespmem:$0x1F0];
	_ =	sdelay $0x4  }
0x18d: {  	v55 =	vshll.u32 v3, $0x1  }
0x18e: {  	v3 =	vand.u32 $0x7, v3;
	v4 =	vand.u32 $0xFFFFFFF0, v55  }
0x18f: {  	v3 =	vor.u32 v3, v4  }
0x190: {  	v4 =	vperm.xlane v3, v0;
	_ =	sdelay $0x1  }
0x191: {  	v3 =	vperm.xlane v3, v2;
	v4 =	vadd.s32 v1, v4;
	_ =	sdelay $0x1  }
0x192: {  	v3 =	vadd.s32 v1, v3;
	_ =	sdelay $0x1  }
0x193: {  	s7 =	simm.s32 $0xF600  }
0x194: {  	[tilespmem:s7], [sflag:$0x1] =	stream.indirect_vreg.gather [hbm4b:s3+s2], $0x80, v4, vm0, $0xb8;
	[tilespmem:$0x18600] =	vst v63  }
0x195: {  	s31 =	simm.s32 $0xFE00  }
0x196: {  	[tilespmem:s31], [sflag:$0x1] =	stream.indirect_vreg.gather [hbm4b:s3+s2], $0x80, v3, vm0, $0xb8;
	[tilespmem:$0x18600] =	vst v63  }
0x197: {  	_ =	swait.ge [sflag:s26], $0x8000  }
0x198: {  	[sflag:s26] =	ssyncset.done $0x0  }
0x199: {  	s11 =	simm.s32 $0x8600;
	s28 =	rddreg [dreg:$0x7];
	[sflag:s26] =	ssyncadd.s32 $0xFFFF8000  }
0x19a: {  	[hbm4b:s28+s2] =	stream.linear.scatter [tilespmem:s11], [sflag:$0x2], $0x8000, $0x38;
	[tilespmem:$0x18600] =	vst v63  }
0x19b: {  	_ =	swait.ge [sflag:s8], $0x8000  }
0x19c: {  	[sflag:s8] =	ssyncset.done $0x0  }
0x19d: {  	[sflag:s8] =	ssyncadd.s32 $0xFFFF8000  }
0x19e: {  	v3 =	vld [tilespmem:$0x200];
	_ =	sdelay $0x4  }
0x19f: {  	v56 =	vshll.u32 v3, $0x1  }
0x1a0: {  	v3 =	vand.u32 $0x7, v3;
	v4 =	vand.u32 $0xFFFFFFF0, v56  }
0x1a1: {  	v3 =	vor.u32 v3, v4  }
0x1a2: {  	v4 =	vperm.xlane v3, v0;
	_ =	sdelay $0x1  }
0x1a3: {  	v3 =	vperm.xlane v3, v2;
	v4 =	vadd.s32 v1, v4;
	_ =	sdelay $0x1  }
0x1a4: {  	v3 =	vadd.s32 v1, v3;
	_ =	sdelay $0x2  }
0x1a5: {  	[tilespmem:s14], [sflag:$0x1] =	stream.indirect_vreg.gather [hbm4b:s3+s2], $0x80, v4, vm0, $0xb8;
	[tilespmem:$0x18600] =	vst v63  }
0x1a6: {  	_ = 	snop  }
0x1a7: {  	[tilespmem:s15], [sflag:$0x1] =	stream.indirect_vreg.gather [hbm4b:s3+s2], $0x80, v3, vm0, $0xb8;
	[tilespmem:$0x18600] =	vst v63  }
0x1a8: {  	v3 =	vld [tilespmem:$0x210];
	_ =	sdelay $0x4  }
0x1a9: {  	v57 =	vshll.u32 v3, $0x1  }
0x1aa: {  	v3 =	vand.u32 $0x7, v3;
	v4 =	vand.u32 $0xFFFFFFF0, v57  }
0x1ab: {  	v3 =	vor.u32 v3, v4  }
0x1ac: {  	v4 =	vperm.xlane v3, v0;
	_ =	sdelay $0x1  }
0x1ad: {  	v3 =	vperm.xlane v3, v2;
	v4 =	vadd.s32 v1, v4;
	_ =	sdelay $0x1  }
0x1ae: {  	v3 =	vadd.s32 v1, v3;
	_ =	sdelay $0x1  }
0x1af: {  	s28 =	simm.s32 $0x1600  }
0x1b0: {  	[tilespmem:s28], [sflag:$0x1] =	stream.indirect_vreg.gather [hbm4b:s3+s2], $0x80, v4, vm0, $0xb8;
	[tilespmem:$0x18600] =	vst v63  }
0x1b1: {  	_ = 	snop  }
0x1b2: {  	[tilespmem:s13], [sflag:$0x1] =	stream.indirect_vreg.gather [hbm4b:s3+s2], $0x80, v3, vm0, $0xb8;
	[tilespmem:$0x18600] =	vst v63  }
0x1b3: {  	v3 =	vld [tilespmem:$0x220];
	_ =	sdelay $0x4  }
0x1b4: {  	v58 =	vshll.u32 v3, $0x1  }
0x1b5: {  	v3 =	vand.u32 $0x7, v3;
	v4 =	vand.u32 $0xFFFFFFF0, v58  }
0x1b6: {  	v3 =	vor.u32 v3, v4  }
0x1b7: {  	v4 =	vperm.xlane v3, v0;
	_ =	sdelay $0x1  }
0x1b8: {  	v3 =	vperm.xlane v3, v2;
	v4 =	vadd.s32 v1, v4;
	_ =	sdelay $0x1  }
0x1b9: {  	v3 =	vadd.s32 v1, v3;
	_ =	sdelay $0x2  }
0x1ba: {  	[tilespmem:s20], [sflag:$0x1] =	stream.indirect_vreg.gather [hbm4b:s3+s2], $0x80, v4, vm0, $0xb8;
	[tilespmem:$0x18600] =	vst v63  }
0x1bb: {  	s30 =	simm.s32 $0x2E00  }
0x1bc: {  	[tilespmem:s30], [sflag:$0x1] =	stream.indirect_vreg.gather [hbm4b:s3+s2], $0x80, v3, vm0, $0xb8;
	[tilespmem:$0x18600] =	vst v63  }
0x1bd: {  	v3 =	vld [tilespmem:$0x230];
	_ =	sdelay $0x4  }
0x1be: {  	v59 =	vshll.u32 v3, $0x1  }
0x1bf: {  	v3 =	vand.u32 $0x7, v3;
	v4 =	vand.u32 $0xFFFFFFF0, v59  }
0x1c0: {  	v3 =	vor.u32 v3, v4  }
0x1c1: {  	v4 =	vperm.xlane v3, v0;
	_ =	sdelay $0x1  }
0x1c2: {  	v3 =	vperm.xlane v3, v2;
	v4 =	vadd.s32 v1, v4;
	_ =	sdelay $0x1  }
0x1c3: {  	v3 =	vadd.s32 v1, v3;
	_ =	sdelay $0x2  }
0x1c4: {  	[tilespmem:s17], [sflag:$0x1] =	stream.indirect_vreg.gather [hbm4b:s3+s2], $0x80, v4, vm0, $0xb8;
	[tilespmem:$0x18600] =	vst v63  }
0x1c5: {  	_ = 	snop  }
0x1c6: {  	[tilespmem:s18], [sflag:$0x1] =	stream.indirect_vreg.gather [hbm4b:s3+s2], $0x80, v3, vm0, $0xb8;
	[tilespmem:$0x18600] =	vst v63  }
0x1c7: {  	v3 =	vld [tilespmem:$0x240];
	_ =	sdelay $0x4  }
0x1c8: {  	v60 =	vshll.u32 v3, $0x1  }
0x1c9: {  	v3 =	vand.u32 $0x7, v3;
	v4 =	vand.u32 $0xFFFFFFF0, v60  }
0x1ca: {  	v3 =	vor.u32 v3, v4  }
0x1cb: {  	v4 =	vperm.xlane v3, v0;
	_ =	sdelay $0x1  }
0x1cc: {  	v3 =	vperm.xlane v3, v2;
	v4 =	vadd.s32 v1, v4;
	_ =	sdelay $0x1  }
0x1cd: {  	v3 =	vadd.s32 v1, v3;
	_ =	sdelay $0x1  }
0x1ce: {  	s28 =	simm.s32 $0x4600  }
0x1cf: {  	[tilespmem:s28], [sflag:$0x1] =	stream.indirect_vreg.gather [hbm4b:s3+s2], $0x80, v4, vm0, $0xb8;
	[tilespmem:$0x18600] =	vst v63  }
0x1d0: {  	_ = 	snop  }
0x1d1: {  	[tilespmem:s16], [sflag:$0x1] =	stream.indirect_vreg.gather [hbm4b:s3+s2], $0x80, v3, vm0, $0xb8;
	[tilespmem:$0x18600] =	vst v63  }
0x1d2: {  	v3 =	vld [tilespmem:$0x250];
	_ =	sdelay $0x4  }
0x1d3: {  	v61 =	vshll.u32 v3, $0x1  }
0x1d4: {  	v3 =	vand.u32 $0x7, v3;
	v4 =	vand.u32 $0xFFFFFFF0, v61  }
0x1d5: {  	v3 =	vor.u32 v3, v4  }
0x1d6: {  	v4 =	vperm.xlane v3, v0;
	_ =	sdelay $0x1  }
0x1d7: {  	v3 =	vperm.xlane v3, v2;
	v4 =	vadd.s32 v1, v4;
	_ =	sdelay $0x1  }
0x1d8: {  	v3 =	vadd.s32 v1, v3;
	_ =	sdelay $0x2  }
0x1d9: {  	[tilespmem:s25], [sflag:$0x1] =	stream.indirect_vreg.gather [hbm4b:s3+s2], $0x80, v4, vm0, $0xb8;
	[tilespmem:$0x18600] =	vst v63  }
0x1da: {  	s30 =	simm.s32 $0x5E00  }
0x1db: {  	[tilespmem:s30], [sflag:$0x1] =	stream.indirect_vreg.gather [hbm4b:s3+s2], $0x80, v3, vm0, $0xb8;
	[tilespmem:$0x18600] =	vst v63  }
0x1dc: {  	v3 =	vld [tilespmem:$0x260];
	_ =	sdelay $0x4  }
0x1dd: {  	v62 =	vshll.u32 v3, $0x1  }
0x1de: {  	v3 =	vand.u32 $0x7, v3;
	v4 =	vand.u32 $0xFFFFFFF0, v62  }
0x1df: {  	v3 =	vor.u32 v3, v4  }
0x1e0: {  	v4 =	vperm.xlane v3, v0;
	_ =	sdelay $0x1  }
0x1e1: {  	v3 =	vperm.xlane v3, v2;
	v4 =	vadd.s32 v1, v4;
	_ =	sdelay $0x1  }
0x1e2: {  	v3 =	vadd.s32 v1, v3;
	_ =	sdelay $0x2  }
0x1e3: {  	[tilespmem:s23], [sflag:$0x1] =	stream.indirect_vreg.gather [hbm4b:s3+s2], $0x80, v4, vm0, $0xb8;
	[tilespmem:$0x18600] =	vst v63  }
0x1e4: {  	_ = 	snop  }
0x1e5: {  	[tilespmem:s24], [sflag:$0x1] =	stream.indirect_vreg.gather [hbm4b:s3+s2], $0x80, v3, vm0, $0xb8;
	[tilespmem:$0x18600] =	vst v63  }
0x1e6: {  	v3 =	vld [tilespmem:$0x270];
	_ =	sdelay $0x4  }
0x1e7: {  	v63 =	vshll.u32 v3, $0x1  }
0x1e8: {  	v3 =	vand.u32 $0x7, v3;
	v4 =	vand.u32 $0xFFFFFFF0, v63  }
0x1e9: {  	v3 =	vor.u32 v3, v4  }
0x1ea: {  	v4 =	vperm.xlane v3, v0;
	_ =	sdelay $0x1  }
0x1eb: {  	v3 =	vperm.xlane v3, v2;
	v4 =	vadd.s32 v1, v4;
	_ =	sdelay $0x1  }
0x1ec: {  	v3 =	vadd.s32 v1, v3;
	_ =	sdelay $0x1  }
0x1ed: {  	s28 =	simm.s32 $0x7600  }
0x1ee: {  	[tilespmem:s28], [sflag:$0x1] =	stream.indirect_vreg.gather [hbm4b:s3+s2], $0x80, v4, vm0, $0xb8;
	[tilespmem:$0x18600] =	vst v63  }
0x1ef: {  	_ = 	snop  }
0x1f0: {  	[tilespmem:s21], [sflag:$0x1] =	stream.indirect_vreg.gather [hbm4b:s3+s2], $0x80, v3, vm0, $0xb8;
	[tilespmem:$0x18600] =	vst v63  }
0x1f1: {  	_ =	swait.ge [sflag:s26], $0x8000  }
0x1f2: {  	[sflag:s26] =	ssyncset.done $0x0  }
0x1f3: {  	s30 =	rddreg [dreg:$0x8];
	[sflag:s26] =	ssyncadd.s32 $0xFFFF8000  }
0x1f4: {  	[hbm4b:s30+s2] =	stream.linear.scatter [tilespmem:s14], [sflag:$0x2], $0x8000, $0x38;
	[tilespmem:$0x18600] =	vst v63  }
0x1f5: {  	_ =	swait.ge [sflag:s8], $0x8000  }
0x1f6: {  	[sflag:s8] =	ssyncset.done $0x0  }
0x1f7: {  	[sflag:s8] =	ssyncadd.s32 $0xFFFF8000  }
0x1f8: {  	v3 =	vld [tilespmem:$0x280];
	_ =	sdelay $0x4  }
0x1f9: {  	v8 =	vshll.u32 v3, $0x1  }
0x1fa: {  	v3 =	vand.u32 $0x7, v3;
	v4 =	vand.u32 $0xFFFFFFF0, v8  }
0x1fb: {  	v3 =	vor.u32 v3, v4  }
0x1fc: {  	v4 =	vperm.xlane v3, v0;
	_ =	sdelay $0x1  }
0x1fd: {  	v3 =	vperm.xlane v3, v2;
	v4 =	vadd.s32 v1, v4;
	_ =	sdelay $0x1  }
0x1fe: {  	v3 =	vadd.s32 v1, v3;
	_ =	sdelay $0x1  }
0x1ff: {  	s0 =	simm.s32 $0x8600  }
0x200: {  	[tilespmem:s0], [sflag:$0x1] =	stream.indirect_vreg.gather [hbm4b:s3+s2], $0x80, v4, vm0, $0xb8;
	[tilespmem:$0x18600] =	vst v63  }
0x201: {  	s29 =	simm.s32 $0x8E00  }
0x202: {  	[tilespmem:s29], [sflag:$0x1] =	stream.indirect_vreg.gather [hbm4b:s3+s2], $0x80, v3, vm0, $0xb8;
	[tilespmem:$0x18600] =	vst v63  }
0x203: {  	v3 =	vld [tilespmem:$0x290];
	_ =	sdelay $0x4  }
0x204: {  	v9 =	vshll.u32 v3, $0x1  }
0x205: {  	v3 =	vand.u32 $0x7, v3;
	v4 =	vand.u32 $0xFFFFFFF0, v9  }
0x206: {  	v3 =	vor.u32 v3, v4  }
0x207: {  	v4 =	vperm.xlane v3, v0;
	_ =	sdelay $0x1  }
0x208: {  	v3 =	vperm.xlane v3, v2;
	v4 =	vadd.s32 v1, v4;
	_ =	sdelay $0x1  }
0x209: {  	v3 =	vadd.s32 v1, v3;
	_ =	sdelay $0x2  }
0x20a: {  	[tilespmem:s1], [sflag:$0x1] =	stream.indirect_vreg.gather [hbm4b:s3+s2], $0x80, v4, vm0, $0xb8;
	[tilespmem:$0x18600] =	vst v63  }
0x20b: {  	_ = 	snop  }
0x20c: {  	[tilespmem:s5], [sflag:$0x1] =	stream.indirect_vreg.gather [hbm4b:s3+s2], $0x80, v3, vm0, $0xb8;
	[tilespmem:$0x18600] =	vst v63  }
0x20d: {  	v3 =	vld [tilespmem:$0x2A0];
	_ =	sdelay $0x4  }
0x20e: {  	v10 =	vshll.u32 v3, $0x1  }
0x20f: {  	v3 =	vand.u32 $0x7, v3;
	v4 =	vand.u32 $0xFFFFFFF0, v10  }
0x210: {  	v3 =	vor.u32 v3, v4  }
0x211: {  	v4 =	vperm.xlane v3, v0;
	_ =	sdelay $0x1  }
0x212: {  	v3 =	vperm.xlane v3, v2;
	v4 =	vadd.s32 v1, v4;
	_ =	sdelay $0x1  }
0x213: {  	v3 =	vadd.s32 v1, v3;
	_ =	sdelay $0x1  }
0x214: {  	s5 =	simm.s32 $0xA600  }
0x215: {  	[tilespmem:s5], [sflag:$0x1] =	stream.indirect_vreg.gather [hbm4b:s3+s2], $0x80, v4, vm0, $0xb8;
	[tilespmem:$0x18600] =	vst v63  }
0x216: {  	_ = 	snop  }
0x217: {  	[tilespmem:s12], [sflag:$0x1] =	stream.indirect_vreg.gather [hbm4b:s3+s2], $0x80, v3, vm0, $0xb8;
	[tilespmem:$0x18600] =	vst v63  }
0x218: {  	v3 =	vld [tilespmem:$0x2B0];
	_ =	sdelay $0x4  }
0x219: {  	v11 =	vshll.u32 v3, $0x1  }
0x21a: {  	v3 =	vand.u32 $0x7, v3;
	v4 =	vand.u32 $0xFFFFFFF0, v11  }
0x21b: {  	v3 =	vor.u32 v3, v4  }
0x21c: {  	v4 =	vperm.xlane v3, v0;
	_ =	sdelay $0x1  }
0x21d: {  	v3 =	vperm.xlane v3, v2;
	v4 =	vadd.s32 v1, v4;
	_ =	sdelay $0x1  }
0x21e: {  	v3 =	vadd.s32 v1, v3;
	_ =	sdelay $0x2  }
0x21f: {  	[tilespmem:s10], [sflag:$0x1] =	stream.indirect_vreg.gather [hbm4b:s3+s2], $0x80, v4, vm0, $0xb8;
	[tilespmem:$0x18600] =	vst v63  }
0x220: {  	s10 =	simm.s32 $0xBE00  }
0x221: {  	[tilespmem:s10], [sflag:$0x1] =	stream.indirect_vreg.gather [hbm4b:s3+s2], $0x80, v3, vm0, $0xb8;
	[tilespmem:$0x18600] =	vst v63  }
0x222: {  	v3 =	vld [tilespmem:$0x2C0];
	_ =	sdelay $0x4  }
0x223: {  	v12 =	vshll.u32 v3, $0x1  }
0x224: {  	v3 =	vand.u32 $0x7, v3;
	v4 =	vand.u32 $0xFFFFFFF0, v12  }
0x225: {  	v3 =	vor.u32 v3, v4  }
0x226: {  	v4 =	vperm.xlane v3, v0;
	_ =	sdelay $0x1  }
0x227: {  	v3 =	vperm.xlane v3, v2;
	v4 =	vadd.s32 v1, v4;
	_ =	sdelay $0x1  }
0x228: {  	v3 =	vadd.s32 v1, v3;
	_ =	sdelay $0x1  }
0x229: {  	s11 =	simm.s32 $0xC600  }
0x22a: {  	[tilespmem:s11], [sflag:$0x1] =	stream.indirect_vreg.gather [hbm4b:s3+s2], $0x80, v4, vm0, $0xb8;
	[tilespmem:$0x18600] =	vst v63  }
0x22b: {  	s19 =	simm.s32 $0xCE00  }
0x22c: {  	[tilespmem:s19], [sflag:$0x1] =	stream.indirect_vreg.gather [hbm4b:s3+s2], $0x80, v3, vm0, $0xb8;
	[tilespmem:$0x18600] =	vst v63  }
0x22d: {  	v3 =	vld [tilespmem:$0x2D0];
	_ =	sdelay $0x4  }
0x22e: {  	v13 =	vshll.u32 v3, $0x1  }
0x22f: {  	v3 =	vand.u32 $0x7, v3;
	v4 =	vand.u32 $0xFFFFFFF0, v13  }
0x230: {  	v3 =	vor.u32 v3, v4  }
0x231: {  	v4 =	vperm.xlane v3, v0;
	_ =	sdelay $0x1  }
0x232: {  	v3 =	vperm.xlane v3, v2;
	v4 =	vadd.s32 v1, v4;
	_ =	sdelay $0x1  }
0x233: {  	v3 =	vadd.s32 v1, v3;
	_ =	sdelay $0x1  }
0x234: {  	s12 =	simm.s32 $0xD600  }
0x235: {  	[tilespmem:s12], [sflag:$0x1] =	stream.indirect_vreg.gather [hbm4b:s3+s2], $0x80, v4, vm0, $0xb8;
	[tilespmem:$0x18600] =	vst v63  }
0x236: {  	s22 =	simm.s32 $0xDE00  }
0x237: {  	[tilespmem:s22], [sflag:$0x1] =	stream.indirect_vreg.gather [hbm4b:s3+s2], $0x80, v3, vm0, $0xb8;
	[tilespmem:$0x18600] =	vst v63  }
0x238: {  	v3 =	vld [tilespmem:$0x2E0];
	_ =	sdelay $0x4  }
0x239: {  	v14 =	vshll.u32 v3, $0x1  }
0x23a: {  	v3 =	vand.u32 $0x7, v3;
	v4 =	vand.u32 $0xFFFFFFF0, v14  }
0x23b: {  	v3 =	vor.u32 v3, v4  }
0x23c: {  	v4 =	vperm.xlane v3, v0;
	_ =	sdelay $0x1  }
0x23d: {  	v3 =	vperm.xlane v3, v2;
	v4 =	vadd.s32 v1, v4;
	_ =	sdelay $0x1  }
0x23e: {  	v3 =	vadd.s32 v1, v3;
	_ =	sdelay $0x2  }
0x23f: {  	[tilespmem:s9], [sflag:$0x1] =	stream.indirect_vreg.gather [hbm4b:s3+s2], $0x80, v4, vm0, $0xb8;
	[tilespmem:$0x18600] =	vst v63  }
0x240: {  	s19 =	simm.s32 $0xEE00  }
0x241: {  	[tilespmem:s19], [sflag:$0x1] =	stream.indirect_vreg.gather [hbm4b:s3+s2], $0x80, v3, vm0, $0xb8;
	[tilespmem:$0x18600] =	vst v63  }
0x242: {  	v3 =	vld [tilespmem:$0x2F0];
	_ =	sdelay $0x4  }
0x243: {  	v15 =	vshll.u32 v3, $0x1  }
0x244: {  	v3 =	vand.u32 $0x7, v3;
	v4 =	vand.u32 $0xFFFFFFF0, v15  }
0x245: {  	v3 =	vor.u32 v3, v4  }
0x246: {  	v4 =	vperm.xlane v3, v0;
	_ =	sdelay $0x1  }
0x247: {  	v3 =	vperm.xlane v3, v2;
	v4 =	vadd.s32 v1, v4;
	_ =	sdelay $0x1  }
0x248: {  	v3 =	vadd.s32 v1, v3;
	_ =	sdelay $0x2  }
0x249: {  	[tilespmem:s7], [sflag:$0x1] =	stream.indirect_vreg.gather [hbm4b:s3+s2], $0x80, v4, vm0, $0xb8;
	[tilespmem:$0x18600] =	vst v63  }
0x24a: {  	_ = 	snop  }
0x24b: {  	[tilespmem:s31], [sflag:$0x1] =	stream.indirect_vreg.gather [hbm4b:s3+s2], $0x80, v3, vm0, $0xb8;
	[tilespmem:$0x18600] =	vst v63  }
0x24c: {  	_ =	swait.ge [sflag:s26], $0x8000  }
0x24d: {  	[sflag:s26] =	ssyncset.done $0x0  }
0x24e: {  	s0 =	simm.s32 $0x8600;
	s22 =	rddreg [dreg:$0x9];
	[sflag:s26] =	ssyncadd.s32 $0xFFFF8000  }
0x24f: {  	[hbm4b:s22+s2] =	stream.linear.scatter [tilespmem:s0], [sflag:$0x2], $0x8000, $0x38;
	[tilespmem:$0x18600] =	vst v63  }
0x250: {  	_ =	swait.ge [sflag:s8], $0x8000  }
0x251: {  	[sflag:s8] =	ssyncset.done $0x0  }
0x252: {  	[sflag:s8] =	ssyncadd.s32 $0xFFFF8000  }
0x253: {  	v3 =	vld [tilespmem:$0x300];
	_ =	sdelay $0x4  }
0x254: {  	v16 =	vshll.u32 v3, $0x1  }
0x255: {  	v3 =	vand.u32 $0x7, v3;
	v4 =	vand.u32 $0xFFFFFFF0, v16  }
0x256: {  	v3 =	vor.u32 v3, v4  }
0x257: {  	v4 =	vperm.xlane v3, v0;
	_ =	sdelay $0x1  }
0x258: {  	v3 =	vperm.xlane v3, v2;
	v4 =	vadd.s32 v1, v4;
	_ =	sdelay $0x1  }
0x259: {  	v3 =	vadd.s32 v1, v3;
	_ =	sdelay $0x2  }
0x25a: {  	[tilespmem:s14], [sflag:$0x1] =	stream.indirect_vreg.gather [hbm4b:s3+s2], $0x80, v4, vm0, $0xb8;
	[tilespmem:$0x18600] =	vst v63  }
0x25b: {  	s15 =	simm.s32 $0xE00  }
0x25c: {  	[tilespmem:s15], [sflag:$0x1] =	stream.indirect_vreg.gather [hbm4b:s3+s2], $0x80, v3, vm0, $0xb8;
	[tilespmem:$0x18600] =	vst v63  }
0x25d: {  	v3 =	vld [tilespmem:$0x310];
	_ =	sdelay $0x4  }
0x25e: {  	v17 =	vshll.u32 v3, $0x1  }
0x25f: {  	v3 =	vand.u32 $0x7, v3;
	v4 =	vand.u32 $0xFFFFFFF0, v17  }
0x260: {  	v3 =	vor.u32 v3, v4  }
0x261: {  	v4 =	vperm.xlane v3, v0;
	_ =	sdelay $0x1  }
0x262: {  	v3 =	vperm.xlane v3, v2;
	v4 =	vadd.s32 v1, v4;
	_ =	sdelay $0x1  }
0x263: {  	v3 =	vadd.s32 v1, v3;
	_ =	sdelay $0x1  }
0x264: {  	s31 =	simm.s32 $0x1600  }
0x265: {  	[tilespmem:s31], [sflag:$0x1] =	stream.indirect_vreg.gather [hbm4b:s3+s2], $0x80, v4, vm0, $0xb8;
	[tilespmem:$0x18600] =	vst v63  }
0x266: {  	s13 =	simm.s32 $0x1E00  }
0x267: {  	[tilespmem:s13], [sflag:$0x1] =	stream.indirect_vreg.gather [hbm4b:s3+s2], $0x80, v3, vm0, $0xb8;
	[tilespmem:$0x18600] =	vst v63  }
0x268: {  	v3 =	vld [tilespmem:$0x320];
	_ =	sdelay $0x4  }
0x269: {  	v18 =	vshll.u32 v3, $0x1  }
0x26a: {  	v3 =	vand.u32 $0x7, v3;
	v4 =	vand.u32 $0xFFFFFFF0, v18  }
0x26b: {  	v3 =	vor.u32 v3, v4  }
0x26c: {  	v4 =	vperm.xlane v3, v0;
	_ =	sdelay $0x1  }
0x26d: {  	v3 =	vperm.xlane v3, v2;
	v4 =	vadd.s32 v1, v4;
	_ =	sdelay $0x1  }
0x26e: {  	v3 =	vadd.s32 v1, v3;
	_ =	sdelay $0x1  }
0x26f: {  	s20 =	simm.s32 $0x2600  }
0x270: {  	[tilespmem:s20], [sflag:$0x1] =	stream.indirect_vreg.gather [hbm4b:s3+s2], $0x80, v4, vm0, $0xb8;
	[tilespmem:$0x18600] =	vst v63  }
0x271: {  	s7 =	simm.s32 $0x2E00  }
0x272: {  	[tilespmem:s7], [sflag:$0x1] =	stream.indirect_vreg.gather [hbm4b:s3+s2], $0x80, v3, vm0, $0xb8;
	[tilespmem:$0x18600] =	vst v63  }
0x273: {  	v3 =	vld [tilespmem:$0x330];
	_ =	sdelay $0x4  }
0x274: {  	v19 =	vshll.u32 v3, $0x1  }
0x275: {  	v3 =	vand.u32 $0x7, v3;
	v4 =	vand.u32 $0xFFFFFFF0, v19  }
0x276: {  	v3 =	vor.u32 v3, v4  }
0x277: {  	v4 =	vperm.xlane v3, v0;
	_ =	sdelay $0x1  }
0x278: {  	v3 =	vperm.xlane v3, v2;
	v4 =	vadd.s32 v1, v4;
	_ =	sdelay $0x1  }
0x279: {  	v3 =	vadd.s32 v1, v3;
	_ =	sdelay $0x1  }
0x27a: {  	s17 =	simm.s32 $0x3600  }
0x27b: {  	[tilespmem:s17], [sflag:$0x1] =	stream.indirect_vreg.gather [hbm4b:s3+s2], $0x80, v4, vm0, $0xb8;
	[tilespmem:$0x18600] =	vst v63  }
0x27c: {  	s18 =	simm.s32 $0x3E00  }
0x27d: {  	[tilespmem:s18], [sflag:$0x1] =	stream.indirect_vreg.gather [hbm4b:s3+s2], $0x80, v3, vm0, $0xb8;
	[tilespmem:$0x18600] =	vst v63  }
0x27e: {  	v3 =	vld [tilespmem:$0x340];
	_ =	sdelay $0x4  }
0x27f: {  	v20 =	vshll.u32 v3, $0x1  }
0x280: {  	v3 =	vand.u32 $0x7, v3;
	v4 =	vand.u32 $0xFFFFFFF0, v20  }
0x281: {  	v3 =	vor.u32 v3, v4  }
0x282: {  	v4 =	vperm.xlane v3, v0;
	_ =	sdelay $0x1  }
0x283: {  	v3 =	vperm.xlane v3, v2;
	v4 =	vadd.s32 v1, v4;
	_ =	sdelay $0x1  }
0x284: {  	v3 =	vadd.s32 v1, v3;
	_ =	sdelay $0x1  }
0x285: {  	s11 =	simm.s32 $0x4600  }
0x286: {  	[tilespmem:s11], [sflag:$0x1] =	stream.indirect_vreg.gather [hbm4b:s3+s2], $0x80, v4, vm0, $0xb8;
	[tilespmem:$0x18600] =	vst v63  }
0x287: {  	s16 =	simm.s32 $0x4E00  }
0x288: {  	[tilespmem:s16], [sflag:$0x1] =	stream.indirect_vreg.gather [hbm4b:s3+s2], $0x80, v3, vm0, $0xb8;
	[tilespmem:$0x18600] =	vst v63  }
0x289: {  	v3 =	vld [tilespmem:$0x350];
	_ =	sdelay $0x4  }
0x28a: {  	v21 =	vshll.u32 v3, $0x1  }
0x28b: {  	v3 =	vand.u32 $0x7, v3;
	v4 =	vand.u32 $0xFFFFFFF0, v21  }
0x28c: {  	v3 =	vor.u32 v3, v4  }
0x28d: {  	v4 =	vperm.xlane v3, v0;
	_ =	sdelay $0x1  }
0x28e: {  	v3 =	vperm.xlane v3, v2;
	v4 =	vadd.s32 v1, v4;
	_ =	sdelay $0x1  }
0x28f: {  	v3 =	vadd.s32 v1, v3;
	_ =	sdelay $0x1  }
0x290: {  	s25 =	simm.s32 $0x5600  }
0x291: {  	[tilespmem:s25], [sflag:$0x1] =	stream.indirect_vreg.gather [hbm4b:s3+s2], $0x80, v4, vm0, $0xb8;
	[tilespmem:$0x18600] =	vst v63  }
0x292: {  	s13 =	simm.s32 $0x5E00  }
0x293: {  	[tilespmem:s13], [sflag:$0x1] =	stream.indirect_vreg.gather [hbm4b:s3+s2], $0x80, v3, vm0, $0xb8;
	[tilespmem:$0x18600] =	vst v63  }
0x294: {  	v3 =	vld [tilespmem:$0x360];
	_ =	sdelay $0x4  }
0x295: {  	v22 =	vshll.u32 v3, $0x1  }
0x296: {  	v3 =	vand.u32 $0x7, v3;
	v4 =	vand.u32 $0xFFFFFFF0, v22  }
0x297: {  	v3 =	vor.u32 v3, v4  }
0x298: {  	v4 =	vperm.xlane v3, v0;
	_ =	sdelay $0x1  }
0x299: {  	v3 =	vperm.xlane v3, v2;
	v4 =	vadd.s32 v1, v4;
	_ =	sdelay $0x1  }
0x29a: {  	v3 =	vadd.s32 v1, v3;
	_ =	sdelay $0x1  }
0x29b: {  	s23 =	simm.s32 $0x6600  }
0x29c: {  	[tilespmem:s23], [sflag:$0x1] =	stream.indirect_vreg.gather [hbm4b:s3+s2], $0x80, v4, vm0, $0xb8;
	[tilespmem:$0x18600] =	vst v63  }
0x29d: {  	s24 =	simm.s32 $0x6E00  }
0x29e: {  	[tilespmem:s24], [sflag:$0x1] =	stream.indirect_vreg.gather [hbm4b:s3+s2], $0x80, v3, vm0, $0xb8;
	[tilespmem:$0x18600] =	vst v63  }
0x29f: {  	v3 =	vld [tilespmem:$0x370];
	_ =	sdelay $0x4  }
0x2a0: {  	v23 =	vshll.u32 v3, $0x1  }
0x2a1: {  	v3 =	vand.u32 $0x7, v3;
	v4 =	vand.u32 $0xFFFFFFF0, v23  }
0x2a2: {  	v3 =	vor.u32 v3, v4  }
0x2a3: {  	v4 =	vperm.xlane v3, v0;
	_ =	sdelay $0x1  }
0x2a4: {  	v3 =	vperm.xlane v3, v2;
	v4 =	vadd.s32 v1, v4;
	_ =	sdelay $0x1  }
0x2a5: {  	v3 =	vadd.s32 v1, v3;
	_ =	sdelay $0x1  }
0x2a6: {  	s15 =	simm.s32 $0x7600  }
0x2a7: {  	[tilespmem:s15], [sflag:$0x1] =	stream.indirect_vreg.gather [hbm4b:s3+s2], $0x80, v4, vm0, $0xb8;
	[tilespmem:$0x18600] =	vst v63  }
0x2a8: {  	s21 =	simm.s32 $0x7E00  }
0x2a9: {  	[tilespmem:s21], [sflag:$0x1] =	stream.indirect_vreg.gather [hbm4b:s3+s2], $0x80, v3, vm0, $0xb8;
	[tilespmem:$0x18600] =	vst v63  }
0x2aa: {  	_ =	swait.ge [sflag:s26], $0x8000  }
0x2ab: {  	[sflag:s26] =	ssyncset.done $0x0  }
0x2ac: {  	s16 =	rddreg [dreg:$0xa];
	[sflag:s26] =	ssyncadd.s32 $0xFFFF8000  }
0x2ad: {  	[hbm4b:s16+s2] =	stream.linear.scatter [tilespmem:s14], [sflag:$0x2], $0x8000, $0x38;
	[tilespmem:$0x18600] =	vst v63  }
0x2ae: {  	_ =	swait.ge [sflag:s8], $0x8000  }
0x2af: {  	[sflag:s8] =	ssyncset.done $0x0  }
0x2b0: {  	[sflag:s8] =	ssyncadd.s32 $0xFFFF8000  }
0x2b1: {  	v3 =	vld [tilespmem:$0x380];
	_ =	sdelay $0x4  }
0x2b2: {  	v24 =	vshll.u32 v3, $0x1  }
0x2b3: {  	v3 =	vand.u32 $0x7, v3;
	v4 =	vand.u32 $0xFFFFFFF0, v24  }
0x2b4: {  	v3 =	vor.u32 v3, v4  }
0x2b5: {  	v4 =	vperm.xlane v3, v0;
	_ =	sdelay $0x1  }
0x2b6: {  	v3 =	vperm.xlane v3, v2;
	v4 =	vadd.s32 v1, v4;
	_ =	sdelay $0x1  }
0x2b7: {  	v3 =	vadd.s32 v1, v3;
	_ =	sdelay $0x1  }
0x2b8: {  	s5 =	simm.s32 $0x8600  }
0x2b9: {  	[tilespmem:s5], [sflag:$0x1] =	stream.indirect_vreg.gather [hbm4b:s3+s2], $0x80, v4, vm0, $0xb8;
	[tilespmem:$0x18600] =	vst v63  }
0x2ba: {  	s17 =	simm.s32 $0x8E00  }
0x2bb: {  	[tilespmem:s17], [sflag:$0x1] =	stream.indirect_vreg.gather [hbm4b:s3+s2], $0x80, v3, vm0, $0xb8;
	[tilespmem:$0x18600] =	vst v63  }
0x2bc: {  	v3 =	vld [tilespmem:$0x390];
	_ =	sdelay $0x4  }
0x2bd: {  	v25 =	vshll.u32 v3, $0x1  }
0x2be: {  	v3 =	vand.u32 $0x7, v3;
	v4 =	vand.u32 $0xFFFFFFF0, v25  }
0x2bf: {  	v3 =	vor.u32 v3, v4  }
0x2c0: {  	v4 =	vperm.xlane v3, v0;
	_ =	sdelay $0x1  }
0x2c1: {  	v3 =	vperm.xlane v3, v2;
	v4 =	vadd.s32 v1, v4;
	_ =	sdelay $0x1  }
0x2c2: {  	v3 =	vadd.s32 v1, v3;
	_ =	sdelay $0x1  }
0x2c3: {  	s28 =	simm.s32 $0x9600  }
0x2c4: {  	[tilespmem:s28], [sflag:$0x1] =	stream.indirect_vreg.gather [hbm4b:s3+s2], $0x80, v4, vm0, $0xb8;
	[tilespmem:$0x18600] =	vst v63  }
0x2c5: {  	s29 =	simm.s32 $0x9E00  }
0x2c6: {  	[tilespmem:s29], [sflag:$0x1] =	stream.indirect_vreg.gather [hbm4b:s3+s2], $0x80, v3, vm0, $0xb8;
	[tilespmem:$0x18600] =	vst v63  }
0x2c7: {  	v3 =	vld [tilespmem:$0x3A0];
	_ =	sdelay $0x4  }
0x2c8: {  	v26 =	vshll.u32 v3, $0x1  }
0x2c9: {  	v3 =	vand.u32 $0x7, v3;
	v4 =	vand.u32 $0xFFFFFFF0, v26  }
0x2ca: {  	v3 =	vor.u32 v3, v4  }
0x2cb: {  	v4 =	vperm.xlane v3, v0;
	_ =	sdelay $0x1  }
0x2cc: {  	v3 =	vperm.xlane v3, v2;
	v4 =	vadd.s32 v1, v4;
	_ =	sdelay $0x1  }
0x2cd: {  	v3 =	vadd.s32 v1, v3;
	_ =	sdelay $0x1  }
0x2ce: {  	s18 =	simm.s32 $0xA600  }
0x2cf: {  	[tilespmem:s18], [sflag:$0x1] =	stream.indirect_vreg.gather [hbm4b:s3+s2], $0x80, v4, vm0, $0xb8;
	[tilespmem:$0x18600] =	vst v63  }
0x2d0: {  	s1 =	simm.s32 $0xAE00  }
0x2d1: {  	[tilespmem:s1], [sflag:$0x1] =	stream.indirect_vreg.gather [hbm4b:s3+s2], $0x80, v3, vm0, $0xb8;
	[tilespmem:$0x18600] =	vst v63  }
0x2d2: {  	v3 =	vld [tilespmem:$0x3B0];
	_ =	sdelay $0x4  }
0x2d3: {  	v27 =	vshll.u32 v3, $0x1  }
0x2d4: {  	v3 =	vand.u32 $0x7, v3;
	v4 =	vand.u32 $0xFFFFFFF0, v27  }
0x2d5: {  	v3 =	vor.u32 v3, v4  }
0x2d6: {  	v4 =	vperm.xlane v3, v0;
	_ =	sdelay $0x1  }
0x2d7: {  	v3 =	vperm.xlane v3, v2;
	v4 =	vadd.s32 v1, v4;
	_ =	sdelay $0x1  }
0x2d8: {  	v3 =	vadd.s32 v1, v3;
	_ =	sdelay $0x1  }
0x2d9: {  	s30 =	simm.s32 $0xB600  }
0x2da: {  	[tilespmem:s30], [sflag:$0x1] =	stream.indirect_vreg.gather [hbm4b:s3+s2], $0x80, v4, vm0, $0xb8;
	[tilespmem:$0x18600] =	vst v63  }
0x2db: {  	s28 =	simm.s32 $0xBE00  }
0x2dc: {  	[tilespmem:s28], [sflag:$0x1] =	stream.indirect_vreg.gather [hbm4b:s3+s2], $0x80, v3, vm0, $0xb8;
	[tilespmem:$0x18600] =	vst v63  }
0x2dd: {  	v3 =	vld [tilespmem:$0x3C0];
	_ =	sdelay $0x4  }
0x2de: {  	v28 =	vshll.u32 v3, $0x1  }
0x2df: {  	v3 =	vand.u32 $0x7, v3;
	v4 =	vand.u32 $0xFFFFFFF0, v28  }
0x2e0: {  	v3 =	vor.u32 v3, v4  }
0x2e1: {  	v4 =	vperm.xlane v3, v0;
	_ =	sdelay $0x1  }
0x2e2: {  	v3 =	vperm.xlane v3, v2;
	v4 =	vadd.s32 v1, v4;
	_ =	sdelay $0x1  }
0x2e3: {  	v3 =	vadd.s32 v1, v3;
	_ =	sdelay $0x1  }
0x2e4: {  	s29 =	simm.s32 $0xC600  }
0x2e5: {  	[tilespmem:s29], [sflag:$0x1] =	stream.indirect_vreg.gather [hbm4b:s3+s2], $0x80, v4, vm0, $0xb8;
	[tilespmem:$0x18600] =	vst v63  }
0x2e6: {  	s10 =	simm.s32 $0xCE00  }
0x2e7: {  	[tilespmem:s10], [sflag:$0x1] =	stream.indirect_vreg.gather [hbm4b:s3+s2], $0x80, v3, vm0, $0xb8;
	[tilespmem:$0x18600] =	vst v63  }
0x2e8: {  	v3 =	vld [tilespmem:$0x3D0];
	_ =	sdelay $0x4  }
0x2e9: {  	v29 =	vshll.u32 v3, $0x1  }
0x2ea: {  	v3 =	vand.u32 $0x7, v3;
	v4 =	vand.u32 $0xFFFFFFF0, v29  }
0x2eb: {  	v3 =	vor.u32 v3, v4  }
0x2ec: {  	v4 =	vperm.xlane v3, v0;
	_ =	sdelay $0x1  }
0x2ed: {  	v3 =	vperm.xlane v3, v2;
	v4 =	vadd.s32 v1, v4;
	_ =	sdelay $0x1  }
0x2ee: {  	v3 =	vadd.s32 v1, v3;
	_ =	sdelay $0x1  }
0x2ef: {  	s30 =	simm.s32 $0xD600  }
0x2f0: {  	[tilespmem:s30], [sflag:$0x1] =	stream.indirect_vreg.gather [hbm4b:s3+s2], $0x80, v4, vm0, $0xb8;
	[tilespmem:$0x18600] =	vst v63  }
0x2f1: {  	s5 =	simm.s32 $0xDE00  }
0x2f2: {  	[tilespmem:s5], [sflag:$0x1] =	stream.indirect_vreg.gather [hbm4b:s3+s2], $0x80, v3, vm0, $0xb8;
	[tilespmem:$0x18600] =	vst v63  }
0x2f3: {  	v3 =	vld [tilespmem:$0x3E0];
	_ =	sdelay $0x4  }
0x2f4: {  	v30 =	vshll.u32 v3, $0x1  }
0x2f5: {  	v3 =	vand.u32 $0x7, v3;
	v4 =	vand.u32 $0xFFFFFFF0, v30  }
0x2f6: {  	v3 =	vor.u32 v3, v4  }
0x2f7: {  	v4 =	vperm.xlane v3, v0;
	_ =	sdelay $0x1  }
0x2f8: {  	v3 =	vperm.xlane v3, v2;
	v4 =	vadd.s32 v1, v4;
	_ =	sdelay $0x1  }
0x2f9: {  	v3 =	vadd.s32 v1, v3;
	_ =	sdelay $0x1  }
0x2fa: {  	s10 =	simm.s32 $0xE600  }
0x2fb: {  	[tilespmem:s10], [sflag:$0x1] =	stream.indirect_vreg.gather [hbm4b:s3+s2], $0x80, v4, vm0, $0xb8;
	[tilespmem:$0x18600] =	vst v63  }
0x2fc: {  	s11 =	simm.s32 $0xEE00  }
0x2fd: {  	[tilespmem:s11], [sflag:$0x1] =	stream.indirect_vreg.gather [hbm4b:s3+s2], $0x80, v3, vm0, $0xb8;
	[tilespmem:$0x18600] =	vst v63  }
0x2fe: {  	v3 =	vld [tilespmem:$0x3F0];
	_ =	sdelay $0x4  }
0x2ff: {  	v31 =	vshll.u32 v3, $0x1  }
0x300: {  	v3 =	vand.u32 $0x7, v3;
	v4 =	vand.u32 $0xFFFFFFF0, v31  }
0x301: {  	v3 =	vor.u32 v3, v4  }
0x302: {  	v4 =	vperm.xlane v3, v0;
	_ =	sdelay $0x1  }
0x303: {  	v3 =	vperm.xlane v3, v2;
	v4 =	vadd.s32 v1, v4;
	_ =	sdelay $0x1  }
0x304: {  	v3 =	vadd.s32 v1, v3;
	_ =	sdelay $0x1  }
0x305: {  	s15 =	simm.s32 $0xF600  }
0x306: {  	[tilespmem:s15], [sflag:$0x1] =	stream.indirect_vreg.gather [hbm4b:s3+s2], $0x80, v4, vm0, $0xb8;
	[tilespmem:$0x18600] =	vst v63  }
0x307: {  	s9 =	simm.s32 $0xFE00  }
0x308: {  	[tilespmem:s9], [sflag:$0x1] =	stream.indirect_vreg.gather [hbm4b:s3+s2], $0x80, v3, vm0, $0xb8;
	[tilespmem:$0x18600] =	vst v63  }
0x309: {  	_ =	swait.ge [sflag:s26], $0x8000  }
0x30a: {  	[sflag:s26] =	ssyncset.done $0x0  }
0x30b: {  	s0 =	simm.s32 $0x8600;
	s28 =	rddreg [dreg:$0xb];
	[sflag:s26] =	ssyncadd.s32 $0xFFFF8000  }
0x30c: {  	[hbm4b:s28+s2] =	stream.linear.scatter [tilespmem:s0], [sflag:$0x2], $0x8000, $0x38;
	[tilespmem:$0x18600] =	vst v63  }
0x30d: {  	_ =	swait.ge [sflag:s8], $0x8000  }
0x30e: {  	[sflag:s8] =	ssyncset.done $0x0  }
0x30f: {  	[sflag:s8] =	ssyncadd.s32 $0xFFFF8000  }
0x310: {  	_ =	swait.ge [sflag:s8], $0x8000  }
0x311: {  	[sflag:s8] =	ssyncset.done $0x0  }
0x312: {  	[sflag:s8] =	ssyncadd.s32 $0xFFFF8000  }
0x313: {  	v3 =	vld [tilespmem:$0x400];
	_ =	sdelay $0x4  }
0x314: {  	v32 =	vshrl.u32 v3, $0x3  }
0x315: {  	v4 =	vmul.u32 $0x18, v32  }
0x316: {  	v3 =	vand.u32 $0x7, v3  }
0x317: {  	v3 =	vor.u32 v3, v4  }
0x318: {  	v4 =	vperm.xlane v3, v0;
	_ =	sdelay $0x1  }
0x319: {  	v4 =	vadd.s32 v1, v4;
	_ =	sdelay $0x1  }
0x31a: {  	v3 =	vperm.xlane v3, v2;
	_ =	sdelay $0x1  }
0x31b: {  	v3 =	vadd.s32 v1, v3  }
0x31c: {  	[tilespmem:s14], [sflag:$0x1] =	stream.indirect_vreg.gather [hbm4b:s4+s2], $0x80, v4, vm0, $0xb8;
	[tilespmem:$0x18600] =	vst v63  }
0x31d: {  	s29 =	simm.s32 $0xE00  }
0x31e: {  	[tilespmem:s29], [sflag:$0x1] =	stream.indirect_vreg.gather [hbm4b:s6+s2], $0x80, v4, vm1, $0xb8;
	[tilespmem:$0x18600] =	vst v63  }
0x31f: {  	s0 =	simm.s32 $0x1200  }
0x320: {  	[tilespmem:s0], [sflag:$0x1] =	stream.indirect_vreg.gather [hbm4b:s4+s2], $0x80, v3, vm0, $0xb8;
	[tilespmem:$0x18600] =	vst v63  }
0x321: {  	s9 =	simm.s32 $0x1A00  }
0x322: {  	[tilespmem:s9], [sflag:$0x1] =	stream.indirect_vreg.gather [hbm4b:s6+s2], $0x80, v3, vm1, $0xb8;
	[tilespmem:$0x18600] =	vst v63  }
0x323: {  	v3 =	vld [tilespmem:$0x410];
	_ =	sdelay $0x4  }
0x324: {  	v33 =	vshrl.u32 v3, $0x3  }
0x325: {  	v4 =	vmul.u32 $0x18, v33  }
0x326: {  	v3 =	vand.u32 $0x7, v3  }
0x327: {  	v3 =	vor.u32 v3, v4  }
0x328: {  	v4 =	vperm.xlane v3, v0;
	_ =	sdelay $0x1  }
0x329: {  	v4 =	vadd.s32 v1, v4;
	_ =	sdelay $0x1  }
0x32a: {  	v3 =	vperm.xlane v3, v2;
	_ =	sdelay $0x1  }
0x32b: {  	s30 =	simm.s32 $0x1E00;
	v3 =	vadd.s32 v1, v3  }
0x32c: {  	[tilespmem:s30], [sflag:$0x1] =	stream.indirect_vreg.gather [hbm4b:s4+s2], $0x80, v4, vm0, $0xb8;
	[tilespmem:$0x18600] =	vst v63  }
0x32d: {  	s12 =	simm.s32 $0x2600  }
0x32e: {  	[tilespmem:s12], [sflag:$0x1] =	stream.indirect_vreg.gather [hbm4b:s6+s2], $0x80, v4, vm1, $0xb8;
	[tilespmem:$0x18600] =	vst v63  }
0x32f: {  	s1 =	simm.s32 $0x2A00  }
0x330: {  	[tilespmem:s1], [sflag:$0x1] =	stream.indirect_vreg.gather [hbm4b:s4+s2], $0x80, v3, vm0, $0xb8;
	[tilespmem:$0x18600] =	vst v63  }
0x331: {  	s12 =	simm.s32 $0x3200  }
0x332: {  	[tilespmem:s12], [sflag:$0x1] =	stream.indirect_vreg.gather [hbm4b:s6+s2], $0x80, v3, vm1, $0xb8;
	[tilespmem:$0x18600] =	vst v63  }
0x333: {  	v3 =	vld [tilespmem:$0x420];
	_ =	sdelay $0x4  }
0x334: {  	v34 =	vshrl.u32 v3, $0x3  }
0x335: {  	v4 =	vmul.u32 $0x18, v34  }
0x336: {  	v3 =	vand.u32 $0x7, v3  }
0x337: {  	v3 =	vor.u32 v3, v4  }
0x338: {  	v4 =	vperm.xlane v3, v0;
	_ =	sdelay $0x1  }
0x339: {  	v4 =	vadd.s32 v1, v4;
	_ =	sdelay $0x1  }
0x33a: {  	v3 =	vperm.xlane v3, v2;
	_ =	sdelay $0x1  }
0x33b: {  	s22 =	simm.s32 $0x3600;
	v3 =	vadd.s32 v1, v3  }
0x33c: {  	[tilespmem:s22], [sflag:$0x1] =	stream.indirect_vreg.gather [hbm4b:s4+s2], $0x80, v4, vm0, $0xb8;
	[tilespmem:$0x18600] =	vst v63  }
0x33d: {  	s19 =	simm.s32 $0x3E00  }
0x33e: {  	[tilespmem:s19], [sflag:$0x1] =	stream.indirect_vreg.gather [hbm4b:s6+s2], $0x80, v4, vm1, $0xb8;
	[tilespmem:$0x18600] =	vst v63  }
0x33f: {  	s19 =	simm.s32 $0x4200  }
0x340: {  	[tilespmem:s19], [sflag:$0x1] =	stream.indirect_vreg.gather [hbm4b:s4+s2], $0x80, v3, vm0, $0xb8;
	[tilespmem:$0x18600] =	vst v63  }
0x341: {  	s22 =	simm.s32 $0x4A00  }
0x342: {  	[tilespmem:s22], [sflag:$0x1] =	stream.indirect_vreg.gather [hbm4b:s6+s2], $0x80, v3, vm1, $0xb8;
	[tilespmem:$0x18600] =	vst v63  }
0x343: {  	v3 =	vld [tilespmem:$0x430];
	_ =	sdelay $0x4  }
0x344: {  	v35 =	vshrl.u32 v3, $0x3  }
0x345: {  	v4 =	vmul.u32 $0x18, v35  }
0x346: {  	v3 =	vand.u32 $0x7, v3  }
0x347: {  	v3 =	vor.u32 v3, v4  }
0x348: {  	v4 =	vperm.xlane v3, v0;
	_ =	sdelay $0x1  }
0x349: {  	v4 =	vadd.s32 v1, v4;
	_ =	sdelay $0x1  }
0x34a: {  	v3 =	vperm.xlane v3, v2;
	_ =	sdelay $0x1  }
0x34b: {  	s31 =	simm.s32 $0x4E00;
	v3 =	vadd.s32 v1, v3  }
0x34c: {  	[tilespmem:s31], [sflag:$0x1] =	stream.indirect_vreg.gather [hbm4b:s4+s2], $0x80, v4, vm0, $0xb8;
	[tilespmem:$0x18600] =	vst v63  }
0x34d: {  	s25 =	simm.s32 $0x5600  }
0x34e: {  	[tilespmem:s25], [sflag:$0x1] =	stream.indirect_vreg.gather [hbm4b:s6+s2], $0x80, v4, vm1, $0xb8;
	[tilespmem:$0x18600] =	vst v63  }
0x34f: {  	s28 =	simm.s32 $0x5A00  }
0x350: {  	[tilespmem:s28], [sflag:$0x1] =	stream.indirect_vreg.gather [hbm4b:s4+s2], $0x80, v3, vm0, $0xb8;
	[tilespmem:$0x18600] =	vst v63  }
0x351: {  	s29 =	simm.s32 $0x6200  }
0x352: {  	[tilespmem:s29], [sflag:$0x1] =	stream.indirect_vreg.gather [hbm4b:s6+s2], $0x80, v3, vm1, $0xb8;
	[tilespmem:$0x18600] =	vst v63  }
0x353: {  	v3 =	vld [tilespmem:$0x440];
	_ =	sdelay $0x4  }
0x354: {  	v36 =	vshrl.u32 v3, $0x3  }
0x355: {  	v4 =	vmul.u32 $0x18, v36  }
0x356: {  	v3 =	vand.u32 $0x7, v3  }
0x357: {  	v3 =	vor.u32 v3, v4  }
0x358: {  	v4 =	vperm.xlane v3, v0;
	_ =	sdelay $0x1  }
0x359: {  	v4 =	vadd.s32 v1, v4;
	_ =	sdelay $0x1  }
0x35a: {  	v3 =	vperm.xlane v3, v2;
	_ =	sdelay $0x1  }
0x35b: {  	s23 =	simm.s32 $0x6600;
	v3 =	vadd.s32 v1, v3  }
0x35c: {  	[tilespmem:s23], [sflag:$0x1] =	stream.indirect_vreg.gather [hbm4b:s4+s2], $0x80, v4, vm0, $0xb8;
	[tilespmem:$0x18600] =	vst v63  }
0x35d: {  	s24 =	simm.s32 $0x6E00  }
0x35e: {  	[tilespmem:s24], [sflag:$0x1] =	stream.indirect_vreg.gather [hbm4b:s6+s2], $0x80, v4, vm1, $0xb8;
	[tilespmem:$0x18600] =	vst v63  }
0x35f: {  	s30 =	simm.s32 $0x7200  }
0x360: {  	[tilespmem:s30], [sflag:$0x1] =	stream.indirect_vreg.gather [hbm4b:s4+s2], $0x80, v3, vm0, $0xb8;
	[tilespmem:$0x18600] =	vst v63  }
0x361: {  	s23 =	simm.s32 $0x7A00  }
0x362: {  	[tilespmem:s23], [sflag:$0x1] =	stream.indirect_vreg.gather [hbm4b:s6+s2], $0x80, v3, vm1, $0xb8;
	[tilespmem:$0x18600] =	vst v63  }
0x363: {  	v3 =	vld [tilespmem:$0x450];
	_ =	sdelay $0x4  }
0x364: {  	v37 =	vshrl.u32 v3, $0x3  }
0x365: {  	v4 =	vmul.u32 $0x18, v37  }
0x366: {  	v3 =	vand.u32 $0x7, v3  }
0x367: {  	v3 =	vor.u32 v3, v4  }
0x368: {  	v4 =	vperm.xlane v3, v0;
	_ =	sdelay $0x1  }
0x369: {  	v4 =	vadd.s32 v1, v4;
	_ =	sdelay $0x1  }
0x36a: {  	v3 =	vperm.xlane v3, v2;
	_ =	sdelay $0x1  }
0x36b: {  	s20 =	simm.s32 $0x7E00;
	v3 =	vadd.s32 v1, v3  }
0x36c: {  	[tilespmem:s20], [sflag:$0x1] =	stream.indirect_vreg.gather [hbm4b:s4+s2], $0x80, v4, vm0, $0xb8;
	[tilespmem:$0x18600] =	vst v63  }
0x36d: {  	s11 =	simm.s32 $0x8600  }
0x36e: {  	[tilespmem:s11], [sflag:$0x1] =	stream.indirect_vreg.gather [hbm4b:s6+s2], $0x80, v4, vm1, $0xb8;
	[tilespmem:$0x18600] =	vst v63  }
0x36f: {  	s31 =	simm.s32 $0x8A00  }
0x370: {  	[tilespmem:s31], [sflag:$0x1] =	stream.indirect_vreg.gather [hbm4b:s4+s2], $0x80, v3, vm0, $0xb8;
	[tilespmem:$0x18600] =	vst v63  }
0x371: {  	s25 =	simm.s32 $0x9200  }
0x372: {  	[tilespmem:s25], [sflag:$0x1] =	stream.indirect_vreg.gather [hbm4b:s6+s2], $0x80, v3, vm1, $0xb8;
	[tilespmem:$0x18600] =	vst v63  }
0x373: {  	v3 =	vld [tilespmem:$0x460];
	_ =	sdelay $0x4  }
0x374: {  	v38 =	vshrl.u32 v3, $0x3  }
0x375: {  	v4 =	vmul.u32 $0x18, v38  }
0x376: {  	v3 =	vand.u32 $0x7, v3  }
0x377: {  	v3 =	vor.u32 v3, v4  }
0x378: {  	v4 =	vperm.xlane v3, v0;
	_ =	sdelay $0x1  }
0x379: {  	v4 =	vadd.s32 v1, v4;
	_ =	sdelay $0x1  }
0x37a: {  	v3 =	vperm.xlane v3, v2;
	_ =	sdelay $0x1  }
0x37b: {  	s21 =	simm.s32 $0x9600;
	v3 =	vadd.s32 v1, v3  }
0x37c: {  	[tilespmem:s21], [sflag:$0x1] =	stream.indirect_vreg.gather [hbm4b:s4+s2], $0x80, v4, vm0, $0xb8;
	[tilespmem:$0x18600] =	vst v63  }
0x37d: {  	s16 =	simm.s32 $0x9E00  }
0x37e: {  	[tilespmem:s16], [sflag:$0x1] =	stream.indirect_vreg.gather [hbm4b:s6+s2], $0x80, v4, vm1, $0xb8;
	[tilespmem:$0x18600] =	vst v63  }
0x37f: {  	s20 =	simm.s32 $0xA200  }
0x380: {  	[tilespmem:s20], [sflag:$0x1] =	stream.indirect_vreg.gather [hbm4b:s4+s2], $0x80, v3, vm0, $0xb8;
	[tilespmem:$0x18600] =	vst v63  }
0x381: {  	s21 =	simm.s32 $0xAA00  }
0x382: {  	[tilespmem:s21], [sflag:$0x1] =	stream.indirect_vreg.gather [hbm4b:s6+s2], $0x80, v3, vm1, $0xb8;
	[tilespmem:$0x18600] =	vst v63  }
0x383: {  	v3 =	vld [tilespmem:$0x470];
	_ =	sdelay $0x4  }
0x384: {  	v39 =	vshrl.u32 v3, $0x3  }
0x385: {  	v4 =	vmul.u32 $0x18, v39  }
0x386: {  	v3 =	vand.u32 $0x7, v3  }
0x387: {  	v3 =	vor.u32 v3, v4  }
0x388: {  	v4 =	vperm.xlane v3, v0;
	_ =	sdelay $0x1  }
0x389: {  	v4 =	vadd.s32 v1, v4;
	_ =	sdelay $0x1  }
0x38a: {  	v3 =	vperm.xlane v3, v2;
	_ =	sdelay $0x1  }
0x38b: {  	s17 =	simm.s32 $0xAE00;
	v3 =	vadd.s32 v1, v3  }
0x38c: {  	[tilespmem:s17], [sflag:$0x1] =	stream.indirect_vreg.gather [hbm4b:s4+s2], $0x80, v4, vm0, $0xb8;
	[tilespmem:$0x18600] =	vst v63  }
0x38d: {  	s7 =	simm.s32 $0xB600  }
0x38e: {  	[tilespmem:s7], [sflag:$0x1] =	stream.indirect_vreg.gather [hbm4b:s6+s2], $0x80, v4, vm1, $0xb8;
	[tilespmem:$0x18600] =	vst v63  }
0x38f: {  	s17 =	simm.s32 $0xBA00  }
0x390: {  	[tilespmem:s17], [sflag:$0x1] =	stream.indirect_vreg.gather [hbm4b:s4+s2], $0x80, v3, vm0, $0xb8;
	[tilespmem:$0x18600] =	vst v63  }
0x391: {  	s24 =	simm.s32 $0xC200  }
0x392: {  	[tilespmem:s24], [sflag:$0x1] =	stream.indirect_vreg.gather [hbm4b:s6+s2], $0x80, v3, vm1, $0xb8;
	[tilespmem:$0x18600] =	vst v63  }
0x393: {  	_ =	swait.ge [sflag:s26], $0xC000  }
0x394: {  	[sflag:s26] =	ssyncset.done $0x0  }
0x395: {  	s7 =	rddreg [dreg:$0xc];
	[sflag:s26] =	ssyncadd.s32 $0xFFFF4000  }
0x396: {  	[hbm4b:s7+s2] =	stream.linear.scatter [tilespmem:s14], [sflag:$0x2], $0xC000, $0x38;
	[tilespmem:$0x18600] =	vst v63  }
0x397: {  	v3 =	vld [tilespmem:$0x480];
	_ =	sdelay $0x4  }
0x398: {  	v40 =	vshrl.u32 v3, $0x3  }
0x399: {  	v4 =	vmul.u32 $0x18, v40  }
0x39a: {  	v3 =	vand.u32 $0x7, v3  }
0x39b: {  	v3 =	vor.u32 v3, v4  }
0x39c: {  	v4 =	vperm.xlane v3, v0;
	_ =	sdelay $0x1  }
0x39d: {  	v4 =	vadd.s32 v1, v4;
	_ =	sdelay $0x1  }
0x39e: {  	v3 =	vperm.xlane v3, v2;
	_ =	sdelay $0x1  }
0x39f: {  	s7 =	simm.s32 $0xC600;
	v3 =	vadd.s32 v1, v3  }
0x3a0: {  	[tilespmem:s7], [sflag:$0x1] =	stream.indirect_vreg.gather [hbm4b:s4+s2], $0x80, v4, vm0, $0xb8;
	[tilespmem:$0x18600] =	vst v63  }
0x3a1: {  	s13 =	simm.s32 $0xCE00  }
0x3a2: {  	[tilespmem:s13], [sflag:$0x1] =	stream.indirect_vreg.gather [hbm4b:s6+s2], $0x80, v4, vm1, $0xb8;
	[tilespmem:$0x18600] =	vst v63  }
0x3a3: {  	s16 =	simm.s32 $0xD200  }
0x3a4: {  	[tilespmem:s16], [sflag:$0x1] =	stream.indirect_vreg.gather [hbm4b:s4+s2], $0x80, v3, vm0, $0xb8;
	[tilespmem:$0x18600] =	vst v63  }
0x3a5: {  	s13 =	simm.s32 $0xDA00  }
0x3a6: {  	[tilespmem:s13], [sflag:$0x1] =	stream.indirect_vreg.gather [hbm4b:s6+s2], $0x80, v3, vm1, $0xb8;
	[tilespmem:$0x18600] =	vst v63  }
0x3a7: {  	v3 =	vld [tilespmem:$0x490];
	_ =	sdelay $0x4  }
0x3a8: {  	v41 =	vshrl.u32 v3, $0x3  }
0x3a9: {  	v4 =	vmul.u32 $0x18, v41  }
0x3aa: {  	v3 =	vand.u32 $0x7, v3  }
0x3ab: {  	v3 =	vor.u32 v3, v4  }
0x3ac: {  	v4 =	vperm.xlane v3, v0;
	_ =	sdelay $0x1  }
0x3ad: {  	v4 =	vadd.s32 v1, v4;
	_ =	sdelay $0x1  }
0x3ae: {  	v3 =	vperm.xlane v3, v2;
	_ =	sdelay $0x1  }
0x3af: {  	s18 =	simm.s32 $0xDE00;
	v3 =	vadd.s32 v1, v3  }
0x3b0: {  	[tilespmem:s18], [sflag:$0x1] =	stream.indirect_vreg.gather [hbm4b:s4+s2], $0x80, v4, vm0, $0xb8;
	[tilespmem:$0x18600] =	vst v63  }
0x3b1: {  	s5 =	simm.s32 $0xE600  }
0x3b2: {  	[tilespmem:s5], [sflag:$0x1] =	stream.indirect_vreg.gather [hbm4b:s6+s2], $0x80, v4, vm1, $0xb8;
	[tilespmem:$0x18600] =	vst v63  }
0x3b3: {  	s18 =	simm.s32 $0xEA00  }
0x3b4: {  	[tilespmem:s18], [sflag:$0x1] =	stream.indirect_vreg.gather [hbm4b:s4+s2], $0x80, v3, vm0, $0xb8;
	[tilespmem:$0x18600] =	vst v63  }
0x3b5: {  	s11 =	simm.s32 $0xF200  }
0x3b6: {  	[tilespmem:s11], [sflag:$0x1] =	stream.indirect_vreg.gather [hbm4b:s6+s2], $0x80, v3, vm1, $0xb8;
	[tilespmem:$0x18600] =	vst v63  }
0x3b7: {  	v3 =	vld [tilespmem:$0x4A0];
	_ =	sdelay $0x4  }
0x3b8: {  	v42 =	vshrl.u32 v3, $0x3  }
0x3b9: {  	v4 =	vmul.u32 $0x18, v42  }
0x3ba: {  	v3 =	vand.u32 $0x7, v3  }
0x3bb: {  	v3 =	vor.u32 v3, v4  }
0x3bc: {  	v4 =	vperm.xlane v3, v0;
	_ =	sdelay $0x1  }
0x3bd: {  	v4 =	vadd.s32 v1, v4;
	_ =	sdelay $0x1  }
0x3be: {  	v3 =	vperm.xlane v3, v2;
	_ =	sdelay $0x1  }
0x3bf: {  	s15 =	simm.s32 $0xF600;
	v3 =	vadd.s32 v1, v3  }
0x3c0: {  	[tilespmem:s15], [sflag:$0x1] =	stream.indirect_vreg.gather [hbm4b:s4+s2], $0x80, v4, vm0, $0xb8;
	[tilespmem:$0x18600] =	vst v63  }
0x3c1: {  	s10 =	simm.s32 $0xFE00  }
0x3c2: {  	[tilespmem:s10], [sflag:$0x1] =	stream.indirect_vreg.gather [hbm4b:s6+s2], $0x80, v4, vm1, $0xb8;
	[tilespmem:$0x18600] =	vst v63  }
0x3c3: {  	s15 =	simm.s32 $0x10200  }
0x3c4: {  	[tilespmem:s15], [sflag:$0x1] =	stream.indirect_vreg.gather [hbm4b:s4+s2], $0x80, v3, vm0, $0xb8;
	[tilespmem:$0x18600] =	vst v63  }
0x3c5: {  	s10 =	simm.s32 $0x10A00  }
0x3c6: {  	[tilespmem:s10], [sflag:$0x1] =	stream.indirect_vreg.gather [hbm4b:s6+s2], $0x80, v3, vm1, $0xb8;
	[tilespmem:$0x18600] =	vst v63  }
0x3c7: {  	v3 =	vld [tilespmem:$0x4B0];
	_ =	sdelay $0x4  }
0x3c8: {  	v43 =	vshrl.u32 v3, $0x3  }
0x3c9: {  	v4 =	vmul.u32 $0x18, v43  }
0x3ca: {  	v3 =	vand.u32 $0x7, v3  }
0x3cb: {  	v3 =	vor.u32 v3, v4  }
0x3cc: {  	v4 =	vperm.xlane v3, v0;
	_ =	sdelay $0x1  }
0x3cd: {  	v4 =	vadd.s32 v1, v4;
	_ =	sdelay $0x1  }
0x3ce: {  	v3 =	vperm.xlane v3, v2;
	_ =	sdelay $0x1  }
0x3cf: {  	s11 =	simm.s32 $0x10E00;
	v3 =	vadd.s32 v1, v3  }
0x3d0: {  	[tilespmem:s11], [sflag:$0x1] =	stream.indirect_vreg.gather [hbm4b:s4+s2], $0x80, v4, vm0, $0xb8;
	[tilespmem:$0x18600] =	vst v63  }
0x3d1: {  	s11 =	simm.s32 $0x11600  }
0x3d2: {  	[tilespmem:s11], [sflag:$0x1] =	stream.indirect_vreg.gather [hbm4b:s6+s2], $0x80, v4, vm1, $0xb8;
	[tilespmem:$0x18600] =	vst v63  }
0x3d3: {  	s11 =	simm.s32 $0x11A00  }
0x3d4: {  	[tilespmem:s11], [sflag:$0x1] =	stream.indirect_vreg.gather [hbm4b:s4+s2], $0x80, v3, vm0, $0xb8;
	[tilespmem:$0x18600] =	vst v63  }
0x3d5: {  	s11 =	simm.s32 $0x12200  }
0x3d6: {  	[tilespmem:s11], [sflag:$0x1] =	stream.indirect_vreg.gather [hbm4b:s6+s2], $0x80, v3, vm1, $0xb8;
	[tilespmem:$0x18600] =	vst v63  }
0x3d7: {  	v3 =	vld [tilespmem:$0x4C0];
	_ =	sdelay $0x4  }
0x3d8: {  	v44 =	vshrl.u32 v3, $0x3  }
0x3d9: {  	v4 =	vmul.u32 $0x18, v44  }
0x3da: {  	v3 =	vand.u32 $0x7, v3  }
0x3db: {  	v3 =	vor.u32 v3, v4  }
0x3dc: {  	v4 =	vperm.xlane v3, v0;
	_ =	sdelay $0x1  }
0x3dd: {  	v4 =	vadd.s32 v1, v4;
	_ =	sdelay $0x1  }
0x3de: {  	v3 =	vperm.xlane v3, v2;
	_ =	sdelay $0x1  }
0x3df: {  	s11 =	simm.s32 $0x12600;
	v3 =	vadd.s32 v1, v3  }
0x3e0: {  	[tilespmem:s11], [sflag:$0x1] =	stream.indirect_vreg.gather [hbm4b:s4+s2], $0x80, v4, vm0, $0xb8;
	[tilespmem:$0x18600] =	vst v63  }
0x3e1: {  	s11 =	simm.s32 $0x12E00  }
0x3e2: {  	[tilespmem:s11], [sflag:$0x1] =	stream.indirect_vreg.gather [hbm4b:s6+s2], $0x80, v4, vm1, $0xb8;
	[tilespmem:$0x18600] =	vst v63  }
0x3e3: {  	s11 =	simm.s32 $0x13200  }
0x3e4: {  	[tilespmem:s11], [sflag:$0x1] =	stream.indirect_vreg.gather [hbm4b:s4+s2], $0x80, v3, vm0, $0xb8;
	[tilespmem:$0x18600] =	vst v63  }
0x3e5: {  	s11 =	simm.s32 $0x13A00  }
0x3e6: {  	[tilespmem:s11], [sflag:$0x1] =	stream.indirect_vreg.gather [hbm4b:s6+s2], $0x80, v3, vm1, $0xb8;
	[tilespmem:$0x18600] =	vst v63  }
0x3e7: {  	v3 =	vld [tilespmem:$0x4D0];
	_ =	sdelay $0x4  }
0x3e8: {  	v45 =	vshrl.u32 v3, $0x3  }
0x3e9: {  	v4 =	vmul.u32 $0x18, v45  }
0x3ea: {  	v3 =	vand.u32 $0x7, v3  }
0x3eb: {  	v3 =	vor.u32 v3, v4  }
0x3ec: {  	v4 =	vperm.xlane v3, v0;
	_ =	sdelay $0x1  }
0x3ed: {  	v4 =	vadd.s32 v1, v4;
	_ =	sdelay $0x1  }
0x3ee: {  	v3 =	vperm.xlane v3, v2;
	_ =	sdelay $0x1  }
0x3ef: {  	s11 =	simm.s32 $0x13E00;
	v3 =	vadd.s32 v1, v3  }
0x3f0: {  	[tilespmem:s11], [sflag:$0x1] =	stream.indirect_vreg.gather [hbm4b:s4+s2], $0x80, v4, vm0, $0xb8;
	[tilespmem:$0x18600] =	vst v63  }
0x3f1: {  	s11 =	simm.s32 $0x14600  }
0x3f2: {  	[tilespmem:s11], [sflag:$0x1] =	stream.indirect_vreg.gather [hbm4b:s6+s2], $0x80, v4, vm1, $0xb8;
	[tilespmem:$0x18600] =	vst v63  }
0x3f3: {  	s11 =	simm.s32 $0x14A00  }
0x3f4: {  	[tilespmem:s11], [sflag:$0x1] =	stream.indirect_vreg.gather [hbm4b:s4+s2], $0x80, v3, vm0, $0xb8;
	[tilespmem:$0x18600] =	vst v63  }
0x3f5: {  	s11 =	simm.s32 $0x15200  }
0x3f6: {  	[tilespmem:s11], [sflag:$0x1] =	stream.indirect_vreg.gather [hbm4b:s6+s2], $0x80, v3, vm1, $0xb8;
	[tilespmem:$0x18600] =	vst v63  }
0x3f7: {  	v3 =	vld [tilespmem:$0x4E0];
	_ =	sdelay $0x4  }
0x3f8: {  	v46 =	vshrl.u32 v3, $0x3  }
0x3f9: {  	v4 =	vmul.u32 $0x18, v46  }
0x3fa: {  	v3 =	vand.u32 $0x7, v3  }
0x3fb: {  	v3 =	vor.u32 v3, v4  }
0x3fc: {  	v4 =	vperm.xlane v3, v0;
	_ =	sdelay $0x1  }
0x3fd: {  	v4 =	vadd.s32 v1, v4;
	_ =	sdelay $0x1  }
0x3fe: {  	v3 =	vperm.xlane v3, v2;
	_ =	sdelay $0x1  }
0x3ff: {  	s11 =	simm.s32 $0x15600;
	v3 =	vadd.s32 v1, v3  }
0x400: {  	[tilespmem:s11], [sflag:$0x1] =	stream.indirect_vreg.gather [hbm4b:s4+s2], $0x80, v4, vm0, $0xb8;
	[tilespmem:$0x18600] =	vst v63  }
0x401: {  	s11 =	simm.s32 $0x15E00  }
0x402: {  	[tilespmem:s11], [sflag:$0x1] =	stream.indirect_vreg.gather [hbm4b:s6+s2], $0x80, v4, vm1, $0xb8;
	[tilespmem:$0x18600] =	vst v63  }
0x403: {  	s11 =	simm.s32 $0x16200  }
0x404: {  	[tilespmem:s11], [sflag:$0x1] =	stream.indirect_vreg.gather [hbm4b:s4+s2], $0x80, v3, vm0, $0xb8;
	[tilespmem:$0x18600] =	vst v63  }
0x405: {  	s11 =	simm.s32 $0x16A00  }
0x406: {  	[tilespmem:s11], [sflag:$0x1] =	stream.indirect_vreg.gather [hbm4b:s6+s2], $0x80, v3, vm1, $0xb8;
	[tilespmem:$0x18600] =	vst v63  }
0x407: {  	v3 =	vld [tilespmem:$0x4F0];
	_ =	sdelay $0x4  }
0x408: {  	v47 =	vshrl.u32 v3, $0x3  }
0x409: {  	v4 =	vmul.u32 $0x18, v47  }
0x40a: {  	v3 =	vand.u32 $0x7, v3  }
0x40b: {  	v3 =	vor.u32 v3, v4  }
0x40c: {  	v4 =	vperm.xlane v3, v0;
	_ =	sdelay $0x1  }
0x40d: {  	v4 =	vadd.s32 v1, v4;
	_ =	sdelay $0x1  }
0x40e: {  	v3 =	vperm.xlane v3, v2;
	_ =	sdelay $0x1  }
0x40f: {  	s11 =	simm.s32 $0x16E00;
	v3 =	vadd.s32 v1, v3  }
0x410: {  	[tilespmem:s11], [sflag:$0x1] =	stream.indirect_vreg.gather [hbm4b:s4+s2], $0x80, v4, vm0, $0xb8;
	[tilespmem:$0x18600] =	vst v63  }
0x411: {  	s11 =	simm.s32 $0x17600  }
0x412: {  	[tilespmem:s11], [sflag:$0x1] =	stream.indirect_vreg.gather [hbm4b:s6+s2], $0x80, v4, vm1, $0xb8;
	[tilespmem:$0x18600] =	vst v63  }
0x413: {  	s11 =	simm.s32 $0x17A00  }
0x414: {  	[tilespmem:s11], [sflag:$0x1] =	stream.indirect_vreg.gather [hbm4b:s4+s2], $0x80, v3, vm0, $0xb8;
	[tilespmem:$0x18600] =	vst v63  }
0x415: {  	s11 =	simm.s32 $0x18200  }
0x416: {  	[tilespmem:s11], [sflag:$0x1] =	stream.indirect_vreg.gather [hbm4b:s6+s2], $0x80, v3, vm1, $0xb8;
	[tilespmem:$0x18600] =	vst v63  }
0x417: {  	_ =	swait.ge [sflag:s26], $0xC000  }
0x418: {  	[sflag:s26] =	ssyncset.done $0x0  }
0x419: {  	s11 =	rddreg [dreg:$0xd];
	[sflag:s26] =	ssyncadd.s32 $0xFFFF4000  }
0x41a: {  	[hbm4b:s11+s2] =	stream.linear.scatter [tilespmem:s7], [sflag:$0x2], $0xC000, $0x38;
	[tilespmem:$0x18600] =	vst v63  }
0x41b: {  	_ =	swait.ge [sflag:s8], $0xC000  }
0x41c: {  	[sflag:s8] =	ssyncset.done $0x0  }
0x41d: {  	[sflag:s8] =	ssyncadd.s32 $0xFFFF4000  }
0x41e: {  	v3 =	vld [tilespmem:$0x500];
	_ =	sdelay $0x4  }
0x41f: {  	v48 =	vshrl.u32 v3, $0x3  }
0x420: {  	v4 =	vmul.u32 $0x18, v48  }
0x421: {  	v3 =	vand.u32 $0x7, v3  }
0x422: {  	v3 =	vor.u32 v3, v4  }
0x423: {  	v4 =	vperm.xlane v3, v0;
	_ =	sdelay $0x1  }
0x424: {  	v4 =	vadd.s32 v1, v4;
	_ =	sdelay $0x1  }
0x425: {  	v3 =	vperm.xlane v3, v2;
	_ =	sdelay $0x1  }
0x426: {  	v3 =	vadd.s32 v1, v3  }
0x427: {  	[tilespmem:s14], [sflag:$0x1] =	stream.indirect_vreg.gather [hbm4b:s4+s2], $0x80, v4, vm0, $0xb8;
	[tilespmem:$0x18600] =	vst v63  }
0x428: {  	s11 =	simm.s32 $0xE00  }
0x429: {  	[tilespmem:s11], [sflag:$0x1] =	stream.indirect_vreg.gather [hbm4b:s6+s2], $0x80, v4, vm1, $0xb8;
	[tilespmem:$0x18600] =	vst v63  }
0x42a: {  	_ = 	snop  }
0x42b: {  	[tilespmem:s0], [sflag:$0x1] =	stream.indirect_vreg.gather [hbm4b:s4+s2], $0x80, v3, vm0, $0xb8;
	[tilespmem:$0x18600] =	vst v63  }
0x42c: {  	_ = 	snop  }
0x42d: {  	[tilespmem:s9], [sflag:$0x1] =	stream.indirect_vreg.gather [hbm4b:s6+s2], $0x80, v3, vm1, $0xb8;
	[tilespmem:$0x18600] =	vst v63  }
0x42e: {  	v3 =	vld [tilespmem:$0x510];
	_ =	sdelay $0x4  }
0x42f: {  	v49 =	vshrl.u32 v3, $0x3  }
0x430: {  	v4 =	vmul.u32 $0x18, v49  }
0x431: {  	v3 =	vand.u32 $0x7, v3  }
0x432: {  	v3 =	vor.u32 v3, v4  }
0x433: {  	v4 =	vperm.xlane v3, v0;
	_ =	sdelay $0x1  }
0x434: {  	v4 =	vadd.s32 v1, v4;
	_ =	sdelay $0x1  }
0x435: {  	v3 =	vperm.xlane v3, v2;
	_ =	sdelay $0x1  }
0x436: {  	s9 =	simm.s32 $0x1E00;
	v3 =	vadd.s32 v1, v3  }
0x437: {  	[tilespmem:s9], [sflag:$0x1] =	stream.indirect_vreg.gather [hbm4b:s4+s2], $0x80, v4, vm0, $0xb8;
	[tilespmem:$0x18600] =	vst v63  }
0x438: {  	s11 =	simm.s32 $0x2600  }
0x439: {  	[tilespmem:s11], [sflag:$0x1] =	stream.indirect_vreg.gather [hbm4b:s6+s2], $0x80, v4, vm1, $0xb8;
	[tilespmem:$0x18600] =	vst v63  }
0x43a: {  	_ = 	snop  }
0x43b: {  	[tilespmem:s1], [sflag:$0x1] =	stream.indirect_vreg.gather [hbm4b:s4+s2], $0x80, v3, vm0, $0xb8;
	[tilespmem:$0x18600] =	vst v63  }
0x43c: {  	_ = 	snop  }
0x43d: {  	[tilespmem:s12], [sflag:$0x1] =	stream.indirect_vreg.gather [hbm4b:s6+s2], $0x80, v3, vm1, $0xb8;
	[tilespmem:$0x18600] =	vst v63  }
0x43e: {  	v3 =	vld [tilespmem:$0x520];
	_ =	sdelay $0x4  }
0x43f: {  	v50 =	vshrl.u32 v3, $0x3  }
0x440: {  	v4 =	vmul.u32 $0x18, v50  }
0x441: {  	v3 =	vand.u32 $0x7, v3  }
0x442: {  	v3 =	vor.u32 v3, v4  }
0x443: {  	v4 =	vperm.xlane v3, v0;
	_ =	sdelay $0x1  }
0x444: {  	v4 =	vadd.s32 v1, v4;
	_ =	sdelay $0x1  }
0x445: {  	v3 =	vperm.xlane v3, v2;
	_ =	sdelay $0x1  }
0x446: {  	s12 =	simm.s32 $0x3600;
	v3 =	vadd.s32 v1, v3  }
0x447: {  	[tilespmem:s12], [sflag:$0x1] =	stream.indirect_vreg.gather [hbm4b:s4+s2], $0x80, v4, vm0, $0xb8;
	[tilespmem:$0x18600] =	vst v63  }
0x448: {  	s1 =	simm.s32 $0x3E00  }
0x449: {  	[tilespmem:s1], [sflag:$0x1] =	stream.indirect_vreg.gather [hbm4b:s6+s2], $0x80, v4, vm1, $0xb8;
	[tilespmem:$0x18600] =	vst v63  }
0x44a: {  	_ = 	snop  }
0x44b: {  	[tilespmem:s19], [sflag:$0x1] =	stream.indirect_vreg.gather [hbm4b:s4+s2], $0x80, v3, vm0, $0xb8;
	[tilespmem:$0x18600] =	vst v63  }
0x44c: {  	_ = 	snop  }
0x44d: {  	[tilespmem:s22], [sflag:$0x1] =	stream.indirect_vreg.gather [hbm4b:s6+s2], $0x80, v3, vm1, $0xb8;
	[tilespmem:$0x18600] =	vst v63  }
0x44e: {  	v3 =	vld [tilespmem:$0x530];
	_ =	sdelay $0x4  }
0x44f: {  	v51 =	vshrl.u32 v3, $0x3  }
0x450: {  	v4 =	vmul.u32 $0x18, v51  }
0x451: {  	v3 =	vand.u32 $0x7, v3  }
0x452: {  	v3 =	vor.u32 v3, v4  }
0x453: {  	v4 =	vperm.xlane v3, v0;
	_ =	sdelay $0x1  }
0x454: {  	v4 =	vadd.s32 v1, v4;
	_ =	sdelay $0x1  }
0x455: {  	v3 =	vperm.xlane v3, v2;
	_ =	sdelay $0x1  }
0x456: {  	s9 =	simm.s32 $0x4E00;
	v3 =	vadd.s32 v1, v3  }
0x457: {  	[tilespmem:s9], [sflag:$0x1] =	stream.indirect_vreg.gather [hbm4b:s4+s2], $0x80, v4, vm0, $0xb8;
	[tilespmem:$0x18600] =	vst v63  }
0x458: {  	s11 =	simm.s32 $0x5600  }
0x459: {  	[tilespmem:s11], [sflag:$0x1] =	stream.indirect_vreg.gather [hbm4b:s6+s2], $0x80, v4, vm1, $0xb8;
	[tilespmem:$0x18600] =	vst v63  }
0x45a: {  	_ = 	snop  }
0x45b: {  	[tilespmem:s28], [sflag:$0x1] =	stream.indirect_vreg.gather [hbm4b:s4+s2], $0x80, v3, vm0, $0xb8;
	[tilespmem:$0x18600] =	vst v63  }
0x45c: {  	_ = 	snop  }
0x45d: {  	[tilespmem:s29], [sflag:$0x1] =	stream.indirect_vreg.gather [hbm4b:s6+s2], $0x80, v3, vm1, $0xb8;
	[tilespmem:$0x18600] =	vst v63  }
0x45e: {  	v3 =	vld [tilespmem:$0x540];
	_ =	sdelay $0x4  }
0x45f: {  	v52 =	vshrl.u32 v3, $0x3  }
0x460: {  	v4 =	vmul.u32 $0x18, v52  }
0x461: {  	v3 =	vand.u32 $0x7, v3  }
0x462: {  	v3 =	vor.u32 v3, v4  }
0x463: {  	v4 =	vperm.xlane v3, v0;
	_ =	sdelay $0x1  }
0x464: {  	v4 =	vadd.s32 v1, v4;
	_ =	sdelay $0x1  }
0x465: {  	v3 =	vperm.xlane v3, v2;
	_ =	sdelay $0x1  }
0x466: {  	s12 =	simm.s32 $0x6600;
	v3 =	vadd.s32 v1, v3  }
0x467: {  	[tilespmem:s12], [sflag:$0x1] =	stream.indirect_vreg.gather [hbm4b:s4+s2], $0x80, v4, vm0, $0xb8;
	[tilespmem:$0x18600] =	vst v63  }
0x468: {  	s19 =	simm.s32 $0x6E00  }
0x469: {  	[tilespmem:s19], [sflag:$0x1] =	stream.indirect_vreg.gather [hbm4b:s6+s2], $0x80, v4, vm1, $0xb8;
	[tilespmem:$0x18600] =	vst v63  }
0x46a: {  	_ = 	snop  }
0x46b: {  	[tilespmem:s30], [sflag:$0x1] =	stream.indirect_vreg.gather [hbm4b:s4+s2], $0x80, v3, vm0, $0xb8;
	[tilespmem:$0x18600] =	vst v63  }
0x46c: {  	_ = 	snop  }
0x46d: {  	[tilespmem:s23], [sflag:$0x1] =	stream.indirect_vreg.gather [hbm4b:s6+s2], $0x80, v3, vm1, $0xb8;
	[tilespmem:$0x18600] =	vst v63  }
0x46e: {  	v3 =	vld [tilespmem:$0x550];
	_ =	sdelay $0x4  }
0x46f: {  	v53 =	vshrl.u32 v3, $0x3  }
0x470: {  	v4 =	vmul.u32 $0x18, v53  }
0x471: {  	v3 =	vand.u32 $0x7, v3  }
0x472: {  	v3 =	vor.u32 v3, v4  }
0x473: {  	v4 =	vperm.xlane v3, v0;
	_ =	sdelay $0x1  }
0x474: {  	v4 =	vadd.s32 v1, v4;
	_ =	sdelay $0x1  }
0x475: {  	v3 =	vperm.xlane v3, v2;
	_ =	sdelay $0x1  }
0x476: {  	s22 =	simm.s32 $0x7E00;
	v3 =	vadd.s32 v1, v3  }
0x477: {  	[tilespmem:s22], [sflag:$0x1] =	stream.indirect_vreg.gather [hbm4b:s4+s2], $0x80, v4, vm0, $0xb8;
	[tilespmem:$0x18600] =	vst v63  }
0x478: {  	s23 =	simm.s32 $0x8600  }
0x479: {  	[tilespmem:s23], [sflag:$0x1] =	stream.indirect_vreg.gather [hbm4b:s6+s2], $0x80, v4, vm1, $0xb8;
	[tilespmem:$0x18600] =	vst v63  }
0x47a: {  	_ = 	snop  }
0x47b: {  	[tilespmem:s31], [sflag:$0x1] =	stream.indirect_vreg.gather [hbm4b:s4+s2], $0x80, v3, vm0, $0xb8;
	[tilespmem:$0x18600] =	vst v63  }
0x47c: {  	_ = 	snop  }
0x47d: {  	[tilespmem:s25], [sflag:$0x1] =	stream.indirect_vreg.gather [hbm4b:s6+s2], $0x80, v3, vm1, $0xb8;
	[tilespmem:$0x18600] =	vst v63  }
0x47e: {  	v3 =	vld [tilespmem:$0x560];
	_ =	sdelay $0x4  }
0x47f: {  	v54 =	vshrl.u32 v3, $0x3  }
0x480: {  	v4 =	vmul.u32 $0x18, v54  }
0x481: {  	v3 =	vand.u32 $0x7, v3  }
0x482: {  	v3 =	vor.u32 v3, v4  }
0x483: {  	v4 =	vperm.xlane v3, v0;
	_ =	sdelay $0x1  }
0x484: {  	v4 =	vadd.s32 v1, v4;
	_ =	sdelay $0x1  }
0x485: {  	v3 =	vperm.xlane v3, v2;
	_ =	sdelay $0x1  }
0x486: {  	s28 =	simm.s32 $0x9600;
	v3 =	vadd.s32 v1, v3  }
0x487: {  	[tilespmem:s28], [sflag:$0x1] =	stream.indirect_vreg.gather [hbm4b:s4+s2], $0x80, v4, vm0, $0xb8;
	[tilespmem:$0x18600] =	vst v63  }
0x488: {  	s29 =	simm.s32 $0x9E00  }
0x489: {  	[tilespmem:s29], [sflag:$0x1] =	stream.indirect_vreg.gather [hbm4b:s6+s2], $0x80, v4, vm1, $0xb8;
	[tilespmem:$0x18600] =	vst v63  }
0x48a: {  	_ = 	snop  }
0x48b: {  	[tilespmem:s20], [sflag:$0x1] =	stream.indirect_vreg.gather [hbm4b:s4+s2], $0x80, v3, vm0, $0xb8;
	[tilespmem:$0x18600] =	vst v63  }
0x48c: {  	_ = 	snop  }
0x48d: {  	[tilespmem:s21], [sflag:$0x1] =	stream.indirect_vreg.gather [hbm4b:s6+s2], $0x80, v3, vm1, $0xb8;
	[tilespmem:$0x18600] =	vst v63  }
0x48e: {  	v3 =	vld [tilespmem:$0x570];
	_ =	sdelay $0x4  }
0x48f: {  	v55 =	vshrl.u32 v3, $0x3  }
0x490: {  	v4 =	vmul.u32 $0x18, v55  }
0x491: {  	v3 =	vand.u32 $0x7, v3  }
0x492: {  	v3 =	vor.u32 v3, v4  }
0x493: {  	v4 =	vperm.xlane v3, v0;
	_ =	sdelay $0x1  }
0x494: {  	v4 =	vadd.s32 v1, v4;
	_ =	sdelay $0x1  }
0x495: {  	v3 =	vperm.xlane v3, v2;
	_ =	sdelay $0x1  }
0x496: {  	s30 =	simm.s32 $0xAE00;
	v3 =	vadd.s32 v1, v3  }
0x497: {  	[tilespmem:s30], [sflag:$0x1] =	stream.indirect_vreg.gather [hbm4b:s4+s2], $0x80, v4, vm0, $0xb8;
	[tilespmem:$0x18600] =	vst v63  }
0x498: {  	s31 =	simm.s32 $0xB600  }
0x499: {  	[tilespmem:s31], [sflag:$0x1] =	stream.indirect_vreg.gather [hbm4b:s6+s2], $0x80, v4, vm1, $0xb8;
	[tilespmem:$0x18600] =	vst v63  }
0x49a: {  	_ = 	snop  }
0x49b: {  	[tilespmem:s17], [sflag:$0x1] =	stream.indirect_vreg.gather [hbm4b:s4+s2], $0x80, v3, vm0, $0xb8;
	[tilespmem:$0x18600] =	vst v63  }
0x49c: {  	_ = 	snop  }
0x49d: {  	[tilespmem:s24], [sflag:$0x1] =	stream.indirect_vreg.gather [hbm4b:s6+s2], $0x80, v3, vm1, $0xb8;
	[tilespmem:$0x18600] =	vst v63  }
0x49e: {  	s1 =	rddreg [dreg:$0x18];
	_ =	swait.ge [sflag:s26], $0xC000  }
0x49f: {  	[sflag:s26] =	ssyncset.done $0x0  }
0x4a0: {  	s9 =	rddreg [dreg:$0xe];
	[sflag:s26] =	ssyncadd.s32 $0xFFFF4000  }
0x4a1: {  	[hbm4b:s9+s2] =	stream.linear.scatter [tilespmem:s14], [sflag:$0x2], $0xC000, $0x38;
	[tilespmem:$0x18600] =	vst v63  }
0x4a2: {  	_ =	swait.ge [sflag:s8], $0xC000  }
0x4a3: {  	[sflag:s8] =	ssyncset.done $0x0  }
0x4a4: {  	[sflag:s8] =	ssyncadd.s32 $0xFFFF4000  }
0x4a5: {  	v3 =	vld [tilespmem:$0x580];
	_ =	sdelay $0x4  }
0x4a6: {  	v56 =	vshrl.u32 v3, $0x3  }
0x4a7: {  	v4 =	vmul.u32 $0x18, v56  }
0x4a8: {  	v3 =	vand.u32 $0x7, v3  }
0x4a9: {  	v3 =	vor.u32 v3, v4  }
0x4aa: {  	v4 =	vperm.xlane v3, v0;
	_ =	sdelay $0x1  }
0x4ab: {  	v4 =	vadd.s32 v1, v4;
	_ =	sdelay $0x1  }
0x4ac: {  	v3 =	vperm.xlane v3, v2;
	_ =	sdelay $0x1  }
0x4ad: {  	s7 =	simm.s32 $0xC600;
	v3 =	vadd.s32 v1, v3  }
0x4ae: {  	[tilespmem:s7], [sflag:$0x1] =	stream.indirect_vreg.gather [hbm4b:s4+s2], $0x80, v4, vm0, $0xb8;
	[tilespmem:$0x18600] =	vst v63  }
0x4af: {  	s11 =	simm.s32 $0xCE00  }
0x4b0: {  	[tilespmem:s11], [sflag:$0x1] =	stream.indirect_vreg.gather [hbm4b:s6+s2], $0x80, v4, vm1, $0xb8;
	[tilespmem:$0x18600] =	vst v63  }
0x4b1: {  	_ = 	snop  }
0x4b2: {  	[tilespmem:s16], [sflag:$0x1] =	stream.indirect_vreg.gather [hbm4b:s4+s2], $0x80, v3, vm0, $0xb8;
	[tilespmem:$0x18600] =	vst v63  }
0x4b3: {  	_ = 	snop  }
0x4b4: {  	[tilespmem:s13], [sflag:$0x1] =	stream.indirect_vreg.gather [hbm4b:s6+s2], $0x80, v3, vm1, $0xb8;
	[tilespmem:$0x18600] =	vst v63  }
0x4b5: {  	v3 =	vld [tilespmem:$0x590];
	_ =	sdelay $0x4  }
0x4b6: {  	v57 =	vshrl.u32 v3, $0x3  }
0x4b7: {  	v4 =	vmul.u32 $0x18, v57  }
0x4b8: {  	v3 =	vand.u32 $0x7, v3  }
0x4b9: {  	v3 =	vor.u32 v3, v4  }
0x4ba: {  	v4 =	vperm.xlane v3, v0;
	_ =	sdelay $0x1  }
0x4bb: {  	v4 =	vadd.s32 v1, v4;
	_ =	sdelay $0x1  }
0x4bc: {  	v3 =	vperm.xlane v3, v2;
	_ =	sdelay $0x1  }
0x4bd: {  	s12 =	simm.s32 $0xDE00;
	v3 =	vadd.s32 v1, v3  }
0x4be: {  	[tilespmem:s12], [sflag:$0x1] =	stream.indirect_vreg.gather [hbm4b:s4+s2], $0x80, v4, vm0, $0xb8;
	[tilespmem:$0x18600] =	vst v63  }
0x4bf: {  	s13 =	simm.s32 $0xE600  }
0x4c0: {  	[tilespmem:s13], [sflag:$0x1] =	stream.indirect_vreg.gather [hbm4b:s6+s2], $0x80, v4, vm1, $0xb8;
	[tilespmem:$0x18600] =	vst v63  }
0x4c1: {  	_ = 	snop  }
0x4c2: {  	[tilespmem:s18], [sflag:$0x1] =	stream.indirect_vreg.gather [hbm4b:s4+s2], $0x80, v3, vm0, $0xb8;
	[tilespmem:$0x18600] =	vst v63  }
0x4c3: {  	s16 =	simm.s32 $0xF200  }
0x4c4: {  	[tilespmem:s16], [sflag:$0x1] =	stream.indirect_vreg.gather [hbm4b:s6+s2], $0x80, v3, vm1, $0xb8;
	[tilespmem:$0x18600] =	vst v63  }
0x4c5: {  	v3 =	vld [tilespmem:$0x5A0];
	_ =	sdelay $0x4  }
0x4c6: {  	v58 =	vshrl.u32 v3, $0x3  }
0x4c7: {  	v4 =	vmul.u32 $0x18, v58  }
0x4c8: {  	v3 =	vand.u32 $0x7, v3  }
0x4c9: {  	v3 =	vor.u32 v3, v4  }
0x4ca: {  	v4 =	vperm.xlane v3, v0;
	_ =	sdelay $0x1  }
0x4cb: {  	v4 =	vadd.s32 v1, v4;
	_ =	sdelay $0x1  }
0x4cc: {  	v3 =	vperm.xlane v3, v2;
	_ =	sdelay $0x1  }
0x4cd: {  	s5 =	simm.s32 $0xF600;
	v3 =	vadd.s32 v1, v3  }
0x4ce: {  	[tilespmem:s5], [sflag:$0x1] =	stream.indirect_vreg.gather [hbm4b:s4+s2], $0x80, v4, vm0, $0xb8;
	[tilespmem:$0x18600] =	vst v63  }
0x4cf: {  	s17 =	simm.s32 $0xFE00  }
0x4d0: {  	[tilespmem:s17], [sflag:$0x1] =	stream.indirect_vreg.gather [hbm4b:s6+s2], $0x80, v4, vm1, $0xb8;
	[tilespmem:$0x18600] =	vst v63  }
0x4d1: {  	_ = 	snop  }
0x4d2: {  	[tilespmem:s15], [sflag:$0x1] =	stream.indirect_vreg.gather [hbm4b:s4+s2], $0x80, v3, vm0, $0xb8;
	[tilespmem:$0x18600] =	vst v63  }
0x4d3: {  	_ = 	snop  }
0x4d4: {  	[tilespmem:s10], [sflag:$0x1] =	stream.indirect_vreg.gather [hbm4b:s6+s2], $0x80, v3, vm1, $0xb8;
	[tilespmem:$0x18600] =	vst v63  }
0x4d5: {  	v3 =	vld [tilespmem:$0x5B0];
	_ =	sdelay $0x4  }
0x4d6: {  	v59 =	vshrl.u32 v3, $0x3  }
0x4d7: {  	v4 =	vmul.u32 $0x18, v59  }
0x4d8: {  	v3 =	vand.u32 $0x7, v3  }
0x4d9: {  	v3 =	vor.u32 v3, v4  }
0x4da: {  	v4 =	vperm.xlane v3, v0;
	_ =	sdelay $0x1  }
0x4db: {  	v4 =	vadd.s32 v1, v4;
	_ =	sdelay $0x1  }
0x4dc: {  	v3 =	vperm.xlane v3, v2;
	_ =	sdelay $0x1  }
0x4dd: {  	s18 =	simm.s32 $0x10E00;
	v3 =	vadd.s32 v1, v3  }
0x4de: {  	[tilespmem:s18], [sflag:$0x1] =	stream.indirect_vreg.gather [hbm4b:s4+s2], $0x80, v4, vm0, $0xb8;
	[tilespmem:$0x18600] =	vst v63  }
0x4df: {  	s19 =	simm.s32 $0x11600  }
0x4e0: {  	[tilespmem:s19], [sflag:$0x1] =	stream.indirect_vreg.gather [hbm4b:s6+s2], $0x80, v4, vm1, $0xb8;
	[tilespmem:$0x18600] =	vst v63  }
0x4e1: {  	s20 =	simm.s32 $0x11A00  }
0x4e2: {  	[tilespmem:s20], [sflag:$0x1] =	stream.indirect_vreg.gather [hbm4b:s4+s2], $0x80, v3, vm0, $0xb8;
	[tilespmem:$0x18600] =	vst v63  }
0x4e3: {  	s21 =	simm.s32 $0x12200  }
0x4e4: {  	[tilespmem:s21], [sflag:$0x1] =	stream.indirect_vreg.gather [hbm4b:s6+s2], $0x80, v3, vm1, $0xb8;
	[tilespmem:$0x18600] =	vst v63  }
0x4e5: {  	v3 =	vld [tilespmem:$0x5C0];
	_ =	sdelay $0x4  }
0x4e6: {  	v60 =	vshrl.u32 v3, $0x3  }
0x4e7: {  	v4 =	vmul.u32 $0x18, v60  }
0x4e8: {  	v3 =	vand.u32 $0x7, v3  }
0x4e9: {  	v3 =	vor.u32 v3, v4  }
0x4ea: {  	v4 =	vperm.xlane v3, v0;
	_ =	sdelay $0x1  }
0x4eb: {  	v4 =	vadd.s32 v1, v4;
	_ =	sdelay $0x1  }
0x4ec: {  	v3 =	vperm.xlane v3, v2;
	_ =	sdelay $0x1  }
0x4ed: {  	s22 =	simm.s32 $0x12600;
	v3 =	vadd.s32 v1, v3  }
0x4ee: {  	[tilespmem:s22], [sflag:$0x1] =	stream.indirect_vreg.gather [hbm4b:s4+s2], $0x80, v4, vm0, $0xb8;
	[tilespmem:$0x18600] =	vst v63  }
0x4ef: {  	s23 =	simm.s32 $0x12E00  }
0x4f0: {  	[tilespmem:s23], [sflag:$0x1] =	stream.indirect_vreg.gather [hbm4b:s6+s2], $0x80, v4, vm1, $0xb8;
	[tilespmem:$0x18600] =	vst v63  }
0x4f1: {  	s24 =	simm.s32 $0x13200  }
0x4f2: {  	[tilespmem:s24], [sflag:$0x1] =	stream.indirect_vreg.gather [hbm4b:s4+s2], $0x80, v3, vm0, $0xb8;
	[tilespmem:$0x18600] =	vst v63  }
0x4f3: {  	s25 =	simm.s32 $0x13A00  }
0x4f4: {  	[tilespmem:s25], [sflag:$0x1] =	stream.indirect_vreg.gather [hbm4b:s6+s2], $0x80, v3, vm1, $0xb8;
	[tilespmem:$0x18600] =	vst v63  }
0x4f5: {  	v3 =	vld [tilespmem:$0x5D0];
	_ =	sdelay $0x4  }
0x4f6: {  	v61 =	vshrl.u32 v3, $0x3  }
0x4f7: {  	v4 =	vmul.u32 $0x18, v61  }
0x4f8: {  	v3 =	vand.u32 $0x7, v3  }
0x4f9: {  	v3 =	vor.u32 v3, v4  }
0x4fa: {  	v4 =	vperm.xlane v3, v0;
	_ =	sdelay $0x1  }
0x4fb: {  	v4 =	vadd.s32 v1, v4;
	_ =	sdelay $0x1  }
0x4fc: {  	v3 =	vperm.xlane v3, v2;
	_ =	sdelay $0x1  }
0x4fd: {  	s28 =	simm.s32 $0x13E00;
	v3 =	vadd.s32 v1, v3  }
0x4fe: {  	[tilespmem:s28], [sflag:$0x1] =	stream.indirect_vreg.gather [hbm4b:s4+s2], $0x80, v4, vm0, $0xb8;
	[tilespmem:$0x18600] =	vst v63  }
0x4ff: {  	s29 =	simm.s32 $0x14600  }
0x500: {  	[tilespmem:s29], [sflag:$0x1] =	stream.indirect_vreg.gather [hbm4b:s6+s2], $0x80, v4, vm1, $0xb8;
	[tilespmem:$0x18600] =	vst v63  }
0x501: {  	s30 =	simm.s32 $0x14A00  }
0x502: {  	[tilespmem:s30], [sflag:$0x1] =	stream.indirect_vreg.gather [hbm4b:s4+s2], $0x80, v3, vm0, $0xb8;
	[tilespmem:$0x18600] =	vst v63  }
0x503: {  	s31 =	simm.s32 $0x15200  }
0x504: {  	[tilespmem:s31], [sflag:$0x1] =	stream.indirect_vreg.gather [hbm4b:s6+s2], $0x80, v3, vm1, $0xb8;
	[tilespmem:$0x18600] =	vst v63  }
0x505: {  	v3 =	vld [tilespmem:$0x5E0];
	_ =	sdelay $0x4  }
0x506: {  	v62 =	vshrl.u32 v3, $0x3  }
0x507: {  	v4 =	vmul.u32 $0x18, v62  }
0x508: {  	v3 =	vand.u32 $0x7, v3  }
0x509: {  	v3 =	vor.u32 v3, v4  }
0x50a: {  	v4 =	vperm.xlane v3, v0;
	_ =	sdelay $0x1  }
0x50b: {  	v4 =	vadd.s32 v1, v4;
	_ =	sdelay $0x1  }
0x50c: {  	v3 =	vperm.xlane v3, v2;
	_ =	sdelay $0x1  }
0x50d: {  	s5 =	simm.s32 $0x15600;
	v3 =	vadd.s32 v1, v3  }
0x50e: {  	[tilespmem:s5], [sflag:$0x1] =	stream.indirect_vreg.gather [hbm4b:s4+s2], $0x80, v4, vm0, $0xb8;
	[tilespmem:$0x18600] =	vst v63  }
0x50f: {  	s9 =	simm.s32 $0x15E00  }
0x510: {  	[tilespmem:s9], [sflag:$0x1] =	stream.indirect_vreg.gather [hbm4b:s6+s2], $0x80, v4, vm1, $0xb8;
	[tilespmem:$0x18600] =	vst v63  }
0x511: {  	s10 =	simm.s32 $0x16200  }
0x512: {  	[tilespmem:s10], [sflag:$0x1] =	stream.indirect_vreg.gather [hbm4b:s4+s2], $0x80, v3, vm0, $0xb8;
	[tilespmem:$0x18600] =	vst v63  }
0x513: {  	s11 =	simm.s32 $0x16A00  }
0x514: {  	[tilespmem:s11], [sflag:$0x1] =	stream.indirect_vreg.gather [hbm4b:s6+s2], $0x80, v3, vm1, $0xb8;
	[tilespmem:$0x18600] =	vst v63  }
0x515: {  	v3 =	vld [tilespmem:$0x5F0];
	_ =	sdelay $0x4  }
0x516: {  	v63 =	vshrl.u32 v3, $0x3  }
0x517: {  	v4 =	vmul.u32 $0x18, v63  }
0x518: {  	v3 =	vand.u32 $0x7, v3  }
0x519: {  	v3 =	vor.u32 v3, v4  }
0x51a: {  	v4 =	vperm.xlane v3, v0;
	_ =	sdelay $0x1  }
0x51b: {  	v4 =	vadd.s32 v1, v4;
	_ =	sdelay $0x1  }
0x51c: {  	v3 =	vperm.xlane v3, v2;
	_ =	sdelay $0x1  }
0x51d: {  	s12 =	simm.s32 $0x16E00;
	v3 =	vadd.s32 v1, v3  }
0x51e: {  	[tilespmem:s12], [sflag:$0x1] =	stream.indirect_vreg.gather [hbm4b:s4+s2], $0x80, v4, vm0, $0xb8;
	[tilespmem:$0x18600] =	vst v63  }
0x51f: {  	s13 =	simm.s32 $0x17600  }
0x520: {  	[tilespmem:s13], [sflag:$0x1] =	stream.indirect_vreg.gather [hbm4b:s6+s2], $0x80, v4, vm1, $0xb8;
	[tilespmem:$0x18600] =	vst v63  }
0x521: {  	s15 =	simm.s32 $0x17A00  }
0x522: {  	[tilespmem:s15], [sflag:$0x1] =	stream.indirect_vreg.gather [hbm4b:s4+s2], $0x80, v3, vm0, $0xb8;
	[tilespmem:$0x18600] =	vst v63  }
0x523: {  	s16 =	simm.s32 $0x18200  }
0x524: {  	[tilespmem:s16], [sflag:$0x1] =	stream.indirect_vreg.gather [hbm4b:s6+s2], $0x80, v3, vm1, $0xb8;
	[tilespmem:$0x18600] =	vst v63  }
0x525: {  	_ =	swait.ge [sflag:s26], $0xC000  }
0x526: {  	[sflag:s26] =	ssyncset.done $0x0  }
0x527: {  	s17 =	rddreg [dreg:$0xf];
	[sflag:s26] =	ssyncadd.s32 $0xFFFF4000  }
0x528: {  	[hbm4b:s17+s2] =	stream.linear.scatter [tilespmem:s7], [sflag:$0x2], $0xC000, $0x38;
	[tilespmem:$0x18600] =	vst v63  }
0x529: {  	_ =	swait.ge [sflag:s8], $0xC000  }
0x52a: {  	[sflag:s8] =	ssyncset.done $0x0  }
0x52b: {  	[sflag:s8] =	ssyncadd.s32 $0xFFFF4000  }
0x52c: {  	_ =	swait.ge [sflag:s8], $0xC000  }
0x52d: {  	s19 =	simm.s32 $0x80;
	[sflag:s8] =	ssyncset.done $0x0  }
0x52e: {  	s20 =	simm.s32 $0x400;
	s18 =	rddreg [dreg:$0x17];
	[sflag:s8] =	ssyncadd.s32 $0xFFFF4000  }
0x52f: {  	[tilespmem:s14], [sflag:$0x1] =	stream.indirect.gather [hbm4b:s18+s19], $0x80, s20, s19, $0xb8;
	[tilespmem:$0x18600] =	vst v63  }
0x530: {  	_ =	swait.ge [sflag:s26], $0x4000  }
0x531: {  	[sflag:s26] =	ssyncset.done $0x0  }
0x532: {  	s21 =	rddreg [dreg:$0x10];
	[sflag:s26] =	ssyncadd.s32 $0xFFFFC000  }
0x533: {  	[hbm4b:s21+s2] =	stream.linear.scatter [tilespmem:s14], [sflag:$0x2], $0x4000, $0x38;
	[tilespmem:$0x18600] =	vst v63  }
0x534: {  	s23 =	simm.s32 $0x4600;
	s22 =	rddreg [dreg:$0x14]  }
0x535: {  	[tilespmem:s23], [sflag:$0x1] =	stream.indirect.gather [hbm4b:s18+s19], $0x80, s22, s19, $0xb8;
	[tilespmem:$0x18600] =	vst v63  }
0x536: {  	_ =	swait.ge [sflag:s26], $0x4000  }
0x537: {  	[sflag:s26] =	ssyncset.done $0x0  }
0x538: {  	s24 =	rddreg [dreg:$0x11];
	[sflag:s26] =	ssyncadd.s32 $0xFFFFC000  }
0x539: {  	[hbm4b:s24+s2] =	stream.linear.scatter [tilespmem:s23], [sflag:$0x2], $0x4000, $0x38;
	[tilespmem:$0x18600] =	vst v63  }
0x53a: {  	_ =	swait.ge [sflag:s8], $0x4000  }
0x53b: {  	[sflag:s8] =	ssyncset.done $0x0  }
0x53c: {  	s28 =	rddreg [dreg:$0x15];
	[sflag:s8] =	ssyncadd.s32 $0xFFFFC000  }
0x53d: {  	[tilespmem:s14], [sflag:$0x1] =	stream.indirect.gather [hbm4b:s18+s19], $0x80, s28, s19, $0xb8;
	[tilespmem:$0x18600] =	vst v63  }
0x53e: {  	_ =	swait.ge [sflag:s26], $0x4000  }
0x53f: {  	[sflag:s26] =	ssyncset.done $0x0  }
0x540: {  	s29 =	rddreg [dreg:$0x12];
	[sflag:s26] =	ssyncadd.s32 $0xFFFFC000  }
0x541: {  	[hbm4b:s29+s2] =	stream.linear.scatter [tilespmem:s14], [sflag:$0x2], $0x4000, $0x38;
	[tilespmem:$0x18600] =	vst v63  }
0x542: {  	_ =	swait.ge [sflag:s8], $0x4000  }
0x543: {  	[sflag:s8] =	ssyncset.done $0x0  }
0x544: {  	s25 =	simm.s32 $0x4600;
	s30 =	rddreg [dreg:$0x16];
	[sflag:s8] =	ssyncadd.s32 $0xFFFFC000  }
0x545: {  	[tilespmem:s25], [sflag:$0x1] =	stream.indirect.gather [hbm4b:s18+s19], $0x80, s30, s19, $0xb8;
	[tilespmem:$0x18600] =	vst v63  }
0x546: {  	_ =	swait.ge [sflag:s26], $0x4000  }
0x547: {  	[sflag:s26] =	ssyncset.done $0x0  }
0x548: {  	s31 =	rddreg [dreg:$0x13];
	[sflag:s26] =	ssyncadd.s32 $0xFFFFC000  }
0x549: {  	[hbm4b:s31+s2] =	stream.linear.scatter [tilespmem:s25], [sflag:$0x2], $0x4000, $0x38;
	[tilespmem:$0x18600] =	vst v63  }
0x54a: {  	p0 =	sne.s32 s1, $0x1;
	_ =	swait.ge [sflag:s8], $0x4000  }
.Ltmp0:
0x54b: {  	[sflag:s8] =	ssyncset.done $0x0;
	(pc) =	sbr.rel @p0 .LBB2_1-.Ltmp0, $4  }
0x54c: {  	[sflag:s8] =	ssyncadd.s32 $0xFFFFC000  }
0x54d: {  	_ =	swait.ge [sflag:s8], $0x4000  }
0x54e: {  	[sflag:s8] =	ssyncset.done $0x0  }
0x54f: {  	s1 =	sadd.s32 $0xFFFFFFFF, s1;
	[sflag:s8] =	ssyncadd.s32 $0xFFFFC000  }
0x550: {  	_ =	sfence.sel $0x180000  }
0x551: {  	[bflag:$0x0] =	sbarrier.arrive $0xFFFF  }
0x552: {  	_ =	strace $0x90000047  }
0x553: {  	s0 =	stileid.u32;
	[bflag:$0x2] =	sbarrier.arrive $0xFFFF  }
0x554: {  	p0 =	sne.s32 s0, $0x0;
	s0 =	rddreg [dreg:$0x1]  }
0x555: {  	s0 =	sadd.s32 @!p0 $0x100000, s0  }
0x556: {  	[sflag:s0] =	ssyncadd.tile.s32 @!p0 $0x1;
	_ =	shalt  }
.Lfunc_end2:
_tile_overlayer_lowered:
.L_overlay_start_2:
0x557: {  	(tag) =	ssettag $0x2  }
0x558: {  	s0 =	rddreg [dreg:$0x0];
	s2 =	stileid.u32  }
0x559: {  	s1 =	rddreg [dreg:$0x1];
	p0 =	sne.s32 s2, $0x0  }
0x55a: {  	s3 =	rddreg [dreg:$0x2];
	[bflag:$0x3] =	sbarrier.arrive $0xFFFF;
	s2 =	simm.s32 @!p0 $0x1C03  }
0x55b: {  	[timem:s3], [sflag:s2] =	dma.local @!p0 [hbm:s0], s1  }
0x55c: {  	s0 =	simm.s32 @!p0 $0x3  }
0x55d: {  	_ =	swait.ge @!p0 [sflag:s0], s1  }
0x55e: {  	s1 =	ssub.s32 @!p0 $0x0, s1;
	[sflag:s0] =	ssyncset.done @!p0 $0x0  }
0x55f: {  	[sflag:s0] =	ssyncadd.s32 @!p0 s1  }
0x560: {  	[bflag:$0x3] =	sbarrier.arrive $0xFFFF  }
0x561: {  	_ =	shalt  }

</sc_bundles>
